<compile_context>
chip_gen: v7x
topology: tpu7x:2x2x1
jax: 0.10.2.dev20260603
libtpu: 0.0.44.dev20260713+nightly
codegen_flags: <defaults>
</compile_context>

<pallas_src>
import jax
import jax.numpy as jnp
from jax import lax
from jax.experimental import pallas as pl

_N_ENT = 14541
_HID = 100
_OUT_CH = 32
_E = 10000
_ET = 512
_NT = 20
_EP = _ET * _NT
_DP = 112
_M = _E + _N_ENT
_MC = 512
_NMC = 48
_MP = _MC * _NMC
_RB = 128
_NRB = 114
_RP = _RB * _NRB
_SENT = 1 << 20


def _score_kernel(he_ref, re_ref, te_ref, params_ref, fc0_ref, fc1_ref, out_ref):
    f32 = jnp.float32
    emask = (lax.broadcasted_iota(jnp.int32, (_EP, 1), 0) < _E).astype(f32)
    h = he_ref[...]
    r = re_ref[...]
    t = te_ref[...]
    cnt1 = 3.0 * _E * _HID
    s1 = jnp.sum(h * emask) + jnp.sum(r * emask) + jnp.sum(t * emask)
    q1 = jnp.sum(h * h * emask) + jnp.sum(r * r * emask) + jnp.sum(t * t * emask)
    mu1 = s1 / cnt1
    var1 = q1 / cnt1 - mu1 * mu1
    g1 = params_ref[0, 0]
    b1 = params_ref[0, 1]
    a1 = g1 * lax.rsqrt(var1 + 1e-5)
    c1 = b1 - mu1 * a1

    def tile_slices(cT):
        hs = he_ref[pl.ds(cT * _ET, _ET), :] * a1 + c1
        rs = re_ref[pl.ds(cT * _ET, _ET), :] * a1 + c1
        ts = te_ref[pl.ds(cT * _ET, _ET), :] * a1 + c1
        return ((hs[:, 0:99], rs[:, 0:99], hs[:, 1:100], rs[:, 1:100]),
                (rs[:, 0:99], ts[:, 0:99], rs[:, 1:100], ts[:, 1:100]))

    w = [params_ref[1, k * _OUT_CH + c] for k in range(4)
         for c in range(_OUT_CH)]

    def stats_body(cT, carry):
        sl0, sl1 = tile_slices(cT)
        m2 = (lax.broadcasted_iota(jnp.int32, (_ET, 1), 0) + cT * _ET < _E
              ).astype(f32)
        out = []
        for c in range(_OUT_CH):
            acc_s = carry[2 * c]
            acc_q = carry[2 * c + 1]
            for sl in (sl0, sl1):
                y = (sl[0] * w[c] + sl[1] * w[32 + c]
                     + sl[2] * w[64 + c] + sl[3] * w[96 + c]) * m2
                acc_s = acc_s + jnp.sum(y)
                acc_q = acc_q + jnp.sum(y * y)
            out.append(acc_s)
            out.append(acc_q)
        return tuple(out)

    zeros = tuple(jnp.zeros((), f32) for _ in range(2 * _OUT_CH))
    stats = lax.fori_loop(0, _NT, stats_body, zeros)
    n2 = 2.0 * _E * 99.0
    a2 = []
    c2 = []
    for c in range(_OUT_CH):
        mean_nb = stats[2 * c] / n2
        var2 = stats[2 * c + 1] / n2 - mean_nb * mean_nb
        ac = params_ref[0, 34 + c] * lax.rsqrt(var2 + 1e-5)
        a2.append(ac)
        c2.append(params_ref[0, 66 + c] + (params_ref[0, 2 + c] - mean_nb) * ac)

    def score_body(cT, carry):
        sl0, sl1 = tile_slices(cT)
        acc = jnp.zeros((_ET, 99), f32)
        for c in range(_OUT_CH):
            for j, sl in enumerate((sl0, sl1)):
                z = jnp.maximum(
                    sl[0] * (w[c] * a2[c]) + sl[1] * (w[32 + c] * a2[c])
                    + sl[2] * (w[64 + c] * a2[c]) + sl[3] * (w[96 + c] * a2[c])
                    + c2[c], 0.0)
                fcrow = (fc0_ref[c:c + 1, :] if j == 0 else fc1_ref[c:c + 1, :])
                acc = acc + z * fcrow
        out_ref[pl.ds(cT * _ET, _ET), :] = jnp.sum(acc, axis=1, keepdims=True)
        return carry

    lax.fori_loop(0, _NT, score_body, 0)


def _agg_kernel(vals_ref, rows_ref, colrows_ref, cfirst_ref, clast_ref, out_ref):
    f32 = jnp.float32
    b = pl.program_id(0)
    bmin = b * _RB
    blockrows = bmin + lax.broadcasted_iota(jnp.int32, (_RB, 1), 0)

    def overlaps(c):
        return jnp.logical_and(cfirst_ref[c, 0] <= bmin + (_RB - 1),
                               clast_ref[c, 0] >= bmin)

    def max_body(c, m):
        def live(m):
            rv = rows_ref[pl.ds(c, 1), :]
            vv = vals_ref[pl.ds(c, 1), :]
            oh = rv == blockrows
            return jnp.maximum(m, jnp.max(jnp.where(oh, vv, -1e30), axis=1,
                                          keepdims=True))
        return lax.cond(overlaps(c), live, lambda m: m, m)

    m = lax.fori_loop(0, _NMC, max_body,
                      jnp.full((_RB, 1), -1e30, f32))

    def sum_body(c, carry):
        def live(carry):
            zacc, acc = carry
            rv = rows_ref[pl.ds(c, 1), :]
            vv = vals_ref[pl.ds(c, 1), :]
            oh = rv == blockrows
            e = jnp.where(oh, jnp.exp(vv - m), 0.0)
            zacc = zacc + jnp.sum(e, axis=1, keepdims=True)
            cr = colrows_ref[pl.ds(c * _MC, _MC), :]
            acc = acc + jnp.dot(e, cr, preferred_element_type=f32)
            return zacc, acc
        return lax.cond(overlaps(c), live, lambda x: x, carry)

    z0 = jnp.zeros((_RB, 1), f32)
    a0 = jnp.zeros((_RB, _DP), f32)
    z, acc = lax.fori_loop(0, _NMC, sum_body, (z0, a0))
    out_ref[...] = acc * (1.0 / jnp.where(z > 0.0, z, 1.0))


def kernel(data, ent_emb, rel_emb, conv_w, conv_b, bn1_g, bn1_b, bn2_g, bn2_b, fc_w):
    h = data[:, 0].astype(jnp.int32)
    r = data[:, 1].astype(jnp.int32)
    t = data[:, 2].astype(jnp.int32)
    ent_p = jnp.pad(ent_emb, ((0, 0), (0, _DP - _HID)))
    rel_p = jnp.pad(rel_emb, ((0, 0), (0, _DP - _HID)))

    hp = jnp.pad(h, (0, _EP - _E))
    rp = jnp.pad(r, (0, _EP - _E))
    tp = jnp.pad(t, (0, _EP - _E))
    he = ent_p[hp]
    re_ = rel_p[rp]
    te = ent_p[tp]

    row0 = jnp.concatenate([bn1_g, bn1_b, conv_b, bn2_g, bn2_b,
                            jnp.zeros((30,), jnp.float32)])
    w4 = conv_w.reshape(_OUT_CH, 4)
    row1 = jnp.concatenate([w4[:, 0], w4[:, 1], w4[:, 2], w4[:, 3]])
    params = jnp.stack([row0, row1])
    fcr = fc_w.reshape(_OUT_CH, 99, 2)
    fc0 = fcr[:, :, 0] + 0.0
    fc1 = fcr[:, :, 1] + 0.0

    scores2d = pl.pallas_call(
        _score_kernel,
        out_shape=jax.ShapeDtypeStruct((_EP, 1), jnp.float32),
    )(he, re_, te, params, fc0, fc1)
    score = scores2d.reshape(-1)[:_E]

    rows = jnp.concatenate([h, jnp.arange(_N_ENT, dtype=jnp.int32)])
    cols = jnp.concatenate([t, jnp.arange(_N_ENT, dtype=jnp.int32)])
    vals = jnp.concatenate([score, jnp.ones((_N_ENT,), jnp.float32)])
    keys = rows * _N_ENT + cols
    order = jnp.argsort(keys)
    keys_s = keys[order]
    vals_s = vals[order]
    new_seg = jnp.concatenate([jnp.ones((1,), jnp.bool_),
                               keys_s[1:] != keys_s[:-1]])
    seg = jnp.cumsum(new_seg.astype(jnp.int32)) - 1
    coal = jax.ops.segment_sum(vals_s, seg, num_segments=_M)
    uniq_key = jax.ops.segment_min(keys_s, seg, num_segments=_M)
    n_uniq = seg[-1] + 1
    valid = jnp.arange(_M, dtype=jnp.int32) < n_uniq
    row_ids = jnp.where(valid, uniq_key // _N_ENT, _SENT).astype(jnp.int32)
    col_ids = jnp.where(valid, uniq_key % _N_ENT, 0).astype(jnp.int32)
    coal = jnp.where(valid, coal, 0.0)

    rows2d = jnp.pad(row_ids, (0, _MP - _M),
                     constant_values=_SENT).reshape(_NMC, _MC)
    vals2d = jnp.pad(coal, (0, _MP - _M)).reshape(_NMC, _MC)
    colp = jnp.pad(col_ids, (0, _MP - _M))
    colrows = ent_p[colp]
    cfirst = jnp.broadcast_to(rows2d[:, 0:1], (_NMC, 128)) + 0
    clast = jnp.broadcast_to(rows2d[:, _MC - 1:_MC], (_NMC, 128)) + 0

    out = pl.pallas_call(
        _agg_kernel,
        grid=(_NRB,),
        in_specs=[
            pl.BlockSpec((_NMC, _MC), lambda b: (0, 0)),
            pl.BlockSpec((_NMC, _MC), lambda b: (0, 0)),
            pl.BlockSpec((_MP, _DP), lambda b: (0, 0)),
            pl.BlockSpec((_NMC, 128), lambda b: (0, 0)),
            pl.BlockSpec((_NMC, 128), lambda b: (0, 0)),
        ],
        out_specs=pl.BlockSpec((_RB, _DP), lambda b: (b, 0)),
        out_shape=jax.ShapeDtypeStruct((_RP, _DP), jnp.float32),
    )(vals2d, rows2d, colrows, cfirst, clast)
    return out[:_N_ENT, :_HID]

# --- scband reference (transcript-rebuilt; emitter-appended) ---
"""Pipeline reference for scband-conv-attention-layer-13331578486816 (READ-ONLY COPY).

The authoritative reference and input builder live on the scoring server;
editing this copy changes nothing except your own understanding.
"""

import jax, jax.numpy as jnp
from jax import lax
import numpy as np

N_ENT = 14541
N_REL = 14541
HID = 100
OUT_CH = 32
K1 = 2
K2 = 2
E = 10000
FC_IN = OUT_CH * (HID - K1 + 1) * (3 - K2 + 1)


def setup_inputs(seed: int = 0) -> dict:
    key = jax.random.key(seed)
    ks = jax.random.split(key, 6)
    data = jax.random.randint(ks[0], (E, 3), 0, N_ENT, dtype=jnp.int32)
    ent_emb = jax.random.normal(ks[1], (N_ENT, HID), jnp.float32)
    rel_emb = jax.random.normal(ks[2], (N_REL, HID), jnp.float32)
    conv_w = jax.random.normal(ks[3], (OUT_CH, 1, K1, K2), jnp.float32) * 0.3
    conv_b = jnp.zeros((OUT_CH,), jnp.float32)
    bn1_g = jnp.ones((1,), jnp.float32)
    bn1_b = jnp.zeros((1,), jnp.float32)
    bn2_g = jnp.ones((OUT_CH,), jnp.float32)
    bn2_b = jnp.zeros((OUT_CH,), jnp.float32)
    fc_w = jax.random.normal(ks[4], (1, FC_IN), jnp.float32) * 0.02
    return {"data": data, "ent_emb": ent_emb, "rel_emb": rel_emb, "conv_w": conv_w, "conv_b": conv_b, "bn1_g": bn1_g, "bn1_b": bn1_b, "bn2_g": bn2_g, "bn2_b": bn2_b, "fc_w": fc_w}


def reference(data, ent_emb, rel_emb, conv_w, conv_b, bn1_g, bn1_b, bn2_g, bn2_b, fc_w):
    h = data[:, 0]
    r = data[:, 1]
    t = data[:, 2]
    h_e = ent_emb[h]
    r_e = rel_emb[r]
    t_e = ent_emb[t]
    x = jnp.stack([h_e, r_e, t_e], axis=1)            # [E, 3, HID]
    x = jnp.transpose(x, (0, 2, 1))[:, None, :, :]    # [E, 1, HID, 3]
    # BatchNorm2d(1) in training mode: batch stats, biased variance
    mu = x.mean(axis=(0, 2, 3), keepdims=True)
    var = x.var(axis=(0, 2, 3), keepdims=True)
    x = (x - mu) / jnp.sqrt(var + 1e-5) * bn1_g.reshape(1, -1, 1, 1) + bn1_b.reshape(1, -1, 1, 1)
    y = lax.conv_general_dilated(x, conv_w, (1, 1), 'VALID', dimension_numbers=('NCHW', 'OIHW', 'NCHW'))
    y = y + conv_b.reshape(1, -1, 1, 1)
    mu2 = y.mean(axis=(0, 2, 3), keepdims=True)
    var2 = y.var(axis=(0, 2, 3), keepdims=True)
    y = (y - mu2) / jnp.sqrt(var2 + 1e-5) * bn2_g.reshape(1, -1, 1, 1) + bn2_b.reshape(1, -1, 1, 1)
    y = jax.nn.relu(y)
    score = (y.reshape(E, -1) @ fc_w.T).reshape(-1)   # [E]
    # sparse attention matrix over (h, t) + identity, coalesced (duplicates summed)
    rows = jnp.concatenate([h, jnp.arange(N_ENT, dtype=h.dtype)])
    cols = jnp.concatenate([t, jnp.arange(N_ENT, dtype=t.dtype)])
    vals = jnp.concatenate([score, jnp.ones((N_ENT,), jnp.float32)])
    M = E + N_ENT
    keys = rows.astype(jnp.int32) * N_ENT + cols.astype(jnp.int32)
    order = jnp.argsort(keys)
    keys_s = keys[order]
    vals_s = vals[order]
    new_seg = jnp.concatenate([jnp.ones((1,), jnp.bool_), keys_s[1:] != keys_s[:-1]])
    seg = jnp.cumsum(new_seg.astype(jnp.int32)) - 1
    coal = jax.ops.segment_sum(vals_s, seg, num_segments=M)
    uniq_key = jax.ops.segment_min(keys_s, seg, num_segments=M)
    n_uniq = seg[-1] + 1
    valid = jnp.arange(M, dtype=jnp.int32) < n_uniq
    row_ids = jnp.where(valid, uniq_key // N_ENT, 0).astype(jnp.int32)
    col_ids = jnp.where(valid, uniq_key % N_ENT, 0).astype(jnp.int32)
    # sparse softmax over stored entries of each row (every row has its diagonal entry)
    m = jax.ops.segment_max(jnp.where(valid, coal, -jnp.inf), row_ids, num_segments=N_ENT)
    e = jnp.where(valid, jnp.exp(coal - m[row_ids]), 0.0)
    s = jax.ops.segment_sum(e, row_ids, num_segments=N_ENT)
    w = jnp.where(valid, e / s[row_ids], 0.0)
    # sparse mm: att_matrix @ entity_embeddings.weight
    out = jax.ops.segment_sum(w[:, None] * ent_emb[col_ids], row_ids, num_segments=N_ENT)
    return out

if __name__ == "__main__":
    import jax
    _d = setup_inputs()
    print(jax.jit(kernel)(*tuple(_d.values())))

</pallas_src>

<mosaic_0001>
module attributes {stable_mosaic.version = 14 : i64} {
  func.func @_score_kernel(%arg0: memref<10240x112xf32, #tpu.memory_space<vmem>>, %arg1: memref<10240x112xf32, #tpu.memory_space<vmem>>, %arg2: memref<10240x112xf32, #tpu.memory_space<vmem>>, %arg3: memref<2x128xf32, #tpu.memory_space<vmem>>, %arg4: memref<32x99xf32, #tpu.memory_space<vmem>>, %arg5: memref<32x99xf32, #tpu.memory_space<vmem>>, %arg6: memref<10240x1xf32, #tpu.memory_space<vmem>>) attributes {dimension_semantics = [], scalar_prefetch = 0 : i64, scratch_operands = 0 : i64, tpu.core_type = #tpu.core_type<tc>} {
    %iota3A = tpu.iota {dimensions = array<i32: 0>} : vector<10240x1xi32>
    %lt3A = arith.constant 10000 : i32
    %lt3A_0 = vector.broadcast %lt3A : i32 to vector<10240x1xi32>
    %lt3A_1 = arith.cmpi slt, %iota3A, %lt3A_0 : vector<10240x1xi32>
    %convert_element_type3A = arith.extui %lt3A_1 : vector<10240x1xi1> to vector<10240x1xi32>
    %convert_element_type3A_2 = arith.sitofp %convert_element_type3A : vector<10240x1xi32> to vector<10240x1xf32>
    %get3A = arith.constant 0 : index
    %get3A_3 = arith.constant 0 : index
    %get3A_4 = vector.load %arg0[%get3A, %get3A_3] : memref<10240x112xf32, #tpu.memory_space<vmem>>, vector<10240x112xf32>
    %get3A_5 = arith.constant 0 : index
    %get3A_6 = arith.constant 0 : index
    %get3A_7 = vector.load %arg1[%get3A_5, %get3A_6] : memref<10240x112xf32, #tpu.memory_space<vmem>>, vector<10240x112xf32>
    %get3A_8 = arith.constant 0 : index
    %get3A_9 = arith.constant 0 : index
    %get3A_10 = vector.load %arg2[%get3A_8, %get3A_9] : memref<10240x112xf32, #tpu.memory_space<vmem>>, vector<10240x112xf32>
    %mul3A = vector.broadcast %convert_element_type3A_2 : vector<10240x1xf32> to vector<10240x112xf32>
    %mul3A_11 = arith.mulf %get3A_4, %mul3A : vector<10240x112xf32>
    %reduce_sum3A = vector.shape_cast %mul3A_11 : vector<10240x112xf32> to vector<1x10240x112xf32>
    %reduce_sum3A_12 = arith.constant dense<0.000000e+00> : vector<1xf32>
    %reduce_sum3A_13 = vector.multi_reduction <add>, %reduce_sum3A, %reduce_sum3A_12 [1, 2] : vector<1x10240x112xf32> to vector<1xf32>
    %reduce_sum3A_14 = vector.shape_cast %reduce_sum3A_13 : vector<1xf32> to vector<1x1x1xf32>
    %reduce_sum3A_15 = vector.extract %reduce_sum3A_14[0, 0, 0] : f32 from vector<1x1x1xf32>
    %mul3A_16 = vector.broadcast %convert_element_type3A_2 : vector<10240x1xf32> to vector<10240x112xf32>
    %mul3A_17 = arith.mulf %get3A_7, %mul3A_16 : vector<10240x112xf32>
    %reduce_sum3A_18 = vector.shape_cast %mul3A_17 : vector<10240x112xf32> to vector<1x10240x112xf32>
    %reduce_sum3A_19 = arith.constant dense<0.000000e+00> : vector<1xf32>
    %reduce_sum3A_20 = vector.multi_reduction <add>, %reduce_sum3A_18, %reduce_sum3A_19 [1, 2] : vector<1x10240x112xf32> to vector<1xf32>
    %reduce_sum3A_21 = vector.shape_cast %reduce_sum3A_20 : vector<1xf32> to vector<1x1x1xf32>
    %reduce_sum3A_22 = vector.extract %reduce_sum3A_21[0, 0, 0] : f32 from vector<1x1x1xf32>
    %add3A = arith.addf %reduce_sum3A_15, %reduce_sum3A_22 : f32
    %mul3A_23 = vector.broadcast %convert_element_type3A_2 : vector<10240x1xf32> to vector<10240x112xf32>
    %mul3A_24 = arith.mulf %get3A_10, %mul3A_23 : vector<10240x112xf32>
    %reduce_sum3A_25 = vector.shape_cast %mul3A_24 : vector<10240x112xf32> to vector<1x10240x112xf32>
    %reduce_sum3A_26 = arith.constant dense<0.000000e+00> : vector<1xf32>
    %reduce_sum3A_27 = vector.multi_reduction <add>, %reduce_sum3A_25, %reduce_sum3A_26 [1, 2] : vector<1x10240x112xf32> to vector<1xf32>
    %reduce_sum3A_28 = vector.shape_cast %reduce_sum3A_27 : vector<1xf32> to vector<1x1x1xf32>
    %reduce_sum3A_29 = vector.extract %reduce_sum3A_28[0, 0, 0] : f32 from vector<1x1x1xf32>
    %add3A_30 = arith.addf %add3A, %reduce_sum3A_29 : f32
    %mul3A_31 = arith.mulf %get3A_4, %get3A_4 : vector<10240x112xf32>
    %mul3A_32 = vector.broadcast %convert_element_type3A_2 : vector<10240x1xf32> to vector<10240x112xf32>
    %mul3A_33 = arith.mulf %mul3A_31, %mul3A_32 : vector<10240x112xf32>
    %reduce_sum3A_34 = vector.shape_cast %mul3A_33 : vector<10240x112xf32> to vector<1x10240x112xf32>
    %reduce_sum3A_35 = arith.constant dense<0.000000e+00> : vector<1xf32>
    %reduce_sum3A_36 = vector.multi_reduction <add>, %reduce_sum3A_34, %reduce_sum3A_35 [1, 2] : vector<1x10240x112xf32> to vector<1xf32>
    %reduce_sum3A_37 = vector.shape_cast %reduce_sum3A_36 : vector<1xf32> to vector<1x1x1xf32>
    %reduce_sum3A_38 = vector.extract %reduce_sum3A_37[0, 0, 0] : f32 from vector<1x1x1xf32>
    %mul3A_39 = arith.mulf %get3A_7, %get3A_7 : vector<10240x112xf32>
    %mul3A_40 = vector.broadcast %convert_element_type3A_2 : vector<10240x1xf32> to vector<10240x112xf32>
    %mul3A_41 = arith.mulf %mul3A_39, %mul3A_40 : vector<10240x112xf32>
    %reduce_sum3A_42 = vector.shape_cast %mul3A_41 : vector<10240x112xf32> to vector<1x10240x112xf32>
    %reduce_sum3A_43 = arith.constant dense<0.000000e+00> : vector<1xf32>
    %reduce_sum3A_44 = vector.multi_reduction <add>, %reduce_sum3A_42, %reduce_sum3A_43 [1, 2] : vector<1x10240x112xf32> to vector<1xf32>
    %reduce_sum3A_45 = vector.shape_cast %reduce_sum3A_44 : vector<1xf32> to vector<1x1x1xf32>
    %reduce_sum3A_46 = vector.extract %reduce_sum3A_45[0, 0, 0] : f32 from vector<1x1x1xf32>
    %add3A_47 = arith.addf %reduce_sum3A_38, %reduce_sum3A_46 : f32
    %mul3A_48 = arith.mulf %get3A_10, %get3A_10 : vector<10240x112xf32>
    %mul3A_49 = vector.broadcast %convert_element_type3A_2 : vector<10240x1xf32> to vector<10240x112xf32>
    %mul3A_50 = arith.mulf %mul3A_48, %mul3A_49 : vector<10240x112xf32>
    %reduce_sum3A_51 = vector.shape_cast %mul3A_50 : vector<10240x112xf32> to vector<1x10240x112xf32>
    %reduce_sum3A_52 = arith.constant dense<0.000000e+00> : vector<1xf32>
    %reduce_sum3A_53 = vector.multi_reduction <add>, %reduce_sum3A_51, %reduce_sum3A_52 [1, 2] : vector<1x10240x112xf32> to vector<1xf32>
    %reduce_sum3A_54 = vector.shape_cast %reduce_sum3A_53 : vector<1xf32> to vector<1x1x1xf32>
    %reduce_sum3A_55 = vector.extract %reduce_sum3A_54[0, 0, 0] : f32 from vector<1x1x1xf32>
    %add3A_56 = arith.addf %add3A_47, %reduce_sum3A_55 : f32
    %div3A = arith.constant 3.000000e+06 : f32
    %div3A_57 = arith.divf %add3A_30, %div3A : f32
    %div3A_58 = arith.constant 3.000000e+06 : f32
    %div3A_59 = arith.divf %add3A_56, %div3A_58 : f32
    %mul3A_60 = arith.mulf %div3A_57, %div3A_57 : f32
    %sub3A = arith.subf %div3A_59, %mul3A_60 : f32
    %get3A_61 = arith.constant 0 : index
    %get3A_62 = arith.constant 0 : index
    %get3A_63 = vector.load %arg3[%get3A_61, %get3A_62] : memref<2x128xf32, #tpu.memory_space<vmem>>, vector<1x1xf32>
    %get3A_64 = vector.extract %get3A_63[0, 0] : f32 from vector<1x1xf32>
    %get3A_65 = arith.constant 0 : index
    %get3A_66 = arith.constant 1 : index
    %get3A_67 = vector.load %arg3[%get3A_65, %get3A_66] : memref<2x128xf32, #tpu.memory_space<vmem>>, vector<1x1xf32>
    %get3A_68 = vector.extract %get3A_67[0, 0] : f32 from vector<1x1xf32>
    %add3A_69 = arith.constant 9.99999974E-6 : f32
    %add3A_70 = arith.addf %sub3A, %add3A_69 : f32
    %rsqrt3A = math.rsqrt %add3A_70 : f32
    %mul3A_71 = arith.mulf %get3A_64, %rsqrt3A : f32
    %mul3A_72 = arith.mulf %div3A_57, %mul3A_71 : f32
    %sub3A_73 = arith.subf %get3A_68, %mul3A_72 : f32
    %get3A_74 = arith.constant 1 : index
    %get3A_75 = arith.constant 0 : index
    %get3A_76 = vector.load %arg3[%get3A_74, %get3A_75] : memref<2x128xf32, #tpu.memory_space<vmem>>, vector<1x1xf32>
    %get3A_77 = vector.extract %get3A_76[0, 0] : f32 from vector<1x1xf32>
    %get3A_78 = arith.constant 1 : index
    %get3A_79 = arith.constant 1 : index
    %get3A_80 = vector.load %arg3[%get3A_78, %get3A_79] : memref<2x128xf32, #tpu.memory_space<vmem>>, vector<1x1xf32>
    %get3A_81 = vector.extract %get3A_80[0, 0] : f32 from vector<1x1xf32>
    %get3A_82 = arith.constant 1 : index
    %get3A_83 = arith.constant 2 : index
    %get3A_84 = vector.load %arg3[%get3A_82, %get3A_83] : memref<2x128xf32, #tpu.memory_space<vmem>>, vector<1x1xf32>
    %get3A_85 = vector.extract %get3A_84[0, 0] : f32 from vector<1x1xf32>
    %get3A_86 = arith.constant 1 : index
    %get3A_87 = arith.constant 3 : index
    %get3A_88 = vector.load %arg3[%get3A_86, %get3A_87] : memref<2x128xf32, #tpu.memory_space<vmem>>, vector<1x1xf32>
    %get3A_89 = vector.extract %get3A_88[0, 0] : f32 from vector<1x1xf32>
    %get3A_90 = arith.constant 1 : index
    %get3A_91 = arith.constant 4 : index
    %get3A_92 = vector.load %arg3[%get3A_90, %get3A_91] : memref<2x128xf32, #tpu.memory_space<vmem>>, vector<1x1xf32>
    %get3A_93 = vector.extract %get3A_92[0, 0] : f32 from vector<1x1xf32>
    %get3A_94 = arith.constant 1 : index
    %get3A_95 = arith.constant 5 : index
    %get3A_96 = vector.load %arg3[%get3A_94, %get3A_95] : memref<2x128xf32, #tpu.memory_space<vmem>>, vector<1x1xf32>
    %get3A_97 = vector.extract %get3A_96[0, 0] : f32 from vector<1x1xf32>
    %get3A_98 = arith.constant 1 : index
    %get3A_99 = arith.constant 6 : index
    %get3A_100 = vector.load %arg3[%get3A_98, %get3A_99] : memref<2x128xf32, #tpu.memory_space<vmem>>, vector<1x1xf32>
    %get3A_101 = vector.extract %get3A_100[0, 0] : f32 from vector<1x1xf32>
    %get3A_102 = arith.constant 1 : index
    %get3A_103 = arith.constant 7 : index
    %get3A_104 = vector.load %arg3[%get3A_102, %get3A_103] : memref<2x128xf32, #tpu.memory_space<vmem>>, vector<1x1xf32>
    %get3A_105 = vector.extract %get3A_104[0, 0] : f32 from vector<1x1xf32>
    %get3A_106 = arith.constant 1 : index
    %get3A_107 = arith.constant 8 : index
    %get3A_108 = vector.load %arg3[%get3A_106, %get3A_107] : memref<2x128xf32, #tpu.memory_space<vmem>>, vector<1x1xf32>
    %get3A_109 = vector.extract %get3A_108[0, 0] : f32 from vector<1x1xf32>
    %get3A_110 = arith.constant 1 : index
    %get3A_111 = arith.constant 9 : index
    %get3A_112 = vector.load %arg3[%get3A_110, %get3A_111] : memref<2x128xf32, #tpu.memory_space<vmem>>, vector<1x1xf32>
    %get3A_113 = vector.extract %get3A_112[0, 0] : f32 from vector<1x1xf32>
    %get3A_114 = arith.constant 1 : index
    %get3A_115 = arith.constant 10 : index
    %get3A_116 = vector.load %arg3[%get3A_114, %get3A_115] : memref<2x128xf32, #tpu.memory_space<vmem>>, vector<1x1xf32>
    %get3A_117 = vector.extract %get3A_116[0, 0] : f32 from vector<1x1xf32>
    %get3A_118 = arith.constant 1 : index
    %get3A_119 = arith.constant 11 : index
    %get3A_120 = vector.load %arg3[%get3A_118, %get3A_119] : memref<2x128xf32, #tpu.memory_space<vmem>>, vector<1x1xf32>
    %get3A_121 = vector.extract %get3A_120[0, 0] : f32 from vector<1x1xf32>
    %get3A_122 = arith.constant 1 : index
    %get3A_123 = arith.constant 12 : index
    %get3A_124 = vector.load %arg3[%get3A_122, %get3A_123] : memref<2x128xf32, #tpu.memory_space<vmem>>, vector<1x1xf32>
    %get3A_125 = vector.extract %get3A_124[0, 0] : f32 from vector<1x1xf32>
    %get3A_126 = arith.constant 1 : index
    %get3A_127 = arith.constant 13 : index
    %get3A_128 = vector.load %arg3[%get3A_126, %get3A_127] : memref<2x128xf32, #tpu.memory_space<vmem>>, vector<1x1xf32>
    %get3A_129 = vector.extract %get3A_128[0, 0] : f32 from vector<1x1xf32>
    %get3A_130 = arith.constant 1 : index
    %get3A_131 = arith.constant 14 : index
    %get3A_132 = vector.load %arg3[%get3A_130, %get3A_131] : memref<2x128xf32, #tpu.memory_space<vmem>>, vector<1x1xf32>
    %get3A_133 = vector.extract %get3A_132[0, 0] : f32 from vector<1x1xf32>
    %get3A_134 = arith.constant 1 : index
    %get3A_135 = arith.constant 15 : index
    %get3A_136 = vector.load %arg3[%get3A_134, %get3A_135] : memref<2x128xf32, #tpu.memory_space<vmem>>, vector<1x1xf32>
    %get3A_137 = vector.extract %get3A_136[0, 0] : f32 from vector<1x1xf32>
    %get3A_138 = arith.constant 1 : index
    %get3A_139 = arith.constant 16 : index
    %get3A_140 = vector.load %arg3[%get3A_138, %get3A_139] : memref<2x128xf32, #tpu.memory_space<vmem>>, vector<1x1xf32>
    %get3A_141 = vector.extract %get3A_140[0, 0] : f32 from vector<1x1xf32>
    %get3A_142 = arith.constant 1 : index
    %get3A_143 = arith.constant 17 : index
    %get3A_144 = vector.load %arg3[%get3A_142, %get3A_143] : memref<2x128xf32, #tpu.memory_space<vmem>>, vector<1x1xf32>
    %get3A_145 = vector.extract %get3A_144[0, 0] : f32 from vector<1x1xf32>
    %get3A_146 = arith.constant 1 : index
    %get3A_147 = arith.constant 18 : index
    %get3A_148 = vector.load %arg3[%get3A_146, %get3A_147] : memref<2x128xf32, #tpu.memory_space<vmem>>, vector<1x1xf32>
    %get3A_149 = vector.extract %get3A_148[0, 0] : f32 from vector<1x1xf32>
    %get3A_150 = arith.constant 1 : index
    %get3A_151 = arith.constant 19 : index
    %get3A_152 = vector.load %arg3[%get3A_150, %get3A_151] : memref<2x128xf32, #tpu.memory_space<vmem>>, vector<1x1xf32>
    %get3A_153 = vector.extract %get3A_152[0, 0] : f32 from vector<1x1xf32>
    %get3A_154 = arith.constant 1 : index
    %get3A_155 = arith.constant 20 : index
    %get3A_156 = vector.load %arg3[%get3A_154, %get3A_155] : memref<2x128xf32, #tpu.memory_space<vmem>>, vector<1x1xf32>
    %get3A_157 = vector.extract %get3A_156[0, 0] : f32 from vector<1x1xf32>
    %get3A_158 = arith.constant 1 : index
    %get3A_159 = arith.constant 21 : index
    %get3A_160 = vector.load %arg3[%get3A_158, %get3A_159] : memref<2x128xf32, #tpu.memory_space<vmem>>, vector<1x1xf32>
    %get3A_161 = vector.extract %get3A_160[0, 0] : f32 from vector<1x1xf32>
    %get3A_162 = arith.constant 1 : index
    %get3A_163 = arith.constant 22 : index
    %get3A_164 = vector.load %arg3[%get3A_162, %get3A_163] : memref<2x128xf32, #tpu.memory_space<vmem>>, vector<1x1xf32>
    %get3A_165 = vector.extract %get3A_164[0, 0] : f32 from vector<1x1xf32>
    %get3A_166 = arith.constant 1 : index
    %get3A_167 = arith.constant 23 : index
    %get3A_168 = vector.load %arg3[%get3A_166, %get3A_167] : memref<2x128xf32, #tpu.memory_space<vmem>>, vector<1x1xf32>
    %get3A_169 = vector.extract %get3A_168[0, 0] : f32 from vector<1x1xf32>
    %get3A_170 = arith.constant 1 : index
    %get3A_171 = arith.constant 24 : index
    %get3A_172 = vector.load %arg3[%get3A_170, %get3A_171] : memref<2x128xf32, #tpu.memory_space<vmem>>, vector<1x1xf32>
    %get3A_173 = vector.extract %get3A_172[0, 0] : f32 from vector<1x1xf32>
    %get3A_174 = arith.constant 1 : index
    %get3A_175 = arith.constant 25 : index
    %get3A_176 = vector.load %arg3[%get3A_174, %get3A_175] : memref<2x128xf32, #tpu.memory_space<vmem>>, vector<1x1xf32>
    %get3A_177 = vector.extract %get3A_176[0, 0] : f32 from vector<1x1xf32>
    %get3A_178 = arith.constant 1 : index
    %get3A_179 = arith.constant 26 : index
    %get3A_180 = vector.load %arg3[%get3A_178, %get3A_179] : memref<2x128xf32, #tpu.memory_space<vmem>>, vector<1x1xf32>
    %get3A_181 = vector.extract %get3A_180[0, 0] : f32 from vector<1x1xf32>
    %get3A_182 = arith.constant 1 : index
    %get3A_183 = arith.constant 27 : index
    %get3A_184 = vector.load %arg3[%get3A_182, %get3A_183] : memref<2x128xf32, #tpu.memory_space<vmem>>, vector<1x1xf32>
    %get3A_185 = vector.extract %get3A_184[0, 0] : f32 from vector<1x1xf32>
    %get3A_186 = arith.constant 1 : index
    %get3A_187 = arith.constant 28 : index
    %get3A_188 = vector.load %arg3[%get3A_186, %get3A_187] : memref<2x128xf32, #tpu.memory_space<vmem>>, vector<1x1xf32>
    %get3A_189 = vector.extract %get3A_188[0, 0] : f32 from vector<1x1xf32>
    %get3A_190 = arith.constant 1 : index
    %get3A_191 = arith.constant 29 : index
    %get3A_192 = vector.load %arg3[%get3A_190, %get3A_191] : memref<2x128xf32, #tpu.memory_space<vmem>>, vector<1x1xf32>
    %get3A_193 = vector.extract %get3A_192[0, 0] : f32 from vector<1x1xf32>
    %get3A_194 = arith.constant 1 : index
    %get3A_195 = arith.constant 30 : index
    %get3A_196 = vector.load %arg3[%get3A_194, %get3A_195] : memref<2x128xf32, #tpu.memory_space<vmem>>, vector<1x1xf32>
    %get3A_197 = vector.extract %get3A_196[0, 0] : f32 from vector<1x1xf32>
    %get3A_198 = arith.constant 1 : index
    %get3A_199 = arith.constant 31 : index
    %get3A_200 = vector.load %arg3[%get3A_198, %get3A_199] : memref<2x128xf32, #tpu.memory_space<vmem>>, vector<1x1xf32>
    %get3A_201 = vector.extract %get3A_200[0, 0] : f32 from vector<1x1xf32>
    %get3A_202 = arith.constant 1 : index
    %get3A_203 = arith.constant 32 : index
    %get3A_204 = vector.load %arg3[%get3A_202, %get3A_203] : memref<2x128xf32, #tpu.memory_space<vmem>>, vector<1x1xf32>
    %get3A_205 = vector.extract %get3A_204[0, 0] : f32 from vector<1x1xf32>
    %get3A_206 = arith.constant 1 : index
    %get3A_207 = arith.constant 33 : index
    %get3A_208 = vector.load %arg3[%get3A_206, %get3A_207] : memref<2x128xf32, #tpu.memory_space<vmem>>, vector<1x1xf32>
    %get3A_209 = vector.extract %get3A_208[0, 0] : f32 from vector<1x1xf32>
    %get3A_210 = arith.constant 1 : index
    %get3A_211 = arith.constant 34 : index
    %get3A_212 = vector.load %arg3[%get3A_210, %get3A_211] : memref<2x128xf32, #tpu.memory_space<vmem>>, vector<1x1xf32>
    %get3A_213 = vector.extract %get3A_212[0, 0] : f32 from vector<1x1xf32>
    %get3A_214 = arith.constant 1 : index
    %get3A_215 = arith.constant 35 : index
    %get3A_216 = vector.load %arg3[%get3A_214, %get3A_215] : memref<2x128xf32, #tpu.memory_space<vmem>>, vector<1x1xf32>
    %get3A_217 = vector.extract %get3A_216[0, 0] : f32 from vector<1x1xf32>
    %get3A_218 = arith.constant 1 : index
    %get3A_219 = arith.constant 36 : index
    %get3A_220 = vector.load %arg3[%get3A_218, %get3A_219] : memref<2x128xf32, #tpu.memory_space<vmem>>, vector<1x1xf32>
    %get3A_221 = vector.extract %get3A_220[0, 0] : f32 from vector<1x1xf32>
    %get3A_222 = arith.constant 1 : index
    %get3A_223 = arith.constant 37 : index
    %get3A_224 = vector.load %arg3[%get3A_222, %get3A_223] : memref<2x128xf32, #tpu.memory_space<vmem>>, vector<1x1xf32>
    %get3A_225 = vector.extract %get3A_224[0, 0] : f32 from vector<1x1xf32>
    %get3A_226 = arith.constant 1 : index
    %get3A_227 = arith.constant 38 : index
    %get3A_228 = vector.load %arg3[%get3A_226, %get3A_227] : memref<2x128xf32, #tpu.memory_space<vmem>>, vector<1x1xf32>
    %get3A_229 = vector.extract %get3A_228[0, 0] : f32 from vector<1x1xf32>
    %get3A_230 = arith.constant 1 : index
    %get3A_231 = arith.constant 39 : index
    %get3A_232 = vector.load %arg3[%get3A_230, %get3A_231] : memref<2x128xf32, #tpu.memory_space<vmem>>, vector<1x1xf32>
    %get3A_233 = vector.extract %get3A_232[0, 0] : f32 from vector<1x1xf32>
    %get3A_234 = arith.constant 1 : index
    %get3A_235 = arith.constant 40 : index
    %get3A_236 = vector.load %arg3[%get3A_234, %get3A_235] : memref<2x128xf32, #tpu.memory_space<vmem>>, vector<1x1xf32>
    %get3A_237 = vector.extract %get3A_236[0, 0] : f32 from vector<1x1xf32>
    %get3A_238 = arith.constant 1 : index
    %get3A_239 = arith.constant 41 : index
    %get3A_240 = vector.load %arg3[%get3A_238, %get3A_239] : memref<2x128xf32, #tpu.memory_space<vmem>>, vector<1x1xf32>
    %get3A_241 = vector.extract %get3A_240[0, 0] : f32 from vector<1x1xf32>
    %get3A_242 = arith.constant 1 : index
    %get3A_243 = arith.constant 42 : index
    %get3A_244 = vector.load %arg3[%get3A_242, %get3A_243] : memref<2x128xf32, #tpu.memory_space<vmem>>, vector<1x1xf32>
    %get3A_245 = vector.extract %get3A_244[0, 0] : f32 from vector<1x1xf32>
    %get3A_246 = arith.constant 1 : index
    %get3A_247 = arith.constant 43 : index
    %get3A_248 = vector.load %arg3[%get3A_246, %get3A_247] : memref<2x128xf32, #tpu.memory_space<vmem>>, vector<1x1xf32>
    %get3A_249 = vector.extract %get3A_248[0, 0] : f32 from vector<1x1xf32>
    %get3A_250 = arith.constant 1 : index
    %get3A_251 = arith.constant 44 : index
    %get3A_252 = vector.load %arg3[%get3A_250, %get3A_251] : memref<2x128xf32, #tpu.memory_space<vmem>>, vector<1x1xf32>
    %get3A_253 = vector.extract %get3A_252[0, 0] : f32 from vector<1x1xf32>
    %get3A_254 = arith.constant 1 : index
    %get3A_255 = arith.constant 45 : index
    %get3A_256 = vector.load %arg3[%get3A_254, %get3A_255] : memref<2x128xf32, #tpu.memory_space<vmem>>, vector<1x1xf32>
    %get3A_257 = vector.extract %get3A_256[0, 0] : f32 from vector<1x1xf32>
    %get3A_258 = arith.constant 1 : index
    %get3A_259 = arith.constant 46 : index
    %get3A_260 = vector.load %arg3[%get3A_258, %get3A_259] : memref<2x128xf32, #tpu.memory_space<vmem>>, vector<1x1xf32>
    %get3A_261 = vector.extract %get3A_260[0, 0] : f32 from vector<1x1xf32>
    %get3A_262 = arith.constant 1 : index
    %get3A_263 = arith.constant 47 : index
    %get3A_264 = vector.load %arg3[%get3A_262, %get3A_263] : memref<2x128xf32, #tpu.memory_space<vmem>>, vector<1x1xf32>
    %get3A_265 = vector.extract %get3A_264[0, 0] : f32 from vector<1x1xf32>
    %get3A_266 = arith.constant 1 : index
    %get3A_267 = arith.constant 48 : index
    %get3A_268 = vector.load %arg3[%get3A_266, %get3A_267] : memref<2x128xf32, #tpu.memory_space<vmem>>, vector<1x1xf32>
    %get3A_269 = vector.extract %get3A_268[0, 0] : f32 from vector<1x1xf32>
    %get3A_270 = arith.constant 1 : index
    %get3A_271 = arith.constant 49 : index
    %get3A_272 = vector.load %arg3[%get3A_270, %get3A_271] : memref<2x128xf32, #tpu.memory_space<vmem>>, vector<1x1xf32>
    %get3A_273 = vector.extract %get3A_272[0, 0] : f32 from vector<1x1xf32>
    %get3A_274 = arith.constant 1 : index
    %get3A_275 = arith.constant 50 : index
    %get3A_276 = vector.load %arg3[%get3A_274, %get3A_275] : memref<2x128xf32, #tpu.memory_space<vmem>>, vector<1x1xf32>
    %get3A_277 = vector.extract %get3A_276[0, 0] : f32 from vector<1x1xf32>
    %get3A_278 = arith.constant 1 : index
    %get3A_279 = arith.constant 51 : index
    %get3A_280 = vector.load %arg3[%get3A_278, %get3A_279] : memref<2x128xf32, #tpu.memory_space<vmem>>, vector<1x1xf32>
    %get3A_281 = vector.extract %get3A_280[0, 0] : f32 from vector<1x1xf32>
    %get3A_282 = arith.constant 1 : index
    %get3A_283 = arith.constant 52 : index
    %get3A_284 = vector.load %arg3[%get3A_282, %get3A_283] : memref<2x128xf32, #tpu.memory_space<vmem>>, vector<1x1xf32>
    %get3A_285 = vector.extract %get3A_284[0, 0] : f32 from vector<1x1xf32>
    %get3A_286 = arith.constant 1 : index
    %get3A_287 = arith.constant 53 : index
    %get3A_288 = vector.load %arg3[%get3A_286, %get3A_287] : memref<2x128xf32, #tpu.memory_space<vmem>>, vector<1x1xf32>
    %get3A_289 = vector.extract %get3A_288[0, 0] : f32 from vector<1x1xf32>
    %get3A_290 = arith.constant 1 : index
    %get3A_291 = arith.constant 54 : index
    %get3A_292 = vector.load %arg3[%get3A_290, %get3A_291] : memref<2x128xf32, #tpu.memory_space<vmem>>, vector<1x1xf32>
    %get3A_293 = vector.extract %get3A_292[0, 0] : f32 from vector<1x1xf32>
    %get3A_294 = arith.constant 1 : index
    %get3A_295 = arith.constant 55 : index
    %get3A_296 = vector.load %arg3[%get3A_294, %get3A_295] : memref<2x128xf32, #tpu.memory_space<vmem>>, vector<1x1xf32>
    %get3A_297 = vector.extract %get3A_296[0, 0] : f32 from vector<1x1xf32>
    %get3A_298 = arith.constant 1 : index
    %get3A_299 = arith.constant 56 : index
    %get3A_300 = vector.load %arg3[%get3A_298, %get3A_299] : memref<2x128xf32, #tpu.memory_space<vmem>>, vector<1x1xf32>
    %get3A_301 = vector.extract %get3A_300[0, 0] : f32 from vector<1x1xf32>
    %get3A_302 = arith.constant 1 : index
    %get3A_303 = arith.constant 57 : index
    %get3A_304 = vector.load %arg3[%get3A_302, %get3A_303] : memref<2x128xf32, #tpu.memory_space<vmem>>, vector<1x1xf32>
    %get3A_305 = vector.extract %get3A_304[0, 0] : f32 from vector<1x1xf32>
    %get3A_306 = arith.constant 1 : index
    %get3A_307 = arith.constant 58 : index
    %get3A_308 = vector.load %arg3[%get3A_306, %get3A_307] : memref<2x128xf32, #tpu.memory_space<vmem>>, vector<1x1xf32>
    %get3A_309 = vector.extract %get3A_308[0, 0] : f32 from vector<1x1xf32>
    %get3A_310 = arith.constant 1 : index
    %get3A_311 = arith.constant 59 : index
    %get3A_312 = vector.load %arg3[%get3A_310, %get3A_311] : memref<2x128xf32, #tpu.memory_space<vmem>>, vector<1x1xf32>
    %get3A_313 = vector.extract %get3A_312[0, 0] : f32 from vector<1x1xf32>
    %get3A_314 = arith.constant 1 : index
    %get3A_315 = arith.constant 60 : index
    %get3A_316 = vector.load %arg3[%get3A_314, %get3A_315] : memref<2x128xf32, #tpu.memory_space<vmem>>, vector<1x1xf32>
    %get3A_317 = vector.extract %get3A_316[0, 0] : f32 from vector<1x1xf32>
    %get3A_318 = arith.constant 1 : index
    %get3A_319 = arith.constant 61 : index
    %get3A_320 = vector.load %arg3[%get3A_318, %get3A_319] : memref<2x128xf32, #tpu.memory_space<vmem>>, vector<1x1xf32>
    %get3A_321 = vector.extract %get3A_320[0, 0] : f32 from vector<1x1xf32>
    %get3A_322 = arith.constant 1 : index
    %get3A_323 = arith.constant 62 : index
    %get3A_324 = vector.load %arg3[%get3A_322, %get3A_323] : memref<2x128xf32, #tpu.memory_space<vmem>>, vector<1x1xf32>
    %get3A_325 = vector.extract %get3A_324[0, 0] : f32 from vector<1x1xf32>
    %get3A_326 = arith.constant 1 : index
    %get3A_327 = arith.constant 63 : index
    %get3A_328 = vector.load %arg3[%get3A_326, %get3A_327] : memref<2x128xf32, #tpu.memory_space<vmem>>, vector<1x1xf32>
    %get3A_329 = vector.extract %get3A_328[0, 0] : f32 from vector<1x1xf32>
    %get3A_330 = arith.constant 1 : index
    %get3A_331 = arith.constant 64 : index
    %get3A_332 = vector.load %arg3[%get3A_330, %get3A_331] : memref<2x128xf32, #tpu.memory_space<vmem>>, vector<1x1xf32>
    %get3A_333 = vector.extract %get3A_332[0, 0] : f32 from vector<1x1xf32>
    %get3A_334 = arith.constant 1 : index
    %get3A_335 = arith.constant 65 : index
    %get3A_336 = vector.load %arg3[%get3A_334, %get3A_335] : memref<2x128xf32, #tpu.memory_space<vmem>>, vector<1x1xf32>
    %get3A_337 = vector.extract %get3A_336[0, 0] : f32 from vector<1x1xf32>
    %get3A_338 = arith.constant 1 : index
    %get3A_339 = arith.constant 66 : index
    %get3A_340 = vector.load %arg3[%get3A_338, %get3A_339] : memref<2x128xf32, #tpu.memory_space<vmem>>, vector<1x1xf32>
    %get3A_341 = vector.extract %get3A_340[0, 0] : f32 from vector<1x1xf32>
    %get3A_342 = arith.constant 1 : index
    %get3A_343 = arith.constant 67 : index
    %get3A_344 = vector.load %arg3[%get3A_342, %get3A_343] : memref<2x128xf32, #tpu.memory_space<vmem>>, vector<1x1xf32>
    %get3A_345 = vector.extract %get3A_344[0, 0] : f32 from vector<1x1xf32>
    %get3A_346 = arith.constant 1 : index
    %get3A_347 = arith.constant 68 : index
    %get3A_348 = vector.load %arg3[%get3A_346, %get3A_347] : memref<2x128xf32, #tpu.memory_space<vmem>>, vector<1x1xf32>
    %get3A_349 = vector.extract %get3A_348[0, 0] : f32 from vector<1x1xf32>
    %get3A_350 = arith.constant 1 : index
    %get3A_351 = arith.constant 69 : index
    %get3A_352 = vector.load %arg3[%get3A_350, %get3A_351] : memref<2x128xf32, #tpu.memory_space<vmem>>, vector<1x1xf32>
    %get3A_353 = vector.extract %get3A_352[0, 0] : f32 from vector<1x1xf32>
    %get3A_354 = arith.constant 1 : index
    %get3A_355 = arith.constant 70 : index
    %get3A_356 = vector.load %arg3[%get3A_354, %get3A_355] : memref<2x128xf32, #tpu.memory_space<vmem>>, vector<1x1xf32>
    %get3A_357 = vector.extract %get3A_356[0, 0] : f32 from vector<1x1xf32>
    %get3A_358 = arith.constant 1 : index
    %get3A_359 = arith.constant 71 : index
    %get3A_360 = vector.load %arg3[%get3A_358, %get3A_359] : memref<2x128xf32, #tpu.memory_space<vmem>>, vector<1x1xf32>
    %get3A_361 = vector.extract %get3A_360[0, 0] : f32 from vector<1x1xf32>
    %get3A_362 = arith.constant 1 : index
    %get3A_363 = arith.constant 72 : index
    %get3A_364 = vector.load %arg3[%get3A_362, %get3A_363] : memref<2x128xf32, #tpu.memory_space<vmem>>, vector<1x1xf32>
    %get3A_365 = vector.extract %get3A_364[0, 0] : f32 from vector<1x1xf32>
    %get3A_366 = arith.constant 1 : index
    %get3A_367 = arith.constant 73 : index
    %get3A_368 = vector.load %arg3[%get3A_366, %get3A_367] : memref<2x128xf32, #tpu.memory_space<vmem>>, vector<1x1xf32>
    %get3A_369 = vector.extract %get3A_368[0, 0] : f32 from vector<1x1xf32>
    %get3A_370 = arith.constant 1 : index
    %get3A_371 = arith.constant 74 : index
    %get3A_372 = vector.load %arg3[%get3A_370, %get3A_371] : memref<2x128xf32, #tpu.memory_space<vmem>>, vector<1x1xf32>
    %get3A_373 = vector.extract %get3A_372[0, 0] : f32 from vector<1x1xf32>
    %get3A_374 = arith.constant 1 : index
    %get3A_375 = arith.constant 75 : index
    %get3A_376 = vector.load %arg3[%get3A_374, %get3A_375] : memref<2x128xf32, #tpu.memory_space<vmem>>, vector<1x1xf32>
    %get3A_377 = vector.extract %get3A_376[0, 0] : f32 from vector<1x1xf32>
    %get3A_378 = arith.constant 1 : index
    %get3A_379 = arith.constant 76 : index
    %get3A_380 = vector.load %arg3[%get3A_378, %get3A_379] : memref<2x128xf32, #tpu.memory_space<vmem>>, vector<1x1xf32>
    %get3A_381 = vector.extract %get3A_380[0, 0] : f32 from vector<1x1xf32>
    %get3A_382 = arith.constant 1 : index
    %get3A_383 = arith.constant 77 : index
    %get3A_384 = vector.load %arg3[%get3A_382, %get3A_383] : memref<2x128xf32, #tpu.memory_space<vmem>>, vector<1x1xf32>
    %get3A_385 = vector.extract %get3A_384[0, 0] : f32 from vector<1x1xf32>
    %get3A_386 = arith.constant 1 : index
    %get3A_387 = arith.constant 78 : index
    %get3A_388 = vector.load %arg3[%get3A_386, %get3A_387] : memref<2x128xf32, #tpu.memory_space<vmem>>, vector<1x1xf32>
    %get3A_389 = vector.extract %get3A_388[0, 0] : f32 from vector<1x1xf32>
    %get3A_390 = arith.constant 1 : index
    %get3A_391 = arith.constant 79 : index
    %get3A_392 = vector.load %arg3[%get3A_390, %get3A_391] : memref<2x128xf32, #tpu.memory_space<vmem>>, vector<1x1xf32>
    %get3A_393 = vector.extract %get3A_392[0, 0] : f32 from vector<1x1xf32>
    %get3A_394 = arith.constant 1 : index
    %get3A_395 = arith.constant 80 : index
    %get3A_396 = vector.load %arg3[%get3A_394, %get3A_395] : memref<2x128xf32, #tpu.memory_space<vmem>>, vector<1x1xf32>
    %get3A_397 = vector.extract %get3A_396[0, 0] : f32 from vector<1x1xf32>
    %get3A_398 = arith.constant 1 : index
    %get3A_399 = arith.constant 81 : index
    %get3A_400 = vector.load %arg3[%get3A_398, %get3A_399] : memref<2x128xf32, #tpu.memory_space<vmem>>, vector<1x1xf32>
    %get3A_401 = vector.extract %get3A_400[0, 0] : f32 from vector<1x1xf32>
    %get3A_402 = arith.constant 1 : index
    %get3A_403 = arith.constant 82 : index
    %get3A_404 = vector.load %arg3[%get3A_402, %get3A_403] : memref<2x128xf32, #tpu.memory_space<vmem>>, vector<1x1xf32>
    %get3A_405 = vector.extract %get3A_404[0, 0] : f32 from vector<1x1xf32>
    %get3A_406 = arith.constant 1 : index
    %get3A_407 = arith.constant 83 : index
    %get3A_408 = vector.load %arg3[%get3A_406, %get3A_407] : memref<2x128xf32, #tpu.memory_space<vmem>>, vector<1x1xf32>
    %get3A_409 = vector.extract %get3A_408[0, 0] : f32 from vector<1x1xf32>
    %get3A_410 = arith.constant 1 : index
    %get3A_411 = arith.constant 84 : index
    %get3A_412 = vector.load %arg3[%get3A_410, %get3A_411] : memref<2x128xf32, #tpu.memory_space<vmem>>, vector<1x1xf32>
    %get3A_413 = vector.extract %get3A_412[0, 0] : f32 from vector<1x1xf32>
    %get3A_414 = arith.constant 1 : index
    %get3A_415 = arith.constant 85 : index
    %get3A_416 = vector.load %arg3[%get3A_414, %get3A_415] : memref<2x128xf32, #tpu.memory_space<vmem>>, vector<1x1xf32>
    %get3A_417 = vector.extract %get3A_416[0, 0] : f32 from vector<1x1xf32>
    %get3A_418 = arith.constant 1 : index
    %get3A_419 = arith.constant 86 : index
    %get3A_420 = vector.load %arg3[%get3A_418, %get3A_419] : memref<2x128xf32, #tpu.memory_space<vmem>>, vector<1x1xf32>
    %get3A_421 = vector.extract %get3A_420[0, 0] : f32 from vector<1x1xf32>
    %get3A_422 = arith.constant 1 : index
    %get3A_423 = arith.constant 87 : index
    %get3A_424 = vector.load %arg3[%get3A_422, %get3A_423] : memref<2x128xf32, #tpu.memory_space<vmem>>, vector<1x1xf32>
    %get3A_425 = vector.extract %get3A_424[0, 0] : f32 from vector<1x1xf32>
    %get3A_426 = arith.constant 1 : index
    %get3A_427 = arith.constant 88 : index
    %get3A_428 = vector.load %arg3[%get3A_426, %get3A_427] : memref<2x128xf32, #tpu.memory_space<vmem>>, vector<1x1xf32>
    %get3A_429 = vector.extract %get3A_428[0, 0] : f32 from vector<1x1xf32>
    %get3A_430 = arith.constant 1 : index
    %get3A_431 = arith.constant 89 : index
    %get3A_432 = vector.load %arg3[%get3A_430, %get3A_431] : memref<2x128xf32, #tpu.memory_space<vmem>>, vector<1x1xf32>
    %get3A_433 = vector.extract %get3A_432[0, 0] : f32 from vector<1x1xf32>
    %get3A_434 = arith.constant 1 : index
    %get3A_435 = arith.constant 90 : index
    %get3A_436 = vector.load %arg3[%get3A_434, %get3A_435] : memref<2x128xf32, #tpu.memory_space<vmem>>, vector<1x1xf32>
    %get3A_437 = vector.extract %get3A_436[0, 0] : f32 from vector<1x1xf32>
    %get3A_438 = arith.constant 1 : index
    %get3A_439 = arith.constant 91 : index
    %get3A_440 = vector.load %arg3[%get3A_438, %get3A_439] : memref<2x128xf32, #tpu.memory_space<vmem>>, vector<1x1xf32>
    %get3A_441 = vector.extract %get3A_440[0, 0] : f32 from vector<1x1xf32>
    %get3A_442 = arith.constant 1 : index
    %get3A_443 = arith.constant 92 : index
    %get3A_444 = vector.load %arg3[%get3A_442, %get3A_443] : memref<2x128xf32, #tpu.memory_space<vmem>>, vector<1x1xf32>
    %get3A_445 = vector.extract %get3A_444[0, 0] : f32 from vector<1x1xf32>
    %get3A_446 = arith.constant 1 : index
    %get3A_447 = arith.constant 93 : index
    %get3A_448 = vector.load %arg3[%get3A_446, %get3A_447] : memref<2x128xf32, #tpu.memory_space<vmem>>, vector<1x1xf32>
    %get3A_449 = vector.extract %get3A_448[0, 0] : f32 from vector<1x1xf32>
    %get3A_450 = arith.constant 1 : index
    %get3A_451 = arith.constant 94 : index
    %get3A_452 = vector.load %arg3[%get3A_450, %get3A_451] : memref<2x128xf32, #tpu.memory_space<vmem>>, vector<1x1xf32>
    %get3A_453 = vector.extract %get3A_452[0, 0] : f32 from vector<1x1xf32>
    %get3A_454 = arith.constant 1 : index
    %get3A_455 = arith.constant 95 : index
    %get3A_456 = vector.load %arg3[%get3A_454, %get3A_455] : memref<2x128xf32, #tpu.memory_space<vmem>>, vector<1x1xf32>
    %get3A_457 = vector.extract %get3A_456[0, 0] : f32 from vector<1x1xf32>
    %get3A_458 = arith.constant 1 : index
    %get3A_459 = arith.constant 96 : index
    %get3A_460 = vector.load %arg3[%get3A_458, %get3A_459] : memref<2x128xf32, #tpu.memory_space<vmem>>, vector<1x1xf32>
    %get3A_461 = vector.extract %get3A_460[0, 0] : f32 from vector<1x1xf32>
    %get3A_462 = arith.constant 1 : index
    %get3A_463 = arith.constant 97 : index
    %get3A_464 = vector.load %arg3[%get3A_462, %get3A_463] : memref<2x128xf32, #tpu.memory_space<vmem>>, vector<1x1xf32>
    %get3A_465 = vector.extract %get3A_464[0, 0] : f32 from vector<1x1xf32>
    %get3A_466 = arith.constant 1 : index
    %get3A_467 = arith.constant 98 : index
    %get3A_468 = vector.load %arg3[%get3A_466, %get3A_467] : memref<2x128xf32, #tpu.memory_space<vmem>>, vector<1x1xf32>
    %get3A_469 = vector.extract %get3A_468[0, 0] : f32 from vector<1x1xf32>
    %get3A_470 = arith.constant 1 : index
    %get3A_471 = arith.constant 99 : index
    %get3A_472 = vector.load %arg3[%get3A_470, %get3A_471] : memref<2x128xf32, #tpu.memory_space<vmem>>, vector<1x1xf32>
    %get3A_473 = vector.extract %get3A_472[0, 0] : f32 from vector<1x1xf32>
    %get3A_474 = arith.constant 1 : index
    %get3A_475 = arith.constant 100 : index
    %get3A_476 = vector.load %arg3[%get3A_474, %get3A_475] : memref<2x128xf32, #tpu.memory_space<vmem>>, vector<1x1xf32>
    %get3A_477 = vector.extract %get3A_476[0, 0] : f32 from vector<1x1xf32>
    %get3A_478 = arith.constant 1 : index
    %get3A_479 = arith.constant 101 : index
    %get3A_480 = vector.load %arg3[%get3A_478, %get3A_479] : memref<2x128xf32, #tpu.memory_space<vmem>>, vector<1x1xf32>
    %get3A_481 = vector.extract %get3A_480[0, 0] : f32 from vector<1x1xf32>
    %get3A_482 = arith.constant 1 : index
    %get3A_483 = arith.constant 102 : index
    %get3A_484 = vector.load %arg3[%get3A_482, %get3A_483] : memref<2x128xf32, #tpu.memory_space<vmem>>, vector<1x1xf32>
    %get3A_485 = vector.extract %get3A_484[0, 0] : f32 from vector<1x1xf32>
    %get3A_486 = arith.constant 1 : index
    %get3A_487 = arith.constant 103 : index
    %get3A_488 = vector.load %arg3[%get3A_486, %get3A_487] : memref<2x128xf32, #tpu.memory_space<vmem>>, vector<1x1xf32>
    %get3A_489 = vector.extract %get3A_488[0, 0] : f32 from vector<1x1xf32>
    %get3A_490 = arith.constant 1 : index
    %get3A_491 = arith.constant 104 : index
    %get3A_492 = vector.load %arg3[%get3A_490, %get3A_491] : memref<2x128xf32, #tpu.memory_space<vmem>>, vector<1x1xf32>
    %get3A_493 = vector.extract %get3A_492[0, 0] : f32 from vector<1x1xf32>
    %get3A_494 = arith.constant 1 : index
    %get3A_495 = arith.constant 105 : index
    %get3A_496 = vector.load %arg3[%get3A_494, %get3A_495] : memref<2x128xf32, #tpu.memory_space<vmem>>, vector<1x1xf32>
    %get3A_497 = vector.extract %get3A_496[0, 0] : f32 from vector<1x1xf32>
    %get3A_498 = arith.constant 1 : index
    %get3A_499 = arith.constant 106 : index
    %get3A_500 = vector.load %arg3[%get3A_498, %get3A_499] : memref<2x128xf32, #tpu.memory_space<vmem>>, vector<1x1xf32>
    %get3A_501 = vector.extract %get3A_500[0, 0] : f32 from vector<1x1xf32>
    %get3A_502 = arith.constant 1 : index
    %get3A_503 = arith.constant 107 : index
    %get3A_504 = vector.load %arg3[%get3A_502, %get3A_503] : memref<2x128xf32, #tpu.memory_space<vmem>>, vector<1x1xf32>
    %get3A_505 = vector.extract %get3A_504[0, 0] : f32 from vector<1x1xf32>
    %get3A_506 = arith.constant 1 : index
    %get3A_507 = arith.constant 108 : index
    %get3A_508 = vector.load %arg3[%get3A_506, %get3A_507] : memref<2x128xf32, #tpu.memory_space<vmem>>, vector<1x1xf32>
    %get3A_509 = vector.extract %get3A_508[0, 0] : f32 from vector<1x1xf32>
    %get3A_510 = arith.constant 1 : index
    %get3A_511 = arith.constant 109 : index
    %get3A_512 = vector.load %arg3[%get3A_510, %get3A_511] : memref<2x128xf32, #tpu.memory_space<vmem>>, vector<1x1xf32>
    %get3A_513 = vector.extract %get3A_512[0, 0] : f32 from vector<1x1xf32>
    %get3A_514 = arith.constant 1 : index
    %get3A_515 = arith.constant 110 : index
    %get3A_516 = vector.load %arg3[%get3A_514, %get3A_515] : memref<2x128xf32, #tpu.memory_space<vmem>>, vector<1x1xf32>
    %get3A_517 = vector.extract %get3A_516[0, 0] : f32 from vector<1x1xf32>
    %get3A_518 = arith.constant 1 : index
    %get3A_519 = arith.constant 111 : index
    %get3A_520 = vector.load %arg3[%get3A_518, %get3A_519] : memref<2x128xf32, #tpu.memory_space<vmem>>, vector<1x1xf32>
    %get3A_521 = vector.extract %get3A_520[0, 0] : f32 from vector<1x1xf32>
    %get3A_522 = arith.constant 1 : index
    %get3A_523 = arith.constant 112 : index
    %get3A_524 = vector.load %arg3[%get3A_522, %get3A_523] : memref<2x128xf32, #tpu.memory_space<vmem>>, vector<1x1xf32>
    %get3A_525 = vector.extract %get3A_524[0, 0] : f32 from vector<1x1xf32>
    %get3A_526 = arith.constant 1 : index
    %get3A_527 = arith.constant 113 : index
    %get3A_528 = vector.load %arg3[%get3A_526, %get3A_527] : memref<2x128xf32, #tpu.memory_space<vmem>>, vector<1x1xf32>
    %get3A_529 = vector.extract %get3A_528[0, 0] : f32 from vector<1x1xf32>
    %get3A_530 = arith.constant 1 : index
    %get3A_531 = arith.constant 114 : index
    %get3A_532 = vector.load %arg3[%get3A_530, %get3A_531] : memref<2x128xf32, #tpu.memory_space<vmem>>, vector<1x1xf32>
    %get3A_533 = vector.extract %get3A_532[0, 0] : f32 from vector<1x1xf32>
    %get3A_534 = arith.constant 1 : index
    %get3A_535 = arith.constant 115 : index
    %get3A_536 = vector.load %arg3[%get3A_534, %get3A_535] : memref<2x128xf32, #tpu.memory_space<vmem>>, vector<1x1xf32>
    %get3A_537 = vector.extract %get3A_536[0, 0] : f32 from vector<1x1xf32>
    %get3A_538 = arith.constant 1 : index
    %get3A_539 = arith.constant 116 : index
    %get3A_540 = vector.load %arg3[%get3A_538, %get3A_539] : memref<2x128xf32, #tpu.memory_space<vmem>>, vector<1x1xf32>
    %get3A_541 = vector.extract %get3A_540[0, 0] : f32 from vector<1x1xf32>
    %get3A_542 = arith.constant 1 : index
    %get3A_543 = arith.constant 117 : index
    %get3A_544 = vector.load %arg3[%get3A_542, %get3A_543] : memref<2x128xf32, #tpu.memory_space<vmem>>, vector<1x1xf32>
    %get3A_545 = vector.extract %get3A_544[0, 0] : f32 from vector<1x1xf32>
    %get3A_546 = arith.constant 1 : index
    %get3A_547 = arith.constant 118 : index
    %get3A_548 = vector.load %arg3[%get3A_546, %get3A_547] : memref<2x128xf32, #tpu.memory_space<vmem>>, vector<1x1xf32>
    %get3A_549 = vector.extract %get3A_548[0, 0] : f32 from vector<1x1xf32>
    %get3A_550 = arith.constant 1 : index
    %get3A_551 = arith.constant 119 : index
    %get3A_552 = vector.load %arg3[%get3A_550, %get3A_551] : memref<2x128xf32, #tpu.memory_space<vmem>>, vector<1x1xf32>
    %get3A_553 = vector.extract %get3A_552[0, 0] : f32 from vector<1x1xf32>
    %get3A_554 = arith.constant 1 : index
    %get3A_555 = arith.constant 120 : index
    %get3A_556 = vector.load %arg3[%get3A_554, %get3A_555] : memref<2x128xf32, #tpu.memory_space<vmem>>, vector<1x1xf32>
    %get3A_557 = vector.extract %get3A_556[0, 0] : f32 from vector<1x1xf32>
    %get3A_558 = arith.constant 1 : index
    %get3A_559 = arith.constant 121 : index
    %get3A_560 = vector.load %arg3[%get3A_558, %get3A_559] : memref<2x128xf32, #tpu.memory_space<vmem>>, vector<1x1xf32>
    %get3A_561 = vector.extract %get3A_560[0, 0] : f32 from vector<1x1xf32>
    %get3A_562 = arith.constant 1 : index
    %get3A_563 = arith.constant 122 : index
    %get3A_564 = vector.load %arg3[%get3A_562, %get3A_563] : memref<2x128xf32, #tpu.memory_space<vmem>>, vector<1x1xf32>
    %get3A_565 = vector.extract %get3A_564[0, 0] : f32 from vector<1x1xf32>
    %get3A_566 = arith.constant 1 : index
    %get3A_567 = arith.constant 123 : index
    %get3A_568 = vector.load %arg3[%get3A_566, %get3A_567] : memref<2x128xf32, #tpu.memory_space<vmem>>, vector<1x1xf32>
    %get3A_569 = vector.extract %get3A_568[0, 0] : f32 from vector<1x1xf32>
    %get3A_570 = arith.constant 1 : index
    %get3A_571 = arith.constant 124 : index
    %get3A_572 = vector.load %arg3[%get3A_570, %get3A_571] : memref<2x128xf32, #tpu.memory_space<vmem>>, vector<1x1xf32>
    %get3A_573 = vector.extract %get3A_572[0, 0] : f32 from vector<1x1xf32>
    %get3A_574 = arith.constant 1 : index
    %get3A_575 = arith.constant 125 : index
    %get3A_576 = vector.load %arg3[%get3A_574, %get3A_575] : memref<2x128xf32, #tpu.memory_space<vmem>>, vector<1x1xf32>
    %get3A_577 = vector.extract %get3A_576[0, 0] : f32 from vector<1x1xf32>
    %get3A_578 = arith.constant 1 : index
    %get3A_579 = arith.constant 126 : index
    %get3A_580 = vector.load %arg3[%get3A_578, %get3A_579] : memref<2x128xf32, #tpu.memory_space<vmem>>, vector<1x1xf32>
    %get3A_581 = vector.extract %get3A_580[0, 0] : f32 from vector<1x1xf32>
    %get3A_582 = arith.constant 1 : index
    %get3A_583 = arith.constant 127 : index
    %get3A_584 = vector.load %arg3[%get3A_582, %get3A_583] : memref<2x128xf32, #tpu.memory_space<vmem>>, vector<1x1xf32>
    %get3A_585 = vector.extract %get3A_584[0, 0] : f32 from vector<1x1xf32>
    %scan3A = arith.constant 0.000000e+00 : f32
    %scan3A_586 = arith.constant 0.000000e+00 : f32
    %scan3A_587 = arith.constant 0.000000e+00 : f32
    %scan3A_588 = arith.constant 0.000000e+00 : f32
    %scan3A_589 = arith.constant 0.000000e+00 : f32
    %scan3A_590 = arith.constant 0.000000e+00 : f32
    %scan3A_591 = arith.constant 0.000000e+00 : f32
    %scan3A_592 = arith.constant 0.000000e+00 : f32
    %scan3A_593 = arith.constant 0.000000e+00 : f32
    %scan3A_594 = arith.constant 0.000000e+00 : f32
    %scan3A_595 = arith.constant 0.000000e+00 : f32
    %scan3A_596 = arith.constant 0.000000e+00 : f32
    %scan3A_597 = arith.constant 0.000000e+00 : f32
    %scan3A_598 = arith.constant 0.000000e+00 : f32
    %scan3A_599 = arith.constant 0.000000e+00 : f32
    %scan3A_600 = arith.constant 0.000000e+00 : f32
    %scan3A_601 = arith.constant 0.000000e+00 : f32
    %scan3A_602 = arith.constant 0.000000e+00 : f32
    %scan3A_603 = arith.constant 0.000000e+00 : f32
    %scan3A_604 = arith.constant 0.000000e+00 : f32
    %scan3A_605 = arith.constant 0.000000e+00 : f32
    %scan3A_606 = arith.constant 0.000000e+00 : f32
    %scan3A_607 = arith.constant 0.000000e+00 : f32
    %scan3A_608 = arith.constant 0.000000e+00 : f32
    %scan3A_609 = arith.constant 0.000000e+00 : f32
    %scan3A_610 = arith.constant 0.000000e+00 : f32
    %scan3A_611 = arith.constant 0.000000e+00 : f32
    %scan3A_612 = arith.constant 0.000000e+00 : f32
    %scan3A_613 = arith.constant 0.000000e+00 : f32
    %scan3A_614 = arith.constant 0.000000e+00 : f32
    %scan3A_615 = arith.constant 0.000000e+00 : f32
    %scan3A_616 = arith.constant 0.000000e+00 : f32
    %scan3A_617 = arith.constant 0.000000e+00 : f32
    %scan3A_618 = arith.constant 0.000000e+00 : f32
    %scan3A_619 = arith.constant 0.000000e+00 : f32
    %scan3A_620 = arith.constant 0.000000e+00 : f32
    %scan3A_621 = arith.constant 0.000000e+00 : f32
    %scan3A_622 = arith.constant 0.000000e+00 : f32
    %scan3A_623 = arith.constant 0.000000e+00 : f32
    %scan3A_624 = arith.constant 0.000000e+00 : f32
    %scan3A_625 = arith.constant 0.000000e+00 : f32
    %scan3A_626 = arith.constant 0.000000e+00 : f32
    %scan3A_627 = arith.constant 0.000000e+00 : f32
    %scan3A_628 = arith.constant 0.000000e+00 : f32
    %scan3A_629 = arith.constant 0.000000e+00 : f32
    %scan3A_630 = arith.constant 0.000000e+00 : f32
    %scan3A_631 = arith.constant 0.000000e+00 : f32
    %scan3A_632 = arith.constant 0.000000e+00 : f32
    %scan3A_633 = arith.constant 0.000000e+00 : f32
    %scan3A_634 = arith.constant 0.000000e+00 : f32
    %scan3A_635 = arith.constant 0.000000e+00 : f32
    %scan3A_636 = arith.constant 0.000000e+00 : f32
    %scan3A_637 = arith.constant 0.000000e+00 : f32
    %scan3A_638 = arith.constant 0.000000e+00 : f32
    %scan3A_639 = arith.constant 0.000000e+00 : f32
    %scan3A_640 = arith.constant 0.000000e+00 : f32
    %scan3A_641 = arith.constant 0.000000e+00 : f32
    %scan3A_642 = arith.constant 0.000000e+00 : f32
    %scan3A_643 = arith.constant 0.000000e+00 : f32
    %scan3A_644 = arith.constant 0.000000e+00 : f32
    %scan3A_645 = arith.constant 0.000000e+00 : f32
    %scan3A_646 = arith.constant 0.000000e+00 : f32
    %scan3A_647 = arith.constant 0.000000e+00 : f32
    %scan3A_648 = arith.constant 0.000000e+00 : f32
    %scan3A_649 = arith.constant 0 : i32
    %scan3A_650 = arith.constant 20 : i32
    %scan3A_651 = arith.addi %scan3A_649, %scan3A_650 : i32
    %scan3A_652 = arith.constant 1 : i32
    %scan3A_653:64 = scf.for %scan3A_1460 = %scan3A_649 to %scan3A_651 step %scan3A_652 iter_args(%scan3A_1461 = %scan3A, %scan3A_1462 = %scan3A_586, %scan3A_1463 = %scan3A_587, %scan3A_1464 = %scan3A_588, %scan3A_1465 = %scan3A_589, %scan3A_1466 = %scan3A_590, %scan3A_1467 = %scan3A_591, %scan3A_1468 = %scan3A_592, %scan3A_1469 = %scan3A_593, %scan3A_1470 = %scan3A_594, %scan3A_1471 = %scan3A_595, %scan3A_1472 = %scan3A_596, %scan3A_1473 = %scan3A_597, %scan3A_1474 = %scan3A_598, %scan3A_1475 = %scan3A_599, %scan3A_1476 = %scan3A_600, %scan3A_1477 = %scan3A_601, %scan3A_1478 = %scan3A_602, %scan3A_1479 = %scan3A_603, %scan3A_1480 = %scan3A_604, %scan3A_1481 = %scan3A_605, %scan3A_1482 = %scan3A_606, %scan3A_1483 = %scan3A_607, %scan3A_1484 = %scan3A_608, %scan3A_1485 = %scan3A_609, %scan3A_1486 = %scan3A_610, %scan3A_1487 = %scan3A_611, %scan3A_1488 = %scan3A_612, %scan3A_1489 = %scan3A_613, %scan3A_1490 = %scan3A_614, %scan3A_1491 = %scan3A_615, %scan3A_1492 = %scan3A_616, %scan3A_1493 = %scan3A_617, %scan3A_1494 = %scan3A_618, %scan3A_1495 = %scan3A_619, %scan3A_1496 = %scan3A_620, %scan3A_1497 = %scan3A_621, %scan3A_1498 = %scan3A_622, %scan3A_1499 = %scan3A_623, %scan3A_1500 = %scan3A_624, %scan3A_1501 = %scan3A_625, %scan3A_1502 = %scan3A_626, %scan3A_1503 = %scan3A_627, %scan3A_1504 = %scan3A_628, %scan3A_1505 = %scan3A_629, %scan3A_1506 = %scan3A_630, %scan3A_1507 = %scan3A_631, %scan3A_1508 = %scan3A_632, %scan3A_1509 = %scan3A_633, %scan3A_1510 = %scan3A_634, %scan3A_1511 = %scan3A_635, %scan3A_1512 = %scan3A_636, %scan3A_1513 = %scan3A_637, %scan3A_1514 = %scan3A_638, %scan3A_1515 = %scan3A_639, %scan3A_1516 = %scan3A_640, %scan3A_1517 = %scan3A_641, %scan3A_1518 = %scan3A_642, %scan3A_1519 = %scan3A_643, %scan3A_1520 = %scan3A_644, %scan3A_1521 = %scan3A_645, %scan3A_1522 = %scan3A_646, %scan3A_1523 = %scan3A_647, %scan3A_1524 = %scan3A_648) -> (f32, f32, f32, f32, f32, f32, f32, f32, f32, f32, f32, f32, f32, f32, f32, f32, f32, f32, f32, f32, f32, f32, f32, f32, f32, f32, f32, f32, f32, f32, f32, f32, f32, f32, f32, f32, f32, f32, f32, f32, f32, f32, f32, f32, f32, f32, f32, f32, f32, f32, f32, f32, f32, f32, f32, f32, f32, f32, f32, f32, f32, f32, f32, f32)  : i32 {
      %mul3A_1525 = arith.constant 512 : i32
      %mul3A_1526 = arith.muli %scan3A_1460, %mul3A_1525 : i32
      %get3A_1527 = arith.index_cast %mul3A_1526 : i32 to index
      %get3A_1528 = arith.constant 0 : index
      %get3A_1529 = vector.load %arg0[%get3A_1527, %get3A_1528] : memref<10240x112xf32, #tpu.memory_space<vmem>>, vector<512x112xf32>
      %mul3A_1530 = vector.broadcast %mul3A_71 : f32 to vector<512x112xf32>
      %mul3A_1531 = arith.mulf %get3A_1529, %mul3A_1530 : vector<512x112xf32>
      %add3A_1532 = vector.broadcast %sub3A_73 : f32 to vector<512x112xf32>
      %add3A_1533 = arith.addf %mul3A_1531, %add3A_1532 : vector<512x112xf32>
      %mul3A_1534 = arith.constant 512 : i32
      %mul3A_1535 = arith.muli %scan3A_1460, %mul3A_1534 : i32
      %get3A_1536 = arith.index_cast %mul3A_1535 : i32 to index
      %get3A_1537 = arith.constant 0 : index
      %get3A_1538 = vector.load %arg1[%get3A_1536, %get3A_1537] : memref<10240x112xf32, #tpu.memory_space<vmem>>, vector<512x112xf32>
      %mul3A_1539 = vector.broadcast %mul3A_71 : f32 to vector<512x112xf32>
      %mul3A_1540 = arith.mulf %get3A_1538, %mul3A_1539 : vector<512x112xf32>
      %add3A_1541 = vector.broadcast %sub3A_73 : f32 to vector<512x112xf32>
      %add3A_1542 = arith.addf %mul3A_1540, %add3A_1541 : vector<512x112xf32>
      %mul3A_1543 = arith.constant 512 : i32
      %mul3A_1544 = arith.muli %scan3A_1460, %mul3A_1543 : i32
      %get3A_1545 = arith.index_cast %mul3A_1544 : i32 to index
      %get3A_1546 = arith.constant 0 : index
      %get3A_1547 = vector.load %arg2[%get3A_1545, %get3A_1546] : memref<10240x112xf32, #tpu.memory_space<vmem>>, vector<512x112xf32>
      %mul3A_1548 = vector.broadcast %mul3A_71 : f32 to vector<512x112xf32>
      %mul3A_1549 = arith.mulf %get3A_1547, %mul3A_1548 : vector<512x112xf32>
      %add3A_1550 = vector.broadcast %sub3A_73 : f32 to vector<512x112xf32>
      %add3A_1551 = arith.addf %mul3A_1549, %add3A_1550 : vector<512x112xf32>
      %slice3A = vector.extract_strided_slice %add3A_1533 {offsets = [0, 0], sizes = [512, 99], strides = [1, 1]} : vector<512x112xf32> to vector<512x99xf32>
      %slice3A_1552 = vector.extract_strided_slice %add3A_1542 {offsets = [0, 0], sizes = [512, 99], strides = [1, 1]} : vector<512x112xf32> to vector<512x99xf32>
      %slice3A_1553 = vector.extract_strided_slice %add3A_1533 {offsets = [0, 1], sizes = [512, 99], strides = [1, 1]} : vector<512x112xf32> to vector<512x99xf32>
      %slice3A_1554 = vector.extract_strided_slice %add3A_1542 {offsets = [0, 1], sizes = [512, 99], strides = [1, 1]} : vector<512x112xf32> to vector<512x99xf32>
      %slice3A_1555 = vector.extract_strided_slice %add3A_1542 {offsets = [0, 0], sizes = [512, 99], strides = [1, 1]} : vector<512x112xf32> to vector<512x99xf32>
      %slice3A_1556 = vector.extract_strided_slice %add3A_1551 {offsets = [0, 0], sizes = [512, 99], strides = [1, 1]} : vector<512x112xf32> to vector<512x99xf32>
      %slice3A_1557 = vector.extract_strided_slice %add3A_1542 {offsets = [0, 1], sizes = [512, 99], strides = [1, 1]} : vector<512x112xf32> to vector<512x99xf32>
      %slice3A_1558 = vector.extract_strided_slice %add3A_1551 {offsets = [0, 1], sizes = [512, 99], strides = [1, 1]} : vector<512x112xf32> to vector<512x99xf32>
      %iota3A_1559 = tpu.iota {dimensions = array<i32: 0>} : vector<512x1xi32>
      %mul3A_1560 = arith.constant 512 : i32
      %mul3A_1561 = arith.muli %scan3A_1460, %mul3A_1560 : i32
      %add3A_1562 = vector.broadcast %mul3A_1561 : i32 to vector<512x1xi32>
      %add3A_1563 = arith.addi %iota3A_1559, %add3A_1562 : vector<512x1xi32>
      %lt3A_1564 = arith.constant 10000 : i32
      %lt3A_1565 = vector.broadcast %lt3A_1564 : i32 to vector<512x1xi32>
      %lt3A_1566 = arith.cmpi slt, %add3A_1563, %lt3A_1565 : vector<512x1xi32>
      %convert_element_type3A_1567 = arith.extui %lt3A_1566 : vector<512x1xi1> to vector<512x1xi32>
      %convert_element_type3A_1568 = arith.sitofp %convert_element_type3A_1567 : vector<512x1xi32> to vector<512x1xf32>
      %mul3A_1569 = vector.broadcast %get3A_77 : f32 to vector<512x99xf32>
      %mul3A_1570 = arith.mulf %slice3A, %mul3A_1569 : vector<512x99xf32>
      %mul3A_1571 = vector.broadcast %get3A_205 : f32 to vector<512x99xf32>
      %mul3A_1572 = arith.mulf %slice3A_1552, %mul3A_1571 : vector<512x99xf32>
      %add3A_1573 = arith.addf %mul3A_1570, %mul3A_1572 : vector<512x99xf32>
      %mul3A_1574 = vector.broadcast %get3A_333 : f32 to vector<512x99xf32>
      %mul3A_1575 = arith.mulf %slice3A_1553, %mul3A_1574 : vector<512x99xf32>
      %add3A_1576 = arith.addf %add3A_1573, %mul3A_1575 : vector<512x99xf32>
      %mul3A_1577 = vector.broadcast %get3A_461 : f32 to vector<512x99xf32>
      %mul3A_1578 = arith.mulf %slice3A_1554, %mul3A_1577 : vector<512x99xf32>
      %add3A_1579 = arith.addf %add3A_1576, %mul3A_1578 : vector<512x99xf32>
      %mul3A_1580 = vector.broadcast %convert_element_type3A_1568 : vector<512x1xf32> to vector<512x99xf32>
      %mul3A_1581 = arith.mulf %add3A_1579, %mul3A_1580 : vector<512x99xf32>
      %reduce_sum3A_1582 = vector.shape_cast %mul3A_1581 : vector<512x99xf32> to vector<1x512x99xf32>
      %reduce_sum3A_1583 = arith.constant dense<0.000000e+00> : vector<1xf32>
      %reduce_sum3A_1584 = vector.multi_reduction <add>, %reduce_sum3A_1582, %reduce_sum3A_1583 [1, 2] : vector<1x512x99xf32> to vector<1xf32>
      %reduce_sum3A_1585 = vector.shape_cast %reduce_sum3A_1584 : vector<1xf32> to vector<1x1x1xf32>
      %reduce_sum3A_1586 = vector.extract %reduce_sum3A_1585[0, 0, 0] : f32 from vector<1x1x1xf32>
      %add3A_1587 = arith.addf %scan3A_1461, %reduce_sum3A_1586 : f32
      %mul3A_1588 = arith.mulf %mul3A_1581, %mul3A_1581 : vector<512x99xf32>
      %reduce_sum3A_1589 = vector.shape_cast %mul3A_1588 : vector<512x99xf32> to vector<1x512x99xf32>
      %reduce_sum3A_1590 = arith.constant dense<0.000000e+00> : vector<1xf32>
      %reduce_sum3A_1591 = vector.multi_reduction <add>, %reduce_sum3A_1589, %reduce_sum3A_1590 [1, 2] : vector<1x512x99xf32> to vector<1xf32>
      %reduce_sum3A_1592 = vector.shape_cast %reduce_sum3A_1591 : vector<1xf32> to vector<1x1x1xf32>
      %reduce_sum3A_1593 = vector.extract %reduce_sum3A_1592[0, 0, 0] : f32 from vector<1x1x1xf32>
      %add3A_1594 = arith.addf %scan3A_1462, %reduce_sum3A_1593 : f32
      %mul3A_1595 = vector.broadcast %get3A_77 : f32 to vector<512x99xf32>
      %mul3A_1596 = arith.mulf %slice3A_1555, %mul3A_1595 : vector<512x99xf32>
      %mul3A_1597 = vector.broadcast %get3A_205 : f32 to vector<512x99xf32>
      %mul3A_1598 = arith.mulf %slice3A_1556, %mul3A_1597 : vector<512x99xf32>
      %add3A_1599 = arith.addf %mul3A_1596, %mul3A_1598 : vector<512x99xf32>
      %mul3A_1600 = vector.broadcast %get3A_333 : f32 to vector<512x99xf32>
      %mul3A_1601 = arith.mulf %slice3A_1557, %mul3A_1600 : vector<512x99xf32>
      %add3A_1602 = arith.addf %add3A_1599, %mul3A_1601 : vector<512x99xf32>
      %mul3A_1603 = vector.broadcast %get3A_461 : f32 to vector<512x99xf32>
      %mul3A_1604 = arith.mulf %slice3A_1558, %mul3A_1603 : vector<512x99xf32>
      %add3A_1605 = arith.addf %add3A_1602, %mul3A_1604 : vector<512x99xf32>
      %mul3A_1606 = vector.broadcast %convert_element_type3A_1568 : vector<512x1xf32> to vector<512x99xf32>
      %mul3A_1607 = arith.mulf %add3A_1605, %mul3A_1606 : vector<512x99xf32>
      %reduce_sum3A_1608 = vector.shape_cast %mul3A_1607 : vector<512x99xf32> to vector<1x512x99xf32>
      %reduce_sum3A_1609 = arith.constant dense<0.000000e+00> : vector<1xf32>
      %reduce_sum3A_1610 = vector.multi_reduction <add>, %reduce_sum3A_1608, %reduce_sum3A_1609 [1, 2] : vector<1x512x99xf32> to vector<1xf32>
      %reduce_sum3A_1611 = vector.shape_cast %reduce_sum3A_1610 : vector<1xf32> to vector<1x1x1xf32>
      %reduce_sum3A_1612 = vector.extract %reduce_sum3A_1611[0, 0, 0] : f32 from vector<1x1x1xf32>
      %add3A_1613 = arith.addf %add3A_1587, %reduce_sum3A_1612 : f32
      %mul3A_1614 = arith.mulf %mul3A_1607, %mul3A_1607 : vector<512x99xf32>
      %reduce_sum3A_1615 = vector.shape_cast %mul3A_1614 : vector<512x99xf32> to vector<1x512x99xf32>
      %reduce_sum3A_1616 = arith.constant dense<0.000000e+00> : vector<1xf32>
      %reduce_sum3A_1617 = vector.multi_reduction <add>, %reduce_sum3A_1615, %reduce_sum3A_1616 [1, 2] : vector<1x512x99xf32> to vector<1xf32>
      %reduce_sum3A_1618 = vector.shape_cast %reduce_sum3A_1617 : vector<1xf32> to vector<1x1x1xf32>
      %reduce_sum3A_1619 = vector.extract %reduce_sum3A_1618[0, 0, 0] : f32 from vector<1x1x1xf32>
      %add3A_1620 = arith.addf %add3A_1594, %reduce_sum3A_1619 : f32
      %mul3A_1621 = vector.broadcast %get3A_81 : f32 to vector<512x99xf32>
      %mul3A_1622 = arith.mulf %slice3A, %mul3A_1621 : vector<512x99xf32>
      %mul3A_1623 = vector.broadcast %get3A_209 : f32 to vector<512x99xf32>
      %mul3A_1624 = arith.mulf %slice3A_1552, %mul3A_1623 : vector<512x99xf32>
      %add3A_1625 = arith.addf %mul3A_1622, %mul3A_1624 : vector<512x99xf32>
      %mul3A_1626 = vector.broadcast %get3A_337 : f32 to vector<512x99xf32>
      %mul3A_1627 = arith.mulf %slice3A_1553, %mul3A_1626 : vector<512x99xf32>
      %add3A_1628 = arith.addf %add3A_1625, %mul3A_1627 : vector<512x99xf32>
      %mul3A_1629 = vector.broadcast %get3A_465 : f32 to vector<512x99xf32>
      %mul3A_1630 = arith.mulf %slice3A_1554, %mul3A_1629 : vector<512x99xf32>
      %add3A_1631 = arith.addf %add3A_1628, %mul3A_1630 : vector<512x99xf32>
      %mul3A_1632 = vector.broadcast %convert_element_type3A_1568 : vector<512x1xf32> to vector<512x99xf32>
      %mul3A_1633 = arith.mulf %add3A_1631, %mul3A_1632 : vector<512x99xf32>
      %reduce_sum3A_1634 = vector.shape_cast %mul3A_1633 : vector<512x99xf32> to vector<1x512x99xf32>
      %reduce_sum3A_1635 = arith.constant dense<0.000000e+00> : vector<1xf32>
      %reduce_sum3A_1636 = vector.multi_reduction <add>, %reduce_sum3A_1634, %reduce_sum3A_1635 [1, 2] : vector<1x512x99xf32> to vector<1xf32>
      %reduce_sum3A_1637 = vector.shape_cast %reduce_sum3A_1636 : vector<1xf32> to vector<1x1x1xf32>
      %reduce_sum3A_1638 = vector.extract %reduce_sum3A_1637[0, 0, 0] : f32 from vector<1x1x1xf32>
      %add3A_1639 = arith.addf %scan3A_1463, %reduce_sum3A_1638 : f32
      %mul3A_1640 = arith.mulf %mul3A_1633, %mul3A_1633 : vector<512x99xf32>
      %reduce_sum3A_1641 = vector.shape_cast %mul3A_1640 : vector<512x99xf32> to vector<1x512x99xf32>
      %reduce_sum3A_1642 = arith.constant dense<0.000000e+00> : vector<1xf32>
      %reduce_sum3A_1643 = vector.multi_reduction <add>, %reduce_sum3A_1641, %reduce_sum3A_1642 [1, 2] : vector<1x512x99xf32> to vector<1xf32>
      %reduce_sum3A_1644 = vector.shape_cast %reduce_sum3A_1643 : vector<1xf32> to vector<1x1x1xf32>
      %reduce_sum3A_1645 = vector.extract %reduce_sum3A_1644[0, 0, 0] : f32 from vector<1x1x1xf32>
      %add3A_1646 = arith.addf %scan3A_1464, %reduce_sum3A_1645 : f32
      %mul3A_1647 = vector.broadcast %get3A_81 : f32 to vector<512x99xf32>
      %mul3A_1648 = arith.mulf %slice3A_1555, %mul3A_1647 : vector<512x99xf32>
      %mul3A_1649 = vector.broadcast %get3A_209 : f32 to vector<512x99xf32>
      %mul3A_1650 = arith.mulf %slice3A_1556, %mul3A_1649 : vector<512x99xf32>
      %add3A_1651 = arith.addf %mul3A_1648, %mul3A_1650 : vector<512x99xf32>
      %mul3A_1652 = vector.broadcast %get3A_337 : f32 to vector<512x99xf32>
      %mul3A_1653 = arith.mulf %slice3A_1557, %mul3A_1652 : vector<512x99xf32>
      %add3A_1654 = arith.addf %add3A_1651, %mul3A_1653 : vector<512x99xf32>
      %mul3A_1655 = vector.broadcast %get3A_465 : f32 to vector<512x99xf32>
      %mul3A_1656 = arith.mulf %slice3A_1558, %mul3A_1655 : vector<512x99xf32>
      %add3A_1657 = arith.addf %add3A_1654, %mul3A_1656 : vector<512x99xf32>
      %mul3A_1658 = vector.broadcast %convert_element_type3A_1568 : vector<512x1xf32> to vector<512x99xf32>
      %mul3A_1659 = arith.mulf %add3A_1657, %mul3A_1658 : vector<512x99xf32>
      %reduce_sum3A_1660 = vector.shape_cast %mul3A_1659 : vector<512x99xf32> to vector<1x512x99xf32>
      %reduce_sum3A_1661 = arith.constant dense<0.000000e+00> : vector<1xf32>
      %reduce_sum3A_1662 = vector.multi_reduction <add>, %reduce_sum3A_1660, %reduce_sum3A_1661 [1, 2] : vector<1x512x99xf32> to vector<1xf32>
      %reduce_sum3A_1663 = vector.shape_cast %reduce_sum3A_1662 : vector<1xf32> to vector<1x1x1xf32>
      %reduce_sum3A_1664 = vector.extract %reduce_sum3A_1663[0, 0, 0] : f32 from vector<1x1x1xf32>
      %add3A_1665 = arith.addf %add3A_1639, %reduce_sum3A_1664 : f32
      %mul3A_1666 = arith.mulf %mul3A_1659, %mul3A_1659 : vector<512x99xf32>
      %reduce_sum3A_1667 = vector.shape_cast %mul3A_1666 : vector<512x99xf32> to vector<1x512x99xf32>
      %reduce_sum3A_1668 = arith.constant dense<0.000000e+00> : vector<1xf32>
      %reduce_sum3A_1669 = vector.multi_reduction <add>, %reduce_sum3A_1667, %reduce_sum3A_1668 [1, 2] : vector<1x512x99xf32> to vector<1xf32>
      %reduce_sum3A_1670 = vector.shape_cast %reduce_sum3A_1669 : vector<1xf32> to vector<1x1x1xf32>
      %reduce_sum3A_1671 = vector.extract %reduce_sum3A_1670[0, 0, 0] : f32 from vector<1x1x1xf32>
      %add3A_1672 = arith.addf %add3A_1646, %reduce_sum3A_1671 : f32
      %mul3A_1673 = vector.broadcast %get3A_85 : f32 to vector<512x99xf32>
      %mul3A_1674 = arith.mulf %slice3A, %mul3A_1673 : vector<512x99xf32>
      %mul3A_1675 = vector.broadcast %get3A_213 : f32 to vector<512x99xf32>
      %mul3A_1676 = arith.mulf %slice3A_1552, %mul3A_1675 : vector<512x99xf32>
      %add3A_1677 = arith.addf %mul3A_1674, %mul3A_1676 : vector<512x99xf32>
      %mul3A_1678 = vector.broadcast %get3A_341 : f32 to vector<512x99xf32>
      %mul3A_1679 = arith.mulf %slice3A_1553, %mul3A_1678 : vector<512x99xf32>
      %add3A_1680 = arith.addf %add3A_1677, %mul3A_1679 : vector<512x99xf32>
      %mul3A_1681 = vector.broadcast %get3A_469 : f32 to vector<512x99xf32>
      %mul3A_1682 = arith.mulf %slice3A_1554, %mul3A_1681 : vector<512x99xf32>
      %add3A_1683 = arith.addf %add3A_1680, %mul3A_1682 : vector<512x99xf32>
      %mul3A_1684 = vector.broadcast %convert_element_type3A_1568 : vector<512x1xf32> to vector<512x99xf32>
      %mul3A_1685 = arith.mulf %add3A_1683, %mul3A_1684 : vector<512x99xf32>
      %reduce_sum3A_1686 = vector.shape_cast %mul3A_1685 : vector<512x99xf32> to vector<1x512x99xf32>
      %reduce_sum3A_1687 = arith.constant dense<0.000000e+00> : vector<1xf32>
      %reduce_sum3A_1688 = vector.multi_reduction <add>, %reduce_sum3A_1686, %reduce_sum3A_1687 [1, 2] : vector<1x512x99xf32> to vector<1xf32>
      %reduce_sum3A_1689 = vector.shape_cast %reduce_sum3A_1688 : vector<1xf32> to vector<1x1x1xf32>
      %reduce_sum3A_1690 = vector.extract %reduce_sum3A_1689[0, 0, 0] : f32 from vector<1x1x1xf32>
      %add3A_1691 = arith.addf %scan3A_1465, %reduce_sum3A_1690 : f32
      %mul3A_1692 = arith.mulf %mul3A_1685, %mul3A_1685 : vector<512x99xf32>
      %reduce_sum3A_1693 = vector.shape_cast %mul3A_1692 : vector<512x99xf32> to vector<1x512x99xf32>
      %reduce_sum3A_1694 = arith.constant dense<0.000000e+00> : vector<1xf32>
      %reduce_sum3A_1695 = vector.multi_reduction <add>, %reduce_sum3A_1693, %reduce_sum3A_1694 [1, 2] : vector<1x512x99xf32> to vector<1xf32>
      %reduce_sum3A_1696 = vector.shape_cast %reduce_sum3A_1695 : vector<1xf32> to vector<1x1x1xf32>
      %reduce_sum3A_1697 = vector.extract %reduce_sum3A_1696[0, 0, 0] : f32 from vector<1x1x1xf32>
      %add3A_1698 = arith.addf %scan3A_1466, %reduce_sum3A_1697 : f32
      %mul3A_1699 = vector.broadcast %get3A_85 : f32 to vector<512x99xf32>
      %mul3A_1700 = arith.mulf %slice3A_1555, %mul3A_1699 : vector<512x99xf32>
      %mul3A_1701 = vector.broadcast %get3A_213 : f32 to vector<512x99xf32>
      %mul3A_1702 = arith.mulf %slice3A_1556, %mul3A_1701 : vector<512x99xf32>
      %add3A_1703 = arith.addf %mul3A_1700, %mul3A_1702 : vector<512x99xf32>
      %mul3A_1704 = vector.broadcast %get3A_341 : f32 to vector<512x99xf32>
      %mul3A_1705 = arith.mulf %slice3A_1557, %mul3A_1704 : vector<512x99xf32>
      %add3A_1706 = arith.addf %add3A_1703, %mul3A_1705 : vector<512x99xf32>
      %mul3A_1707 = vector.broadcast %get3A_469 : f32 to vector<512x99xf32>
      %mul3A_1708 = arith.mulf %slice3A_1558, %mul3A_1707 : vector<512x99xf32>
      %add3A_1709 = arith.addf %add3A_1706, %mul3A_1708 : vector<512x99xf32>
      %mul3A_1710 = vector.broadcast %convert_element_type3A_1568 : vector<512x1xf32> to vector<512x99xf32>
      %mul3A_1711 = arith.mulf %add3A_1709, %mul3A_1710 : vector<512x99xf32>
      %reduce_sum3A_1712 = vector.shape_cast %mul3A_1711 : vector<512x99xf32> to vector<1x512x99xf32>
      %reduce_sum3A_1713 = arith.constant dense<0.000000e+00> : vector<1xf32>
      %reduce_sum3A_1714 = vector.multi_reduction <add>, %reduce_sum3A_1712, %reduce_sum3A_1713 [1, 2] : vector<1x512x99xf32> to vector<1xf32>
      %reduce_sum3A_1715 = vector.shape_cast %reduce_sum3A_1714 : vector<1xf32> to vector<1x1x1xf32>
      %reduce_sum3A_1716 = vector.extract %reduce_sum3A_1715[0, 0, 0] : f32 from vector<1x1x1xf32>
      %add3A_1717 = arith.addf %add3A_1691, %reduce_sum3A_1716 : f32
      %mul3A_1718 = arith.mulf %mul3A_1711, %mul3A_1711 : vector<512x99xf32>
      %reduce_sum3A_1719 = vector.shape_cast %mul3A_1718 : vector<512x99xf32> to vector<1x512x99xf32>
      %reduce_sum3A_1720 = arith.constant dense<0.000000e+00> : vector<1xf32>
      %reduce_sum3A_1721 = vector.multi_reduction <add>, %reduce_sum3A_1719, %reduce_sum3A_1720 [1, 2] : vector<1x512x99xf32> to vector<1xf32>
      %reduce_sum3A_1722 = vector.shape_cast %reduce_sum3A_1721 : vector<1xf32> to vector<1x1x1xf32>
      %reduce_sum3A_1723 = vector.extract %reduce_sum3A_1722[0, 0, 0] : f32 from vector<1x1x1xf32>
      %add3A_1724 = arith.addf %add3A_1698, %reduce_sum3A_1723 : f32
      %mul3A_1725 = vector.broadcast %get3A_89 : f32 to vector<512x99xf32>
      %mul3A_1726 = arith.mulf %slice3A, %mul3A_1725 : vector<512x99xf32>
      %mul3A_1727 = vector.broadcast %get3A_217 : f32 to vector<512x99xf32>
      %mul3A_1728 = arith.mulf %slice3A_1552, %mul3A_1727 : vector<512x99xf32>
      %add3A_1729 = arith.addf %mul3A_1726, %mul3A_1728 : vector<512x99xf32>
      %mul3A_1730 = vector.broadcast %get3A_345 : f32 to vector<512x99xf32>
      %mul3A_1731 = arith.mulf %slice3A_1553, %mul3A_1730 : vector<512x99xf32>
      %add3A_1732 = arith.addf %add3A_1729, %mul3A_1731 : vector<512x99xf32>
      %mul3A_1733 = vector.broadcast %get3A_473 : f32 to vector<512x99xf32>
      %mul3A_1734 = arith.mulf %slice3A_1554, %mul3A_1733 : vector<512x99xf32>
      %add3A_1735 = arith.addf %add3A_1732, %mul3A_1734 : vector<512x99xf32>
      %mul3A_1736 = vector.broadcast %convert_element_type3A_1568 : vector<512x1xf32> to vector<512x99xf32>
      %mul3A_1737 = arith.mulf %add3A_1735, %mul3A_1736 : vector<512x99xf32>
      %reduce_sum3A_1738 = vector.shape_cast %mul3A_1737 : vector<512x99xf32> to vector<1x512x99xf32>
      %reduce_sum3A_1739 = arith.constant dense<0.000000e+00> : vector<1xf32>
      %reduce_sum3A_1740 = vector.multi_reduction <add>, %reduce_sum3A_1738, %reduce_sum3A_1739 [1, 2] : vector<1x512x99xf32> to vector<1xf32>
      %reduce_sum3A_1741 = vector.shape_cast %reduce_sum3A_1740 : vector<1xf32> to vector<1x1x1xf32>
      %reduce_sum3A_1742 = vector.extract %reduce_sum3A_1741[0, 0, 0] : f32 from vector<1x1x1xf32>
      %add3A_1743 = arith.addf %scan3A_1467, %reduce_sum3A_1742 : f32
      %mul3A_1744 = arith.mulf %mul3A_1737, %mul3A_1737 : vector<512x99xf32>
      %reduce_sum3A_1745 = vector.shape_cast %mul3A_1744 : vector<512x99xf32> to vector<1x512x99xf32>
      %reduce_sum3A_1746 = arith.constant dense<0.000000e+00> : vector<1xf32>
      %reduce_sum3A_1747 = vector.multi_reduction <add>, %reduce_sum3A_1745, %reduce_sum3A_1746 [1, 2] : vector<1x512x99xf32> to vector<1xf32>
      %reduce_sum3A_1748 = vector.shape_cast %reduce_sum3A_1747 : vector<1xf32> to vector<1x1x1xf32>
      %reduce_sum3A_1749 = vector.extract %reduce_sum3A_1748[0, 0, 0] : f32 from vector<1x1x1xf32>
      %add3A_1750 = arith.addf %scan3A_1468, %reduce_sum3A_1749 : f32
      %mul3A_1751 = vector.broadcast %get3A_89 : f32 to vector<512x99xf32>
      %mul3A_1752 = arith.mulf %slice3A_1555, %mul3A_1751 : vector<512x99xf32>
      %mul3A_1753 = vector.broadcast %get3A_217 : f32 to vector<512x99xf32>
      %mul3A_1754 = arith.mulf %slice3A_1556, %mul3A_1753 : vector<512x99xf32>
      %add3A_1755 = arith.addf %mul3A_1752, %mul3A_1754 : vector<512x99xf32>
      %mul3A_1756 = vector.broadcast %get3A_345 : f32 to vector<512x99xf32>
      %mul3A_1757 = arith.mulf %slice3A_1557, %mul3A_1756 : vector<512x99xf32>
      %add3A_1758 = arith.addf %add3A_1755, %mul3A_1757 : vector<512x99xf32>
      %mul3A_1759 = vector.broadcast %get3A_473 : f32 to vector<512x99xf32>
      %mul3A_1760 = arith.mulf %slice3A_1558, %mul3A_1759 : vector<512x99xf32>
      %add3A_1761 = arith.addf %add3A_1758, %mul3A_1760 : vector<512x99xf32>
      %mul3A_1762 = vector.broadcast %convert_element_type3A_1568 : vector<512x1xf32> to vector<512x99xf32>
      %mul3A_1763 = arith.mulf %add3A_1761, %mul3A_1762 : vector<512x99xf32>
      %reduce_sum3A_1764 = vector.shape_cast %mul3A_1763 : vector<512x99xf32> to vector<1x512x99xf32>
      %reduce_sum3A_1765 = arith.constant dense<0.000000e+00> : vector<1xf32>
      %reduce_sum3A_1766 = vector.multi_reduction <add>, %reduce_sum3A_1764, %reduce_sum3A_1765 [1, 2] : vector<1x512x99xf32> to vector<1xf32>
      %reduce_sum3A_1767 = vector.shape_cast %reduce_sum3A_1766 : vector<1xf32> to vector<1x1x1xf32>
      %reduce_sum3A_1768 = vector.extract %reduce_sum3A_1767[0, 0, 0] : f32 from vector<1x1x1xf32>
      %add3A_1769 = arith.addf %add3A_1743, %reduce_sum3A_1768 : f32
      %mul3A_1770 = arith.mulf %mul3A_1763, %mul3A_1763 : vector<512x99xf32>
      %reduce_sum3A_1771 = vector.shape_cast %mul3A_1770 : vector<512x99xf32> to vector<1x512x99xf32>
      %reduce_sum3A_1772 = arith.constant dense<0.000000e+00> : vector<1xf32>
      %reduce_sum3A_1773 = vector.multi_reduction <add>, %reduce_sum3A_1771, %reduce_sum3A_1772 [1, 2] : vector<1x512x99xf32> to vector<1xf32>
      %reduce_sum3A_1774 = vector.shape_cast %reduce_sum3A_1773 : vector<1xf32> to vector<1x1x1xf32>
      %reduce_sum3A_1775 = vector.extract %reduce_sum3A_1774[0, 0, 0] : f32 from vector<1x1x1xf32>
      %add3A_1776 = arith.addf %add3A_1750, %reduce_sum3A_1775 : f32
      %mul3A_1777 = vector.broadcast %get3A_93 : f32 to vector<512x99xf32>
      %mul3A_1778 = arith.mulf %slice3A, %mul3A_1777 : vector<512x99xf32>
      %mul3A_1779 = vector.broadcast %get3A_221 : f32 to vector<512x99xf32>
      %mul3A_1780 = arith.mulf %slice3A_1552, %mul3A_1779 : vector<512x99xf32>
      %add3A_1781 = arith.addf %mul3A_1778, %mul3A_1780 : vector<512x99xf32>
      %mul3A_1782 = vector.broadcast %get3A_349 : f32 to vector<512x99xf32>
      %mul3A_1783 = arith.mulf %slice3A_1553, %mul3A_1782 : vector<512x99xf32>
      %add3A_1784 = arith.addf %add3A_1781, %mul3A_1783 : vector<512x99xf32>
      %mul3A_1785 = vector.broadcast %get3A_477 : f32 to vector<512x99xf32>
      %mul3A_1786 = arith.mulf %slice3A_1554, %mul3A_1785 : vector<512x99xf32>
      %add3A_1787 = arith.addf %add3A_1784, %mul3A_1786 : vector<512x99xf32>
      %mul3A_1788 = vector.broadcast %convert_element_type3A_1568 : vector<512x1xf32> to vector<512x99xf32>
      %mul3A_1789 = arith.mulf %add3A_1787, %mul3A_1788 : vector<512x99xf32>
      %reduce_sum3A_1790 = vector.shape_cast %mul3A_1789 : vector<512x99xf32> to vector<1x512x99xf32>
      %reduce_sum3A_1791 = arith.constant dense<0.000000e+00> : vector<1xf32>
      %reduce_sum3A_1792 = vector.multi_reduction <add>, %reduce_sum3A_1790, %reduce_sum3A_1791 [1, 2] : vector<1x512x99xf32> to vector<1xf32>
      %reduce_sum3A_1793 = vector.shape_cast %reduce_sum3A_1792 : vector<1xf32> to vector<1x1x1xf32>
      %reduce_sum3A_1794 = vector.extract %reduce_sum3A_1793[0, 0, 0] : f32 from vector<1x1x1xf32>
      %add3A_1795 = arith.addf %scan3A_1469, %reduce_sum3A_1794 : f32
      %mul3A_1796 = arith.mulf %mul3A_1789, %mul3A_1789 : vector<512x99xf32>
      %reduce_sum3A_1797 = vector.shape_cast %mul3A_1796 : vector<512x99xf32> to vector<1x512x99xf32>
      %reduce_sum3A_1798 = arith.constant dense<0.000000e+00> : vector<1xf32>
      %reduce_sum3A_1799 = vector.multi_reduction <add>, %reduce_sum3A_1797, %reduce_sum3A_1798 [1, 2] : vector<1x512x99xf32> to vector<1xf32>
      %reduce_sum3A_1800 = vector.shape_cast %reduce_sum3A_1799 : vector<1xf32> to vector<1x1x1xf32>
      %reduce_sum3A_1801 = vector.extract %reduce_sum3A_1800[0, 0, 0] : f32 from vector<1x1x1xf32>
      %add3A_1802 = arith.addf %scan3A_1470, %reduce_sum3A_1801 : f32
      %mul3A_1803 = vector.broadcast %get3A_93 : f32 to vector<512x99xf32>
      %mul3A_1804 = arith.mulf %slice3A_1555, %mul3A_1803 : vector<512x99xf32>
      %mul3A_1805 = vector.broadcast %get3A_221 : f32 to vector<512x99xf32>
      %mul3A_1806 = arith.mulf %slice3A_1556, %mul3A_1805 : vector<512x99xf32>
      %add3A_1807 = arith.addf %mul3A_1804, %mul3A_1806 : vector<512x99xf32>
      %mul3A_1808 = vector.broadcast %get3A_349 : f32 to vector<512x99xf32>
      %mul3A_1809 = arith.mulf %slice3A_1557, %mul3A_1808 : vector<512x99xf32>
      %add3A_1810 = arith.addf %add3A_1807, %mul3A_1809 : vector<512x99xf32>
      %mul3A_1811 = vector.broadcast %get3A_477 : f32 to vector<512x99xf32>
      %mul3A_1812 = arith.mulf %slice3A_1558, %mul3A_1811 : vector<512x99xf32>
      %add3A_1813 = arith.addf %add3A_1810, %mul3A_1812 : vector<512x99xf32>
      %mul3A_1814 = vector.broadcast %convert_element_type3A_1568 : vector<512x1xf32> to vector<512x99xf32>
      %mul3A_1815 = arith.mulf %add3A_1813, %mul3A_1814 : vector<512x99xf32>
      %reduce_sum3A_1816 = vector.shape_cast %mul3A_1815 : vector<512x99xf32> to vector<1x512x99xf32>
      %reduce_sum3A_1817 = arith.constant dense<0.000000e+00> : vector<1xf32>
      %reduce_sum3A_1818 = vector.multi_reduction <add>, %reduce_sum3A_1816, %reduce_sum3A_1817 [1, 2] : vector<1x512x99xf32> to vector<1xf32>
      %reduce_sum3A_1819 = vector.shape_cast %reduce_sum3A_1818 : vector<1xf32> to vector<1x1x1xf32>
      %reduce_sum3A_1820 = vector.extract %reduce_sum3A_1819[0, 0, 0] : f32 from vector<1x1x1xf32>
      %add3A_1821 = arith.addf %add3A_1795, %reduce_sum3A_1820 : f32
      %mul3A_1822 = arith.mulf %mul3A_1815, %mul3A_1815 : vector<512x99xf32>
      %reduce_sum3A_1823 = vector.shape_cast %mul3A_1822 : vector<512x99xf32> to vector<1x512x99xf32>
      %reduce_sum3A_1824 = arith.constant dense<0.000000e+00> : vector<1xf32>
      %reduce_sum3A_1825 = vector.multi_reduction <add>, %reduce_sum3A_1823, %reduce_sum3A_1824 [1, 2] : vector<1x512x99xf32> to vector<1xf32>
      %reduce_sum3A_1826 = vector.shape_cast %reduce_sum3A_1825 : vector<1xf32> to vector<1x1x1xf32>
      %reduce_sum3A_1827 = vector.extract %reduce_sum3A_1826[0, 0, 0] : f32 from vector<1x1x1xf32>
      %add3A_1828 = arith.addf %add3A_1802, %reduce_sum3A_1827 : f32
      %mul3A_1829 = vector.broadcast %get3A_97 : f32 to vector<512x99xf32>
      %mul3A_1830 = arith.mulf %slice3A, %mul3A_1829 : vector<512x99xf32>
      %mul3A_1831 = vector.broadcast %get3A_225 : f32 to vector<512x99xf32>
      %mul3A_1832 = arith.mulf %slice3A_1552, %mul3A_1831 : vector<512x99xf32>
      %add3A_1833 = arith.addf %mul3A_1830, %mul3A_1832 : vector<512x99xf32>
      %mul3A_1834 = vector.broadcast %get3A_353 : f32 to vector<512x99xf32>
      %mul3A_1835 = arith.mulf %slice3A_1553, %mul3A_1834 : vector<512x99xf32>
      %add3A_1836 = arith.addf %add3A_1833, %mul3A_1835 : vector<512x99xf32>
      %mul3A_1837 = vector.broadcast %get3A_481 : f32 to vector<512x99xf32>
      %mul3A_1838 = arith.mulf %slice3A_1554, %mul3A_1837 : vector<512x99xf32>
      %add3A_1839 = arith.addf %add3A_1836, %mul3A_1838 : vector<512x99xf32>
      %mul3A_1840 = vector.broadcast %convert_element_type3A_1568 : vector<512x1xf32> to vector<512x99xf32>
      %mul3A_1841 = arith.mulf %add3A_1839, %mul3A_1840 : vector<512x99xf32>
      %reduce_sum3A_1842 = vector.shape_cast %mul3A_1841 : vector<512x99xf32> to vector<1x512x99xf32>
      %reduce_sum3A_1843 = arith.constant dense<0.000000e+00> : vector<1xf32>
      %reduce_sum3A_1844 = vector.multi_reduction <add>, %reduce_sum3A_1842, %reduce_sum3A_1843 [1, 2] : vector<1x512x99xf32> to vector<1xf32>
      %reduce_sum3A_1845 = vector.shape_cast %reduce_sum3A_1844 : vector<1xf32> to vector<1x1x1xf32>
      %reduce_sum3A_1846 = vector.extract %reduce_sum3A_1845[0, 0, 0] : f32 from vector<1x1x1xf32>
      %add3A_1847 = arith.addf %scan3A_1471, %reduce_sum3A_1846 : f32
      %mul3A_1848 = arith.mulf %mul3A_1841, %mul3A_1841 : vector<512x99xf32>
      %reduce_sum3A_1849 = vector.shape_cast %mul3A_1848 : vector<512x99xf32> to vector<1x512x99xf32>
      %reduce_sum3A_1850 = arith.constant dense<0.000000e+00> : vector<1xf32>
      %reduce_sum3A_1851 = vector.multi_reduction <add>, %reduce_sum3A_1849, %reduce_sum3A_1850 [1, 2] : vector<1x512x99xf32> to vector<1xf32>
      %reduce_sum3A_1852 = vector.shape_cast %reduce_sum3A_1851 : vector<1xf32> to vector<1x1x1xf32>
      %reduce_sum3A_1853 = vector.extract %reduce_sum3A_1852[0, 0, 0] : f32 from vector<1x1x1xf32>
      %add3A_1854 = arith.addf %scan3A_1472, %reduce_sum3A_1853 : f32
      %mul3A_1855 = vector.broadcast %get3A_97 : f32 to vector<512x99xf32>
      %mul3A_1856 = arith.mulf %slice3A_1555, %mul3A_1855 : vector<512x99xf32>
      %mul3A_1857 = vector.broadcast %get3A_225 : f32 to vector<512x99xf32>
      %mul3A_1858 = arith.mulf %slice3A_1556, %mul3A_1857 : vector<512x99xf32>
      %add3A_1859 = arith.addf %mul3A_1856, %mul3A_1858 : vector<512x99xf32>
      %mul3A_1860 = vector.broadcast %get3A_353 : f32 to vector<512x99xf32>
      %mul3A_1861 = arith.mulf %slice3A_1557, %mul3A_1860 : vector<512x99xf32>
      %add3A_1862 = arith.addf %add3A_1859, %mul3A_1861 : vector<512x99xf32>
      %mul3A_1863 = vector.broadcast %get3A_481 : f32 to vector<512x99xf32>
      %mul3A_1864 = arith.mulf %slice3A_1558, %mul3A_1863 : vector<512x99xf32>
      %add3A_1865 = arith.addf %add3A_1862, %mul3A_1864 : vector<512x99xf32>
      %mul3A_1866 = vector.broadcast %convert_element_type3A_1568 : vector<512x1xf32> to vector<512x99xf32>
      %mul3A_1867 = arith.mulf %add3A_1865, %mul3A_1866 : vector<512x99xf32>
      %reduce_sum3A_1868 = vector.shape_cast %mul3A_1867 : vector<512x99xf32> to vector<1x512x99xf32>
      %reduce_sum3A_1869 = arith.constant dense<0.000000e+00> : vector<1xf32>
      %reduce_sum3A_1870 = vector.multi_reduction <add>, %reduce_sum3A_1868, %reduce_sum3A_1869 [1, 2] : vector<1x512x99xf32> to vector<1xf32>
      %reduce_sum3A_1871 = vector.shape_cast %reduce_sum3A_1870 : vector<1xf32> to vector<1x1x1xf32>
      %reduce_sum3A_1872 = vector.extract %reduce_sum3A_1871[0, 0, 0] : f32 from vector<1x1x1xf32>
      %add3A_1873 = arith.addf %add3A_1847, %reduce_sum3A_1872 : f32
      %mul3A_1874 = arith.mulf %mul3A_1867, %mul3A_1867 : vector<512x99xf32>
      %reduce_sum3A_1875 = vector.shape_cast %mul3A_1874 : vector<512x99xf32> to vector<1x512x99xf32>
      %reduce_sum3A_1876 = arith.constant dense<0.000000e+00> : vector<1xf32>
      %reduce_sum3A_1877 = vector.multi_reduction <add>, %reduce_sum3A_1875, %reduce_sum3A_1876 [1, 2] : vector<1x512x99xf32> to vector<1xf32>
      %reduce_sum3A_1878 = vector.shape_cast %reduce_sum3A_1877 : vector<1xf32> to vector<1x1x1xf32>
      %reduce_sum3A_1879 = vector.extract %reduce_sum3A_1878[0, 0, 0] : f32 from vector<1x1x1xf32>
      %add3A_1880 = arith.addf %add3A_1854, %reduce_sum3A_1879 : f32
      %mul3A_1881 = vector.broadcast %get3A_101 : f32 to vector<512x99xf32>
      %mul3A_1882 = arith.mulf %slice3A, %mul3A_1881 : vector<512x99xf32>
      %mul3A_1883 = vector.broadcast %get3A_229 : f32 to vector<512x99xf32>
      %mul3A_1884 = arith.mulf %slice3A_1552, %mul3A_1883 : vector<512x99xf32>
      %add3A_1885 = arith.addf %mul3A_1882, %mul3A_1884 : vector<512x99xf32>
      %mul3A_1886 = vector.broadcast %get3A_357 : f32 to vector<512x99xf32>
      %mul3A_1887 = arith.mulf %slice3A_1553, %mul3A_1886 : vector<512x99xf32>
      %add3A_1888 = arith.addf %add3A_1885, %mul3A_1887 : vector<512x99xf32>
      %mul3A_1889 = vector.broadcast %get3A_485 : f32 to vector<512x99xf32>
      %mul3A_1890 = arith.mulf %slice3A_1554, %mul3A_1889 : vector<512x99xf32>
      %add3A_1891 = arith.addf %add3A_1888, %mul3A_1890 : vector<512x99xf32>
      %mul3A_1892 = vector.broadcast %convert_element_type3A_1568 : vector<512x1xf32> to vector<512x99xf32>
      %mul3A_1893 = arith.mulf %add3A_1891, %mul3A_1892 : vector<512x99xf32>
      %reduce_sum3A_1894 = vector.shape_cast %mul3A_1893 : vector<512x99xf32> to vector<1x512x99xf32>
      %reduce_sum3A_1895 = arith.constant dense<0.000000e+00> : vector<1xf32>
      %reduce_sum3A_1896 = vector.multi_reduction <add>, %reduce_sum3A_1894, %reduce_sum3A_1895 [1, 2] : vector<1x512x99xf32> to vector<1xf32>
      %reduce_sum3A_1897 = vector.shape_cast %reduce_sum3A_1896 : vector<1xf32> to vector<1x1x1xf32>
      %reduce_sum3A_1898 = vector.extract %reduce_sum3A_1897[0, 0, 0] : f32 from vector<1x1x1xf32>
      %add3A_1899 = arith.addf %scan3A_1473, %reduce_sum3A_1898 : f32
      %mul3A_1900 = arith.mulf %mul3A_1893, %mul3A_1893 : vector<512x99xf32>
      %reduce_sum3A_1901 = vector.shape_cast %mul3A_1900 : vector<512x99xf32> to vector<1x512x99xf32>
      %reduce_sum3A_1902 = arith.constant dense<0.000000e+00> : vector<1xf32>
      %reduce_sum3A_1903 = vector.multi_reduction <add>, %reduce_sum3A_1901, %reduce_sum3A_1902 [1, 2] : vector<1x512x99xf32> to vector<1xf32>
      %reduce_sum3A_1904 = vector.shape_cast %reduce_sum3A_1903 : vector<1xf32> to vector<1x1x1xf32>
      %reduce_sum3A_1905 = vector.extract %reduce_sum3A_1904[0, 0, 0] : f32 from vector<1x1x1xf32>
      %add3A_1906 = arith.addf %scan3A_1474, %reduce_sum3A_1905 : f32
      %mul3A_1907 = vector.broadcast %get3A_101 : f32 to vector<512x99xf32>
      %mul3A_1908 = arith.mulf %slice3A_1555, %mul3A_1907 : vector<512x99xf32>
      %mul3A_1909 = vector.broadcast %get3A_229 : f32 to vector<512x99xf32>
      %mul3A_1910 = arith.mulf %slice3A_1556, %mul3A_1909 : vector<512x99xf32>
      %add3A_1911 = arith.addf %mul3A_1908, %mul3A_1910 : vector<512x99xf32>
      %mul3A_1912 = vector.broadcast %get3A_357 : f32 to vector<512x99xf32>
      %mul3A_1913 = arith.mulf %slice3A_1557, %mul3A_1912 : vector<512x99xf32>
      %add3A_1914 = arith.addf %add3A_1911, %mul3A_1913 : vector<512x99xf32>
      %mul3A_1915 = vector.broadcast %get3A_485 : f32 to vector<512x99xf32>
      %mul3A_1916 = arith.mulf %slice3A_1558, %mul3A_1915 : vector<512x99xf32>
      %add3A_1917 = arith.addf %add3A_1914, %mul3A_1916 : vector<512x99xf32>
      %mul3A_1918 = vector.broadcast %convert_element_type3A_1568 : vector<512x1xf32> to vector<512x99xf32>
      %mul3A_1919 = arith.mulf %add3A_1917, %mul3A_1918 : vector<512x99xf32>
      %reduce_sum3A_1920 = vector.shape_cast %mul3A_1919 : vector<512x99xf32> to vector<1x512x99xf32>
      %reduce_sum3A_1921 = arith.constant dense<0.000000e+00> : vector<1xf32>
      %reduce_sum3A_1922 = vector.multi_reduction <add>, %reduce_sum3A_1920, %reduce_sum3A_1921 [1, 2] : vector<1x512x99xf32> to vector<1xf32>
      %reduce_sum3A_1923 = vector.shape_cast %reduce_sum3A_1922 : vector<1xf32> to vector<1x1x1xf32>
      %reduce_sum3A_1924 = vector.extract %reduce_sum3A_1923[0, 0, 0] : f32 from vector<1x1x1xf32>
      %add3A_1925 = arith.addf %add3A_1899, %reduce_sum3A_1924 : f32
      %mul3A_1926 = arith.mulf %mul3A_1919, %mul3A_1919 : vector<512x99xf32>
      %reduce_sum3A_1927 = vector.shape_cast %mul3A_1926 : vector<512x99xf32> to vector<1x512x99xf32>
      %reduce_sum3A_1928 = arith.constant dense<0.000000e+00> : vector<1xf32>
      %reduce_sum3A_1929 = vector.multi_reduction <add>, %reduce_sum3A_1927, %reduce_sum3A_1928 [1, 2] : vector<1x512x99xf32> to vector<1xf32>
      %reduce_sum3A_1930 = vector.shape_cast %reduce_sum3A_1929 : vector<1xf32> to vector<1x1x1xf32>
      %reduce_sum3A_1931 = vector.extract %reduce_sum3A_1930[0, 0, 0] : f32 from vector<1x1x1xf32>
      %add3A_1932 = arith.addf %add3A_1906, %reduce_sum3A_1931 : f32
      %mul3A_1933 = vector.broadcast %get3A_105 : f32 to vector<512x99xf32>
      %mul3A_1934 = arith.mulf %slice3A, %mul3A_1933 : vector<512x99xf32>
      %mul3A_1935 = vector.broadcast %get3A_233 : f32 to vector<512x99xf32>
      %mul3A_1936 = arith.mulf %slice3A_1552, %mul3A_1935 : vector<512x99xf32>
      %add3A_1937 = arith.addf %mul3A_1934, %mul3A_1936 : vector<512x99xf32>
      %mul3A_1938 = vector.broadcast %get3A_361 : f32 to vector<512x99xf32>
      %mul3A_1939 = arith.mulf %slice3A_1553, %mul3A_1938 : vector<512x99xf32>
      %add3A_1940 = arith.addf %add3A_1937, %mul3A_1939 : vector<512x99xf32>
      %mul3A_1941 = vector.broadcast %get3A_489 : f32 to vector<512x99xf32>
      %mul3A_1942 = arith.mulf %slice3A_1554, %mul3A_1941 : vector<512x99xf32>
      %add3A_1943 = arith.addf %add3A_1940, %mul3A_1942 : vector<512x99xf32>
      %mul3A_1944 = vector.broadcast %convert_element_type3A_1568 : vector<512x1xf32> to vector<512x99xf32>
      %mul3A_1945 = arith.mulf %add3A_1943, %mul3A_1944 : vector<512x99xf32>
      %reduce_sum3A_1946 = vector.shape_cast %mul3A_1945 : vector<512x99xf32> to vector<1x512x99xf32>
      %reduce_sum3A_1947 = arith.constant dense<0.000000e+00> : vector<1xf32>
      %reduce_sum3A_1948 = vector.multi_reduction <add>, %reduce_sum3A_1946, %reduce_sum3A_1947 [1, 2] : vector<1x512x99xf32> to vector<1xf32>
      %reduce_sum3A_1949 = vector.shape_cast %reduce_sum3A_1948 : vector<1xf32> to vector<1x1x1xf32>
      %reduce_sum3A_1950 = vector.extract %reduce_sum3A_1949[0, 0, 0] : f32 from vector<1x1x1xf32>
      %add3A_1951 = arith.addf %scan3A_1475, %reduce_sum3A_1950 : f32
      %mul3A_1952 = arith.mulf %mul3A_1945, %mul3A_1945 : vector<512x99xf32>
      %reduce_sum3A_1953 = vector.shape_cast %mul3A_1952 : vector<512x99xf32> to vector<1x512x99xf32>
      %reduce_sum3A_1954 = arith.constant dense<0.000000e+00> : vector<1xf32>
      %reduce_sum3A_1955 = vector.multi_reduction <add>, %reduce_sum3A_1953, %reduce_sum3A_1954 [1, 2] : vector<1x512x99xf32> to vector<1xf32>
      %reduce_sum3A_1956 = vector.shape_cast %reduce_sum3A_1955 : vector<1xf32> to vector<1x1x1xf32>
      %reduce_sum3A_1957 = vector.extract %reduce_sum3A_1956[0, 0, 0] : f32 from vector<1x1x1xf32>
      %add3A_1958 = arith.addf %scan3A_1476, %reduce_sum3A_1957 : f32
      %mul3A_1959 = vector.broadcast %get3A_105 : f32 to vector<512x99xf32>
      %mul3A_1960 = arith.mulf %slice3A_1555, %mul3A_1959 : vector<512x99xf32>
      %mul3A_1961 = vector.broadcast %get3A_233 : f32 to vector<512x99xf32>
      %mul3A_1962 = arith.mulf %slice3A_1556, %mul3A_1961 : vector<512x99xf32>
      %add3A_1963 = arith.addf %mul3A_1960, %mul3A_1962 : vector<512x99xf32>
      %mul3A_1964 = vector.broadcast %get3A_361 : f32 to vector<512x99xf32>
      %mul3A_1965 = arith.mulf %slice3A_1557, %mul3A_1964 : vector<512x99xf32>
      %add3A_1966 = arith.addf %add3A_1963, %mul3A_1965 : vector<512x99xf32>
      %mul3A_1967 = vector.broadcast %get3A_489 : f32 to vector<512x99xf32>
      %mul3A_1968 = arith.mulf %slice3A_1558, %mul3A_1967 : vector<512x99xf32>
      %add3A_1969 = arith.addf %add3A_1966, %mul3A_1968 : vector<512x99xf32>
      %mul3A_1970 = vector.broadcast %convert_element_type3A_1568 : vector<512x1xf32> to vector<512x99xf32>
      %mul3A_1971 = arith.mulf %add3A_1969, %mul3A_1970 : vector<512x99xf32>
      %reduce_sum3A_1972 = vector.shape_cast %mul3A_1971 : vector<512x99xf32> to vector<1x512x99xf32>
      %reduce_sum3A_1973 = arith.constant dense<0.000000e+00> : vector<1xf32>
      %reduce_sum3A_1974 = vector.multi_reduction <add>, %reduce_sum3A_1972, %reduce_sum3A_1973 [1, 2] : vector<1x512x99xf32> to vector<1xf32>
      %reduce_sum3A_1975 = vector.shape_cast %reduce_sum3A_1974 : vector<1xf32> to vector<1x1x1xf32>
      %reduce_sum3A_1976 = vector.extract %reduce_sum3A_1975[0, 0, 0] : f32 from vector<1x1x1xf32>
      %add3A_1977 = arith.addf %add3A_1951, %reduce_sum3A_1976 : f32
      %mul3A_1978 = arith.mulf %mul3A_1971, %mul3A_1971 : vector<512x99xf32>
      %reduce_sum3A_1979 = vector.shape_cast %mul3A_1978 : vector<512x99xf32> to vector<1x512x99xf32>
      %reduce_sum3A_1980 = arith.constant dense<0.000000e+00> : vector<1xf32>
      %reduce_sum3A_1981 = vector.multi_reduction <add>, %reduce_sum3A_1979, %reduce_sum3A_1980 [1, 2] : vector<1x512x99xf32> to vector<1xf32>
      %reduce_sum3A_1982 = vector.shape_cast %reduce_sum3A_1981 : vector<1xf32> to vector<1x1x1xf32>
      %reduce_sum3A_1983 = vector.extract %reduce_sum3A_1982[0, 0, 0] : f32 from vector<1x1x1xf32>
      %add3A_1984 = arith.addf %add3A_1958, %reduce_sum3A_1983 : f32
      %mul3A_1985 = vector.broadcast %get3A_109 : f32 to vector<512x99xf32>
      %mul3A_1986 = arith.mulf %slice3A, %mul3A_1985 : vector<512x99xf32>
      %mul3A_1987 = vector.broadcast %get3A_237 : f32 to vector<512x99xf32>
      %mul3A_1988 = arith.mulf %slice3A_1552, %mul3A_1987 : vector<512x99xf32>
      %add3A_1989 = arith.addf %mul3A_1986, %mul3A_1988 : vector<512x99xf32>
      %mul3A_1990 = vector.broadcast %get3A_365 : f32 to vector<512x99xf32>
      %mul3A_1991 = arith.mulf %slice3A_1553, %mul3A_1990 : vector<512x99xf32>
      %add3A_1992 = arith.addf %add3A_1989, %mul3A_1991 : vector<512x99xf32>
      %mul3A_1993 = vector.broadcast %get3A_493 : f32 to vector<512x99xf32>
      %mul3A_1994 = arith.mulf %slice3A_1554, %mul3A_1993 : vector<512x99xf32>
      %add3A_1995 = arith.addf %add3A_1992, %mul3A_1994 : vector<512x99xf32>
      %mul3A_1996 = vector.broadcast %convert_element_type3A_1568 : vector<512x1xf32> to vector<512x99xf32>
      %mul3A_1997 = arith.mulf %add3A_1995, %mul3A_1996 : vector<512x99xf32>
      %reduce_sum3A_1998 = vector.shape_cast %mul3A_1997 : vector<512x99xf32> to vector<1x512x99xf32>
      %reduce_sum3A_1999 = arith.constant dense<0.000000e+00> : vector<1xf32>
      %reduce_sum3A_2000 = vector.multi_reduction <add>, %reduce_sum3A_1998, %reduce_sum3A_1999 [1, 2] : vector<1x512x99xf32> to vector<1xf32>
      %reduce_sum3A_2001 = vector.shape_cast %reduce_sum3A_2000 : vector<1xf32> to vector<1x1x1xf32>
      %reduce_sum3A_2002 = vector.extract %reduce_sum3A_2001[0, 0, 0] : f32 from vector<1x1x1xf32>
      %add3A_2003 = arith.addf %scan3A_1477, %reduce_sum3A_2002 : f32
      %mul3A_2004 = arith.mulf %mul3A_1997, %mul3A_1997 : vector<512x99xf32>
      %reduce_sum3A_2005 = vector.shape_cast %mul3A_2004 : vector<512x99xf32> to vector<1x512x99xf32>
      %reduce_sum3A_2006 = arith.constant dense<0.000000e+00> : vector<1xf32>
      %reduce_sum3A_2007 = vector.multi_reduction <add>, %reduce_sum3A_2005, %reduce_sum3A_2006 [1, 2] : vector<1x512x99xf32> to vector<1xf32>
      %reduce_sum3A_2008 = vector.shape_cast %reduce_sum3A_2007 : vector<1xf32> to vector<1x1x1xf32>
      %reduce_sum3A_2009 = vector.extract %reduce_sum3A_2008[0, 0, 0] : f32 from vector<1x1x1xf32>
      %add3A_2010 = arith.addf %scan3A_1478, %reduce_sum3A_2009 : f32
      %mul3A_2011 = vector.broadcast %get3A_109 : f32 to vector<512x99xf32>
      %mul3A_2012 = arith.mulf %slice3A_1555, %mul3A_2011 : vector<512x99xf32>
      %mul3A_2013 = vector.broadcast %get3A_237 : f32 to vector<512x99xf32>
      %mul3A_2014 = arith.mulf %slice3A_1556, %mul3A_2013 : vector<512x99xf32>
      %add3A_2015 = arith.addf %mul3A_2012, %mul3A_2014 : vector<512x99xf32>
      %mul3A_2016 = vector.broadcast %get3A_365 : f32 to vector<512x99xf32>
      %mul3A_2017 = arith.mulf %slice3A_1557, %mul3A_2016 : vector<512x99xf32>
      %add3A_2018 = arith.addf %add3A_2015, %mul3A_2017 : vector<512x99xf32>
      %mul3A_2019 = vector.broadcast %get3A_493 : f32 to vector<512x99xf32>
      %mul3A_2020 = arith.mulf %slice3A_1558, %mul3A_2019 : vector<512x99xf32>
      %add3A_2021 = arith.addf %add3A_2018, %mul3A_2020 : vector<512x99xf32>
      %mul3A_2022 = vector.broadcast %convert_element_type3A_1568 : vector<512x1xf32> to vector<512x99xf32>
      %mul3A_2023 = arith.mulf %add3A_2021, %mul3A_2022 : vector<512x99xf32>
      %reduce_sum3A_2024 = vector.shape_cast %mul3A_2023 : vector<512x99xf32> to vector<1x512x99xf32>
      %reduce_sum3A_2025 = arith.constant dense<0.000000e+00> : vector<1xf32>
      %reduce_sum3A_2026 = vector.multi_reduction <add>, %reduce_sum3A_2024, %reduce_sum3A_2025 [1, 2] : vector<1x512x99xf32> to vector<1xf32>
      %reduce_sum3A_2027 = vector.shape_cast %reduce_sum3A_2026 : vector<1xf32> to vector<1x1x1xf32>
      %reduce_sum3A_2028 = vector.extract %reduce_sum3A_2027[0, 0, 0] : f32 from vector<1x1x1xf32>
      %add3A_2029 = arith.addf %add3A_2003, %reduce_sum3A_2028 : f32
      %mul3A_2030 = arith.mulf %mul3A_2023, %mul3A_2023 : vector<512x99xf32>
      %reduce_sum3A_2031 = vector.shape_cast %mul3A_2030 : vector<512x99xf32> to vector<1x512x99xf32>
      %reduce_sum3A_2032 = arith.constant dense<0.000000e+00> : vector<1xf32>
      %reduce_sum3A_2033 = vector.multi_reduction <add>, %reduce_sum3A_2031, %reduce_sum3A_2032 [1, 2] : vector<1x512x99xf32> to vector<1xf32>
      %reduce_sum3A_2034 = vector.shape_cast %reduce_sum3A_2033 : vector<1xf32> to vector<1x1x1xf32>
      %reduce_sum3A_2035 = vector.extract %reduce_sum3A_2034[0, 0, 0] : f32 from vector<1x1x1xf32>
      %add3A_2036 = arith.addf %add3A_2010, %reduce_sum3A_2035 : f32
      %mul3A_2037 = vector.broadcast %get3A_113 : f32 to vector<512x99xf32>
      %mul3A_2038 = arith.mulf %slice3A, %mul3A_2037 : vector<512x99xf32>
      %mul3A_2039 = vector.broadcast %get3A_241 : f32 to vector<512x99xf32>
      %mul3A_2040 = arith.mulf %slice3A_1552, %mul3A_2039 : vector<512x99xf32>
      %add3A_2041 = arith.addf %mul3A_2038, %mul3A_2040 : vector<512x99xf32>
      %mul3A_2042 = vector.broadcast %get3A_369 : f32 to vector<512x99xf32>
      %mul3A_2043 = arith.mulf %slice3A_1553, %mul3A_2042 : vector<512x99xf32>
      %add3A_2044 = arith.addf %add3A_2041, %mul3A_2043 : vector<512x99xf32>
      %mul3A_2045 = vector.broadcast %get3A_497 : f32 to vector<512x99xf32>
      %mul3A_2046 = arith.mulf %slice3A_1554, %mul3A_2045 : vector<512x99xf32>
      %add3A_2047 = arith.addf %add3A_2044, %mul3A_2046 : vector<512x99xf32>
      %mul3A_2048 = vector.broadcast %convert_element_type3A_1568 : vector<512x1xf32> to vector<512x99xf32>
      %mul3A_2049 = arith.mulf %add3A_2047, %mul3A_2048 : vector<512x99xf32>
      %reduce_sum3A_2050 = vector.shape_cast %mul3A_2049 : vector<512x99xf32> to vector<1x512x99xf32>
      %reduce_sum3A_2051 = arith.constant dense<0.000000e+00> : vector<1xf32>
      %reduce_sum3A_2052 = vector.multi_reduction <add>, %reduce_sum3A_2050, %reduce_sum3A_2051 [1, 2] : vector<1x512x99xf32> to vector<1xf32>
      %reduce_sum3A_2053 = vector.shape_cast %reduce_sum3A_2052 : vector<1xf32> to vector<1x1x1xf32>
      %reduce_sum3A_2054 = vector.extract %reduce_sum3A_2053[0, 0, 0] : f32 from vector<1x1x1xf32>
      %add3A_2055 = arith.addf %scan3A_1479, %reduce_sum3A_2054 : f32
      %mul3A_2056 = arith.mulf %mul3A_2049, %mul3A_2049 : vector<512x99xf32>
      %reduce_sum3A_2057 = vector.shape_cast %mul3A_2056 : vector<512x99xf32> to vector<1x512x99xf32>
      %reduce_sum3A_2058 = arith.constant dense<0.000000e+00> : vector<1xf32>
      %reduce_sum3A_2059 = vector.multi_reduction <add>, %reduce_sum3A_2057, %reduce_sum3A_2058 [1, 2] : vector<1x512x99xf32> to vector<1xf32>
      %reduce_sum3A_2060 = vector.shape_cast %reduce_sum3A_2059 : vector<1xf32> to vector<1x1x1xf32>
      %reduce_sum3A_2061 = vector.extract %reduce_sum3A_2060[0, 0, 0] : f32 from vector<1x1x1xf32>
      %add3A_2062 = arith.addf %scan3A_1480, %reduce_sum3A_2061 : f32
      %mul3A_2063 = vector.broadcast %get3A_113 : f32 to vector<512x99xf32>
      %mul3A_2064 = arith.mulf %slice3A_1555, %mul3A_2063 : vector<512x99xf32>
      %mul3A_2065 = vector.broadcast %get3A_241 : f32 to vector<512x99xf32>
      %mul3A_2066 = arith.mulf %slice3A_1556, %mul3A_2065 : vector<512x99xf32>
      %add3A_2067 = arith.addf %mul3A_2064, %mul3A_2066 : vector<512x99xf32>
      %mul3A_2068 = vector.broadcast %get3A_369 : f32 to vector<512x99xf32>
      %mul3A_2069 = arith.mulf %slice3A_1557, %mul3A_2068 : vector<512x99xf32>
      %add3A_2070 = arith.addf %add3A_2067, %mul3A_2069 : vector<512x99xf32>
      %mul3A_2071 = vector.broadcast %get3A_497 : f32 to vector<512x99xf32>
      %mul3A_2072 = arith.mulf %slice3A_1558, %mul3A_2071 : vector<512x99xf32>
      %add3A_2073 = arith.addf %add3A_2070, %mul3A_2072 : vector<512x99xf32>
      %mul3A_2074 = vector.broadcast %convert_element_type3A_1568 : vector<512x1xf32> to vector<512x99xf32>
      %mul3A_2075 = arith.mulf %add3A_2073, %mul3A_2074 : vector<512x99xf32>
      %reduce_sum3A_2076 = vector.shape_cast %mul3A_2075 : vector<512x99xf32> to vector<1x512x99xf32>
      %reduce_sum3A_2077 = arith.constant dense<0.000000e+00> : vector<1xf32>
      %reduce_sum3A_2078 = vector.multi_reduction <add>, %reduce_sum3A_2076, %reduce_sum3A_2077 [1, 2] : vector<1x512x99xf32> to vector<1xf32>
      %reduce_sum3A_2079 = vector.shape_cast %reduce_sum3A_2078 : vector<1xf32> to vector<1x1x1xf32>
      %reduce_sum3A_2080 = vector.extract %reduce_sum3A_2079[0, 0, 0] : f32 from vector<1x1x1xf32>
      %add3A_2081 = arith.addf %add3A_2055, %reduce_sum3A_2080 : f32
      %mul3A_2082 = arith.mulf %mul3A_2075, %mul3A_2075 : vector<512x99xf32>
      %reduce_sum3A_2083 = vector.shape_cast %mul3A_2082 : vector<512x99xf32> to vector<1x512x99xf32>
      %reduce_sum3A_2084 = arith.constant dense<0.000000e+00> : vector<1xf32>
      %reduce_sum3A_2085 = vector.multi_reduction <add>, %reduce_sum3A_2083, %reduce_sum3A_2084 [1, 2] : vector<1x512x99xf32> to vector<1xf32>
      %reduce_sum3A_2086 = vector.shape_cast %reduce_sum3A_2085 : vector<1xf32> to vector<1x1x1xf32>
      %reduce_sum3A_2087 = vector.extract %reduce_sum3A_2086[0, 0, 0] : f32 from vector<1x1x1xf32>
      %add3A_2088 = arith.addf %add3A_2062, %reduce_sum3A_2087 : f32
      %mul3A_2089 = vector.broadcast %get3A_117 : f32 to vector<512x99xf32>
      %mul3A_2090 = arith.mulf %slice3A, %mul3A_2089 : vector<512x99xf32>
      %mul3A_2091 = vector.broadcast %get3A_245 : f32 to vector<512x99xf32>
      %mul3A_2092 = arith.mulf %slice3A_1552, %mul3A_2091 : vector<512x99xf32>
      %add3A_2093 = arith.addf %mul3A_2090, %mul3A_2092 : vector<512x99xf32>
      %mul3A_2094 = vector.broadcast %get3A_373 : f32 to vector<512x99xf32>
      %mul3A_2095 = arith.mulf %slice3A_1553, %mul3A_2094 : vector<512x99xf32>
      %add3A_2096 = arith.addf %add3A_2093, %mul3A_2095 : vector<512x99xf32>
      %mul3A_2097 = vector.broadcast %get3A_501 : f32 to vector<512x99xf32>
      %mul3A_2098 = arith.mulf %slice3A_1554, %mul3A_2097 : vector<512x99xf32>
      %add3A_2099 = arith.addf %add3A_2096, %mul3A_2098 : vector<512x99xf32>
      %mul3A_2100 = vector.broadcast %convert_element_type3A_1568 : vector<512x1xf32> to vector<512x99xf32>
      %mul3A_2101 = arith.mulf %add3A_2099, %mul3A_2100 : vector<512x99xf32>
      %reduce_sum3A_2102 = vector.shape_cast %mul3A_2101 : vector<512x99xf32> to vector<1x512x99xf32>
      %reduce_sum3A_2103 = arith.constant dense<0.000000e+00> : vector<1xf32>
      %reduce_sum3A_2104 = vector.multi_reduction <add>, %reduce_sum3A_2102, %reduce_sum3A_2103 [1, 2] : vector<1x512x99xf32> to vector<1xf32>
      %reduce_sum3A_2105 = vector.shape_cast %reduce_sum3A_2104 : vector<1xf32> to vector<1x1x1xf32>
      %reduce_sum3A_2106 = vector.extract %reduce_sum3A_2105[0, 0, 0] : f32 from vector<1x1x1xf32>
      %add3A_2107 = arith.addf %scan3A_1481, %reduce_sum3A_2106 : f32
      %mul3A_2108 = arith.mulf %mul3A_2101, %mul3A_2101 : vector<512x99xf32>
      %reduce_sum3A_2109 = vector.shape_cast %mul3A_2108 : vector<512x99xf32> to vector<1x512x99xf32>
      %reduce_sum3A_2110 = arith.constant dense<0.000000e+00> : vector<1xf32>
      %reduce_sum3A_2111 = vector.multi_reduction <add>, %reduce_sum3A_2109, %reduce_sum3A_2110 [1, 2] : vector<1x512x99xf32> to vector<1xf32>
      %reduce_sum3A_2112 = vector.shape_cast %reduce_sum3A_2111 : vector<1xf32> to vector<1x1x1xf32>
      %reduce_sum3A_2113 = vector.extract %reduce_sum3A_2112[0, 0, 0] : f32 from vector<1x1x1xf32>
      %add3A_2114 = arith.addf %scan3A_1482, %reduce_sum3A_2113 : f32
      %mul3A_2115 = vector.broadcast %get3A_117 : f32 to vector<512x99xf32>
      %mul3A_2116 = arith.mulf %slice3A_1555, %mul3A_2115 : vector<512x99xf32>
      %mul3A_2117 = vector.broadcast %get3A_245 : f32 to vector<512x99xf32>
      %mul3A_2118 = arith.mulf %slice3A_1556, %mul3A_2117 : vector<512x99xf32>
      %add3A_2119 = arith.addf %mul3A_2116, %mul3A_2118 : vector<512x99xf32>
      %mul3A_2120 = vector.broadcast %get3A_373 : f32 to vector<512x99xf32>
      %mul3A_2121 = arith.mulf %slice3A_1557, %mul3A_2120 : vector<512x99xf32>
      %add3A_2122 = arith.addf %add3A_2119, %mul3A_2121 : vector<512x99xf32>
      %mul3A_2123 = vector.broadcast %get3A_501 : f32 to vector<512x99xf32>
      %mul3A_2124 = arith.mulf %slice3A_1558, %mul3A_2123 : vector<512x99xf32>
      %add3A_2125 = arith.addf %add3A_2122, %mul3A_2124 : vector<512x99xf32>
      %mul3A_2126 = vector.broadcast %convert_element_type3A_1568 : vector<512x1xf32> to vector<512x99xf32>
      %mul3A_2127 = arith.mulf %add3A_2125, %mul3A_2126 : vector<512x99xf32>
      %reduce_sum3A_2128 = vector.shape_cast %mul3A_2127 : vector<512x99xf32> to vector<1x512x99xf32>
      %reduce_sum3A_2129 = arith.constant dense<0.000000e+00> : vector<1xf32>
      %reduce_sum3A_2130 = vector.multi_reduction <add>, %reduce_sum3A_2128, %reduce_sum3A_2129 [1, 2] : vector<1x512x99xf32> to vector<1xf32>
      %reduce_sum3A_2131 = vector.shape_cast %reduce_sum3A_2130 : vector<1xf32> to vector<1x1x1xf32>
      %reduce_sum3A_2132 = vector.extract %reduce_sum3A_2131[0, 0, 0] : f32 from vector<1x1x1xf32>
      %add3A_2133 = arith.addf %add3A_2107, %reduce_sum3A_2132 : f32
      %mul3A_2134 = arith.mulf %mul3A_2127, %mul3A_2127 : vector<512x99xf32>
      %reduce_sum3A_2135 = vector.shape_cast %mul3A_2134 : vector<512x99xf32> to vector<1x512x99xf32>
      %reduce_sum3A_2136 = arith.constant dense<0.000000e+00> : vector<1xf32>
      %reduce_sum3A_2137 = vector.multi_reduction <add>, %reduce_sum3A_2135, %reduce_sum3A_2136 [1, 2] : vector<1x512x99xf32> to vector<1xf32>
      %reduce_sum3A_2138 = vector.shape_cast %reduce_sum3A_2137 : vector<1xf32> to vector<1x1x1xf32>
      %reduce_sum3A_2139 = vector.extract %reduce_sum3A_2138[0, 0, 0] : f32 from vector<1x1x1xf32>
      %add3A_2140 = arith.addf %add3A_2114, %reduce_sum3A_2139 : f32
      %mul3A_2141 = vector.broadcast %get3A_121 : f32 to vector<512x99xf32>
      %mul3A_2142 = arith.mulf %slice3A, %mul3A_2141 : vector<512x99xf32>
      %mul3A_2143 = vector.broadcast %get3A_249 : f32 to vector<512x99xf32>
      %mul3A_2144 = arith.mulf %slice3A_1552, %mul3A_2143 : vector<512x99xf32>
      %add3A_2145 = arith.addf %mul3A_2142, %mul3A_2144 : vector<512x99xf32>
      %mul3A_2146 = vector.broadcast %get3A_377 : f32 to vector<512x99xf32>
      %mul3A_2147 = arith.mulf %slice3A_1553, %mul3A_2146 : vector<512x99xf32>
      %add3A_2148 = arith.addf %add3A_2145, %mul3A_2147 : vector<512x99xf32>
      %mul3A_2149 = vector.broadcast %get3A_505 : f32 to vector<512x99xf32>
      %mul3A_2150 = arith.mulf %slice3A_1554, %mul3A_2149 : vector<512x99xf32>
      %add3A_2151 = arith.addf %add3A_2148, %mul3A_2150 : vector<512x99xf32>
      %mul3A_2152 = vector.broadcast %convert_element_type3A_1568 : vector<512x1xf32> to vector<512x99xf32>
      %mul3A_2153 = arith.mulf %add3A_2151, %mul3A_2152 : vector<512x99xf32>
      %reduce_sum3A_2154 = vector.shape_cast %mul3A_2153 : vector<512x99xf32> to vector<1x512x99xf32>
      %reduce_sum3A_2155 = arith.constant dense<0.000000e+00> : vector<1xf32>
      %reduce_sum3A_2156 = vector.multi_reduction <add>, %reduce_sum3A_2154, %reduce_sum3A_2155 [1, 2] : vector<1x512x99xf32> to vector<1xf32>
      %reduce_sum3A_2157 = vector.shape_cast %reduce_sum3A_2156 : vector<1xf32> to vector<1x1x1xf32>
      %reduce_sum3A_2158 = vector.extract %reduce_sum3A_2157[0, 0, 0] : f32 from vector<1x1x1xf32>
      %add3A_2159 = arith.addf %scan3A_1483, %reduce_sum3A_2158 : f32
      %mul3A_2160 = arith.mulf %mul3A_2153, %mul3A_2153 : vector<512x99xf32>
      %reduce_sum3A_2161 = vector.shape_cast %mul3A_2160 : vector<512x99xf32> to vector<1x512x99xf32>
      %reduce_sum3A_2162 = arith.constant dense<0.000000e+00> : vector<1xf32>
      %reduce_sum3A_2163 = vector.multi_reduction <add>, %reduce_sum3A_2161, %reduce_sum3A_2162 [1, 2] : vector<1x512x99xf32> to vector<1xf32>
      %reduce_sum3A_2164 = vector.shape_cast %reduce_sum3A_2163 : vector<1xf32> to vector<1x1x1xf32>
      %reduce_sum3A_2165 = vector.extract %reduce_sum3A_2164[0, 0, 0] : f32 from vector<1x1x1xf32>
      %add3A_2166 = arith.addf %scan3A_1484, %reduce_sum3A_2165 : f32
      %mul3A_2167 = vector.broadcast %get3A_121 : f32 to vector<512x99xf32>
      %mul3A_2168 = arith.mulf %slice3A_1555, %mul3A_2167 : vector<512x99xf32>
      %mul3A_2169 = vector.broadcast %get3A_249 : f32 to vector<512x99xf32>
      %mul3A_2170 = arith.mulf %slice3A_1556, %mul3A_2169 : vector<512x99xf32>
      %add3A_2171 = arith.addf %mul3A_2168, %mul3A_2170 : vector<512x99xf32>
      %mul3A_2172 = vector.broadcast %get3A_377 : f32 to vector<512x99xf32>
      %mul3A_2173 = arith.mulf %slice3A_1557, %mul3A_2172 : vector<512x99xf32>
      %add3A_2174 = arith.addf %add3A_2171, %mul3A_2173 : vector<512x99xf32>
      %mul3A_2175 = vector.broadcast %get3A_505 : f32 to vector<512x99xf32>
      %mul3A_2176 = arith.mulf %slice3A_1558, %mul3A_2175 : vector<512x99xf32>
      %add3A_2177 = arith.addf %add3A_2174, %mul3A_2176 : vector<512x99xf32>
      %mul3A_2178 = vector.broadcast %convert_element_type3A_1568 : vector<512x1xf32> to vector<512x99xf32>
      %mul3A_2179 = arith.mulf %add3A_2177, %mul3A_2178 : vector<512x99xf32>
      %reduce_sum3A_2180 = vector.shape_cast %mul3A_2179 : vector<512x99xf32> to vector<1x512x99xf32>
      %reduce_sum3A_2181 = arith.constant dense<0.000000e+00> : vector<1xf32>
      %reduce_sum3A_2182 = vector.multi_reduction <add>, %reduce_sum3A_2180, %reduce_sum3A_2181 [1, 2] : vector<1x512x99xf32> to vector<1xf32>
      %reduce_sum3A_2183 = vector.shape_cast %reduce_sum3A_2182 : vector<1xf32> to vector<1x1x1xf32>
      %reduce_sum3A_2184 = vector.extract %reduce_sum3A_2183[0, 0, 0] : f32 from vector<1x1x1xf32>
      %add3A_2185 = arith.addf %add3A_2159, %reduce_sum3A_2184 : f32
      %mul3A_2186 = arith.mulf %mul3A_2179, %mul3A_2179 : vector<512x99xf32>
      %reduce_sum3A_2187 = vector.shape_cast %mul3A_2186 : vector<512x99xf32> to vector<1x512x99xf32>
      %reduce_sum3A_2188 = arith.constant dense<0.000000e+00> : vector<1xf32>
      %reduce_sum3A_2189 = vector.multi_reduction <add>, %reduce_sum3A_2187, %reduce_sum3A_2188 [1, 2] : vector<1x512x99xf32> to vector<1xf32>
      %reduce_sum3A_2190 = vector.shape_cast %reduce_sum3A_2189 : vector<1xf32> to vector<1x1x1xf32>
      %reduce_sum3A_2191 = vector.extract %reduce_sum3A_2190[0, 0, 0] : f32 from vector<1x1x1xf32>
      %add3A_2192 = arith.addf %add3A_2166, %reduce_sum3A_2191 : f32
      %mul3A_2193 = vector.broadcast %get3A_125 : f32 to vector<512x99xf32>
      %mul3A_2194 = arith.mulf %slice3A, %mul3A_2193 : vector<512x99xf32>
      %mul3A_2195 = vector.broadcast %get3A_253 : f32 to vector<512x99xf32>
      %mul3A_2196 = arith.mulf %slice3A_1552, %mul3A_2195 : vector<512x99xf32>
      %add3A_2197 = arith.addf %mul3A_2194, %mul3A_2196 : vector<512x99xf32>
      %mul3A_2198 = vector.broadcast %get3A_381 : f32 to vector<512x99xf32>
      %mul3A_2199 = arith.mulf %slice3A_1553, %mul3A_2198 : vector<512x99xf32>
      %add3A_2200 = arith.addf %add3A_2197, %mul3A_2199 : vector<512x99xf32>
      %mul3A_2201 = vector.broadcast %get3A_509 : f32 to vector<512x99xf32>
      %mul3A_2202 = arith.mulf %slice3A_1554, %mul3A_2201 : vector<512x99xf32>
      %add3A_2203 = arith.addf %add3A_2200, %mul3A_2202 : vector<512x99xf32>
      %mul3A_2204 = vector.broadcast %convert_element_type3A_1568 : vector<512x1xf32> to vector<512x99xf32>
      %mul3A_2205 = arith.mulf %add3A_2203, %mul3A_2204 : vector<512x99xf32>
      %reduce_sum3A_2206 = vector.shape_cast %mul3A_2205 : vector<512x99xf32> to vector<1x512x99xf32>
      %reduce_sum3A_2207 = arith.constant dense<0.000000e+00> : vector<1xf32>
      %reduce_sum3A_2208 = vector.multi_reduction <add>, %reduce_sum3A_2206, %reduce_sum3A_2207 [1, 2] : vector<1x512x99xf32> to vector<1xf32>
      %reduce_sum3A_2209 = vector.shape_cast %reduce_sum3A_2208 : vector<1xf32> to vector<1x1x1xf32>
      %reduce_sum3A_2210 = vector.extract %reduce_sum3A_2209[0, 0, 0] : f32 from vector<1x1x1xf32>
      %add3A_2211 = arith.addf %scan3A_1485, %reduce_sum3A_2210 : f32
      %mul3A_2212 = arith.mulf %mul3A_2205, %mul3A_2205 : vector<512x99xf32>
      %reduce_sum3A_2213 = vector.shape_cast %mul3A_2212 : vector<512x99xf32> to vector<1x512x99xf32>
      %reduce_sum3A_2214 = arith.constant dense<0.000000e+00> : vector<1xf32>
      %reduce_sum3A_2215 = vector.multi_reduction <add>, %reduce_sum3A_2213, %reduce_sum3A_2214 [1, 2] : vector<1x512x99xf32> to vector<1xf32>
      %reduce_sum3A_2216 = vector.shape_cast %reduce_sum3A_2215 : vector<1xf32> to vector<1x1x1xf32>
      %reduce_sum3A_2217 = vector.extract %reduce_sum3A_2216[0, 0, 0] : f32 from vector<1x1x1xf32>
      %add3A_2218 = arith.addf %scan3A_1486, %reduce_sum3A_2217 : f32
      %mul3A_2219 = vector.broadcast %get3A_125 : f32 to vector<512x99xf32>
      %mul3A_2220 = arith.mulf %slice3A_1555, %mul3A_2219 : vector<512x99xf32>
      %mul3A_2221 = vector.broadcast %get3A_253 : f32 to vector<512x99xf32>
      %mul3A_2222 = arith.mulf %slice3A_1556, %mul3A_2221 : vector<512x99xf32>
      %add3A_2223 = arith.addf %mul3A_2220, %mul3A_2222 : vector<512x99xf32>
      %mul3A_2224 = vector.broadcast %get3A_381 : f32 to vector<512x99xf32>
      %mul3A_2225 = arith.mulf %slice3A_1557, %mul3A_2224 : vector<512x99xf32>
      %add3A_2226 = arith.addf %add3A_2223, %mul3A_2225 : vector<512x99xf32>
      %mul3A_2227 = vector.broadcast %get3A_509 : f32 to vector<512x99xf32>
      %mul3A_2228 = arith.mulf %slice3A_1558, %mul3A_2227 : vector<512x99xf32>
      %add3A_2229 = arith.addf %add3A_2226, %mul3A_2228 : vector<512x99xf32>
      %mul3A_2230 = vector.broadcast %convert_element_type3A_1568 : vector<512x1xf32> to vector<512x99xf32>
      %mul3A_2231 = arith.mulf %add3A_2229, %mul3A_2230 : vector<512x99xf32>
      %reduce_sum3A_2232 = vector.shape_cast %mul3A_2231 : vector<512x99xf32> to vector<1x512x99xf32>
      %reduce_sum3A_2233 = arith.constant dense<0.000000e+00> : vector<1xf32>
      %reduce_sum3A_2234 = vector.multi_reduction <add>, %reduce_sum3A_2232, %reduce_sum3A_2233 [1, 2] : vector<1x512x99xf32> to vector<1xf32>
      %reduce_sum3A_2235 = vector.shape_cast %reduce_sum3A_2234 : vector<1xf32> to vector<1x1x1xf32>
      %reduce_sum3A_2236 = vector.extract %reduce_sum3A_2235[0, 0, 0] : f32 from vector<1x1x1xf32>
      %add3A_2237 = arith.addf %add3A_2211, %reduce_sum3A_2236 : f32
      %mul3A_2238 = arith.mulf %mul3A_2231, %mul3A_2231 : vector<512x99xf32>
      %reduce_sum3A_2239 = vector.shape_cast %mul3A_2238 : vector<512x99xf32> to vector<1x512x99xf32>
      %reduce_sum3A_2240 = arith.constant dense<0.000000e+00> : vector<1xf32>
      %reduce_sum3A_2241 = vector.multi_reduction <add>, %reduce_sum3A_2239, %reduce_sum3A_2240 [1, 2] : vector<1x512x99xf32> to vector<1xf32>
      %reduce_sum3A_2242 = vector.shape_cast %reduce_sum3A_2241 : vector<1xf32> to vector<1x1x1xf32>
      %reduce_sum3A_2243 = vector.extract %reduce_sum3A_2242[0, 0, 0] : f32 from vector<1x1x1xf32>
      %add3A_2244 = arith.addf %add3A_2218, %reduce_sum3A_2243 : f32
      %mul3A_2245 = vector.broadcast %get3A_129 : f32 to vector<512x99xf32>
      %mul3A_2246 = arith.mulf %slice3A, %mul3A_2245 : vector<512x99xf32>
      %mul3A_2247 = vector.broadcast %get3A_257 : f32 to vector<512x99xf32>
      %mul3A_2248 = arith.mulf %slice3A_1552, %mul3A_2247 : vector<512x99xf32>
      %add3A_2249 = arith.addf %mul3A_2246, %mul3A_2248 : vector<512x99xf32>
      %mul3A_2250 = vector.broadcast %get3A_385 : f32 to vector<512x99xf32>
      %mul3A_2251 = arith.mulf %slice3A_1553, %mul3A_2250 : vector<512x99xf32>
      %add3A_2252 = arith.addf %add3A_2249, %mul3A_2251 : vector<512x99xf32>
      %mul3A_2253 = vector.broadcast %get3A_513 : f32 to vector<512x99xf32>
      %mul3A_2254 = arith.mulf %slice3A_1554, %mul3A_2253 : vector<512x99xf32>
      %add3A_2255 = arith.addf %add3A_2252, %mul3A_2254 : vector<512x99xf32>
      %mul3A_2256 = vector.broadcast %convert_element_type3A_1568 : vector<512x1xf32> to vector<512x99xf32>
      %mul3A_2257 = arith.mulf %add3A_2255, %mul3A_2256 : vector<512x99xf32>
      %reduce_sum3A_2258 = vector.shape_cast %mul3A_2257 : vector<512x99xf32> to vector<1x512x99xf32>
      %reduce_sum3A_2259 = arith.constant dense<0.000000e+00> : vector<1xf32>
      %reduce_sum3A_2260 = vector.multi_reduction <add>, %reduce_sum3A_2258, %reduce_sum3A_2259 [1, 2] : vector<1x512x99xf32> to vector<1xf32>
      %reduce_sum3A_2261 = vector.shape_cast %reduce_sum3A_2260 : vector<1xf32> to vector<1x1x1xf32>
      %reduce_sum3A_2262 = vector.extract %reduce_sum3A_2261[0, 0, 0] : f32 from vector<1x1x1xf32>
      %add3A_2263 = arith.addf %scan3A_1487, %reduce_sum3A_2262 : f32
      %mul3A_2264 = arith.mulf %mul3A_2257, %mul3A_2257 : vector<512x99xf32>
      %reduce_sum3A_2265 = vector.shape_cast %mul3A_2264 : vector<512x99xf32> to vector<1x512x99xf32>
      %reduce_sum3A_2266 = arith.constant dense<0.000000e+00> : vector<1xf32>
      %reduce_sum3A_2267 = vector.multi_reduction <add>, %reduce_sum3A_2265, %reduce_sum3A_2266 [1, 2] : vector<1x512x99xf32> to vector<1xf32>
      %reduce_sum3A_2268 = vector.shape_cast %reduce_sum3A_2267 : vector<1xf32> to vector<1x1x1xf32>
      %reduce_sum3A_2269 = vector.extract %reduce_sum3A_2268[0, 0, 0] : f32 from vector<1x1x1xf32>
      %add3A_2270 = arith.addf %scan3A_1488, %reduce_sum3A_2269 : f32
      %mul3A_2271 = vector.broadcast %get3A_129 : f32 to vector<512x99xf32>
      %mul3A_2272 = arith.mulf %slice3A_1555, %mul3A_2271 : vector<512x99xf32>
      %mul3A_2273 = vector.broadcast %get3A_257 : f32 to vector<512x99xf32>
      %mul3A_2274 = arith.mulf %slice3A_1556, %mul3A_2273 : vector<512x99xf32>
      %add3A_2275 = arith.addf %mul3A_2272, %mul3A_2274 : vector<512x99xf32>
      %mul3A_2276 = vector.broadcast %get3A_385 : f32 to vector<512x99xf32>
      %mul3A_2277 = arith.mulf %slice3A_1557, %mul3A_2276 : vector<512x99xf32>
      %add3A_2278 = arith.addf %add3A_2275, %mul3A_2277 : vector<512x99xf32>
      %mul3A_2279 = vector.broadcast %get3A_513 : f32 to vector<512x99xf32>
      %mul3A_2280 = arith.mulf %slice3A_1558, %mul3A_2279 : vector<512x99xf32>
      %add3A_2281 = arith.addf %add3A_2278, %mul3A_2280 : vector<512x99xf32>
      %mul3A_2282 = vector.broadcast %convert_element_type3A_1568 : vector<512x1xf32> to vector<512x99xf32>
      %mul3A_2283 = arith.mulf %add3A_2281, %mul3A_2282 : vector<512x99xf32>
      %reduce_sum3A_2284 = vector.shape_cast %mul3A_2283 : vector<512x99xf32> to vector<1x512x99xf32>
      %reduce_sum3A_2285 = arith.constant dense<0.000000e+00> : vector<1xf32>
      %reduce_sum3A_2286 = vector.multi_reduction <add>, %reduce_sum3A_2284, %reduce_sum3A_2285 [1, 2] : vector<1x512x99xf32> to vector<1xf32>
      %reduce_sum3A_2287 = vector.shape_cast %reduce_sum3A_2286 : vector<1xf32> to vector<1x1x1xf32>
      %reduce_sum3A_2288 = vector.extract %reduce_sum3A_2287[0, 0, 0] : f32 from vector<1x1x1xf32>
      %add3A_2289 = arith.addf %add3A_2263, %reduce_sum3A_2288 : f32
      %mul3A_2290 = arith.mulf %mul3A_2283, %mul3A_2283 : vector<512x99xf32>
      %reduce_sum3A_2291 = vector.shape_cast %mul3A_2290 : vector<512x99xf32> to vector<1x512x99xf32>
      %reduce_sum3A_2292 = arith.constant dense<0.000000e+00> : vector<1xf32>
      %reduce_sum3A_2293 = vector.multi_reduction <add>, %reduce_sum3A_2291, %reduce_sum3A_2292 [1, 2] : vector<1x512x99xf32> to vector<1xf32>
      %reduce_sum3A_2294 = vector.shape_cast %reduce_sum3A_2293 : vector<1xf32> to vector<1x1x1xf32>
      %reduce_sum3A_2295 = vector.extract %reduce_sum3A_2294[0, 0, 0] : f32 from vector<1x1x1xf32>
      %add3A_2296 = arith.addf %add3A_2270, %reduce_sum3A_2295 : f32
      %mul3A_2297 = vector.broadcast %get3A_133 : f32 to vector<512x99xf32>
      %mul3A_2298 = arith.mulf %slice3A, %mul3A_2297 : vector<512x99xf32>
      %mul3A_2299 = vector.broadcast %get3A_261 : f32 to vector<512x99xf32>
      %mul3A_2300 = arith.mulf %slice3A_1552, %mul3A_2299 : vector<512x99xf32>
      %add3A_2301 = arith.addf %mul3A_2298, %mul3A_2300 : vector<512x99xf32>
      %mul3A_2302 = vector.broadcast %get3A_389 : f32 to vector<512x99xf32>
      %mul3A_2303 = arith.mulf %slice3A_1553, %mul3A_2302 : vector<512x99xf32>
      %add3A_2304 = arith.addf %add3A_2301, %mul3A_2303 : vector<512x99xf32>
      %mul3A_2305 = vector.broadcast %get3A_517 : f32 to vector<512x99xf32>
      %mul3A_2306 = arith.mulf %slice3A_1554, %mul3A_2305 : vector<512x99xf32>
      %add3A_2307 = arith.addf %add3A_2304, %mul3A_2306 : vector<512x99xf32>
      %mul3A_2308 = vector.broadcast %convert_element_type3A_1568 : vector<512x1xf32> to vector<512x99xf32>
      %mul3A_2309 = arith.mulf %add3A_2307, %mul3A_2308 : vector<512x99xf32>
      %reduce_sum3A_2310 = vector.shape_cast %mul3A_2309 : vector<512x99xf32> to vector<1x512x99xf32>
      %reduce_sum3A_2311 = arith.constant dense<0.000000e+00> : vector<1xf32>
      %reduce_sum3A_2312 = vector.multi_reduction <add>, %reduce_sum3A_2310, %reduce_sum3A_2311 [1, 2] : vector<1x512x99xf32> to vector<1xf32>
      %reduce_sum3A_2313 = vector.shape_cast %reduce_sum3A_2312 : vector<1xf32> to vector<1x1x1xf32>
      %reduce_sum3A_2314 = vector.extract %reduce_sum3A_2313[0, 0, 0] : f32 from vector<1x1x1xf32>
      %add3A_2315 = arith.addf %scan3A_1489, %reduce_sum3A_2314 : f32
      %mul3A_2316 = arith.mulf %mul3A_2309, %mul3A_2309 : vector<512x99xf32>
      %reduce_sum3A_2317 = vector.shape_cast %mul3A_2316 : vector<512x99xf32> to vector<1x512x99xf32>
      %reduce_sum3A_2318 = arith.constant dense<0.000000e+00> : vector<1xf32>
      %reduce_sum3A_2319 = vector.multi_reduction <add>, %reduce_sum3A_2317, %reduce_sum3A_2318 [1, 2] : vector<1x512x99xf32> to vector<1xf32>
      %reduce_sum3A_2320 = vector.shape_cast %reduce_sum3A_2319 : vector<1xf32> to vector<1x1x1xf32>
      %reduce_sum3A_2321 = vector.extract %reduce_sum3A_2320[0, 0, 0] : f32 from vector<1x1x1xf32>
      %add3A_2322 = arith.addf %scan3A_1490, %reduce_sum3A_2321 : f32
      %mul3A_2323 = vector.broadcast %get3A_133 : f32 to vector<512x99xf32>
      %mul3A_2324 = arith.mulf %slice3A_1555, %mul3A_2323 : vector<512x99xf32>
      %mul3A_2325 = vector.broadcast %get3A_261 : f32 to vector<512x99xf32>
      %mul3A_2326 = arith.mulf %slice3A_1556, %mul3A_2325 : vector<512x99xf32>
      %add3A_2327 = arith.addf %mul3A_2324, %mul3A_2326 : vector<512x99xf32>
      %mul3A_2328 = vector.broadcast %get3A_389 : f32 to vector<512x99xf32>
      %mul3A_2329 = arith.mulf %slice3A_1557, %mul3A_2328 : vector<512x99xf32>
      %add3A_2330 = arith.addf %add3A_2327, %mul3A_2329 : vector<512x99xf32>
      %mul3A_2331 = vector.broadcast %get3A_517 : f32 to vector<512x99xf32>
      %mul3A_2332 = arith.mulf %slice3A_1558, %mul3A_2331 : vector<512x99xf32>
      %add3A_2333 = arith.addf %add3A_2330, %mul3A_2332 : vector<512x99xf32>
      %mul3A_2334 = vector.broadcast %convert_element_type3A_1568 : vector<512x1xf32> to vector<512x99xf32>
      %mul3A_2335 = arith.mulf %add3A_2333, %mul3A_2334 : vector<512x99xf32>
      %reduce_sum3A_2336 = vector.shape_cast %mul3A_2335 : vector<512x99xf32> to vector<1x512x99xf32>
      %reduce_sum3A_2337 = arith.constant dense<0.000000e+00> : vector<1xf32>
      %reduce_sum3A_2338 = vector.multi_reduction <add>, %reduce_sum3A_2336, %reduce_sum3A_2337 [1, 2] : vector<1x512x99xf32> to vector<1xf32>
      %reduce_sum3A_2339 = vector.shape_cast %reduce_sum3A_2338 : vector<1xf32> to vector<1x1x1xf32>
      %reduce_sum3A_2340 = vector.extract %reduce_sum3A_2339[0, 0, 0] : f32 from vector<1x1x1xf32>
      %add3A_2341 = arith.addf %add3A_2315, %reduce_sum3A_2340 : f32
      %mul3A_2342 = arith.mulf %mul3A_2335, %mul3A_2335 : vector<512x99xf32>
      %reduce_sum3A_2343 = vector.shape_cast %mul3A_2342 : vector<512x99xf32> to vector<1x512x99xf32>
      %reduce_sum3A_2344 = arith.constant dense<0.000000e+00> : vector<1xf32>
      %reduce_sum3A_2345 = vector.multi_reduction <add>, %reduce_sum3A_2343, %reduce_sum3A_2344 [1, 2] : vector<1x512x99xf32> to vector<1xf32>
      %reduce_sum3A_2346 = vector.shape_cast %reduce_sum3A_2345 : vector<1xf32> to vector<1x1x1xf32>
      %reduce_sum3A_2347 = vector.extract %reduce_sum3A_2346[0, 0, 0] : f32 from vector<1x1x1xf32>
      %add3A_2348 = arith.addf %add3A_2322, %reduce_sum3A_2347 : f32
      %mul3A_2349 = vector.broadcast %get3A_137 : f32 to vector<512x99xf32>
      %mul3A_2350 = arith.mulf %slice3A, %mul3A_2349 : vector<512x99xf32>
      %mul3A_2351 = vector.broadcast %get3A_265 : f32 to vector<512x99xf32>
      %mul3A_2352 = arith.mulf %slice3A_1552, %mul3A_2351 : vector<512x99xf32>
      %add3A_2353 = arith.addf %mul3A_2350, %mul3A_2352 : vector<512x99xf32>
      %mul3A_2354 = vector.broadcast %get3A_393 : f32 to vector<512x99xf32>
      %mul3A_2355 = arith.mulf %slice3A_1553, %mul3A_2354 : vector<512x99xf32>
      %add3A_2356 = arith.addf %add3A_2353, %mul3A_2355 : vector<512x99xf32>
      %mul3A_2357 = vector.broadcast %get3A_521 : f32 to vector<512x99xf32>
      %mul3A_2358 = arith.mulf %slice3A_1554, %mul3A_2357 : vector<512x99xf32>
      %add3A_2359 = arith.addf %add3A_2356, %mul3A_2358 : vector<512x99xf32>
      %mul3A_2360 = vector.broadcast %convert_element_type3A_1568 : vector<512x1xf32> to vector<512x99xf32>
      %mul3A_2361 = arith.mulf %add3A_2359, %mul3A_2360 : vector<512x99xf32>
      %reduce_sum3A_2362 = vector.shape_cast %mul3A_2361 : vector<512x99xf32> to vector<1x512x99xf32>
      %reduce_sum3A_2363 = arith.constant dense<0.000000e+00> : vector<1xf32>
      %reduce_sum3A_2364 = vector.multi_reduction <add>, %reduce_sum3A_2362, %reduce_sum3A_2363 [1, 2] : vector<1x512x99xf32> to vector<1xf32>
      %reduce_sum3A_2365 = vector.shape_cast %reduce_sum3A_2364 : vector<1xf32> to vector<1x1x1xf32>
      %reduce_sum3A_2366 = vector.extract %reduce_sum3A_2365[0, 0, 0] : f32 from vector<1x1x1xf32>
      %add3A_2367 = arith.addf %scan3A_1491, %reduce_sum3A_2366 : f32
      %mul3A_2368 = arith.mulf %mul3A_2361, %mul3A_2361 : vector<512x99xf32>
      %reduce_sum3A_2369 = vector.shape_cast %mul3A_2368 : vector<512x99xf32> to vector<1x512x99xf32>
      %reduce_sum3A_2370 = arith.constant dense<0.000000e+00> : vector<1xf32>
      %reduce_sum3A_2371 = vector.multi_reduction <add>, %reduce_sum3A_2369, %reduce_sum3A_2370 [1, 2] : vector<1x512x99xf32> to vector<1xf32>
      %reduce_sum3A_2372 = vector.shape_cast %reduce_sum3A_2371 : vector<1xf32> to vector<1x1x1xf32>
      %reduce_sum3A_2373 = vector.extract %reduce_sum3A_2372[0, 0, 0] : f32 from vector<1x1x1xf32>
      %add3A_2374 = arith.addf %scan3A_1492, %reduce_sum3A_2373 : f32
      %mul3A_2375 = vector.broadcast %get3A_137 : f32 to vector<512x99xf32>
      %mul3A_2376 = arith.mulf %slice3A_1555, %mul3A_2375 : vector<512x99xf32>
      %mul3A_2377 = vector.broadcast %get3A_265 : f32 to vector<512x99xf32>
      %mul3A_2378 = arith.mulf %slice3A_1556, %mul3A_2377 : vector<512x99xf32>
      %add3A_2379 = arith.addf %mul3A_2376, %mul3A_2378 : vector<512x99xf32>
      %mul3A_2380 = vector.broadcast %get3A_393 : f32 to vector<512x99xf32>
      %mul3A_2381 = arith.mulf %slice3A_1557, %mul3A_2380 : vector<512x99xf32>
      %add3A_2382 = arith.addf %add3A_2379, %mul3A_2381 : vector<512x99xf32>
      %mul3A_2383 = vector.broadcast %get3A_521 : f32 to vector<512x99xf32>
      %mul3A_2384 = arith.mulf %slice3A_1558, %mul3A_2383 : vector<512x99xf32>
      %add3A_2385 = arith.addf %add3A_2382, %mul3A_2384 : vector<512x99xf32>
      %mul3A_2386 = vector.broadcast %convert_element_type3A_1568 : vector<512x1xf32> to vector<512x99xf32>
      %mul3A_2387 = arith.mulf %add3A_2385, %mul3A_2386 : vector<512x99xf32>
      %reduce_sum3A_2388 = vector.shape_cast %mul3A_2387 : vector<512x99xf32> to vector<1x512x99xf32>
      %reduce_sum3A_2389 = arith.constant dense<0.000000e+00> : vector<1xf32>
      %reduce_sum3A_2390 = vector.multi_reduction <add>, %reduce_sum3A_2388, %reduce_sum3A_2389 [1, 2] : vector<1x512x99xf32> to vector<1xf32>
      %reduce_sum3A_2391 = vector.shape_cast %reduce_sum3A_2390 : vector<1xf32> to vector<1x1x1xf32>
      %reduce_sum3A_2392 = vector.extract %reduce_sum3A_2391[0, 0, 0] : f32 from vector<1x1x1xf32>
      %add3A_2393 = arith.addf %add3A_2367, %reduce_sum3A_2392 : f32
      %mul3A_2394 = arith.mulf %mul3A_2387, %mul3A_2387 : vector<512x99xf32>
      %reduce_sum3A_2395 = vector.shape_cast %mul3A_2394 : vector<512x99xf32> to vector<1x512x99xf32>
      %reduce_sum3A_2396 = arith.constant dense<0.000000e+00> : vector<1xf32>
      %reduce_sum3A_2397 = vector.multi_reduction <add>, %reduce_sum3A_2395, %reduce_sum3A_2396 [1, 2] : vector<1x512x99xf32> to vector<1xf32>
      %reduce_sum3A_2398 = vector.shape_cast %reduce_sum3A_2397 : vector<1xf32> to vector<1x1x1xf32>
      %reduce_sum3A_2399 = vector.extract %reduce_sum3A_2398[0, 0, 0] : f32 from vector<1x1x1xf32>
      %add3A_2400 = arith.addf %add3A_2374, %reduce_sum3A_2399 : f32
      %mul3A_2401 = vector.broadcast %get3A_141 : f32 to vector<512x99xf32>
      %mul3A_2402 = arith.mulf %slice3A, %mul3A_2401 : vector<512x99xf32>
      %mul3A_2403 = vector.broadcast %get3A_269 : f32 to vector<512x99xf32>
      %mul3A_2404 = arith.mulf %slice3A_1552, %mul3A_2403 : vector<512x99xf32>
      %add3A_2405 = arith.addf %mul3A_2402, %mul3A_2404 : vector<512x99xf32>
      %mul3A_2406 = vector.broadcast %get3A_397 : f32 to vector<512x99xf32>
      %mul3A_2407 = arith.mulf %slice3A_1553, %mul3A_2406 : vector<512x99xf32>
      %add3A_2408 = arith.addf %add3A_2405, %mul3A_2407 : vector<512x99xf32>
      %mul3A_2409 = vector.broadcast %get3A_525 : f32 to vector<512x99xf32>
      %mul3A_2410 = arith.mulf %slice3A_1554, %mul3A_2409 : vector<512x99xf32>
      %add3A_2411 = arith.addf %add3A_2408, %mul3A_2410 : vector<512x99xf32>
      %mul3A_2412 = vector.broadcast %convert_element_type3A_1568 : vector<512x1xf32> to vector<512x99xf32>
      %mul3A_2413 = arith.mulf %add3A_2411, %mul3A_2412 : vector<512x99xf32>
      %reduce_sum3A_2414 = vector.shape_cast %mul3A_2413 : vector<512x99xf32> to vector<1x512x99xf32>
      %reduce_sum3A_2415 = arith.constant dense<0.000000e+00> : vector<1xf32>
      %reduce_sum3A_2416 = vector.multi_reduction <add>, %reduce_sum3A_2414, %reduce_sum3A_2415 [1, 2] : vector<1x512x99xf32> to vector<1xf32>
      %reduce_sum3A_2417 = vector.shape_cast %reduce_sum3A_2416 : vector<1xf32> to vector<1x1x1xf32>
      %reduce_sum3A_2418 = vector.extract %reduce_sum3A_2417[0, 0, 0] : f32 from vector<1x1x1xf32>
      %add3A_2419 = arith.addf %scan3A_1493, %reduce_sum3A_2418 : f32
      %mul3A_2420 = arith.mulf %mul3A_2413, %mul3A_2413 : vector<512x99xf32>
      %reduce_sum3A_2421 = vector.shape_cast %mul3A_2420 : vector<512x99xf32> to vector<1x512x99xf32>
      %reduce_sum3A_2422 = arith.constant dense<0.000000e+00> : vector<1xf32>
      %reduce_sum3A_2423 = vector.multi_reduction <add>, %reduce_sum3A_2421, %reduce_sum3A_2422 [1, 2] : vector<1x512x99xf32> to vector<1xf32>
      %reduce_sum3A_2424 = vector.shape_cast %reduce_sum3A_2423 : vector<1xf32> to vector<1x1x1xf32>
      %reduce_sum3A_2425 = vector.extract %reduce_sum3A_2424[0, 0, 0] : f32 from vector<1x1x1xf32>
      %add3A_2426 = arith.addf %scan3A_1494, %reduce_sum3A_2425 : f32
      %mul3A_2427 = vector.broadcast %get3A_141 : f32 to vector<512x99xf32>
      %mul3A_2428 = arith.mulf %slice3A_1555, %mul3A_2427 : vector<512x99xf32>
      %mul3A_2429 = vector.broadcast %get3A_269 : f32 to vector<512x99xf32>
      %mul3A_2430 = arith.mulf %slice3A_1556, %mul3A_2429 : vector<512x99xf32>
      %add3A_2431 = arith.addf %mul3A_2428, %mul3A_2430 : vector<512x99xf32>
      %mul3A_2432 = vector.broadcast %get3A_397 : f32 to vector<512x99xf32>
      %mul3A_2433 = arith.mulf %slice3A_1557, %mul3A_2432 : vector<512x99xf32>
      %add3A_2434 = arith.addf %add3A_2431, %mul3A_2433 : vector<512x99xf32>
      %mul3A_2435 = vector.broadcast %get3A_525 : f32 to vector<512x99xf32>
      %mul3A_2436 = arith.mulf %slice3A_1558, %mul3A_2435 : vector<512x99xf32>
      %add3A_2437 = arith.addf %add3A_2434, %mul3A_2436 : vector<512x99xf32>
      %mul3A_2438 = vector.broadcast %convert_element_type3A_1568 : vector<512x1xf32> to vector<512x99xf32>
      %mul3A_2439 = arith.mulf %add3A_2437, %mul3A_2438 : vector<512x99xf32>
      %reduce_sum3A_2440 = vector.shape_cast %mul3A_2439 : vector<512x99xf32> to vector<1x512x99xf32>
      %reduce_sum3A_2441 = arith.constant dense<0.000000e+00> : vector<1xf32>
      %reduce_sum3A_2442 = vector.multi_reduction <add>, %reduce_sum3A_2440, %reduce_sum3A_2441 [1, 2] : vector<1x512x99xf32> to vector<1xf32>
      %reduce_sum3A_2443 = vector.shape_cast %reduce_sum3A_2442 : vector<1xf32> to vector<1x1x1xf32>
      %reduce_sum3A_2444 = vector.extract %reduce_sum3A_2443[0, 0, 0] : f32 from vector<1x1x1xf32>
      %add3A_2445 = arith.addf %add3A_2419, %reduce_sum3A_2444 : f32
      %mul3A_2446 = arith.mulf %mul3A_2439, %mul3A_2439 : vector<512x99xf32>
      %reduce_sum3A_2447 = vector.shape_cast %mul3A_2446 : vector<512x99xf32> to vector<1x512x99xf32>
      %reduce_sum3A_2448 = arith.constant dense<0.000000e+00> : vector<1xf32>
      %reduce_sum3A_2449 = vector.multi_reduction <add>, %reduce_sum3A_2447, %reduce_sum3A_2448 [1, 2] : vector<1x512x99xf32> to vector<1xf32>
      %reduce_sum3A_2450 = vector.shape_cast %reduce_sum3A_2449 : vector<1xf32> to vector<1x1x1xf32>
      %reduce_sum3A_2451 = vector.extract %reduce_sum3A_2450[0, 0, 0] : f32 from vector<1x1x1xf32>
      %add3A_2452 = arith.addf %add3A_2426, %reduce_sum3A_2451 : f32
      %mul3A_2453 = vector.broadcast %get3A_145 : f32 to vector<512x99xf32>
      %mul3A_2454 = arith.mulf %slice3A, %mul3A_2453 : vector<512x99xf32>
      %mul3A_2455 = vector.broadcast %get3A_273 : f32 to vector<512x99xf32>
      %mul3A_2456 = arith.mulf %slice3A_1552, %mul3A_2455 : vector<512x99xf32>
      %add3A_2457 = arith.addf %mul3A_2454, %mul3A_2456 : vector<512x99xf32>
      %mul3A_2458 = vector.broadcast %get3A_401 : f32 to vector<512x99xf32>
      %mul3A_2459 = arith.mulf %slice3A_1553, %mul3A_2458 : vector<512x99xf32>
      %add3A_2460 = arith.addf %add3A_2457, %mul3A_2459 : vector<512x99xf32>
      %mul3A_2461 = vector.broadcast %get3A_529 : f32 to vector<512x99xf32>
      %mul3A_2462 = arith.mulf %slice3A_1554, %mul3A_2461 : vector<512x99xf32>
      %add3A_2463 = arith.addf %add3A_2460, %mul3A_2462 : vector<512x99xf32>
      %mul3A_2464 = vector.broadcast %convert_element_type3A_1568 : vector<512x1xf32> to vector<512x99xf32>
      %mul3A_2465 = arith.mulf %add3A_2463, %mul3A_2464 : vector<512x99xf32>
      %reduce_sum3A_2466 = vector.shape_cast %mul3A_2465 : vector<512x99xf32> to vector<1x512x99xf32>
      %reduce_sum3A_2467 = arith.constant dense<0.000000e+00> : vector<1xf32>
      %reduce_sum3A_2468 = vector.multi_reduction <add>, %reduce_sum3A_2466, %reduce_sum3A_2467 [1, 2] : vector<1x512x99xf32> to vector<1xf32>
      %reduce_sum3A_2469 = vector.shape_cast %reduce_sum3A_2468 : vector<1xf32> to vector<1x1x1xf32>
      %reduce_sum3A_2470 = vector.extract %reduce_sum3A_2469[0, 0, 0] : f32 from vector<1x1x1xf32>
      %add3A_2471 = arith.addf %scan3A_1495, %reduce_sum3A_2470 : f32
      %mul3A_2472 = arith.mulf %mul3A_2465, %mul3A_2465 : vector<512x99xf32>
      %reduce_sum3A_2473 = vector.shape_cast %mul3A_2472 : vector<512x99xf32> to vector<1x512x99xf32>
      %reduce_sum3A_2474 = arith.constant dense<0.000000e+00> : vector<1xf32>
      %reduce_sum3A_2475 = vector.multi_reduction <add>, %reduce_sum3A_2473, %reduce_sum3A_2474 [1, 2] : vector<1x512x99xf32> to vector<1xf32>
      %reduce_sum3A_2476 = vector.shape_cast %reduce_sum3A_2475 : vector<1xf32> to vector<1x1x1xf32>
      %reduce_sum3A_2477 = vector.extract %reduce_sum3A_2476[0, 0, 0] : f32 from vector<1x1x1xf32>
      %add3A_2478 = arith.addf %scan3A_1496, %reduce_sum3A_2477 : f32
      %mul3A_2479 = vector.broadcast %get3A_145 : f32 to vector<512x99xf32>
      %mul3A_2480 = arith.mulf %slice3A_1555, %mul3A_2479 : vector<512x99xf32>
      %mul3A_2481 = vector.broadcast %get3A_273 : f32 to vector<512x99xf32>
      %mul3A_2482 = arith.mulf %slice3A_1556, %mul3A_2481 : vector<512x99xf32>
      %add3A_2483 = arith.addf %mul3A_2480, %mul3A_2482 : vector<512x99xf32>
      %mul3A_2484 = vector.broadcast %get3A_401 : f32 to vector<512x99xf32>
      %mul3A_2485 = arith.mulf %slice3A_1557, %mul3A_2484 : vector<512x99xf32>
      %add3A_2486 = arith.addf %add3A_2483, %mul3A_2485 : vector<512x99xf32>
      %mul3A_2487 = vector.broadcast %get3A_529 : f32 to vector<512x99xf32>
      %mul3A_2488 = arith.mulf %slice3A_1558, %mul3A_2487 : vector<512x99xf32>
      %add3A_2489 = arith.addf %add3A_2486, %mul3A_2488 : vector<512x99xf32>
      %mul3A_2490 = vector.broadcast %convert_element_type3A_1568 : vector<512x1xf32> to vector<512x99xf32>
      %mul3A_2491 = arith.mulf %add3A_2489, %mul3A_2490 : vector<512x99xf32>
      %reduce_sum3A_2492 = vector.shape_cast %mul3A_2491 : vector<512x99xf32> to vector<1x512x99xf32>
      %reduce_sum3A_2493 = arith.constant dense<0.000000e+00> : vector<1xf32>
      %reduce_sum3A_2494 = vector.multi_reduction <add>, %reduce_sum3A_2492, %reduce_sum3A_2493 [1, 2] : vector<1x512x99xf32> to vector<1xf32>
      %reduce_sum3A_2495 = vector.shape_cast %reduce_sum3A_2494 : vector<1xf32> to vector<1x1x1xf32>
      %reduce_sum3A_2496 = vector.extract %reduce_sum3A_2495[0, 0, 0] : f32 from vector<1x1x1xf32>
      %add3A_2497 = arith.addf %add3A_2471, %reduce_sum3A_2496 : f32
      %mul3A_2498 = arith.mulf %mul3A_2491, %mul3A_2491 : vector<512x99xf32>
      %reduce_sum3A_2499 = vector.shape_cast %mul3A_2498 : vector<512x99xf32> to vector<1x512x99xf32>
      %reduce_sum3A_2500 = arith.constant dense<0.000000e+00> : vector<1xf32>
      %reduce_sum3A_2501 = vector.multi_reduction <add>, %reduce_sum3A_2499, %reduce_sum3A_2500 [1, 2] : vector<1x512x99xf32> to vector<1xf32>
      %reduce_sum3A_2502 = vector.shape_cast %reduce_sum3A_2501 : vector<1xf32> to vector<1x1x1xf32>
      %reduce_sum3A_2503 = vector.extract %reduce_sum3A_2502[0, 0, 0] : f32 from vector<1x1x1xf32>
      %add3A_2504 = arith.addf %add3A_2478, %reduce_sum3A_2503 : f32
      %mul3A_2505 = vector.broadcast %get3A_149 : f32 to vector<512x99xf32>
      %mul3A_2506 = arith.mulf %slice3A, %mul3A_2505 : vector<512x99xf32>
      %mul3A_2507 = vector.broadcast %get3A_277 : f32 to vector<512x99xf32>
      %mul3A_2508 = arith.mulf %slice3A_1552, %mul3A_2507 : vector<512x99xf32>
      %add3A_2509 = arith.addf %mul3A_2506, %mul3A_2508 : vector<512x99xf32>
      %mul3A_2510 = vector.broadcast %get3A_405 : f32 to vector<512x99xf32>
      %mul3A_2511 = arith.mulf %slice3A_1553, %mul3A_2510 : vector<512x99xf32>
      %add3A_2512 = arith.addf %add3A_2509, %mul3A_2511 : vector<512x99xf32>
      %mul3A_2513 = vector.broadcast %get3A_533 : f32 to vector<512x99xf32>
      %mul3A_2514 = arith.mulf %slice3A_1554, %mul3A_2513 : vector<512x99xf32>
      %add3A_2515 = arith.addf %add3A_2512, %mul3A_2514 : vector<512x99xf32>
      %mul3A_2516 = vector.broadcast %convert_element_type3A_1568 : vector<512x1xf32> to vector<512x99xf32>
      %mul3A_2517 = arith.mulf %add3A_2515, %mul3A_2516 : vector<512x99xf32>
      %reduce_sum3A_2518 = vector.shape_cast %mul3A_2517 : vector<512x99xf32> to vector<1x512x99xf32>
      %reduce_sum3A_2519 = arith.constant dense<0.000000e+00> : vector<1xf32>
      %reduce_sum3A_2520 = vector.multi_reduction <add>, %reduce_sum3A_2518, %reduce_sum3A_2519 [1, 2] : vector<1x512x99xf32> to vector<1xf32>
      %reduce_sum3A_2521 = vector.shape_cast %reduce_sum3A_2520 : vector<1xf32> to vector<1x1x1xf32>
      %reduce_sum3A_2522 = vector.extract %reduce_sum3A_2521[0, 0, 0] : f32 from vector<1x1x1xf32>
      %add3A_2523 = arith.addf %scan3A_1497, %reduce_sum3A_2522 : f32
      %mul3A_2524 = arith.mulf %mul3A_2517, %mul3A_2517 : vector<512x99xf32>
      %reduce_sum3A_2525 = vector.shape_cast %mul3A_2524 : vector<512x99xf32> to vector<1x512x99xf32>
      %reduce_sum3A_2526 = arith.constant dense<0.000000e+00> : vector<1xf32>
      %reduce_sum3A_2527 = vector.multi_reduction <add>, %reduce_sum3A_2525, %reduce_sum3A_2526 [1, 2] : vector<1x512x99xf32> to vector<1xf32>
      %reduce_sum3A_2528 = vector.shape_cast %reduce_sum3A_2527 : vector<1xf32> to vector<1x1x1xf32>
      %reduce_sum3A_2529 = vector.extract %reduce_sum3A_2528[0, 0, 0] : f32 from vector<1x1x1xf32>
      %add3A_2530 = arith.addf %scan3A_1498, %reduce_sum3A_2529 : f32
      %mul3A_2531 = vector.broadcast %get3A_149 : f32 to vector<512x99xf32>
      %mul3A_2532 = arith.mulf %slice3A_1555, %mul3A_2531 : vector<512x99xf32>
      %mul3A_2533 = vector.broadcast %get3A_277 : f32 to vector<512x99xf32>
      %mul3A_2534 = arith.mulf %slice3A_1556, %mul3A_2533 : vector<512x99xf32>
      %add3A_2535 = arith.addf %mul3A_2532, %mul3A_2534 : vector<512x99xf32>
      %mul3A_2536 = vector.broadcast %get3A_405 : f32 to vector<512x99xf32>
      %mul3A_2537 = arith.mulf %slice3A_1557, %mul3A_2536 : vector<512x99xf32>
      %add3A_2538 = arith.addf %add3A_2535, %mul3A_2537 : vector<512x99xf32>
      %mul3A_2539 = vector.broadcast %get3A_533 : f32 to vector<512x99xf32>
      %mul3A_2540 = arith.mulf %slice3A_1558, %mul3A_2539 : vector<512x99xf32>
      %add3A_2541 = arith.addf %add3A_2538, %mul3A_2540 : vector<512x99xf32>
      %mul3A_2542 = vector.broadcast %convert_element_type3A_1568 : vector<512x1xf32> to vector<512x99xf32>
      %mul3A_2543 = arith.mulf %add3A_2541, %mul3A_2542 : vector<512x99xf32>
      %reduce_sum3A_2544 = vector.shape_cast %mul3A_2543 : vector<512x99xf32> to vector<1x512x99xf32>
      %reduce_sum3A_2545 = arith.constant dense<0.000000e+00> : vector<1xf32>
      %reduce_sum3A_2546 = vector.multi_reduction <add>, %reduce_sum3A_2544, %reduce_sum3A_2545 [1, 2] : vector<1x512x99xf32> to vector<1xf32>
      %reduce_sum3A_2547 = vector.shape_cast %reduce_sum3A_2546 : vector<1xf32> to vector<1x1x1xf32>
      %reduce_sum3A_2548 = vector.extract %reduce_sum3A_2547[0, 0, 0] : f32 from vector<1x1x1xf32>
      %add3A_2549 = arith.addf %add3A_2523, %reduce_sum3A_2548 : f32
      %mul3A_2550 = arith.mulf %mul3A_2543, %mul3A_2543 : vector<512x99xf32>
      %reduce_sum3A_2551 = vector.shape_cast %mul3A_2550 : vector<512x99xf32> to vector<1x512x99xf32>
      %reduce_sum3A_2552 = arith.constant dense<0.000000e+00> : vector<1xf32>
      %reduce_sum3A_2553 = vector.multi_reduction <add>, %reduce_sum3A_2551, %reduce_sum3A_2552 [1, 2] : vector<1x512x99xf32> to vector<1xf32>
      %reduce_sum3A_2554 = vector.shape_cast %reduce_sum3A_2553 : vector<1xf32> to vector<1x1x1xf32>
      %reduce_sum3A_2555 = vector.extract %reduce_sum3A_2554[0, 0, 0] : f32 from vector<1x1x1xf32>
      %add3A_2556 = arith.addf %add3A_2530, %reduce_sum3A_2555 : f32
      %mul3A_2557 = vector.broadcast %get3A_153 : f32 to vector<512x99xf32>
      %mul3A_2558 = arith.mulf %slice3A, %mul3A_2557 : vector<512x99xf32>
      %mul3A_2559 = vector.broadcast %get3A_281 : f32 to vector<512x99xf32>
      %mul3A_2560 = arith.mulf %slice3A_1552, %mul3A_2559 : vector<512x99xf32>
      %add3A_2561 = arith.addf %mul3A_2558, %mul3A_2560 : vector<512x99xf32>
      %mul3A_2562 = vector.broadcast %get3A_409 : f32 to vector<512x99xf32>
      %mul3A_2563 = arith.mulf %slice3A_1553, %mul3A_2562 : vector<512x99xf32>
      %add3A_2564 = arith.addf %add3A_2561, %mul3A_2563 : vector<512x99xf32>
      %mul3A_2565 = vector.broadcast %get3A_537 : f32 to vector<512x99xf32>
      %mul3A_2566 = arith.mulf %slice3A_1554, %mul3A_2565 : vector<512x99xf32>
      %add3A_2567 = arith.addf %add3A_2564, %mul3A_2566 : vector<512x99xf32>
      %mul3A_2568 = vector.broadcast %convert_element_type3A_1568 : vector<512x1xf32> to vector<512x99xf32>
      %mul3A_2569 = arith.mulf %add3A_2567, %mul3A_2568 : vector<512x99xf32>
      %reduce_sum3A_2570 = vector.shape_cast %mul3A_2569 : vector<512x99xf32> to vector<1x512x99xf32>
      %reduce_sum3A_2571 = arith.constant dense<0.000000e+00> : vector<1xf32>
      %reduce_sum3A_2572 = vector.multi_reduction <add>, %reduce_sum3A_2570, %reduce_sum3A_2571 [1, 2] : vector<1x512x99xf32> to vector<1xf32>
      %reduce_sum3A_2573 = vector.shape_cast %reduce_sum3A_2572 : vector<1xf32> to vector<1x1x1xf32>
      %reduce_sum3A_2574 = vector.extract %reduce_sum3A_2573[0, 0, 0] : f32 from vector<1x1x1xf32>
      %add3A_2575 = arith.addf %scan3A_1499, %reduce_sum3A_2574 : f32
      %mul3A_2576 = arith.mulf %mul3A_2569, %mul3A_2569 : vector<512x99xf32>
      %reduce_sum3A_2577 = vector.shape_cast %mul3A_2576 : vector<512x99xf32> to vector<1x512x99xf32>
      %reduce_sum3A_2578 = arith.constant dense<0.000000e+00> : vector<1xf32>
      %reduce_sum3A_2579 = vector.multi_reduction <add>, %reduce_sum3A_2577, %reduce_sum3A_2578 [1, 2] : vector<1x512x99xf32> to vector<1xf32>
      %reduce_sum3A_2580 = vector.shape_cast %reduce_sum3A_2579 : vector<1xf32> to vector<1x1x1xf32>
      %reduce_sum3A_2581 = vector.extract %reduce_sum3A_2580[0, 0, 0] : f32 from vector<1x1x1xf32>
      %add3A_2582 = arith.addf %scan3A_1500, %reduce_sum3A_2581 : f32
      %mul3A_2583 = vector.broadcast %get3A_153 : f32 to vector<512x99xf32>
      %mul3A_2584 = arith.mulf %slice3A_1555, %mul3A_2583 : vector<512x99xf32>
      %mul3A_2585 = vector.broadcast %get3A_281 : f32 to vector<512x99xf32>
      %mul3A_2586 = arith.mulf %slice3A_1556, %mul3A_2585 : vector<512x99xf32>
      %add3A_2587 = arith.addf %mul3A_2584, %mul3A_2586 : vector<512x99xf32>
      %mul3A_2588 = vector.broadcast %get3A_409 : f32 to vector<512x99xf32>
      %mul3A_2589 = arith.mulf %slice3A_1557, %mul3A_2588 : vector<512x99xf32>
      %add3A_2590 = arith.addf %add3A_2587, %mul3A_2589 : vector<512x99xf32>
      %mul3A_2591 = vector.broadcast %get3A_537 : f32 to vector<512x99xf32>
      %mul3A_2592 = arith.mulf %slice3A_1558, %mul3A_2591 : vector<512x99xf32>
      %add3A_2593 = arith.addf %add3A_2590, %mul3A_2592 : vector<512x99xf32>
      %mul3A_2594 = vector.broadcast %convert_element_type3A_1568 : vector<512x1xf32> to vector<512x99xf32>
      %mul3A_2595 = arith.mulf %add3A_2593, %mul3A_2594 : vector<512x99xf32>
      %reduce_sum3A_2596 = vector.shape_cast %mul3A_2595 : vector<512x99xf32> to vector<1x512x99xf32>
      %reduce_sum3A_2597 = arith.constant dense<0.000000e+00> : vector<1xf32>
      %reduce_sum3A_2598 = vector.multi_reduction <add>, %reduce_sum3A_2596, %reduce_sum3A_2597 [1, 2] : vector<1x512x99xf32> to vector<1xf32>
      %reduce_sum3A_2599 = vector.shape_cast %reduce_sum3A_2598 : vector<1xf32> to vector<1x1x1xf32>
      %reduce_sum3A_2600 = vector.extract %reduce_sum3A_2599[0, 0, 0] : f32 from vector<1x1x1xf32>
      %add3A_2601 = arith.addf %add3A_2575, %reduce_sum3A_2600 : f32
      %mul3A_2602 = arith.mulf %mul3A_2595, %mul3A_2595 : vector<512x99xf32>
      %reduce_sum3A_2603 = vector.shape_cast %mul3A_2602 : vector<512x99xf32> to vector<1x512x99xf32>
      %reduce_sum3A_2604 = arith.constant dense<0.000000e+00> : vector<1xf32>
      %reduce_sum3A_2605 = vector.multi_reduction <add>, %reduce_sum3A_2603, %reduce_sum3A_2604 [1, 2] : vector<1x512x99xf32> to vector<1xf32>
      %reduce_sum3A_2606 = vector.shape_cast %reduce_sum3A_2605 : vector<1xf32> to vector<1x1x1xf32>
      %reduce_sum3A_2607 = vector.extract %reduce_sum3A_2606[0, 0, 0] : f32 from vector<1x1x1xf32>
      %add3A_2608 = arith.addf %add3A_2582, %reduce_sum3A_2607 : f32
      %mul3A_2609 = vector.broadcast %get3A_157 : f32 to vector<512x99xf32>
      %mul3A_2610 = arith.mulf %slice3A, %mul3A_2609 : vector<512x99xf32>
      %mul3A_2611 = vector.broadcast %get3A_285 : f32 to vector<512x99xf32>
      %mul3A_2612 = arith.mulf %slice3A_1552, %mul3A_2611 : vector<512x99xf32>
      %add3A_2613 = arith.addf %mul3A_2610, %mul3A_2612 : vector<512x99xf32>
      %mul3A_2614 = vector.broadcast %get3A_413 : f32 to vector<512x99xf32>
      %mul3A_2615 = arith.mulf %slice3A_1553, %mul3A_2614 : vector<512x99xf32>
      %add3A_2616 = arith.addf %add3A_2613, %mul3A_2615 : vector<512x99xf32>
      %mul3A_2617 = vector.broadcast %get3A_541 : f32 to vector<512x99xf32>
      %mul3A_2618 = arith.mulf %slice3A_1554, %mul3A_2617 : vector<512x99xf32>
      %add3A_2619 = arith.addf %add3A_2616, %mul3A_2618 : vector<512x99xf32>
      %mul3A_2620 = vector.broadcast %convert_element_type3A_1568 : vector<512x1xf32> to vector<512x99xf32>
      %mul3A_2621 = arith.mulf %add3A_2619, %mul3A_2620 : vector<512x99xf32>
      %reduce_sum3A_2622 = vector.shape_cast %mul3A_2621 : vector<512x99xf32> to vector<1x512x99xf32>
      %reduce_sum3A_2623 = arith.constant dense<0.000000e+00> : vector<1xf32>
      %reduce_sum3A_2624 = vector.multi_reduction <add>, %reduce_sum3A_2622, %reduce_sum3A_2623 [1, 2] : vector<1x512x99xf32> to vector<1xf32>
      %reduce_sum3A_2625 = vector.shape_cast %reduce_sum3A_2624 : vector<1xf32> to vector<1x1x1xf32>
      %reduce_sum3A_2626 = vector.extract %reduce_sum3A_2625[0, 0, 0] : f32 from vector<1x1x1xf32>
      %add3A_2627 = arith.addf %scan3A_1501, %reduce_sum3A_2626 : f32
      %mul3A_2628 = arith.mulf %mul3A_2621, %mul3A_2621 : vector<512x99xf32>
      %reduce_sum3A_2629 = vector.shape_cast %mul3A_2628 : vector<512x99xf32> to vector<1x512x99xf32>
      %reduce_sum3A_2630 = arith.constant dense<0.000000e+00> : vector<1xf32>
      %reduce_sum3A_2631 = vector.multi_reduction <add>, %reduce_sum3A_2629, %reduce_sum3A_2630 [1, 2] : vector<1x512x99xf32> to vector<1xf32>
      %reduce_sum3A_2632 = vector.shape_cast %reduce_sum3A_2631 : vector<1xf32> to vector<1x1x1xf32>
      %reduce_sum3A_2633 = vector.extract %reduce_sum3A_2632[0, 0, 0] : f32 from vector<1x1x1xf32>
      %add3A_2634 = arith.addf %scan3A_1502, %reduce_sum3A_2633 : f32
      %mul3A_2635 = vector.broadcast %get3A_157 : f32 to vector<512x99xf32>
      %mul3A_2636 = arith.mulf %slice3A_1555, %mul3A_2635 : vector<512x99xf32>
      %mul3A_2637 = vector.broadcast %get3A_285 : f32 to vector<512x99xf32>
      %mul3A_2638 = arith.mulf %slice3A_1556, %mul3A_2637 : vector<512x99xf32>
      %add3A_2639 = arith.addf %mul3A_2636, %mul3A_2638 : vector<512x99xf32>
      %mul3A_2640 = vector.broadcast %get3A_413 : f32 to vector<512x99xf32>
      %mul3A_2641 = arith.mulf %slice3A_1557, %mul3A_2640 : vector<512x99xf32>
      %add3A_2642 = arith.addf %add3A_2639, %mul3A_2641 : vector<512x99xf32>
      %mul3A_2643 = vector.broadcast %get3A_541 : f32 to vector<512x99xf32>
      %mul3A_2644 = arith.mulf %slice3A_1558, %mul3A_2643 : vector<512x99xf32>
      %add3A_2645 = arith.addf %add3A_2642, %mul3A_2644 : vector<512x99xf32>
      %mul3A_2646 = vector.broadcast %convert_element_type3A_1568 : vector<512x1xf32> to vector<512x99xf32>
      %mul3A_2647 = arith.mulf %add3A_2645, %mul3A_2646 : vector<512x99xf32>
      %reduce_sum3A_2648 = vector.shape_cast %mul3A_2647 : vector<512x99xf32> to vector<1x512x99xf32>
      %reduce_sum3A_2649 = arith.constant dense<0.000000e+00> : vector<1xf32>
      %reduce_sum3A_2650 = vector.multi_reduction <add>, %reduce_sum3A_2648, %reduce_sum3A_2649 [1, 2] : vector<1x512x99xf32> to vector<1xf32>
      %reduce_sum3A_2651 = vector.shape_cast %reduce_sum3A_2650 : vector<1xf32> to vector<1x1x1xf32>
      %reduce_sum3A_2652 = vector.extract %reduce_sum3A_2651[0, 0, 0] : f32 from vector<1x1x1xf32>
      %add3A_2653 = arith.addf %add3A_2627, %reduce_sum3A_2652 : f32
      %mul3A_2654 = arith.mulf %mul3A_2647, %mul3A_2647 : vector<512x99xf32>
      %reduce_sum3A_2655 = vector.shape_cast %mul3A_2654 : vector<512x99xf32> to vector<1x512x99xf32>
      %reduce_sum3A_2656 = arith.constant dense<0.000000e+00> : vector<1xf32>
      %reduce_sum3A_2657 = vector.multi_reduction <add>, %reduce_sum3A_2655, %reduce_sum3A_2656 [1, 2] : vector<1x512x99xf32> to vector<1xf32>
      %reduce_sum3A_2658 = vector.shape_cast %reduce_sum3A_2657 : vector<1xf32> to vector<1x1x1xf32>
      %reduce_sum3A_2659 = vector.extract %reduce_sum3A_2658[0, 0, 0] : f32 from vector<1x1x1xf32>
      %add3A_2660 = arith.addf %add3A_2634, %reduce_sum3A_2659 : f32
      %mul3A_2661 = vector.broadcast %get3A_161 : f32 to vector<512x99xf32>
      %mul3A_2662 = arith.mulf %slice3A, %mul3A_2661 : vector<512x99xf32>
      %mul3A_2663 = vector.broadcast %get3A_289 : f32 to vector<512x99xf32>
      %mul3A_2664 = arith.mulf %slice3A_1552, %mul3A_2663 : vector<512x99xf32>
      %add3A_2665 = arith.addf %mul3A_2662, %mul3A_2664 : vector<512x99xf32>
      %mul3A_2666 = vector.broadcast %get3A_417 : f32 to vector<512x99xf32>
      %mul3A_2667 = arith.mulf %slice3A_1553, %mul3A_2666 : vector<512x99xf32>
      %add3A_2668 = arith.addf %add3A_2665, %mul3A_2667 : vector<512x99xf32>
      %mul3A_2669 = vector.broadcast %get3A_545 : f32 to vector<512x99xf32>
      %mul3A_2670 = arith.mulf %slice3A_1554, %mul3A_2669 : vector<512x99xf32>
      %add3A_2671 = arith.addf %add3A_2668, %mul3A_2670 : vector<512x99xf32>
      %mul3A_2672 = vector.broadcast %convert_element_type3A_1568 : vector<512x1xf32> to vector<512x99xf32>
      %mul3A_2673 = arith.mulf %add3A_2671, %mul3A_2672 : vector<512x99xf32>
      %reduce_sum3A_2674 = vector.shape_cast %mul3A_2673 : vector<512x99xf32> to vector<1x512x99xf32>
      %reduce_sum3A_2675 = arith.constant dense<0.000000e+00> : vector<1xf32>
      %reduce_sum3A_2676 = vector.multi_reduction <add>, %reduce_sum3A_2674, %reduce_sum3A_2675 [1, 2] : vector<1x512x99xf32> to vector<1xf32>
      %reduce_sum3A_2677 = vector.shape_cast %reduce_sum3A_2676 : vector<1xf32> to vector<1x1x1xf32>
      %reduce_sum3A_2678 = vector.extract %reduce_sum3A_2677[0, 0, 0] : f32 from vector<1x1x1xf32>
      %add3A_2679 = arith.addf %scan3A_1503, %reduce_sum3A_2678 : f32
      %mul3A_2680 = arith.mulf %mul3A_2673, %mul3A_2673 : vector<512x99xf32>
      %reduce_sum3A_2681 = vector.shape_cast %mul3A_2680 : vector<512x99xf32> to vector<1x512x99xf32>
      %reduce_sum3A_2682 = arith.constant dense<0.000000e+00> : vector<1xf32>
      %reduce_sum3A_2683 = vector.multi_reduction <add>, %reduce_sum3A_2681, %reduce_sum3A_2682 [1, 2] : vector<1x512x99xf32> to vector<1xf32>
      %reduce_sum3A_2684 = vector.shape_cast %reduce_sum3A_2683 : vector<1xf32> to vector<1x1x1xf32>
      %reduce_sum3A_2685 = vector.extract %reduce_sum3A_2684[0, 0, 0] : f32 from vector<1x1x1xf32>
      %add3A_2686 = arith.addf %scan3A_1504, %reduce_sum3A_2685 : f32
      %mul3A_2687 = vector.broadcast %get3A_161 : f32 to vector<512x99xf32>
      %mul3A_2688 = arith.mulf %slice3A_1555, %mul3A_2687 : vector<512x99xf32>
      %mul3A_2689 = vector.broadcast %get3A_289 : f32 to vector<512x99xf32>
      %mul3A_2690 = arith.mulf %slice3A_1556, %mul3A_2689 : vector<512x99xf32>
      %add3A_2691 = arith.addf %mul3A_2688, %mul3A_2690 : vector<512x99xf32>
      %mul3A_2692 = vector.broadcast %get3A_417 : f32 to vector<512x99xf32>
      %mul3A_2693 = arith.mulf %slice3A_1557, %mul3A_2692 : vector<512x99xf32>
      %add3A_2694 = arith.addf %add3A_2691, %mul3A_2693 : vector<512x99xf32>
      %mul3A_2695 = vector.broadcast %get3A_545 : f32 to vector<512x99xf32>
      %mul3A_2696 = arith.mulf %slice3A_1558, %mul3A_2695 : vector<512x99xf32>
      %add3A_2697 = arith.addf %add3A_2694, %mul3A_2696 : vector<512x99xf32>
      %mul3A_2698 = vector.broadcast %convert_element_type3A_1568 : vector<512x1xf32> to vector<512x99xf32>
      %mul3A_2699 = arith.mulf %add3A_2697, %mul3A_2698 : vector<512x99xf32>
      %reduce_sum3A_2700 = vector.shape_cast %mul3A_2699 : vector<512x99xf32> to vector<1x512x99xf32>
      %reduce_sum3A_2701 = arith.constant dense<0.000000e+00> : vector<1xf32>
      %reduce_sum3A_2702 = vector.multi_reduction <add>, %reduce_sum3A_2700, %reduce_sum3A_2701 [1, 2] : vector<1x512x99xf32> to vector<1xf32>
      %reduce_sum3A_2703 = vector.shape_cast %reduce_sum3A_2702 : vector<1xf32> to vector<1x1x1xf32>
      %reduce_sum3A_2704 = vector.extract %reduce_sum3A_2703[0, 0, 0] : f32 from vector<1x1x1xf32>
      %add3A_2705 = arith.addf %add3A_2679, %reduce_sum3A_2704 : f32
      %mul3A_2706 = arith.mulf %mul3A_2699, %mul3A_2699 : vector<512x99xf32>
      %reduce_sum3A_2707 = vector.shape_cast %mul3A_2706 : vector<512x99xf32> to vector<1x512x99xf32>
      %reduce_sum3A_2708 = arith.constant dense<0.000000e+00> : vector<1xf32>
      %reduce_sum3A_2709 = vector.multi_reduction <add>, %reduce_sum3A_2707, %reduce_sum3A_2708 [1, 2] : vector<1x512x99xf32> to vector<1xf32>
      %reduce_sum3A_2710 = vector.shape_cast %reduce_sum3A_2709 : vector<1xf32> to vector<1x1x1xf32>
      %reduce_sum3A_2711 = vector.extract %reduce_sum3A_2710[0, 0, 0] : f32 from vector<1x1x1xf32>
      %add3A_2712 = arith.addf %add3A_2686, %reduce_sum3A_2711 : f32
      %mul3A_2713 = vector.broadcast %get3A_165 : f32 to vector<512x99xf32>
      %mul3A_2714 = arith.mulf %slice3A, %mul3A_2713 : vector<512x99xf32>
      %mul3A_2715 = vector.broadcast %get3A_293 : f32 to vector<512x99xf32>
      %mul3A_2716 = arith.mulf %slice3A_1552, %mul3A_2715 : vector<512x99xf32>
      %add3A_2717 = arith.addf %mul3A_2714, %mul3A_2716 : vector<512x99xf32>
      %mul3A_2718 = vector.broadcast %get3A_421 : f32 to vector<512x99xf32>
      %mul3A_2719 = arith.mulf %slice3A_1553, %mul3A_2718 : vector<512x99xf32>
      %add3A_2720 = arith.addf %add3A_2717, %mul3A_2719 : vector<512x99xf32>
      %mul3A_2721 = vector.broadcast %get3A_549 : f32 to vector<512x99xf32>
      %mul3A_2722 = arith.mulf %slice3A_1554, %mul3A_2721 : vector<512x99xf32>
      %add3A_2723 = arith.addf %add3A_2720, %mul3A_2722 : vector<512x99xf32>
      %mul3A_2724 = vector.broadcast %convert_element_type3A_1568 : vector<512x1xf32> to vector<512x99xf32>
      %mul3A_2725 = arith.mulf %add3A_2723, %mul3A_2724 : vector<512x99xf32>
      %reduce_sum3A_2726 = vector.shape_cast %mul3A_2725 : vector<512x99xf32> to vector<1x512x99xf32>
      %reduce_sum3A_2727 = arith.constant dense<0.000000e+00> : vector<1xf32>
      %reduce_sum3A_2728 = vector.multi_reduction <add>, %reduce_sum3A_2726, %reduce_sum3A_2727 [1, 2] : vector<1x512x99xf32> to vector<1xf32>
      %reduce_sum3A_2729 = vector.shape_cast %reduce_sum3A_2728 : vector<1xf32> to vector<1x1x1xf32>
      %reduce_sum3A_2730 = vector.extract %reduce_sum3A_2729[0, 0, 0] : f32 from vector<1x1x1xf32>
      %add3A_2731 = arith.addf %scan3A_1505, %reduce_sum3A_2730 : f32
      %mul3A_2732 = arith.mulf %mul3A_2725, %mul3A_2725 : vector<512x99xf32>
      %reduce_sum3A_2733 = vector.shape_cast %mul3A_2732 : vector<512x99xf32> to vector<1x512x99xf32>
      %reduce_sum3A_2734 = arith.constant dense<0.000000e+00> : vector<1xf32>
      %reduce_sum3A_2735 = vector.multi_reduction <add>, %reduce_sum3A_2733, %reduce_sum3A_2734 [1, 2] : vector<1x512x99xf32> to vector<1xf32>
      %reduce_sum3A_2736 = vector.shape_cast %reduce_sum3A_2735 : vector<1xf32> to vector<1x1x1xf32>
      %reduce_sum3A_2737 = vector.extract %reduce_sum3A_2736[0, 0, 0] : f32 from vector<1x1x1xf32>
      %add3A_2738 = arith.addf %scan3A_1506, %reduce_sum3A_2737 : f32
      %mul3A_2739 = vector.broadcast %get3A_165 : f32 to vector<512x99xf32>
      %mul3A_2740 = arith.mulf %slice3A_1555, %mul3A_2739 : vector<512x99xf32>
      %mul3A_2741 = vector.broadcast %get3A_293 : f32 to vector<512x99xf32>
      %mul3A_2742 = arith.mulf %slice3A_1556, %mul3A_2741 : vector<512x99xf32>
      %add3A_2743 = arith.addf %mul3A_2740, %mul3A_2742 : vector<512x99xf32>
      %mul3A_2744 = vector.broadcast %get3A_421 : f32 to vector<512x99xf32>
      %mul3A_2745 = arith.mulf %slice3A_1557, %mul3A_2744 : vector<512x99xf32>
      %add3A_2746 = arith.addf %add3A_2743, %mul3A_2745 : vector<512x99xf32>
      %mul3A_2747 = vector.broadcast %get3A_549 : f32 to vector<512x99xf32>
      %mul3A_2748 = arith.mulf %slice3A_1558, %mul3A_2747 : vector<512x99xf32>
      %add3A_2749 = arith.addf %add3A_2746, %mul3A_2748 : vector<512x99xf32>
      %mul3A_2750 = vector.broadcast %convert_element_type3A_1568 : vector<512x1xf32> to vector<512x99xf32>
      %mul3A_2751 = arith.mulf %add3A_2749, %mul3A_2750 : vector<512x99xf32>
      %reduce_sum3A_2752 = vector.shape_cast %mul3A_2751 : vector<512x99xf32> to vector<1x512x99xf32>
      %reduce_sum3A_2753 = arith.constant dense<0.000000e+00> : vector<1xf32>
      %reduce_sum3A_2754 = vector.multi_reduction <add>, %reduce_sum3A_2752, %reduce_sum3A_2753 [1, 2] : vector<1x512x99xf32> to vector<1xf32>
      %reduce_sum3A_2755 = vector.shape_cast %reduce_sum3A_2754 : vector<1xf32> to vector<1x1x1xf32>
      %reduce_sum3A_2756 = vector.extract %reduce_sum3A_2755[0, 0, 0] : f32 from vector<1x1x1xf32>
      %add3A_2757 = arith.addf %add3A_2731, %reduce_sum3A_2756 : f32
      %mul3A_2758 = arith.mulf %mul3A_2751, %mul3A_2751 : vector<512x99xf32>
      %reduce_sum3A_2759 = vector.shape_cast %mul3A_2758 : vector<512x99xf32> to vector<1x512x99xf32>
      %reduce_sum3A_2760 = arith.constant dense<0.000000e+00> : vector<1xf32>
      %reduce_sum3A_2761 = vector.multi_reduction <add>, %reduce_sum3A_2759, %reduce_sum3A_2760 [1, 2] : vector<1x512x99xf32> to vector<1xf32>
      %reduce_sum3A_2762 = vector.shape_cast %reduce_sum3A_2761 : vector<1xf32> to vector<1x1x1xf32>
      %reduce_sum3A_2763 = vector.extract %reduce_sum3A_2762[0, 0, 0] : f32 from vector<1x1x1xf32>
      %add3A_2764 = arith.addf %add3A_2738, %reduce_sum3A_2763 : f32
      %mul3A_2765 = vector.broadcast %get3A_169 : f32 to vector<512x99xf32>
      %mul3A_2766 = arith.mulf %slice3A, %mul3A_2765 : vector<512x99xf32>
      %mul3A_2767 = vector.broadcast %get3A_297 : f32 to vector<512x99xf32>
      %mul3A_2768 = arith.mulf %slice3A_1552, %mul3A_2767 : vector<512x99xf32>
      %add3A_2769 = arith.addf %mul3A_2766, %mul3A_2768 : vector<512x99xf32>
      %mul3A_2770 = vector.broadcast %get3A_425 : f32 to vector<512x99xf32>
      %mul3A_2771 = arith.mulf %slice3A_1553, %mul3A_2770 : vector<512x99xf32>
      %add3A_2772 = arith.addf %add3A_2769, %mul3A_2771 : vector<512x99xf32>
      %mul3A_2773 = vector.broadcast %get3A_553 : f32 to vector<512x99xf32>
      %mul3A_2774 = arith.mulf %slice3A_1554, %mul3A_2773 : vector<512x99xf32>
      %add3A_2775 = arith.addf %add3A_2772, %mul3A_2774 : vector<512x99xf32>
      %mul3A_2776 = vector.broadcast %convert_element_type3A_1568 : vector<512x1xf32> to vector<512x99xf32>
      %mul3A_2777 = arith.mulf %add3A_2775, %mul3A_2776 : vector<512x99xf32>
      %reduce_sum3A_2778 = vector.shape_cast %mul3A_2777 : vector<512x99xf32> to vector<1x512x99xf32>
      %reduce_sum3A_2779 = arith.constant dense<0.000000e+00> : vector<1xf32>
      %reduce_sum3A_2780 = vector.multi_reduction <add>, %reduce_sum3A_2778, %reduce_sum3A_2779 [1, 2] : vector<1x512x99xf32> to vector<1xf32>
      %reduce_sum3A_2781 = vector.shape_cast %reduce_sum3A_2780 : vector<1xf32> to vector<1x1x1xf32>
      %reduce_sum3A_2782 = vector.extract %reduce_sum3A_2781[0, 0, 0] : f32 from vector<1x1x1xf32>
      %add3A_2783 = arith.addf %scan3A_1507, %reduce_sum3A_2782 : f32
      %mul3A_2784 = arith.mulf %mul3A_2777, %mul3A_2777 : vector<512x99xf32>
      %reduce_sum3A_2785 = vector.shape_cast %mul3A_2784 : vector<512x99xf32> to vector<1x512x99xf32>
      %reduce_sum3A_2786 = arith.constant dense<0.000000e+00> : vector<1xf32>
      %reduce_sum3A_2787 = vector.multi_reduction <add>, %reduce_sum3A_2785, %reduce_sum3A_2786 [1, 2] : vector<1x512x99xf32> to vector<1xf32>
      %reduce_sum3A_2788 = vector.shape_cast %reduce_sum3A_2787 : vector<1xf32> to vector<1x1x1xf32>
      %reduce_sum3A_2789 = vector.extract %reduce_sum3A_2788[0, 0, 0] : f32 from vector<1x1x1xf32>
      %add3A_2790 = arith.addf %scan3A_1508, %reduce_sum3A_2789 : f32
      %mul3A_2791 = vector.broadcast %get3A_169 : f32 to vector<512x99xf32>
      %mul3A_2792 = arith.mulf %slice3A_1555, %mul3A_2791 : vector<512x99xf32>
      %mul3A_2793 = vector.broadcast %get3A_297 : f32 to vector<512x99xf32>
      %mul3A_2794 = arith.mulf %slice3A_1556, %mul3A_2793 : vector<512x99xf32>
      %add3A_2795 = arith.addf %mul3A_2792, %mul3A_2794 : vector<512x99xf32>
      %mul3A_2796 = vector.broadcast %get3A_425 : f32 to vector<512x99xf32>
      %mul3A_2797 = arith.mulf %slice3A_1557, %mul3A_2796 : vector<512x99xf32>
      %add3A_2798 = arith.addf %add3A_2795, %mul3A_2797 : vector<512x99xf32>
      %mul3A_2799 = vector.broadcast %get3A_553 : f32 to vector<512x99xf32>
      %mul3A_2800 = arith.mulf %slice3A_1558, %mul3A_2799 : vector<512x99xf32>
      %add3A_2801 = arith.addf %add3A_2798, %mul3A_2800 : vector<512x99xf32>
      %mul3A_2802 = vector.broadcast %convert_element_type3A_1568 : vector<512x1xf32> to vector<512x99xf32>
      %mul3A_2803 = arith.mulf %add3A_2801, %mul3A_2802 : vector<512x99xf32>
      %reduce_sum3A_2804 = vector.shape_cast %mul3A_2803 : vector<512x99xf32> to vector<1x512x99xf32>
      %reduce_sum3A_2805 = arith.constant dense<0.000000e+00> : vector<1xf32>
      %reduce_sum3A_2806 = vector.multi_reduction <add>, %reduce_sum3A_2804, %reduce_sum3A_2805 [1, 2] : vector<1x512x99xf32> to vector<1xf32>
      %reduce_sum3A_2807 = vector.shape_cast %reduce_sum3A_2806 : vector<1xf32> to vector<1x1x1xf32>
      %reduce_sum3A_2808 = vector.extract %reduce_sum3A_2807[0, 0, 0] : f32 from vector<1x1x1xf32>
      %add3A_2809 = arith.addf %add3A_2783, %reduce_sum3A_2808 : f32
      %mul3A_2810 = arith.mulf %mul3A_2803, %mul3A_2803 : vector<512x99xf32>
      %reduce_sum3A_2811 = vector.shape_cast %mul3A_2810 : vector<512x99xf32> to vector<1x512x99xf32>
      %reduce_sum3A_2812 = arith.constant dense<0.000000e+00> : vector<1xf32>
      %reduce_sum3A_2813 = vector.multi_reduction <add>, %reduce_sum3A_2811, %reduce_sum3A_2812 [1, 2] : vector<1x512x99xf32> to vector<1xf32>
      %reduce_sum3A_2814 = vector.shape_cast %reduce_sum3A_2813 : vector<1xf32> to vector<1x1x1xf32>
      %reduce_sum3A_2815 = vector.extract %reduce_sum3A_2814[0, 0, 0] : f32 from vector<1x1x1xf32>
      %add3A_2816 = arith.addf %add3A_2790, %reduce_sum3A_2815 : f32
      %mul3A_2817 = vector.broadcast %get3A_173 : f32 to vector<512x99xf32>
      %mul3A_2818 = arith.mulf %slice3A, %mul3A_2817 : vector<512x99xf32>
      %mul3A_2819 = vector.broadcast %get3A_301 : f32 to vector<512x99xf32>
      %mul3A_2820 = arith.mulf %slice3A_1552, %mul3A_2819 : vector<512x99xf32>
      %add3A_2821 = arith.addf %mul3A_2818, %mul3A_2820 : vector<512x99xf32>
      %mul3A_2822 = vector.broadcast %get3A_429 : f32 to vector<512x99xf32>
      %mul3A_2823 = arith.mulf %slice3A_1553, %mul3A_2822 : vector<512x99xf32>
      %add3A_2824 = arith.addf %add3A_2821, %mul3A_2823 : vector<512x99xf32>
      %mul3A_2825 = vector.broadcast %get3A_557 : f32 to vector<512x99xf32>
      %mul3A_2826 = arith.mulf %slice3A_1554, %mul3A_2825 : vector<512x99xf32>
      %add3A_2827 = arith.addf %add3A_2824, %mul3A_2826 : vector<512x99xf32>
      %mul3A_2828 = vector.broadcast %convert_element_type3A_1568 : vector<512x1xf32> to vector<512x99xf32>
      %mul3A_2829 = arith.mulf %add3A_2827, %mul3A_2828 : vector<512x99xf32>
      %reduce_sum3A_2830 = vector.shape_cast %mul3A_2829 : vector<512x99xf32> to vector<1x512x99xf32>
      %reduce_sum3A_2831 = arith.constant dense<0.000000e+00> : vector<1xf32>
      %reduce_sum3A_2832 = vector.multi_reduction <add>, %reduce_sum3A_2830, %reduce_sum3A_2831 [1, 2] : vector<1x512x99xf32> to vector<1xf32>
      %reduce_sum3A_2833 = vector.shape_cast %reduce_sum3A_2832 : vector<1xf32> to vector<1x1x1xf32>
      %reduce_sum3A_2834 = vector.extract %reduce_sum3A_2833[0, 0, 0] : f32 from vector<1x1x1xf32>
      %add3A_2835 = arith.addf %scan3A_1509, %reduce_sum3A_2834 : f32
      %mul3A_2836 = arith.mulf %mul3A_2829, %mul3A_2829 : vector<512x99xf32>
      %reduce_sum3A_2837 = vector.shape_cast %mul3A_2836 : vector<512x99xf32> to vector<1x512x99xf32>
      %reduce_sum3A_2838 = arith.constant dense<0.000000e+00> : vector<1xf32>
      %reduce_sum3A_2839 = vector.multi_reduction <add>, %reduce_sum3A_2837, %reduce_sum3A_2838 [1, 2] : vector<1x512x99xf32> to vector<1xf32>
      %reduce_sum3A_2840 = vector.shape_cast %reduce_sum3A_2839 : vector<1xf32> to vector<1x1x1xf32>
      %reduce_sum3A_2841 = vector.extract %reduce_sum3A_2840[0, 0, 0] : f32 from vector<1x1x1xf32>
      %add3A_2842 = arith.addf %scan3A_1510, %reduce_sum3A_2841 : f32
      %mul3A_2843 = vector.broadcast %get3A_173 : f32 to vector<512x99xf32>
      %mul3A_2844 = arith.mulf %slice3A_1555, %mul3A_2843 : vector<512x99xf32>
      %mul3A_2845 = vector.broadcast %get3A_301 : f32 to vector<512x99xf32>
      %mul3A_2846 = arith.mulf %slice3A_1556, %mul3A_2845 : vector<512x99xf32>
      %add3A_2847 = arith.addf %mul3A_2844, %mul3A_2846 : vector<512x99xf32>
      %mul3A_2848 = vector.broadcast %get3A_429 : f32 to vector<512x99xf32>
      %mul3A_2849 = arith.mulf %slice3A_1557, %mul3A_2848 : vector<512x99xf32>
      %add3A_2850 = arith.addf %add3A_2847, %mul3A_2849 : vector<512x99xf32>
      %mul3A_2851 = vector.broadcast %get3A_557 : f32 to vector<512x99xf32>
      %mul3A_2852 = arith.mulf %slice3A_1558, %mul3A_2851 : vector<512x99xf32>
      %add3A_2853 = arith.addf %add3A_2850, %mul3A_2852 : vector<512x99xf32>
      %mul3A_2854 = vector.broadcast %convert_element_type3A_1568 : vector<512x1xf32> to vector<512x99xf32>
      %mul3A_2855 = arith.mulf %add3A_2853, %mul3A_2854 : vector<512x99xf32>
      %reduce_sum3A_2856 = vector.shape_cast %mul3A_2855 : vector<512x99xf32> to vector<1x512x99xf32>
      %reduce_sum3A_2857 = arith.constant dense<0.000000e+00> : vector<1xf32>
      %reduce_sum3A_2858 = vector.multi_reduction <add>, %reduce_sum3A_2856, %reduce_sum3A_2857 [1, 2] : vector<1x512x99xf32> to vector<1xf32>
      %reduce_sum3A_2859 = vector.shape_cast %reduce_sum3A_2858 : vector<1xf32> to vector<1x1x1xf32>
      %reduce_sum3A_2860 = vector.extract %reduce_sum3A_2859[0, 0, 0] : f32 from vector<1x1x1xf32>
      %add3A_2861 = arith.addf %add3A_2835, %reduce_sum3A_2860 : f32
      %mul3A_2862 = arith.mulf %mul3A_2855, %mul3A_2855 : vector<512x99xf32>
      %reduce_sum3A_2863 = vector.shape_cast %mul3A_2862 : vector<512x99xf32> to vector<1x512x99xf32>
      %reduce_sum3A_2864 = arith.constant dense<0.000000e+00> : vector<1xf32>
      %reduce_sum3A_2865 = vector.multi_reduction <add>, %reduce_sum3A_2863, %reduce_sum3A_2864 [1, 2] : vector<1x512x99xf32> to vector<1xf32>
      %reduce_sum3A_2866 = vector.shape_cast %reduce_sum3A_2865 : vector<1xf32> to vector<1x1x1xf32>
      %reduce_sum3A_2867 = vector.extract %reduce_sum3A_2866[0, 0, 0] : f32 from vector<1x1x1xf32>
      %add3A_2868 = arith.addf %add3A_2842, %reduce_sum3A_2867 : f32
      %mul3A_2869 = vector.broadcast %get3A_177 : f32 to vector<512x99xf32>
      %mul3A_2870 = arith.mulf %slice3A, %mul3A_2869 : vector<512x99xf32>
      %mul3A_2871 = vector.broadcast %get3A_305 : f32 to vector<512x99xf32>
      %mul3A_2872 = arith.mulf %slice3A_1552, %mul3A_2871 : vector<512x99xf32>
      %add3A_2873 = arith.addf %mul3A_2870, %mul3A_2872 : vector<512x99xf32>
      %mul3A_2874 = vector.broadcast %get3A_433 : f32 to vector<512x99xf32>
      %mul3A_2875 = arith.mulf %slice3A_1553, %mul3A_2874 : vector<512x99xf32>
      %add3A_2876 = arith.addf %add3A_2873, %mul3A_2875 : vector<512x99xf32>
      %mul3A_2877 = vector.broadcast %get3A_561 : f32 to vector<512x99xf32>
      %mul3A_2878 = arith.mulf %slice3A_1554, %mul3A_2877 : vector<512x99xf32>
      %add3A_2879 = arith.addf %add3A_2876, %mul3A_2878 : vector<512x99xf32>
      %mul3A_2880 = vector.broadcast %convert_element_type3A_1568 : vector<512x1xf32> to vector<512x99xf32>
      %mul3A_2881 = arith.mulf %add3A_2879, %mul3A_2880 : vector<512x99xf32>
      %reduce_sum3A_2882 = vector.shape_cast %mul3A_2881 : vector<512x99xf32> to vector<1x512x99xf32>
      %reduce_sum3A_2883 = arith.constant dense<0.000000e+00> : vector<1xf32>
      %reduce_sum3A_2884 = vector.multi_reduction <add>, %reduce_sum3A_2882, %reduce_sum3A_2883 [1, 2] : vector<1x512x99xf32> to vector<1xf32>
      %reduce_sum3A_2885 = vector.shape_cast %reduce_sum3A_2884 : vector<1xf32> to vector<1x1x1xf32>
      %reduce_sum3A_2886 = vector.extract %reduce_sum3A_2885[0, 0, 0] : f32 from vector<1x1x1xf32>
      %add3A_2887 = arith.addf %scan3A_1511, %reduce_sum3A_2886 : f32
      %mul3A_2888 = arith.mulf %mul3A_2881, %mul3A_2881 : vector<512x99xf32>
      %reduce_sum3A_2889 = vector.shape_cast %mul3A_2888 : vector<512x99xf32> to vector<1x512x99xf32>
      %reduce_sum3A_2890 = arith.constant dense<0.000000e+00> : vector<1xf32>
      %reduce_sum3A_2891 = vector.multi_reduction <add>, %reduce_sum3A_2889, %reduce_sum3A_2890 [1, 2] : vector<1x512x99xf32> to vector<1xf32>
      %reduce_sum3A_2892 = vector.shape_cast %reduce_sum3A_2891 : vector<1xf32> to vector<1x1x1xf32>
      %reduce_sum3A_2893 = vector.extract %reduce_sum3A_2892[0, 0, 0] : f32 from vector<1x1x1xf32>
      %add3A_2894 = arith.addf %scan3A_1512, %reduce_sum3A_2893 : f32
      %mul3A_2895 = vector.broadcast %get3A_177 : f32 to vector<512x99xf32>
      %mul3A_2896 = arith.mulf %slice3A_1555, %mul3A_2895 : vector<512x99xf32>
      %mul3A_2897 = vector.broadcast %get3A_305 : f32 to vector<512x99xf32>
      %mul3A_2898 = arith.mulf %slice3A_1556, %mul3A_2897 : vector<512x99xf32>
      %add3A_2899 = arith.addf %mul3A_2896, %mul3A_2898 : vector<512x99xf32>
      %mul3A_2900 = vector.broadcast %get3A_433 : f32 to vector<512x99xf32>
      %mul3A_2901 = arith.mulf %slice3A_1557, %mul3A_2900 : vector<512x99xf32>
      %add3A_2902 = arith.addf %add3A_2899, %mul3A_2901 : vector<512x99xf32>
      %mul3A_2903 = vector.broadcast %get3A_561 : f32 to vector<512x99xf32>
      %mul3A_2904 = arith.mulf %slice3A_1558, %mul3A_2903 : vector<512x99xf32>
      %add3A_2905 = arith.addf %add3A_2902, %mul3A_2904 : vector<512x99xf32>
      %mul3A_2906 = vector.broadcast %convert_element_type3A_1568 : vector<512x1xf32> to vector<512x99xf32>
      %mul3A_2907 = arith.mulf %add3A_2905, %mul3A_2906 : vector<512x99xf32>
      %reduce_sum3A_2908 = vector.shape_cast %mul3A_2907 : vector<512x99xf32> to vector<1x512x99xf32>
      %reduce_sum3A_2909 = arith.constant dense<0.000000e+00> : vector<1xf32>
      %reduce_sum3A_2910 = vector.multi_reduction <add>, %reduce_sum3A_2908, %reduce_sum3A_2909 [1, 2] : vector<1x512x99xf32> to vector<1xf32>
      %reduce_sum3A_2911 = vector.shape_cast %reduce_sum3A_2910 : vector<1xf32> to vector<1x1x1xf32>
      %reduce_sum3A_2912 = vector.extract %reduce_sum3A_2911[0, 0, 0] : f32 from vector<1x1x1xf32>
      %add3A_2913 = arith.addf %add3A_2887, %reduce_sum3A_2912 : f32
      %mul3A_2914 = arith.mulf %mul3A_2907, %mul3A_2907 : vector<512x99xf32>
      %reduce_sum3A_2915 = vector.shape_cast %mul3A_2914 : vector<512x99xf32> to vector<1x512x99xf32>
      %reduce_sum3A_2916 = arith.constant dense<0.000000e+00> : vector<1xf32>
      %reduce_sum3A_2917 = vector.multi_reduction <add>, %reduce_sum3A_2915, %reduce_sum3A_2916 [1, 2] : vector<1x512x99xf32> to vector<1xf32>
      %reduce_sum3A_2918 = vector.shape_cast %reduce_sum3A_2917 : vector<1xf32> to vector<1x1x1xf32>
      %reduce_sum3A_2919 = vector.extract %reduce_sum3A_2918[0, 0, 0] : f32 from vector<1x1x1xf32>
      %add3A_2920 = arith.addf %add3A_2894, %reduce_sum3A_2919 : f32
      %mul3A_2921 = vector.broadcast %get3A_181 : f32 to vector<512x99xf32>
      %mul3A_2922 = arith.mulf %slice3A, %mul3A_2921 : vector<512x99xf32>
      %mul3A_2923 = vector.broadcast %get3A_309 : f32 to vector<512x99xf32>
      %mul3A_2924 = arith.mulf %slice3A_1552, %mul3A_2923 : vector<512x99xf32>
      %add3A_2925 = arith.addf %mul3A_2922, %mul3A_2924 : vector<512x99xf32>
      %mul3A_2926 = vector.broadcast %get3A_437 : f32 to vector<512x99xf32>
      %mul3A_2927 = arith.mulf %slice3A_1553, %mul3A_2926 : vector<512x99xf32>
      %add3A_2928 = arith.addf %add3A_2925, %mul3A_2927 : vector<512x99xf32>
      %mul3A_2929 = vector.broadcast %get3A_565 : f32 to vector<512x99xf32>
      %mul3A_2930 = arith.mulf %slice3A_1554, %mul3A_2929 : vector<512x99xf32>
      %add3A_2931 = arith.addf %add3A_2928, %mul3A_2930 : vector<512x99xf32>
      %mul3A_2932 = vector.broadcast %convert_element_type3A_1568 : vector<512x1xf32> to vector<512x99xf32>
      %mul3A_2933 = arith.mulf %add3A_2931, %mul3A_2932 : vector<512x99xf32>
      %reduce_sum3A_2934 = vector.shape_cast %mul3A_2933 : vector<512x99xf32> to vector<1x512x99xf32>
      %reduce_sum3A_2935 = arith.constant dense<0.000000e+00> : vector<1xf32>
      %reduce_sum3A_2936 = vector.multi_reduction <add>, %reduce_sum3A_2934, %reduce_sum3A_2935 [1, 2] : vector<1x512x99xf32> to vector<1xf32>
      %reduce_sum3A_2937 = vector.shape_cast %reduce_sum3A_2936 : vector<1xf32> to vector<1x1x1xf32>
      %reduce_sum3A_2938 = vector.extract %reduce_sum3A_2937[0, 0, 0] : f32 from vector<1x1x1xf32>
      %add3A_2939 = arith.addf %scan3A_1513, %reduce_sum3A_2938 : f32
      %mul3A_2940 = arith.mulf %mul3A_2933, %mul3A_2933 : vector<512x99xf32>
      %reduce_sum3A_2941 = vector.shape_cast %mul3A_2940 : vector<512x99xf32> to vector<1x512x99xf32>
      %reduce_sum3A_2942 = arith.constant dense<0.000000e+00> : vector<1xf32>
      %reduce_sum3A_2943 = vector.multi_reduction <add>, %reduce_sum3A_2941, %reduce_sum3A_2942 [1, 2] : vector<1x512x99xf32> to vector<1xf32>
      %reduce_sum3A_2944 = vector.shape_cast %reduce_sum3A_2943 : vector<1xf32> to vector<1x1x1xf32>
      %reduce_sum3A_2945 = vector.extract %reduce_sum3A_2944[0, 0, 0] : f32 from vector<1x1x1xf32>
      %add3A_2946 = arith.addf %scan3A_1514, %reduce_sum3A_2945 : f32
      %mul3A_2947 = vector.broadcast %get3A_181 : f32 to vector<512x99xf32>
      %mul3A_2948 = arith.mulf %slice3A_1555, %mul3A_2947 : vector<512x99xf32>
      %mul3A_2949 = vector.broadcast %get3A_309 : f32 to vector<512x99xf32>
      %mul3A_2950 = arith.mulf %slice3A_1556, %mul3A_2949 : vector<512x99xf32>
      %add3A_2951 = arith.addf %mul3A_2948, %mul3A_2950 : vector<512x99xf32>
      %mul3A_2952 = vector.broadcast %get3A_437 : f32 to vector<512x99xf32>
      %mul3A_2953 = arith.mulf %slice3A_1557, %mul3A_2952 : vector<512x99xf32>
      %add3A_2954 = arith.addf %add3A_2951, %mul3A_2953 : vector<512x99xf32>
      %mul3A_2955 = vector.broadcast %get3A_565 : f32 to vector<512x99xf32>
      %mul3A_2956 = arith.mulf %slice3A_1558, %mul3A_2955 : vector<512x99xf32>
      %add3A_2957 = arith.addf %add3A_2954, %mul3A_2956 : vector<512x99xf32>
      %mul3A_2958 = vector.broadcast %convert_element_type3A_1568 : vector<512x1xf32> to vector<512x99xf32>
      %mul3A_2959 = arith.mulf %add3A_2957, %mul3A_2958 : vector<512x99xf32>
      %reduce_sum3A_2960 = vector.shape_cast %mul3A_2959 : vector<512x99xf32> to vector<1x512x99xf32>
      %reduce_sum3A_2961 = arith.constant dense<0.000000e+00> : vector<1xf32>
      %reduce_sum3A_2962 = vector.multi_reduction <add>, %reduce_sum3A_2960, %reduce_sum3A_2961 [1, 2] : vector<1x512x99xf32> to vector<1xf32>
      %reduce_sum3A_2963 = vector.shape_cast %reduce_sum3A_2962 : vector<1xf32> to vector<1x1x1xf32>
      %reduce_sum3A_2964 = vector.extract %reduce_sum3A_2963[0, 0, 0] : f32 from vector<1x1x1xf32>
      %add3A_2965 = arith.addf %add3A_2939, %reduce_sum3A_2964 : f32
      %mul3A_2966 = arith.mulf %mul3A_2959, %mul3A_2959 : vector<512x99xf32>
      %reduce_sum3A_2967 = vector.shape_cast %mul3A_2966 : vector<512x99xf32> to vector<1x512x99xf32>
      %reduce_sum3A_2968 = arith.constant dense<0.000000e+00> : vector<1xf32>
      %reduce_sum3A_2969 = vector.multi_reduction <add>, %reduce_sum3A_2967, %reduce_sum3A_2968 [1, 2] : vector<1x512x99xf32> to vector<1xf32>
      %reduce_sum3A_2970 = vector.shape_cast %reduce_sum3A_2969 : vector<1xf32> to vector<1x1x1xf32>
      %reduce_sum3A_2971 = vector.extract %reduce_sum3A_2970[0, 0, 0] : f32 from vector<1x1x1xf32>
      %add3A_2972 = arith.addf %add3A_2946, %reduce_sum3A_2971 : f32
      %mul3A_2973 = vector.broadcast %get3A_185 : f32 to vector<512x99xf32>
      %mul3A_2974 = arith.mulf %slice3A, %mul3A_2973 : vector<512x99xf32>
      %mul3A_2975 = vector.broadcast %get3A_313 : f32 to vector<512x99xf32>
      %mul3A_2976 = arith.mulf %slice3A_1552, %mul3A_2975 : vector<512x99xf32>
      %add3A_2977 = arith.addf %mul3A_2974, %mul3A_2976 : vector<512x99xf32>
      %mul3A_2978 = vector.broadcast %get3A_441 : f32 to vector<512x99xf32>
      %mul3A_2979 = arith.mulf %slice3A_1553, %mul3A_2978 : vector<512x99xf32>
      %add3A_2980 = arith.addf %add3A_2977, %mul3A_2979 : vector<512x99xf32>
      %mul3A_2981 = vector.broadcast %get3A_569 : f32 to vector<512x99xf32>
      %mul3A_2982 = arith.mulf %slice3A_1554, %mul3A_2981 : vector<512x99xf32>
      %add3A_2983 = arith.addf %add3A_2980, %mul3A_2982 : vector<512x99xf32>
      %mul3A_2984 = vector.broadcast %convert_element_type3A_1568 : vector<512x1xf32> to vector<512x99xf32>
      %mul3A_2985 = arith.mulf %add3A_2983, %mul3A_2984 : vector<512x99xf32>
      %reduce_sum3A_2986 = vector.shape_cast %mul3A_2985 : vector<512x99xf32> to vector<1x512x99xf32>
      %reduce_sum3A_2987 = arith.constant dense<0.000000e+00> : vector<1xf32>
      %reduce_sum3A_2988 = vector.multi_reduction <add>, %reduce_sum3A_2986, %reduce_sum3A_2987 [1, 2] : vector<1x512x99xf32> to vector<1xf32>
      %reduce_sum3A_2989 = vector.shape_cast %reduce_sum3A_2988 : vector<1xf32> to vector<1x1x1xf32>
      %reduce_sum3A_2990 = vector.extract %reduce_sum3A_2989[0, 0, 0] : f32 from vector<1x1x1xf32>
      %add3A_2991 = arith.addf %scan3A_1515, %reduce_sum3A_2990 : f32
      %mul3A_2992 = arith.mulf %mul3A_2985, %mul3A_2985 : vector<512x99xf32>
      %reduce_sum3A_2993 = vector.shape_cast %mul3A_2992 : vector<512x99xf32> to vector<1x512x99xf32>
      %reduce_sum3A_2994 = arith.constant dense<0.000000e+00> : vector<1xf32>
      %reduce_sum3A_2995 = vector.multi_reduction <add>, %reduce_sum3A_2993, %reduce_sum3A_2994 [1, 2] : vector<1x512x99xf32> to vector<1xf32>
      %reduce_sum3A_2996 = vector.shape_cast %reduce_sum3A_2995 : vector<1xf32> to vector<1x1x1xf32>
      %reduce_sum3A_2997 = vector.extract %reduce_sum3A_2996[0, 0, 0] : f32 from vector<1x1x1xf32>
      %add3A_2998 = arith.addf %scan3A_1516, %reduce_sum3A_2997 : f32
      %mul3A_2999 = vector.broadcast %get3A_185 : f32 to vector<512x99xf32>
      %mul3A_3000 = arith.mulf %slice3A_1555, %mul3A_2999 : vector<512x99xf32>
      %mul3A_3001 = vector.broadcast %get3A_313 : f32 to vector<512x99xf32>
      %mul3A_3002 = arith.mulf %slice3A_1556, %mul3A_3001 : vector<512x99xf32>
      %add3A_3003 = arith.addf %mul3A_3000, %mul3A_3002 : vector<512x99xf32>
      %mul3A_3004 = vector.broadcast %get3A_441 : f32 to vector<512x99xf32>
      %mul3A_3005 = arith.mulf %slice3A_1557, %mul3A_3004 : vector<512x99xf32>
      %add3A_3006 = arith.addf %add3A_3003, %mul3A_3005 : vector<512x99xf32>
      %mul3A_3007 = vector.broadcast %get3A_569 : f32 to vector<512x99xf32>
      %mul3A_3008 = arith.mulf %slice3A_1558, %mul3A_3007 : vector<512x99xf32>
      %add3A_3009 = arith.addf %add3A_3006, %mul3A_3008 : vector<512x99xf32>
      %mul3A_3010 = vector.broadcast %convert_element_type3A_1568 : vector<512x1xf32> to vector<512x99xf32>
      %mul3A_3011 = arith.mulf %add3A_3009, %mul3A_3010 : vector<512x99xf32>
      %reduce_sum3A_3012 = vector.shape_cast %mul3A_3011 : vector<512x99xf32> to vector<1x512x99xf32>
      %reduce_sum3A_3013 = arith.constant dense<0.000000e+00> : vector<1xf32>
      %reduce_sum3A_3014 = vector.multi_reduction <add>, %reduce_sum3A_3012, %reduce_sum3A_3013 [1, 2] : vector<1x512x99xf32> to vector<1xf32>
      %reduce_sum3A_3015 = vector.shape_cast %reduce_sum3A_3014 : vector<1xf32> to vector<1x1x1xf32>
      %reduce_sum3A_3016 = vector.extract %reduce_sum3A_3015[0, 0, 0] : f32 from vector<1x1x1xf32>
      %add3A_3017 = arith.addf %add3A_2991, %reduce_sum3A_3016 : f32
      %mul3A_3018 = arith.mulf %mul3A_3011, %mul3A_3011 : vector<512x99xf32>
      %reduce_sum3A_3019 = vector.shape_cast %mul3A_3018 : vector<512x99xf32> to vector<1x512x99xf32>
      %reduce_sum3A_3020 = arith.constant dense<0.000000e+00> : vector<1xf32>
      %reduce_sum3A_3021 = vector.multi_reduction <add>, %reduce_sum3A_3019, %reduce_sum3A_3020 [1, 2] : vector<1x512x99xf32> to vector<1xf32>
      %reduce_sum3A_3022 = vector.shape_cast %reduce_sum3A_3021 : vector<1xf32> to vector<1x1x1xf32>
      %reduce_sum3A_3023 = vector.extract %reduce_sum3A_3022[0, 0, 0] : f32 from vector<1x1x1xf32>
      %add3A_3024 = arith.addf %add3A_2998, %reduce_sum3A_3023 : f32
      %mul3A_3025 = vector.broadcast %get3A_189 : f32 to vector<512x99xf32>
      %mul3A_3026 = arith.mulf %slice3A, %mul3A_3025 : vector<512x99xf32>
      %mul3A_3027 = vector.broadcast %get3A_317 : f32 to vector<512x99xf32>
      %mul3A_3028 = arith.mulf %slice3A_1552, %mul3A_3027 : vector<512x99xf32>
      %add3A_3029 = arith.addf %mul3A_3026, %mul3A_3028 : vector<512x99xf32>
      %mul3A_3030 = vector.broadcast %get3A_445 : f32 to vector<512x99xf32>
      %mul3A_3031 = arith.mulf %slice3A_1553, %mul3A_3030 : vector<512x99xf32>
      %add3A_3032 = arith.addf %add3A_3029, %mul3A_3031 : vector<512x99xf32>
      %mul3A_3033 = vector.broadcast %get3A_573 : f32 to vector<512x99xf32>
      %mul3A_3034 = arith.mulf %slice3A_1554, %mul3A_3033 : vector<512x99xf32>
      %add3A_3035 = arith.addf %add3A_3032, %mul3A_3034 : vector<512x99xf32>
      %mul3A_3036 = vector.broadcast %convert_element_type3A_1568 : vector<512x1xf32> to vector<512x99xf32>
      %mul3A_3037 = arith.mulf %add3A_3035, %mul3A_3036 : vector<512x99xf32>
      %reduce_sum3A_3038 = vector.shape_cast %mul3A_3037 : vector<512x99xf32> to vector<1x512x99xf32>
      %reduce_sum3A_3039 = arith.constant dense<0.000000e+00> : vector<1xf32>
      %reduce_sum3A_3040 = vector.multi_reduction <add>, %reduce_sum3A_3038, %reduce_sum3A_3039 [1, 2] : vector<1x512x99xf32> to vector<1xf32>
      %reduce_sum3A_3041 = vector.shape_cast %reduce_sum3A_3040 : vector<1xf32> to vector<1x1x1xf32>
      %reduce_sum3A_3042 = vector.extract %reduce_sum3A_3041[0, 0, 0] : f32 from vector<1x1x1xf32>
      %add3A_3043 = arith.addf %scan3A_1517, %reduce_sum3A_3042 : f32
      %mul3A_3044 = arith.mulf %mul3A_3037, %mul3A_3037 : vector<512x99xf32>
      %reduce_sum3A_3045 = vector.shape_cast %mul3A_3044 : vector<512x99xf32> to vector<1x512x99xf32>
      %reduce_sum3A_3046 = arith.constant dense<0.000000e+00> : vector<1xf32>
      %reduce_sum3A_3047 = vector.multi_reduction <add>, %reduce_sum3A_3045, %reduce_sum3A_3046 [1, 2] : vector<1x512x99xf32> to vector<1xf32>
      %reduce_sum3A_3048 = vector.shape_cast %reduce_sum3A_3047 : vector<1xf32> to vector<1x1x1xf32>
      %reduce_sum3A_3049 = vector.extract %reduce_sum3A_3048[0, 0, 0] : f32 from vector<1x1x1xf32>
      %add3A_3050 = arith.addf %scan3A_1518, %reduce_sum3A_3049 : f32
      %mul3A_3051 = vector.broadcast %get3A_189 : f32 to vector<512x99xf32>
      %mul3A_3052 = arith.mulf %slice3A_1555, %mul3A_3051 : vector<512x99xf32>
      %mul3A_3053 = vector.broadcast %get3A_317 : f32 to vector<512x99xf32>
      %mul3A_3054 = arith.mulf %slice3A_1556, %mul3A_3053 : vector<512x99xf32>
      %add3A_3055 = arith.addf %mul3A_3052, %mul3A_3054 : vector<512x99xf32>
      %mul3A_3056 = vector.broadcast %get3A_445 : f32 to vector<512x99xf32>
      %mul3A_3057 = arith.mulf %slice3A_1557, %mul3A_3056 : vector<512x99xf32>
      %add3A_3058 = arith.addf %add3A_3055, %mul3A_3057 : vector<512x99xf32>
      %mul3A_3059 = vector.broadcast %get3A_573 : f32 to vector<512x99xf32>
      %mul3A_3060 = arith.mulf %slice3A_1558, %mul3A_3059 : vector<512x99xf32>
      %add3A_3061 = arith.addf %add3A_3058, %mul3A_3060 : vector<512x99xf32>
      %mul3A_3062 = vector.broadcast %convert_element_type3A_1568 : vector<512x1xf32> to vector<512x99xf32>
      %mul3A_3063 = arith.mulf %add3A_3061, %mul3A_3062 : vector<512x99xf32>
      %reduce_sum3A_3064 = vector.shape_cast %mul3A_3063 : vector<512x99xf32> to vector<1x512x99xf32>
      %reduce_sum3A_3065 = arith.constant dense<0.000000e+00> : vector<1xf32>
      %reduce_sum3A_3066 = vector.multi_reduction <add>, %reduce_sum3A_3064, %reduce_sum3A_3065 [1, 2] : vector<1x512x99xf32> to vector<1xf32>
      %reduce_sum3A_3067 = vector.shape_cast %reduce_sum3A_3066 : vector<1xf32> to vector<1x1x1xf32>
      %reduce_sum3A_3068 = vector.extract %reduce_sum3A_3067[0, 0, 0] : f32 from vector<1x1x1xf32>
      %add3A_3069 = arith.addf %add3A_3043, %reduce_sum3A_3068 : f32
      %mul3A_3070 = arith.mulf %mul3A_3063, %mul3A_3063 : vector<512x99xf32>
      %reduce_sum3A_3071 = vector.shape_cast %mul3A_3070 : vector<512x99xf32> to vector<1x512x99xf32>
      %reduce_sum3A_3072 = arith.constant dense<0.000000e+00> : vector<1xf32>
      %reduce_sum3A_3073 = vector.multi_reduction <add>, %reduce_sum3A_3071, %reduce_sum3A_3072 [1, 2] : vector<1x512x99xf32> to vector<1xf32>
      %reduce_sum3A_3074 = vector.shape_cast %reduce_sum3A_3073 : vector<1xf32> to vector<1x1x1xf32>
      %reduce_sum3A_3075 = vector.extract %reduce_sum3A_3074[0, 0, 0] : f32 from vector<1x1x1xf32>
      %add3A_3076 = arith.addf %add3A_3050, %reduce_sum3A_3075 : f32
      %mul3A_3077 = vector.broadcast %get3A_193 : f32 to vector<512x99xf32>
      %mul3A_3078 = arith.mulf %slice3A, %mul3A_3077 : vector<512x99xf32>
      %mul3A_3079 = vector.broadcast %get3A_321 : f32 to vector<512x99xf32>
      %mul3A_3080 = arith.mulf %slice3A_1552, %mul3A_3079 : vector<512x99xf32>
      %add3A_3081 = arith.addf %mul3A_3078, %mul3A_3080 : vector<512x99xf32>
      %mul3A_3082 = vector.broadcast %get3A_449 : f32 to vector<512x99xf32>
      %mul3A_3083 = arith.mulf %slice3A_1553, %mul3A_3082 : vector<512x99xf32>
      %add3A_3084 = arith.addf %add3A_3081, %mul3A_3083 : vector<512x99xf32>
      %mul3A_3085 = vector.broadcast %get3A_577 : f32 to vector<512x99xf32>
      %mul3A_3086 = arith.mulf %slice3A_1554, %mul3A_3085 : vector<512x99xf32>
      %add3A_3087 = arith.addf %add3A_3084, %mul3A_3086 : vector<512x99xf32>
      %mul3A_3088 = vector.broadcast %convert_element_type3A_1568 : vector<512x1xf32> to vector<512x99xf32>
      %mul3A_3089 = arith.mulf %add3A_3087, %mul3A_3088 : vector<512x99xf32>
      %reduce_sum3A_3090 = vector.shape_cast %mul3A_3089 : vector<512x99xf32> to vector<1x512x99xf32>
      %reduce_sum3A_3091 = arith.constant dense<0.000000e+00> : vector<1xf32>
      %reduce_sum3A_3092 = vector.multi_reduction <add>, %reduce_sum3A_3090, %reduce_sum3A_3091 [1, 2] : vector<1x512x99xf32> to vector<1xf32>
      %reduce_sum3A_3093 = vector.shape_cast %reduce_sum3A_3092 : vector<1xf32> to vector<1x1x1xf32>
      %reduce_sum3A_3094 = vector.extract %reduce_sum3A_3093[0, 0, 0] : f32 from vector<1x1x1xf32>
      %add3A_3095 = arith.addf %scan3A_1519, %reduce_sum3A_3094 : f32
      %mul3A_3096 = arith.mulf %mul3A_3089, %mul3A_3089 : vector<512x99xf32>
      %reduce_sum3A_3097 = vector.shape_cast %mul3A_3096 : vector<512x99xf32> to vector<1x512x99xf32>
      %reduce_sum3A_3098 = arith.constant dense<0.000000e+00> : vector<1xf32>
      %reduce_sum3A_3099 = vector.multi_reduction <add>, %reduce_sum3A_3097, %reduce_sum3A_3098 [1, 2] : vector<1x512x99xf32> to vector<1xf32>
      %reduce_sum3A_3100 = vector.shape_cast %reduce_sum3A_3099 : vector<1xf32> to vector<1x1x1xf32>
      %reduce_sum3A_3101 = vector.extract %reduce_sum3A_3100[0, 0, 0] : f32 from vector<1x1x1xf32>
      %add3A_3102 = arith.addf %scan3A_1520, %reduce_sum3A_3101 : f32
      %mul3A_3103 = vector.broadcast %get3A_193 : f32 to vector<512x99xf32>
      %mul3A_3104 = arith.mulf %slice3A_1555, %mul3A_3103 : vector<512x99xf32>
      %mul3A_3105 = vector.broadcast %get3A_321 : f32 to vector<512x99xf32>
      %mul3A_3106 = arith.mulf %slice3A_1556, %mul3A_3105 : vector<512x99xf32>
      %add3A_3107 = arith.addf %mul3A_3104, %mul3A_3106 : vector<512x99xf32>
      %mul3A_3108 = vector.broadcast %get3A_449 : f32 to vector<512x99xf32>
      %mul3A_3109 = arith.mulf %slice3A_1557, %mul3A_3108 : vector<512x99xf32>
      %add3A_3110 = arith.addf %add3A_3107, %mul3A_3109 : vector<512x99xf32>
      %mul3A_3111 = vector.broadcast %get3A_577 : f32 to vector<512x99xf32>
      %mul3A_3112 = arith.mulf %slice3A_1558, %mul3A_3111 : vector<512x99xf32>
      %add3A_3113 = arith.addf %add3A_3110, %mul3A_3112 : vector<512x99xf32>
      %mul3A_3114 = vector.broadcast %convert_element_type3A_1568 : vector<512x1xf32> to vector<512x99xf32>
      %mul3A_3115 = arith.mulf %add3A_3113, %mul3A_3114 : vector<512x99xf32>
      %reduce_sum3A_3116 = vector.shape_cast %mul3A_3115 : vector<512x99xf32> to vector<1x512x99xf32>
      %reduce_sum3A_3117 = arith.constant dense<0.000000e+00> : vector<1xf32>
      %reduce_sum3A_3118 = vector.multi_reduction <add>, %reduce_sum3A_3116, %reduce_sum3A_3117 [1, 2] : vector<1x512x99xf32> to vector<1xf32>
      %reduce_sum3A_3119 = vector.shape_cast %reduce_sum3A_3118 : vector<1xf32> to vector<1x1x1xf32>
      %reduce_sum3A_3120 = vector.extract %reduce_sum3A_3119[0, 0, 0] : f32 from vector<1x1x1xf32>
      %add3A_3121 = arith.addf %add3A_3095, %reduce_sum3A_3120 : f32
      %mul3A_3122 = arith.mulf %mul3A_3115, %mul3A_3115 : vector<512x99xf32>
      %reduce_sum3A_3123 = vector.shape_cast %mul3A_3122 : vector<512x99xf32> to vector<1x512x99xf32>
      %reduce_sum3A_3124 = arith.constant dense<0.000000e+00> : vector<1xf32>
      %reduce_sum3A_3125 = vector.multi_reduction <add>, %reduce_sum3A_3123, %reduce_sum3A_3124 [1, 2] : vector<1x512x99xf32> to vector<1xf32>
      %reduce_sum3A_3126 = vector.shape_cast %reduce_sum3A_3125 : vector<1xf32> to vector<1x1x1xf32>
      %reduce_sum3A_3127 = vector.extract %reduce_sum3A_3126[0, 0, 0] : f32 from vector<1x1x1xf32>
      %add3A_3128 = arith.addf %add3A_3102, %reduce_sum3A_3127 : f32
      %mul3A_3129 = vector.broadcast %get3A_197 : f32 to vector<512x99xf32>
      %mul3A_3130 = arith.mulf %slice3A, %mul3A_3129 : vector<512x99xf32>
      %mul3A_3131 = vector.broadcast %get3A_325 : f32 to vector<512x99xf32>
      %mul3A_3132 = arith.mulf %slice3A_1552, %mul3A_3131 : vector<512x99xf32>
      %add3A_3133 = arith.addf %mul3A_3130, %mul3A_3132 : vector<512x99xf32>
      %mul3A_3134 = vector.broadcast %get3A_453 : f32 to vector<512x99xf32>
      %mul3A_3135 = arith.mulf %slice3A_1553, %mul3A_3134 : vector<512x99xf32>
      %add3A_3136 = arith.addf %add3A_3133, %mul3A_3135 : vector<512x99xf32>
      %mul3A_3137 = vector.broadcast %get3A_581 : f32 to vector<512x99xf32>
      %mul3A_3138 = arith.mulf %slice3A_1554, %mul3A_3137 : vector<512x99xf32>
      %add3A_3139 = arith.addf %add3A_3136, %mul3A_3138 : vector<512x99xf32>
      %mul3A_3140 = vector.broadcast %convert_element_type3A_1568 : vector<512x1xf32> to vector<512x99xf32>
      %mul3A_3141 = arith.mulf %add3A_3139, %mul3A_3140 : vector<512x99xf32>
      %reduce_sum3A_3142 = vector.shape_cast %mul3A_3141 : vector<512x99xf32> to vector<1x512x99xf32>
      %reduce_sum3A_3143 = arith.constant dense<0.000000e+00> : vector<1xf32>
      %reduce_sum3A_3144 = vector.multi_reduction <add>, %reduce_sum3A_3142, %reduce_sum3A_3143 [1, 2] : vector<1x512x99xf32> to vector<1xf32>
      %reduce_sum3A_3145 = vector.shape_cast %reduce_sum3A_3144 : vector<1xf32> to vector<1x1x1xf32>
      %reduce_sum3A_3146 = vector.extract %reduce_sum3A_3145[0, 0, 0] : f32 from vector<1x1x1xf32>
      %add3A_3147 = arith.addf %scan3A_1521, %reduce_sum3A_3146 : f32
      %mul3A_3148 = arith.mulf %mul3A_3141, %mul3A_3141 : vector<512x99xf32>
      %reduce_sum3A_3149 = vector.shape_cast %mul3A_3148 : vector<512x99xf32> to vector<1x512x99xf32>
      %reduce_sum3A_3150 = arith.constant dense<0.000000e+00> : vector<1xf32>
      %reduce_sum3A_3151 = vector.multi_reduction <add>, %reduce_sum3A_3149, %reduce_sum3A_3150 [1, 2] : vector<1x512x99xf32> to vector<1xf32>
      %reduce_sum3A_3152 = vector.shape_cast %reduce_sum3A_3151 : vector<1xf32> to vector<1x1x1xf32>
      %reduce_sum3A_3153 = vector.extract %reduce_sum3A_3152[0, 0, 0] : f32 from vector<1x1x1xf32>
      %add3A_3154 = arith.addf %scan3A_1522, %reduce_sum3A_3153 : f32
      %mul3A_3155 = vector.broadcast %get3A_197 : f32 to vector<512x99xf32>
      %mul3A_3156 = arith.mulf %slice3A_1555, %mul3A_3155 : vector<512x99xf32>
      %mul3A_3157 = vector.broadcast %get3A_325 : f32 to vector<512x99xf32>
      %mul3A_3158 = arith.mulf %slice3A_1556, %mul3A_3157 : vector<512x99xf32>
      %add3A_3159 = arith.addf %mul3A_3156, %mul3A_3158 : vector<512x99xf32>
      %mul3A_3160 = vector.broadcast %get3A_453 : f32 to vector<512x99xf32>
      %mul3A_3161 = arith.mulf %slice3A_1557, %mul3A_3160 : vector<512x99xf32>
      %add3A_3162 = arith.addf %add3A_3159, %mul3A_3161 : vector<512x99xf32>
      %mul3A_3163 = vector.broadcast %get3A_581 : f32 to vector<512x99xf32>
      %mul3A_3164 = arith.mulf %slice3A_1558, %mul3A_3163 : vector<512x99xf32>
      %add3A_3165 = arith.addf %add3A_3162, %mul3A_3164 : vector<512x99xf32>
      %mul3A_3166 = vector.broadcast %convert_element_type3A_1568 : vector<512x1xf32> to vector<512x99xf32>
      %mul3A_3167 = arith.mulf %add3A_3165, %mul3A_3166 : vector<512x99xf32>
      %reduce_sum3A_3168 = vector.shape_cast %mul3A_3167 : vector<512x99xf32> to vector<1x512x99xf32>
      %reduce_sum3A_3169 = arith.constant dense<0.000000e+00> : vector<1xf32>
      %reduce_sum3A_3170 = vector.multi_reduction <add>, %reduce_sum3A_3168, %reduce_sum3A_3169 [1, 2] : vector<1x512x99xf32> to vector<1xf32>
      %reduce_sum3A_3171 = vector.shape_cast %reduce_sum3A_3170 : vector<1xf32> to vector<1x1x1xf32>
      %reduce_sum3A_3172 = vector.extract %reduce_sum3A_3171[0, 0, 0] : f32 from vector<1x1x1xf32>
      %add3A_3173 = arith.addf %add3A_3147, %reduce_sum3A_3172 : f32
      %mul3A_3174 = arith.mulf %mul3A_3167, %mul3A_3167 : vector<512x99xf32>
      %reduce_sum3A_3175 = vector.shape_cast %mul3A_3174 : vector<512x99xf32> to vector<1x512x99xf32>
      %reduce_sum3A_3176 = arith.constant dense<0.000000e+00> : vector<1xf32>
      %reduce_sum3A_3177 = vector.multi_reduction <add>, %reduce_sum3A_3175, %reduce_sum3A_3176 [1, 2] : vector<1x512x99xf32> to vector<1xf32>
      %reduce_sum3A_3178 = vector.shape_cast %reduce_sum3A_3177 : vector<1xf32> to vector<1x1x1xf32>
      %reduce_sum3A_3179 = vector.extract %reduce_sum3A_3178[0, 0, 0] : f32 from vector<1x1x1xf32>
      %add3A_3180 = arith.addf %add3A_3154, %reduce_sum3A_3179 : f32
      %mul3A_3181 = vector.broadcast %get3A_201 : f32 to vector<512x99xf32>
      %mul3A_3182 = arith.mulf %slice3A, %mul3A_3181 : vector<512x99xf32>
      %mul3A_3183 = vector.broadcast %get3A_329 : f32 to vector<512x99xf32>
      %mul3A_3184 = arith.mulf %slice3A_1552, %mul3A_3183 : vector<512x99xf32>
      %add3A_3185 = arith.addf %mul3A_3182, %mul3A_3184 : vector<512x99xf32>
      %mul3A_3186 = vector.broadcast %get3A_457 : f32 to vector<512x99xf32>
      %mul3A_3187 = arith.mulf %slice3A_1553, %mul3A_3186 : vector<512x99xf32>
      %add3A_3188 = arith.addf %add3A_3185, %mul3A_3187 : vector<512x99xf32>
      %mul3A_3189 = vector.broadcast %get3A_585 : f32 to vector<512x99xf32>
      %mul3A_3190 = arith.mulf %slice3A_1554, %mul3A_3189 : vector<512x99xf32>
      %add3A_3191 = arith.addf %add3A_3188, %mul3A_3190 : vector<512x99xf32>
      %mul3A_3192 = vector.broadcast %convert_element_type3A_1568 : vector<512x1xf32> to vector<512x99xf32>
      %mul3A_3193 = arith.mulf %add3A_3191, %mul3A_3192 : vector<512x99xf32>
      %reduce_sum3A_3194 = vector.shape_cast %mul3A_3193 : vector<512x99xf32> to vector<1x512x99xf32>
      %reduce_sum3A_3195 = arith.constant dense<0.000000e+00> : vector<1xf32>
      %reduce_sum3A_3196 = vector.multi_reduction <add>, %reduce_sum3A_3194, %reduce_sum3A_3195 [1, 2] : vector<1x512x99xf32> to vector<1xf32>
      %reduce_sum3A_3197 = vector.shape_cast %reduce_sum3A_3196 : vector<1xf32> to vector<1x1x1xf32>
      %reduce_sum3A_3198 = vector.extract %reduce_sum3A_3197[0, 0, 0] : f32 from vector<1x1x1xf32>
      %add3A_3199 = arith.addf %scan3A_1523, %reduce_sum3A_3198 : f32
      %mul3A_3200 = arith.mulf %mul3A_3193, %mul3A_3193 : vector<512x99xf32>
      %reduce_sum3A_3201 = vector.shape_cast %mul3A_3200 : vector<512x99xf32> to vector<1x512x99xf32>
      %reduce_sum3A_3202 = arith.constant dense<0.000000e+00> : vector<1xf32>
      %reduce_sum3A_3203 = vector.multi_reduction <add>, %reduce_sum3A_3201, %reduce_sum3A_3202 [1, 2] : vector<1x512x99xf32> to vector<1xf32>
      %reduce_sum3A_3204 = vector.shape_cast %reduce_sum3A_3203 : vector<1xf32> to vector<1x1x1xf32>
      %reduce_sum3A_3205 = vector.extract %reduce_sum3A_3204[0, 0, 0] : f32 from vector<1x1x1xf32>
      %add3A_3206 = arith.addf %scan3A_1524, %reduce_sum3A_3205 : f32
      %mul3A_3207 = vector.broadcast %get3A_201 : f32 to vector<512x99xf32>
      %mul3A_3208 = arith.mulf %slice3A_1555, %mul3A_3207 : vector<512x99xf32>
      %mul3A_3209 = vector.broadcast %get3A_329 : f32 to vector<512x99xf32>
      %mul3A_3210 = arith.mulf %slice3A_1556, %mul3A_3209 : vector<512x99xf32>
      %add3A_3211 = arith.addf %mul3A_3208, %mul3A_3210 : vector<512x99xf32>
      %mul3A_3212 = vector.broadcast %get3A_457 : f32 to vector<512x99xf32>
      %mul3A_3213 = arith.mulf %slice3A_1557, %mul3A_3212 : vector<512x99xf32>
      %add3A_3214 = arith.addf %add3A_3211, %mul3A_3213 : vector<512x99xf32>
      %mul3A_3215 = vector.broadcast %get3A_585 : f32 to vector<512x99xf32>
      %mul3A_3216 = arith.mulf %slice3A_1558, %mul3A_3215 : vector<512x99xf32>
      %add3A_3217 = arith.addf %add3A_3214, %mul3A_3216 : vector<512x99xf32>
      %mul3A_3218 = vector.broadcast %convert_element_type3A_1568 : vector<512x1xf32> to vector<512x99xf32>
      %mul3A_3219 = arith.mulf %add3A_3217, %mul3A_3218 : vector<512x99xf32>
      %reduce_sum3A_3220 = vector.shape_cast %mul3A_3219 : vector<512x99xf32> to vector<1x512x99xf32>
      %reduce_sum3A_3221 = arith.constant dense<0.000000e+00> : vector<1xf32>
      %reduce_sum3A_3222 = vector.multi_reduction <add>, %reduce_sum3A_3220, %reduce_sum3A_3221 [1, 2] : vector<1x512x99xf32> to vector<1xf32>
      %reduce_sum3A_3223 = vector.shape_cast %reduce_sum3A_3222 : vector<1xf32> to vector<1x1x1xf32>
      %reduce_sum3A_3224 = vector.extract %reduce_sum3A_3223[0, 0, 0] : f32 from vector<1x1x1xf32>
      %add3A_3225 = arith.addf %add3A_3199, %reduce_sum3A_3224 : f32
      %mul3A_3226 = arith.mulf %mul3A_3219, %mul3A_3219 : vector<512x99xf32>
      %reduce_sum3A_3227 = vector.shape_cast %mul3A_3226 : vector<512x99xf32> to vector<1x512x99xf32>
      %reduce_sum3A_3228 = arith.constant dense<0.000000e+00> : vector<1xf32>
      %reduce_sum3A_3229 = vector.multi_reduction <add>, %reduce_sum3A_3227, %reduce_sum3A_3228 [1, 2] : vector<1x512x99xf32> to vector<1xf32>
      %reduce_sum3A_3230 = vector.shape_cast %reduce_sum3A_3229 : vector<1xf32> to vector<1x1x1xf32>
      %reduce_sum3A_3231 = vector.extract %reduce_sum3A_3230[0, 0, 0] : f32 from vector<1x1x1xf32>
      %add3A_3232 = arith.addf %add3A_3206, %reduce_sum3A_3231 : f32
      scf.yield %add3A_1613, %add3A_1620, %add3A_1665, %add3A_1672, %add3A_1717, %add3A_1724, %add3A_1769, %add3A_1776, %add3A_1821, %add3A_1828, %add3A_1873, %add3A_1880, %add3A_1925, %add3A_1932, %add3A_1977, %add3A_1984, %add3A_2029, %add3A_2036, %add3A_2081, %add3A_2088, %add3A_2133, %add3A_2140, %add3A_2185, %add3A_2192, %add3A_2237, %add3A_2244, %add3A_2289, %add3A_2296, %add3A_2341, %add3A_2348, %add3A_2393, %add3A_2400, %add3A_2445, %add3A_2452, %add3A_2497, %add3A_2504, %add3A_2549, %add3A_2556, %add3A_2601, %add3A_2608, %add3A_2653, %add3A_2660, %add3A_2705, %add3A_2712, %add3A_2757, %add3A_2764, %add3A_2809, %add3A_2816, %add3A_2861, %add3A_2868, %add3A_2913, %add3A_2920, %add3A_2965, %add3A_2972, %add3A_3017, %add3A_3024, %add3A_3069, %add3A_3076, %add3A_3121, %add3A_3128, %add3A_3173, %add3A_3180, %add3A_3225, %add3A_3232 : f32, f32, f32, f32, f32, f32, f32, f32, f32, f32, f32, f32, f32, f32, f32, f32, f32, f32, f32, f32, f32, f32, f32, f32, f32, f32, f32, f32, f32, f32, f32, f32, f32, f32, f32, f32, f32, f32, f32, f32, f32, f32, f32, f32, f32, f32, f32, f32, f32, f32, f32, f32, f32, f32, f32, f32, f32, f32, f32, f32, f32, f32, f32, f32
    }
    %scan3A_654 = arith.constant 20 : i32
    %div3A_655 = arith.constant 1.980000e+06 : f32
    %div3A_656 = arith.divf %scan3A_653#0, %div3A_655 : f32
    %div3A_657 = arith.constant 1.980000e+06 : f32
    %div3A_658 = arith.divf %scan3A_653#1, %div3A_657 : f32
    %mul3A_659 = arith.mulf %div3A_656, %div3A_656 : f32
    %sub3A_660 = arith.subf %div3A_658, %mul3A_659 : f32
    %get3A_661 = arith.constant 0 : index
    %get3A_662 = arith.constant 34 : index
    %get3A_663 = vector.load %arg3[%get3A_661, %get3A_662] : memref<2x128xf32, #tpu.memory_space<vmem>>, vector<1x1xf32>
    %get3A_664 = vector.extract %get3A_663[0, 0] : f32 from vector<1x1xf32>
    %add3A_665 = arith.constant 9.99999974E-6 : f32
    %add3A_666 = arith.addf %sub3A_660, %add3A_665 : f32
    %rsqrt3A_667 = math.rsqrt %add3A_666 : f32
    %mul3A_668 = arith.mulf %get3A_664, %rsqrt3A_667 : f32
    %get3A_669 = arith.constant 0 : index
    %get3A_670 = arith.constant 66 : index
    %get3A_671 = vector.load %arg3[%get3A_669, %get3A_670] : memref<2x128xf32, #tpu.memory_space<vmem>>, vector<1x1xf32>
    %get3A_672 = vector.extract %get3A_671[0, 0] : f32 from vector<1x1xf32>
    %get3A_673 = arith.constant 0 : index
    %get3A_674 = arith.constant 2 : index
    %get3A_675 = vector.load %arg3[%get3A_673, %get3A_674] : memref<2x128xf32, #tpu.memory_space<vmem>>, vector<1x1xf32>
    %get3A_676 = vector.extract %get3A_675[0, 0] : f32 from vector<1x1xf32>
    %sub3A_677 = arith.subf %get3A_676, %div3A_656 : f32
    %mul3A_678 = arith.mulf %sub3A_677, %mul3A_668 : f32
    %add3A_679 = arith.addf %get3A_672, %mul3A_678 : f32
    %div3A_680 = arith.constant 1.980000e+06 : f32
    %div3A_681 = arith.divf %scan3A_653#2, %div3A_680 : f32
    %div3A_682 = arith.constant 1.980000e+06 : f32
    %div3A_683 = arith.divf %scan3A_653#3, %div3A_682 : f32
    %mul3A_684 = arith.mulf %div3A_681, %div3A_681 : f32
    %sub3A_685 = arith.subf %div3A_683, %mul3A_684 : f32
    %get3A_686 = arith.constant 0 : index
    %get3A_687 = arith.constant 35 : index
    %get3A_688 = vector.load %arg3[%get3A_686, %get3A_687] : memref<2x128xf32, #tpu.memory_space<vmem>>, vector<1x1xf32>
    %get3A_689 = vector.extract %get3A_688[0, 0] : f32 from vector<1x1xf32>
    %add3A_690 = arith.constant 9.99999974E-6 : f32
    %add3A_691 = arith.addf %sub3A_685, %add3A_690 : f32
    %rsqrt3A_692 = math.rsqrt %add3A_691 : f32
    %mul3A_693 = arith.mulf %get3A_689, %rsqrt3A_692 : f32
    %get3A_694 = arith.constant 0 : index
    %get3A_695 = arith.constant 67 : index
    %get3A_696 = vector.load %arg3[%get3A_694, %get3A_695] : memref<2x128xf32, #tpu.memory_space<vmem>>, vector<1x1xf32>
    %get3A_697 = vector.extract %get3A_696[0, 0] : f32 from vector<1x1xf32>
    %get3A_698 = arith.constant 0 : index
    %get3A_699 = arith.constant 3 : index
    %get3A_700 = vector.load %arg3[%get3A_698, %get3A_699] : memref<2x128xf32, #tpu.memory_space<vmem>>, vector<1x1xf32>
    %get3A_701 = vector.extract %get3A_700[0, 0] : f32 from vector<1x1xf32>
    %sub3A_702 = arith.subf %get3A_701, %div3A_681 : f32
    %mul3A_703 = arith.mulf %sub3A_702, %mul3A_693 : f32
    %add3A_704 = arith.addf %get3A_697, %mul3A_703 : f32
    %div3A_705 = arith.constant 1.980000e+06 : f32
    %div3A_706 = arith.divf %scan3A_653#4, %div3A_705 : f32
    %div3A_707 = arith.constant 1.980000e+06 : f32
    %div3A_708 = arith.divf %scan3A_653#5, %div3A_707 : f32
    %mul3A_709 = arith.mulf %div3A_706, %div3A_706 : f32
    %sub3A_710 = arith.subf %div3A_708, %mul3A_709 : f32
    %get3A_711 = arith.constant 0 : index
    %get3A_712 = arith.constant 36 : index
    %get3A_713 = vector.load %arg3[%get3A_711, %get3A_712] : memref<2x128xf32, #tpu.memory_space<vmem>>, vector<1x1xf32>
    %get3A_714 = vector.extract %get3A_713[0, 0] : f32 from vector<1x1xf32>
    %add3A_715 = arith.constant 9.99999974E-6 : f32
    %add3A_716 = arith.addf %sub3A_710, %add3A_715 : f32
    %rsqrt3A_717 = math.rsqrt %add3A_716 : f32
    %mul3A_718 = arith.mulf %get3A_714, %rsqrt3A_717 : f32
    %get3A_719 = arith.constant 0 : index
    %get3A_720 = arith.constant 68 : index
    %get3A_721 = vector.load %arg3[%get3A_719, %get3A_720] : memref<2x128xf32, #tpu.memory_space<vmem>>, vector<1x1xf32>
    %get3A_722 = vector.extract %get3A_721[0, 0] : f32 from vector<1x1xf32>
    %get3A_723 = arith.constant 0 : index
    %get3A_724 = arith.constant 4 : index
    %get3A_725 = vector.load %arg3[%get3A_723, %get3A_724] : memref<2x128xf32, #tpu.memory_space<vmem>>, vector<1x1xf32>
    %get3A_726 = vector.extract %get3A_725[0, 0] : f32 from vector<1x1xf32>
    %sub3A_727 = arith.subf %get3A_726, %div3A_706 : f32
    %mul3A_728 = arith.mulf %sub3A_727, %mul3A_718 : f32
    %add3A_729 = arith.addf %get3A_722, %mul3A_728 : f32
    %div3A_730 = arith.constant 1.980000e+06 : f32
    %div3A_731 = arith.divf %scan3A_653#6, %div3A_730 : f32
    %div3A_732 = arith.constant 1.980000e+06 : f32
    %div3A_733 = arith.divf %scan3A_653#7, %div3A_732 : f32
    %mul3A_734 = arith.mulf %div3A_731, %div3A_731 : f32
    %sub3A_735 = arith.subf %div3A_733, %mul3A_734 : f32
    %get3A_736 = arith.constant 0 : index
    %get3A_737 = arith.constant 37 : index
    %get3A_738 = vector.load %arg3[%get3A_736, %get3A_737] : memref<2x128xf32, #tpu.memory_space<vmem>>, vector<1x1xf32>
    %get3A_739 = vector.extract %get3A_738[0, 0] : f32 from vector<1x1xf32>
    %add3A_740 = arith.constant 9.99999974E-6 : f32
    %add3A_741 = arith.addf %sub3A_735, %add3A_740 : f32
    %rsqrt3A_742 = math.rsqrt %add3A_741 : f32
    %mul3A_743 = arith.mulf %get3A_739, %rsqrt3A_742 : f32
    %get3A_744 = arith.constant 0 : index
    %get3A_745 = arith.constant 69 : index
    %get3A_746 = vector.load %arg3[%get3A_744, %get3A_745] : memref<2x128xf32, #tpu.memory_space<vmem>>, vector<1x1xf32>
    %get3A_747 = vector.extract %get3A_746[0, 0] : f32 from vector<1x1xf32>
    %get3A_748 = arith.constant 0 : index
    %get3A_749 = arith.constant 5 : index
    %get3A_750 = vector.load %arg3[%get3A_748, %get3A_749] : memref<2x128xf32, #tpu.memory_space<vmem>>, vector<1x1xf32>
    %get3A_751 = vector.extract %get3A_750[0, 0] : f32 from vector<1x1xf32>
    %sub3A_752 = arith.subf %get3A_751, %div3A_731 : f32
    %mul3A_753 = arith.mulf %sub3A_752, %mul3A_743 : f32
    %add3A_754 = arith.addf %get3A_747, %mul3A_753 : f32
    %div3A_755 = arith.constant 1.980000e+06 : f32
    %div3A_756 = arith.divf %scan3A_653#8, %div3A_755 : f32
    %div3A_757 = arith.constant 1.980000e+06 : f32
    %div3A_758 = arith.divf %scan3A_653#9, %div3A_757 : f32
    %mul3A_759 = arith.mulf %div3A_756, %div3A_756 : f32
    %sub3A_760 = arith.subf %div3A_758, %mul3A_759 : f32
    %get3A_761 = arith.constant 0 : index
    %get3A_762 = arith.constant 38 : index
    %get3A_763 = vector.load %arg3[%get3A_761, %get3A_762] : memref<2x128xf32, #tpu.memory_space<vmem>>, vector<1x1xf32>
    %get3A_764 = vector.extract %get3A_763[0, 0] : f32 from vector<1x1xf32>
    %add3A_765 = arith.constant 9.99999974E-6 : f32
    %add3A_766 = arith.addf %sub3A_760, %add3A_765 : f32
    %rsqrt3A_767 = math.rsqrt %add3A_766 : f32
    %mul3A_768 = arith.mulf %get3A_764, %rsqrt3A_767 : f32
    %get3A_769 = arith.constant 0 : index
    %get3A_770 = arith.constant 70 : index
    %get3A_771 = vector.load %arg3[%get3A_769, %get3A_770] : memref<2x128xf32, #tpu.memory_space<vmem>>, vector<1x1xf32>
    %get3A_772 = vector.extract %get3A_771[0, 0] : f32 from vector<1x1xf32>
    %get3A_773 = arith.constant 0 : index
    %get3A_774 = arith.constant 6 : index
    %get3A_775 = vector.load %arg3[%get3A_773, %get3A_774] : memref<2x128xf32, #tpu.memory_space<vmem>>, vector<1x1xf32>
    %get3A_776 = vector.extract %get3A_775[0, 0] : f32 from vector<1x1xf32>
    %sub3A_777 = arith.subf %get3A_776, %div3A_756 : f32
    %mul3A_778 = arith.mulf %sub3A_777, %mul3A_768 : f32
    %add3A_779 = arith.addf %get3A_772, %mul3A_778 : f32
    %div3A_780 = arith.constant 1.980000e+06 : f32
    %div3A_781 = arith.divf %scan3A_653#10, %div3A_780 : f32
    %div3A_782 = arith.constant 1.980000e+06 : f32
    %div3A_783 = arith.divf %scan3A_653#11, %div3A_782 : f32
    %mul3A_784 = arith.mulf %div3A_781, %div3A_781 : f32
    %sub3A_785 = arith.subf %div3A_783, %mul3A_784 : f32
    %get3A_786 = arith.constant 0 : index
    %get3A_787 = arith.constant 39 : index
    %get3A_788 = vector.load %arg3[%get3A_786, %get3A_787] : memref<2x128xf32, #tpu.memory_space<vmem>>, vector<1x1xf32>
    %get3A_789 = vector.extract %get3A_788[0, 0] : f32 from vector<1x1xf32>
    %add3A_790 = arith.constant 9.99999974E-6 : f32
    %add3A_791 = arith.addf %sub3A_785, %add3A_790 : f32
    %rsqrt3A_792 = math.rsqrt %add3A_791 : f32
    %mul3A_793 = arith.mulf %get3A_789, %rsqrt3A_792 : f32
    %get3A_794 = arith.constant 0 : index
    %get3A_795 = arith.constant 71 : index
    %get3A_796 = vector.load %arg3[%get3A_794, %get3A_795] : memref<2x128xf32, #tpu.memory_space<vmem>>, vector<1x1xf32>
    %get3A_797 = vector.extract %get3A_796[0, 0] : f32 from vector<1x1xf32>
    %get3A_798 = arith.constant 0 : index
    %get3A_799 = arith.constant 7 : index
    %get3A_800 = vector.load %arg3[%get3A_798, %get3A_799] : memref<2x128xf32, #tpu.memory_space<vmem>>, vector<1x1xf32>
    %get3A_801 = vector.extract %get3A_800[0, 0] : f32 from vector<1x1xf32>
    %sub3A_802 = arith.subf %get3A_801, %div3A_781 : f32
    %mul3A_803 = arith.mulf %sub3A_802, %mul3A_793 : f32
    %add3A_804 = arith.addf %get3A_797, %mul3A_803 : f32
    %div3A_805 = arith.constant 1.980000e+06 : f32
    %div3A_806 = arith.divf %scan3A_653#12, %div3A_805 : f32
    %div3A_807 = arith.constant 1.980000e+06 : f32
    %div3A_808 = arith.divf %scan3A_653#13, %div3A_807 : f32
    %mul3A_809 = arith.mulf %div3A_806, %div3A_806 : f32
    %sub3A_810 = arith.subf %div3A_808, %mul3A_809 : f32
    %get3A_811 = arith.constant 0 : index
    %get3A_812 = arith.constant 40 : index
    %get3A_813 = vector.load %arg3[%get3A_811, %get3A_812] : memref<2x128xf32, #tpu.memory_space<vmem>>, vector<1x1xf32>
    %get3A_814 = vector.extract %get3A_813[0, 0] : f32 from vector<1x1xf32>
    %add3A_815 = arith.constant 9.99999974E-6 : f32
    %add3A_816 = arith.addf %sub3A_810, %add3A_815 : f32
    %rsqrt3A_817 = math.rsqrt %add3A_816 : f32
    %mul3A_818 = arith.mulf %get3A_814, %rsqrt3A_817 : f32
    %get3A_819 = arith.constant 0 : index
    %get3A_820 = arith.constant 72 : index
    %get3A_821 = vector.load %arg3[%get3A_819, %get3A_820] : memref<2x128xf32, #tpu.memory_space<vmem>>, vector<1x1xf32>
    %get3A_822 = vector.extract %get3A_821[0, 0] : f32 from vector<1x1xf32>
    %get3A_823 = arith.constant 0 : index
    %get3A_824 = arith.constant 8 : index
    %get3A_825 = vector.load %arg3[%get3A_823, %get3A_824] : memref<2x128xf32, #tpu.memory_space<vmem>>, vector<1x1xf32>
    %get3A_826 = vector.extract %get3A_825[0, 0] : f32 from vector<1x1xf32>
    %sub3A_827 = arith.subf %get3A_826, %div3A_806 : f32
    %mul3A_828 = arith.mulf %sub3A_827, %mul3A_818 : f32
    %add3A_829 = arith.addf %get3A_822, %mul3A_828 : f32
    %div3A_830 = arith.constant 1.980000e+06 : f32
    %div3A_831 = arith.divf %scan3A_653#14, %div3A_830 : f32
    %div3A_832 = arith.constant 1.980000e+06 : f32
    %div3A_833 = arith.divf %scan3A_653#15, %div3A_832 : f32
    %mul3A_834 = arith.mulf %div3A_831, %div3A_831 : f32
    %sub3A_835 = arith.subf %div3A_833, %mul3A_834 : f32
    %get3A_836 = arith.constant 0 : index
    %get3A_837 = arith.constant 41 : index
    %get3A_838 = vector.load %arg3[%get3A_836, %get3A_837] : memref<2x128xf32, #tpu.memory_space<vmem>>, vector<1x1xf32>
    %get3A_839 = vector.extract %get3A_838[0, 0] : f32 from vector<1x1xf32>
    %add3A_840 = arith.constant 9.99999974E-6 : f32
    %add3A_841 = arith.addf %sub3A_835, %add3A_840 : f32
    %rsqrt3A_842 = math.rsqrt %add3A_841 : f32
    %mul3A_843 = arith.mulf %get3A_839, %rsqrt3A_842 : f32
    %get3A_844 = arith.constant 0 : index
    %get3A_845 = arith.constant 73 : index
    %get3A_846 = vector.load %arg3[%get3A_844, %get3A_845] : memref<2x128xf32, #tpu.memory_space<vmem>>, vector<1x1xf32>
    %get3A_847 = vector.extract %get3A_846[0, 0] : f32 from vector<1x1xf32>
    %get3A_848 = arith.constant 0 : index
    %get3A_849 = arith.constant 9 : index
    %get3A_850 = vector.load %arg3[%get3A_848, %get3A_849] : memref<2x128xf32, #tpu.memory_space<vmem>>, vector<1x1xf32>
    %get3A_851 = vector.extract %get3A_850[0, 0] : f32 from vector<1x1xf32>
    %sub3A_852 = arith.subf %get3A_851, %div3A_831 : f32
    %mul3A_853 = arith.mulf %sub3A_852, %mul3A_843 : f32
    %add3A_854 = arith.addf %get3A_847, %mul3A_853 : f32
    %div3A_855 = arith.constant 1.980000e+06 : f32
    %div3A_856 = arith.divf %scan3A_653#16, %div3A_855 : f32
    %div3A_857 = arith.constant 1.980000e+06 : f32
    %div3A_858 = arith.divf %scan3A_653#17, %div3A_857 : f32
    %mul3A_859 = arith.mulf %div3A_856, %div3A_856 : f32
    %sub3A_860 = arith.subf %div3A_858, %mul3A_859 : f32
    %get3A_861 = arith.constant 0 : index
    %get3A_862 = arith.constant 42 : index
    %get3A_863 = vector.load %arg3[%get3A_861, %get3A_862] : memref<2x128xf32, #tpu.memory_space<vmem>>, vector<1x1xf32>
    %get3A_864 = vector.extract %get3A_863[0, 0] : f32 from vector<1x1xf32>
    %add3A_865 = arith.constant 9.99999974E-6 : f32
    %add3A_866 = arith.addf %sub3A_860, %add3A_865 : f32
    %rsqrt3A_867 = math.rsqrt %add3A_866 : f32
    %mul3A_868 = arith.mulf %get3A_864, %rsqrt3A_867 : f32
    %get3A_869 = arith.constant 0 : index
    %get3A_870 = arith.constant 74 : index
    %get3A_871 = vector.load %arg3[%get3A_869, %get3A_870] : memref<2x128xf32, #tpu.memory_space<vmem>>, vector<1x1xf32>
    %get3A_872 = vector.extract %get3A_871[0, 0] : f32 from vector<1x1xf32>
    %get3A_873 = arith.constant 0 : index
    %get3A_874 = arith.constant 10 : index
    %get3A_875 = vector.load %arg3[%get3A_873, %get3A_874] : memref<2x128xf32, #tpu.memory_space<vmem>>, vector<1x1xf32>
    %get3A_876 = vector.extract %get3A_875[0, 0] : f32 from vector<1x1xf32>
    %sub3A_877 = arith.subf %get3A_876, %div3A_856 : f32
    %mul3A_878 = arith.mulf %sub3A_877, %mul3A_868 : f32
    %add3A_879 = arith.addf %get3A_872, %mul3A_878 : f32
    %div3A_880 = arith.constant 1.980000e+06 : f32
    %div3A_881 = arith.divf %scan3A_653#18, %div3A_880 : f32
    %div3A_882 = arith.constant 1.980000e+06 : f32
    %div3A_883 = arith.divf %scan3A_653#19, %div3A_882 : f32
    %mul3A_884 = arith.mulf %div3A_881, %div3A_881 : f32
    %sub3A_885 = arith.subf %div3A_883, %mul3A_884 : f32
    %get3A_886 = arith.constant 0 : index
    %get3A_887 = arith.constant 43 : index
    %get3A_888 = vector.load %arg3[%get3A_886, %get3A_887] : memref<2x128xf32, #tpu.memory_space<vmem>>, vector<1x1xf32>
    %get3A_889 = vector.extract %get3A_888[0, 0] : f32 from vector<1x1xf32>
    %add3A_890 = arith.constant 9.99999974E-6 : f32
    %add3A_891 = arith.addf %sub3A_885, %add3A_890 : f32
    %rsqrt3A_892 = math.rsqrt %add3A_891 : f32
    %mul3A_893 = arith.mulf %get3A_889, %rsqrt3A_892 : f32
    %get3A_894 = arith.constant 0 : index
    %get3A_895 = arith.constant 75 : index
    %get3A_896 = vector.load %arg3[%get3A_894, %get3A_895] : memref<2x128xf32, #tpu.memory_space<vmem>>, vector<1x1xf32>
    %get3A_897 = vector.extract %get3A_896[0, 0] : f32 from vector<1x1xf32>
    %get3A_898 = arith.constant 0 : index
    %get3A_899 = arith.constant 11 : index
    %get3A_900 = vector.load %arg3[%get3A_898, %get3A_899] : memref<2x128xf32, #tpu.memory_space<vmem>>, vector<1x1xf32>
    %get3A_901 = vector.extract %get3A_900[0, 0] : f32 from vector<1x1xf32>
    %sub3A_902 = arith.subf %get3A_901, %div3A_881 : f32
    %mul3A_903 = arith.mulf %sub3A_902, %mul3A_893 : f32
    %add3A_904 = arith.addf %get3A_897, %mul3A_903 : f32
    %div3A_905 = arith.constant 1.980000e+06 : f32
    %div3A_906 = arith.divf %scan3A_653#20, %div3A_905 : f32
    %div3A_907 = arith.constant 1.980000e+06 : f32
    %div3A_908 = arith.divf %scan3A_653#21, %div3A_907 : f32
    %mul3A_909 = arith.mulf %div3A_906, %div3A_906 : f32
    %sub3A_910 = arith.subf %div3A_908, %mul3A_909 : f32
    %get3A_911 = arith.constant 0 : index
    %get3A_912 = arith.constant 44 : index
    %get3A_913 = vector.load %arg3[%get3A_911, %get3A_912] : memref<2x128xf32, #tpu.memory_space<vmem>>, vector<1x1xf32>
    %get3A_914 = vector.extract %get3A_913[0, 0] : f32 from vector<1x1xf32>
    %add3A_915 = arith.constant 9.99999974E-6 : f32
    %add3A_916 = arith.addf %sub3A_910, %add3A_915 : f32
    %rsqrt3A_917 = math.rsqrt %add3A_916 : f32
    %mul3A_918 = arith.mulf %get3A_914, %rsqrt3A_917 : f32
    %get3A_919 = arith.constant 0 : index
    %get3A_920 = arith.constant 76 : index
    %get3A_921 = vector.load %arg3[%get3A_919, %get3A_920] : memref<2x128xf32, #tpu.memory_space<vmem>>, vector<1x1xf32>
    %get3A_922 = vector.extract %get3A_921[0, 0] : f32 from vector<1x1xf32>
    %get3A_923 = arith.constant 0 : index
    %get3A_924 = arith.constant 12 : index
    %get3A_925 = vector.load %arg3[%get3A_923, %get3A_924] : memref<2x128xf32, #tpu.memory_space<vmem>>, vector<1x1xf32>
    %get3A_926 = vector.extract %get3A_925[0, 0] : f32 from vector<1x1xf32>
    %sub3A_927 = arith.subf %get3A_926, %div3A_906 : f32
    %mul3A_928 = arith.mulf %sub3A_927, %mul3A_918 : f32
    %add3A_929 = arith.addf %get3A_922, %mul3A_928 : f32
    %div3A_930 = arith.constant 1.980000e+06 : f32
    %div3A_931 = arith.divf %scan3A_653#22, %div3A_930 : f32
    %div3A_932 = arith.constant 1.980000e+06 : f32
    %div3A_933 = arith.divf %scan3A_653#23, %div3A_932 : f32
    %mul3A_934 = arith.mulf %div3A_931, %div3A_931 : f32
    %sub3A_935 = arith.subf %div3A_933, %mul3A_934 : f32
    %get3A_936 = arith.constant 0 : index
    %get3A_937 = arith.constant 45 : index
    %get3A_938 = vector.load %arg3[%get3A_936, %get3A_937] : memref<2x128xf32, #tpu.memory_space<vmem>>, vector<1x1xf32>
    %get3A_939 = vector.extract %get3A_938[0, 0] : f32 from vector<1x1xf32>
    %add3A_940 = arith.constant 9.99999974E-6 : f32
    %add3A_941 = arith.addf %sub3A_935, %add3A_940 : f32
    %rsqrt3A_942 = math.rsqrt %add3A_941 : f32
    %mul3A_943 = arith.mulf %get3A_939, %rsqrt3A_942 : f32
    %get3A_944 = arith.constant 0 : index
    %get3A_945 = arith.constant 77 : index
    %get3A_946 = vector.load %arg3[%get3A_944, %get3A_945] : memref<2x128xf32, #tpu.memory_space<vmem>>, vector<1x1xf32>
    %get3A_947 = vector.extract %get3A_946[0, 0] : f32 from vector<1x1xf32>
    %get3A_948 = arith.constant 0 : index
    %get3A_949 = arith.constant 13 : index
    %get3A_950 = vector.load %arg3[%get3A_948, %get3A_949] : memref<2x128xf32, #tpu.memory_space<vmem>>, vector<1x1xf32>
    %get3A_951 = vector.extract %get3A_950[0, 0] : f32 from vector<1x1xf32>
    %sub3A_952 = arith.subf %get3A_951, %div3A_931 : f32
    %mul3A_953 = arith.mulf %sub3A_952, %mul3A_943 : f32
    %add3A_954 = arith.addf %get3A_947, %mul3A_953 : f32
    %div3A_955 = arith.constant 1.980000e+06 : f32
    %div3A_956 = arith.divf %scan3A_653#24, %div3A_955 : f32
    %div3A_957 = arith.constant 1.980000e+06 : f32
    %div3A_958 = arith.divf %scan3A_653#25, %div3A_957 : f32
    %mul3A_959 = arith.mulf %div3A_956, %div3A_956 : f32
    %sub3A_960 = arith.subf %div3A_958, %mul3A_959 : f32
    %get3A_961 = arith.constant 0 : index
    %get3A_962 = arith.constant 46 : index
    %get3A_963 = vector.load %arg3[%get3A_961, %get3A_962] : memref<2x128xf32, #tpu.memory_space<vmem>>, vector<1x1xf32>
    %get3A_964 = vector.extract %get3A_963[0, 0] : f32 from vector<1x1xf32>
    %add3A_965 = arith.constant 9.99999974E-6 : f32
    %add3A_966 = arith.addf %sub3A_960, %add3A_965 : f32
    %rsqrt3A_967 = math.rsqrt %add3A_966 : f32
    %mul3A_968 = arith.mulf %get3A_964, %rsqrt3A_967 : f32
    %get3A_969 = arith.constant 0 : index
    %get3A_970 = arith.constant 78 : index
    %get3A_971 = vector.load %arg3[%get3A_969, %get3A_970] : memref<2x128xf32, #tpu.memory_space<vmem>>, vector<1x1xf32>
    %get3A_972 = vector.extract %get3A_971[0, 0] : f32 from vector<1x1xf32>
    %get3A_973 = arith.constant 0 : index
    %get3A_974 = arith.constant 14 : index
    %get3A_975 = vector.load %arg3[%get3A_973, %get3A_974] : memref<2x128xf32, #tpu.memory_space<vmem>>, vector<1x1xf32>
    %get3A_976 = vector.extract %get3A_975[0, 0] : f32 from vector<1x1xf32>
    %sub3A_977 = arith.subf %get3A_976, %div3A_956 : f32
    %mul3A_978 = arith.mulf %sub3A_977, %mul3A_968 : f32
    %add3A_979 = arith.addf %get3A_972, %mul3A_978 : f32
    %div3A_980 = arith.constant 1.980000e+06 : f32
    %div3A_981 = arith.divf %scan3A_653#26, %div3A_980 : f32
    %div3A_982 = arith.constant 1.980000e+06 : f32
    %div3A_983 = arith.divf %scan3A_653#27, %div3A_982 : f32
    %mul3A_984 = arith.mulf %div3A_981, %div3A_981 : f32
    %sub3A_985 = arith.subf %div3A_983, %mul3A_984 : f32
    %get3A_986 = arith.constant 0 : index
    %get3A_987 = arith.constant 47 : index
    %get3A_988 = vector.load %arg3[%get3A_986, %get3A_987] : memref<2x128xf32, #tpu.memory_space<vmem>>, vector<1x1xf32>
    %get3A_989 = vector.extract %get3A_988[0, 0] : f32 from vector<1x1xf32>
    %add3A_990 = arith.constant 9.99999974E-6 : f32
    %add3A_991 = arith.addf %sub3A_985, %add3A_990 : f32
    %rsqrt3A_992 = math.rsqrt %add3A_991 : f32
    %mul3A_993 = arith.mulf %get3A_989, %rsqrt3A_992 : f32
    %get3A_994 = arith.constant 0 : index
    %get3A_995 = arith.constant 79 : index
    %get3A_996 = vector.load %arg3[%get3A_994, %get3A_995] : memref<2x128xf32, #tpu.memory_space<vmem>>, vector<1x1xf32>
    %get3A_997 = vector.extract %get3A_996[0, 0] : f32 from vector<1x1xf32>
    %get3A_998 = arith.constant 0 : index
    %get3A_999 = arith.constant 15 : index
    %get3A_1000 = vector.load %arg3[%get3A_998, %get3A_999] : memref<2x128xf32, #tpu.memory_space<vmem>>, vector<1x1xf32>
    %get3A_1001 = vector.extract %get3A_1000[0, 0] : f32 from vector<1x1xf32>
    %sub3A_1002 = arith.subf %get3A_1001, %div3A_981 : f32
    %mul3A_1003 = arith.mulf %sub3A_1002, %mul3A_993 : f32
    %add3A_1004 = arith.addf %get3A_997, %mul3A_1003 : f32
    %div3A_1005 = arith.constant 1.980000e+06 : f32
    %div3A_1006 = arith.divf %scan3A_653#28, %div3A_1005 : f32
    %div3A_1007 = arith.constant 1.980000e+06 : f32
    %div3A_1008 = arith.divf %scan3A_653#29, %div3A_1007 : f32
    %mul3A_1009 = arith.mulf %div3A_1006, %div3A_1006 : f32
    %sub3A_1010 = arith.subf %div3A_1008, %mul3A_1009 : f32
    %get3A_1011 = arith.constant 0 : index
    %get3A_1012 = arith.constant 48 : index
    %get3A_1013 = vector.load %arg3[%get3A_1011, %get3A_1012] : memref<2x128xf32, #tpu.memory_space<vmem>>, vector<1x1xf32>
    %get3A_1014 = vector.extract %get3A_1013[0, 0] : f32 from vector<1x1xf32>
    %add3A_1015 = arith.constant 9.99999974E-6 : f32
    %add3A_1016 = arith.addf %sub3A_1010, %add3A_1015 : f32
    %rsqrt3A_1017 = math.rsqrt %add3A_1016 : f32
    %mul3A_1018 = arith.mulf %get3A_1014, %rsqrt3A_1017 : f32
    %get3A_1019 = arith.constant 0 : index
    %get3A_1020 = arith.constant 80 : index
    %get3A_1021 = vector.load %arg3[%get3A_1019, %get3A_1020] : memref<2x128xf32, #tpu.memory_space<vmem>>, vector<1x1xf32>
    %get3A_1022 = vector.extract %get3A_1021[0, 0] : f32 from vector<1x1xf32>
    %get3A_1023 = arith.constant 0 : index
    %get3A_1024 = arith.constant 16 : index
    %get3A_1025 = vector.load %arg3[%get3A_1023, %get3A_1024] : memref<2x128xf32, #tpu.memory_space<vmem>>, vector<1x1xf32>
    %get3A_1026 = vector.extract %get3A_1025[0, 0] : f32 from vector<1x1xf32>
    %sub3A_1027 = arith.subf %get3A_1026, %div3A_1006 : f32
    %mul3A_1028 = arith.mulf %sub3A_1027, %mul3A_1018 : f32
    %add3A_1029 = arith.addf %get3A_1022, %mul3A_1028 : f32
    %div3A_1030 = arith.constant 1.980000e+06 : f32
    %div3A_1031 = arith.divf %scan3A_653#30, %div3A_1030 : f32
    %div3A_1032 = arith.constant 1.980000e+06 : f32
    %div3A_1033 = arith.divf %scan3A_653#31, %div3A_1032 : f32
    %mul3A_1034 = arith.mulf %div3A_1031, %div3A_1031 : f32
    %sub3A_1035 = arith.subf %div3A_1033, %mul3A_1034 : f32
    %get3A_1036 = arith.constant 0 : index
    %get3A_1037 = arith.constant 49 : index
    %get3A_1038 = vector.load %arg3[%get3A_1036, %get3A_1037] : memref<2x128xf32, #tpu.memory_space<vmem>>, vector<1x1xf32>
    %get3A_1039 = vector.extract %get3A_1038[0, 0] : f32 from vector<1x1xf32>
    %add3A_1040 = arith.constant 9.99999974E-6 : f32
    %add3A_1041 = arith.addf %sub3A_1035, %add3A_1040 : f32
    %rsqrt3A_1042 = math.rsqrt %add3A_1041 : f32
    %mul3A_1043 = arith.mulf %get3A_1039, %rsqrt3A_1042 : f32
    %get3A_1044 = arith.constant 0 : index
    %get3A_1045 = arith.constant 81 : index
    %get3A_1046 = vector.load %arg3[%get3A_1044, %get3A_1045] : memref<2x128xf32, #tpu.memory_space<vmem>>, vector<1x1xf32>
    %get3A_1047 = vector.extract %get3A_1046[0, 0] : f32 from vector<1x1xf32>
    %get3A_1048 = arith.constant 0 : index
    %get3A_1049 = arith.constant 17 : index
    %get3A_1050 = vector.load %arg3[%get3A_1048, %get3A_1049] : memref<2x128xf32, #tpu.memory_space<vmem>>, vector<1x1xf32>
    %get3A_1051 = vector.extract %get3A_1050[0, 0] : f32 from vector<1x1xf32>
    %sub3A_1052 = arith.subf %get3A_1051, %div3A_1031 : f32
    %mul3A_1053 = arith.mulf %sub3A_1052, %mul3A_1043 : f32
    %add3A_1054 = arith.addf %get3A_1047, %mul3A_1053 : f32
    %div3A_1055 = arith.constant 1.980000e+06 : f32
    %div3A_1056 = arith.divf %scan3A_653#32, %div3A_1055 : f32
    %div3A_1057 = arith.constant 1.980000e+06 : f32
    %div3A_1058 = arith.divf %scan3A_653#33, %div3A_1057 : f32
    %mul3A_1059 = arith.mulf %div3A_1056, %div3A_1056 : f32
    %sub3A_1060 = arith.subf %div3A_1058, %mul3A_1059 : f32
    %get3A_1061 = arith.constant 0 : index
    %get3A_1062 = arith.constant 50 : index
    %get3A_1063 = vector.load %arg3[%get3A_1061, %get3A_1062] : memref<2x128xf32, #tpu.memory_space<vmem>>, vector<1x1xf32>
    %get3A_1064 = vector.extract %get3A_1063[0, 0] : f32 from vector<1x1xf32>
    %add3A_1065 = arith.constant 9.99999974E-6 : f32
    %add3A_1066 = arith.addf %sub3A_1060, %add3A_1065 : f32
    %rsqrt3A_1067 = math.rsqrt %add3A_1066 : f32
    %mul3A_1068 = arith.mulf %get3A_1064, %rsqrt3A_1067 : f32
    %get3A_1069 = arith.constant 0 : index
    %get3A_1070 = arith.constant 82 : index
    %get3A_1071 = vector.load %arg3[%get3A_1069, %get3A_1070] : memref<2x128xf32, #tpu.memory_space<vmem>>, vector<1x1xf32>
    %get3A_1072 = vector.extract %get3A_1071[0, 0] : f32 from vector<1x1xf32>
    %get3A_1073 = arith.constant 0 : index
    %get3A_1074 = arith.constant 18 : index
    %get3A_1075 = vector.load %arg3[%get3A_1073, %get3A_1074] : memref<2x128xf32, #tpu.memory_space<vmem>>, vector<1x1xf32>
    %get3A_1076 = vector.extract %get3A_1075[0, 0] : f32 from vector<1x1xf32>
    %sub3A_1077 = arith.subf %get3A_1076, %div3A_1056 : f32
    %mul3A_1078 = arith.mulf %sub3A_1077, %mul3A_1068 : f32
    %add3A_1079 = arith.addf %get3A_1072, %mul3A_1078 : f32
    %div3A_1080 = arith.constant 1.980000e+06 : f32
    %div3A_1081 = arith.divf %scan3A_653#34, %div3A_1080 : f32
    %div3A_1082 = arith.constant 1.980000e+06 : f32
    %div3A_1083 = arith.divf %scan3A_653#35, %div3A_1082 : f32
    %mul3A_1084 = arith.mulf %div3A_1081, %div3A_1081 : f32
    %sub3A_1085 = arith.subf %div3A_1083, %mul3A_1084 : f32
    %get3A_1086 = arith.constant 0 : index
    %get3A_1087 = arith.constant 51 : index
    %get3A_1088 = vector.load %arg3[%get3A_1086, %get3A_1087] : memref<2x128xf32, #tpu.memory_space<vmem>>, vector<1x1xf32>
    %get3A_1089 = vector.extract %get3A_1088[0, 0] : f32 from vector<1x1xf32>
    %add3A_1090 = arith.constant 9.99999974E-6 : f32
    %add3A_1091 = arith.addf %sub3A_1085, %add3A_1090 : f32
    %rsqrt3A_1092 = math.rsqrt %add3A_1091 : f32
    %mul3A_1093 = arith.mulf %get3A_1089, %rsqrt3A_1092 : f32
    %get3A_1094 = arith.constant 0 : index
    %get3A_1095 = arith.constant 83 : index
    %get3A_1096 = vector.load %arg3[%get3A_1094, %get3A_1095] : memref<2x128xf32, #tpu.memory_space<vmem>>, vector<1x1xf32>
    %get3A_1097 = vector.extract %get3A_1096[0, 0] : f32 from vector<1x1xf32>
    %get3A_1098 = arith.constant 0 : index
    %get3A_1099 = arith.constant 19 : index
    %get3A_1100 = vector.load %arg3[%get3A_1098, %get3A_1099] : memref<2x128xf32, #tpu.memory_space<vmem>>, vector<1x1xf32>
    %get3A_1101 = vector.extract %get3A_1100[0, 0] : f32 from vector<1x1xf32>
    %sub3A_1102 = arith.subf %get3A_1101, %div3A_1081 : f32
    %mul3A_1103 = arith.mulf %sub3A_1102, %mul3A_1093 : f32
    %add3A_1104 = arith.addf %get3A_1097, %mul3A_1103 : f32
    %div3A_1105 = arith.constant 1.980000e+06 : f32
    %div3A_1106 = arith.divf %scan3A_653#36, %div3A_1105 : f32
    %div3A_1107 = arith.constant 1.980000e+06 : f32
    %div3A_1108 = arith.divf %scan3A_653#37, %div3A_1107 : f32
    %mul3A_1109 = arith.mulf %div3A_1106, %div3A_1106 : f32
    %sub3A_1110 = arith.subf %div3A_1108, %mul3A_1109 : f32
    %get3A_1111 = arith.constant 0 : index
    %get3A_1112 = arith.constant 52 : index
    %get3A_1113 = vector.load %arg3[%get3A_1111, %get3A_1112] : memref<2x128xf32, #tpu.memory_space<vmem>>, vector<1x1xf32>
    %get3A_1114 = vector.extract %get3A_1113[0, 0] : f32 from vector<1x1xf32>
    %add3A_1115 = arith.constant 9.99999974E-6 : f32
    %add3A_1116 = arith.addf %sub3A_1110, %add3A_1115 : f32
    %rsqrt3A_1117 = math.rsqrt %add3A_1116 : f32
    %mul3A_1118 = arith.mulf %get3A_1114, %rsqrt3A_1117 : f32
    %get3A_1119 = arith.constant 0 : index
    %get3A_1120 = arith.constant 84 : index
    %get3A_1121 = vector.load %arg3[%get3A_1119, %get3A_1120] : memref<2x128xf32, #tpu.memory_space<vmem>>, vector<1x1xf32>
    %get3A_1122 = vector.extract %get3A_1121[0, 0] : f32 from vector<1x1xf32>
    %get3A_1123 = arith.constant 0 : index
    %get3A_1124 = arith.constant 20 : index
    %get3A_1125 = vector.load %arg3[%get3A_1123, %get3A_1124] : memref<2x128xf32, #tpu.memory_space<vmem>>, vector<1x1xf32>
    %get3A_1126 = vector.extract %get3A_1125[0, 0] : f32 from vector<1x1xf32>
    %sub3A_1127 = arith.subf %get3A_1126, %div3A_1106 : f32
    %mul3A_1128 = arith.mulf %sub3A_1127, %mul3A_1118 : f32
    %add3A_1129 = arith.addf %get3A_1122, %mul3A_1128 : f32
    %div3A_1130 = arith.constant 1.980000e+06 : f32
    %div3A_1131 = arith.divf %scan3A_653#38, %div3A_1130 : f32
    %div3A_1132 = arith.constant 1.980000e+06 : f32
    %div3A_1133 = arith.divf %scan3A_653#39, %div3A_1132 : f32
    %mul3A_1134 = arith.mulf %div3A_1131, %div3A_1131 : f32
    %sub3A_1135 = arith.subf %div3A_1133, %mul3A_1134 : f32
    %get3A_1136 = arith.constant 0 : index
    %get3A_1137 = arith.constant 53 : index
    %get3A_1138 = vector.load %arg3[%get3A_1136, %get3A_1137] : memref<2x128xf32, #tpu.memory_space<vmem>>, vector<1x1xf32>
    %get3A_1139 = vector.extract %get3A_1138[0, 0] : f32 from vector<1x1xf32>
    %add3A_1140 = arith.constant 9.99999974E-6 : f32
    %add3A_1141 = arith.addf %sub3A_1135, %add3A_1140 : f32
    %rsqrt3A_1142 = math.rsqrt %add3A_1141 : f32
    %mul3A_1143 = arith.mulf %get3A_1139, %rsqrt3A_1142 : f32
    %get3A_1144 = arith.constant 0 : index
    %get3A_1145 = arith.constant 85 : index
    %get3A_1146 = vector.load %arg3[%get3A_1144, %get3A_1145] : memref<2x128xf32, #tpu.memory_space<vmem>>, vector<1x1xf32>
    %get3A_1147 = vector.extract %get3A_1146[0, 0] : f32 from vector<1x1xf32>
    %get3A_1148 = arith.constant 0 : index
    %get3A_1149 = arith.constant 21 : index
    %get3A_1150 = vector.load %arg3[%get3A_1148, %get3A_1149] : memref<2x128xf32, #tpu.memory_space<vmem>>, vector<1x1xf32>
    %get3A_1151 = vector.extract %get3A_1150[0, 0] : f32 from vector<1x1xf32>
    %sub3A_1152 = arith.subf %get3A_1151, %div3A_1131 : f32
    %mul3A_1153 = arith.mulf %sub3A_1152, %mul3A_1143 : f32
    %add3A_1154 = arith.addf %get3A_1147, %mul3A_1153 : f32
    %div3A_1155 = arith.constant 1.980000e+06 : f32
    %div3A_1156 = arith.divf %scan3A_653#40, %div3A_1155 : f32
    %div3A_1157 = arith.constant 1.980000e+06 : f32
    %div3A_1158 = arith.divf %scan3A_653#41, %div3A_1157 : f32
    %mul3A_1159 = arith.mulf %div3A_1156, %div3A_1156 : f32
    %sub3A_1160 = arith.subf %div3A_1158, %mul3A_1159 : f32
    %get3A_1161 = arith.constant 0 : index
    %get3A_1162 = arith.constant 54 : index
    %get3A_1163 = vector.load %arg3[%get3A_1161, %get3A_1162] : memref<2x128xf32, #tpu.memory_space<vmem>>, vector<1x1xf32>
    %get3A_1164 = vector.extract %get3A_1163[0, 0] : f32 from vector<1x1xf32>
    %add3A_1165 = arith.constant 9.99999974E-6 : f32
    %add3A_1166 = arith.addf %sub3A_1160, %add3A_1165 : f32
    %rsqrt3A_1167 = math.rsqrt %add3A_1166 : f32
    %mul3A_1168 = arith.mulf %get3A_1164, %rsqrt3A_1167 : f32
    %get3A_1169 = arith.constant 0 : index
    %get3A_1170 = arith.constant 86 : index
    %get3A_1171 = vector.load %arg3[%get3A_1169, %get3A_1170] : memref<2x128xf32, #tpu.memory_space<vmem>>, vector<1x1xf32>
    %get3A_1172 = vector.extract %get3A_1171[0, 0] : f32 from vector<1x1xf32>
    %get3A_1173 = arith.constant 0 : index
    %get3A_1174 = arith.constant 22 : index
    %get3A_1175 = vector.load %arg3[%get3A_1173, %get3A_1174] : memref<2x128xf32, #tpu.memory_space<vmem>>, vector<1x1xf32>
    %get3A_1176 = vector.extract %get3A_1175[0, 0] : f32 from vector<1x1xf32>
    %sub3A_1177 = arith.subf %get3A_1176, %div3A_1156 : f32
    %mul3A_1178 = arith.mulf %sub3A_1177, %mul3A_1168 : f32
    %add3A_1179 = arith.addf %get3A_1172, %mul3A_1178 : f32
    %div3A_1180 = arith.constant 1.980000e+06 : f32
    %div3A_1181 = arith.divf %scan3A_653#42, %div3A_1180 : f32
    %div3A_1182 = arith.constant 1.980000e+06 : f32
    %div3A_1183 = arith.divf %scan3A_653#43, %div3A_1182 : f32
    %mul3A_1184 = arith.mulf %div3A_1181, %div3A_1181 : f32
    %sub3A_1185 = arith.subf %div3A_1183, %mul3A_1184 : f32
    %get3A_1186 = arith.constant 0 : index
    %get3A_1187 = arith.constant 55 : index
    %get3A_1188 = vector.load %arg3[%get3A_1186, %get3A_1187] : memref<2x128xf32, #tpu.memory_space<vmem>>, vector<1x1xf32>
    %get3A_1189 = vector.extract %get3A_1188[0, 0] : f32 from vector<1x1xf32>
    %add3A_1190 = arith.constant 9.99999974E-6 : f32
    %add3A_1191 = arith.addf %sub3A_1185, %add3A_1190 : f32
    %rsqrt3A_1192 = math.rsqrt %add3A_1191 : f32
    %mul3A_1193 = arith.mulf %get3A_1189, %rsqrt3A_1192 : f32
    %get3A_1194 = arith.constant 0 : index
    %get3A_1195 = arith.constant 87 : index
    %get3A_1196 = vector.load %arg3[%get3A_1194, %get3A_1195] : memref<2x128xf32, #tpu.memory_space<vmem>>, vector<1x1xf32>
    %get3A_1197 = vector.extract %get3A_1196[0, 0] : f32 from vector<1x1xf32>
    %get3A_1198 = arith.constant 0 : index
    %get3A_1199 = arith.constant 23 : index
    %get3A_1200 = vector.load %arg3[%get3A_1198, %get3A_1199] : memref<2x128xf32, #tpu.memory_space<vmem>>, vector<1x1xf32>
    %get3A_1201 = vector.extract %get3A_1200[0, 0] : f32 from vector<1x1xf32>
    %sub3A_1202 = arith.subf %get3A_1201, %div3A_1181 : f32
    %mul3A_1203 = arith.mulf %sub3A_1202, %mul3A_1193 : f32
    %add3A_1204 = arith.addf %get3A_1197, %mul3A_1203 : f32
    %div3A_1205 = arith.constant 1.980000e+06 : f32
    %div3A_1206 = arith.divf %scan3A_653#44, %div3A_1205 : f32
    %div3A_1207 = arith.constant 1.980000e+06 : f32
    %div3A_1208 = arith.divf %scan3A_653#45, %div3A_1207 : f32
    %mul3A_1209 = arith.mulf %div3A_1206, %div3A_1206 : f32
    %sub3A_1210 = arith.subf %div3A_1208, %mul3A_1209 : f32
    %get3A_1211 = arith.constant 0 : index
    %get3A_1212 = arith.constant 56 : index
    %get3A_1213 = vector.load %arg3[%get3A_1211, %get3A_1212] : memref<2x128xf32, #tpu.memory_space<vmem>>, vector<1x1xf32>
    %get3A_1214 = vector.extract %get3A_1213[0, 0] : f32 from vector<1x1xf32>
    %add3A_1215 = arith.constant 9.99999974E-6 : f32
    %add3A_1216 = arith.addf %sub3A_1210, %add3A_1215 : f32
    %rsqrt3A_1217 = math.rsqrt %add3A_1216 : f32
    %mul3A_1218 = arith.mulf %get3A_1214, %rsqrt3A_1217 : f32
    %get3A_1219 = arith.constant 0 : index
    %get3A_1220 = arith.constant 88 : index
    %get3A_1221 = vector.load %arg3[%get3A_1219, %get3A_1220] : memref<2x128xf32, #tpu.memory_space<vmem>>, vector<1x1xf32>
    %get3A_1222 = vector.extract %get3A_1221[0, 0] : f32 from vector<1x1xf32>
    %get3A_1223 = arith.constant 0 : index
    %get3A_1224 = arith.constant 24 : index
    %get3A_1225 = vector.load %arg3[%get3A_1223, %get3A_1224] : memref<2x128xf32, #tpu.memory_space<vmem>>, vector<1x1xf32>
    %get3A_1226 = vector.extract %get3A_1225[0, 0] : f32 from vector<1x1xf32>
    %sub3A_1227 = arith.subf %get3A_1226, %div3A_1206 : f32
    %mul3A_1228 = arith.mulf %sub3A_1227, %mul3A_1218 : f32
    %add3A_1229 = arith.addf %get3A_1222, %mul3A_1228 : f32
    %div3A_1230 = arith.constant 1.980000e+06 : f32
    %div3A_1231 = arith.divf %scan3A_653#46, %div3A_1230 : f32
    %div3A_1232 = arith.constant 1.980000e+06 : f32
    %div3A_1233 = arith.divf %scan3A_653#47, %div3A_1232 : f32
    %mul3A_1234 = arith.mulf %div3A_1231, %div3A_1231 : f32
    %sub3A_1235 = arith.subf %div3A_1233, %mul3A_1234 : f32
    %get3A_1236 = arith.constant 0 : index
    %get3A_1237 = arith.constant 57 : index
    %get3A_1238 = vector.load %arg3[%get3A_1236, %get3A_1237] : memref<2x128xf32, #tpu.memory_space<vmem>>, vector<1x1xf32>
    %get3A_1239 = vector.extract %get3A_1238[0, 0] : f32 from vector<1x1xf32>
    %add3A_1240 = arith.constant 9.99999974E-6 : f32
    %add3A_1241 = arith.addf %sub3A_1235, %add3A_1240 : f32
    %rsqrt3A_1242 = math.rsqrt %add3A_1241 : f32
    %mul3A_1243 = arith.mulf %get3A_1239, %rsqrt3A_1242 : f32
    %get3A_1244 = arith.constant 0 : index
    %get3A_1245 = arith.constant 89 : index
    %get3A_1246 = vector.load %arg3[%get3A_1244, %get3A_1245] : memref<2x128xf32, #tpu.memory_space<vmem>>, vector<1x1xf32>
    %get3A_1247 = vector.extract %get3A_1246[0, 0] : f32 from vector<1x1xf32>
    %get3A_1248 = arith.constant 0 : index
    %get3A_1249 = arith.constant 25 : index
    %get3A_1250 = vector.load %arg3[%get3A_1248, %get3A_1249] : memref<2x128xf32, #tpu.memory_space<vmem>>, vector<1x1xf32>
    %get3A_1251 = vector.extract %get3A_1250[0, 0] : f32 from vector<1x1xf32>
    %sub3A_1252 = arith.subf %get3A_1251, %div3A_1231 : f32
    %mul3A_1253 = arith.mulf %sub3A_1252, %mul3A_1243 : f32
    %add3A_1254 = arith.addf %get3A_1247, %mul3A_1253 : f32
    %div3A_1255 = arith.constant 1.980000e+06 : f32
    %div3A_1256 = arith.divf %scan3A_653#48, %div3A_1255 : f32
    %div3A_1257 = arith.constant 1.980000e+06 : f32
    %div3A_1258 = arith.divf %scan3A_653#49, %div3A_1257 : f32
    %mul3A_1259 = arith.mulf %div3A_1256, %div3A_1256 : f32
    %sub3A_1260 = arith.subf %div3A_1258, %mul3A_1259 : f32
    %get3A_1261 = arith.constant 0 : index
    %get3A_1262 = arith.constant 58 : index
    %get3A_1263 = vector.load %arg3[%get3A_1261, %get3A_1262] : memref<2x128xf32, #tpu.memory_space<vmem>>, vector<1x1xf32>
    %get3A_1264 = vector.extract %get3A_1263[0, 0] : f32 from vector<1x1xf32>
    %add3A_1265 = arith.constant 9.99999974E-6 : f32
    %add3A_1266 = arith.addf %sub3A_1260, %add3A_1265 : f32
    %rsqrt3A_1267 = math.rsqrt %add3A_1266 : f32
    %mul3A_1268 = arith.mulf %get3A_1264, %rsqrt3A_1267 : f32
    %get3A_1269 = arith.constant 0 : index
    %get3A_1270 = arith.constant 90 : index
    %get3A_1271 = vector.load %arg3[%get3A_1269, %get3A_1270] : memref<2x128xf32, #tpu.memory_space<vmem>>, vector<1x1xf32>
    %get3A_1272 = vector.extract %get3A_1271[0, 0] : f32 from vector<1x1xf32>
    %get3A_1273 = arith.constant 0 : index
    %get3A_1274 = arith.constant 26 : index
    %get3A_1275 = vector.load %arg3[%get3A_1273, %get3A_1274] : memref<2x128xf32, #tpu.memory_space<vmem>>, vector<1x1xf32>
    %get3A_1276 = vector.extract %get3A_1275[0, 0] : f32 from vector<1x1xf32>
    %sub3A_1277 = arith.subf %get3A_1276, %div3A_1256 : f32
    %mul3A_1278 = arith.mulf %sub3A_1277, %mul3A_1268 : f32
    %add3A_1279 = arith.addf %get3A_1272, %mul3A_1278 : f32
    %div3A_1280 = arith.constant 1.980000e+06 : f32
    %div3A_1281 = arith.divf %scan3A_653#50, %div3A_1280 : f32
    %div3A_1282 = arith.constant 1.980000e+06 : f32
    %div3A_1283 = arith.divf %scan3A_653#51, %div3A_1282 : f32
    %mul3A_1284 = arith.mulf %div3A_1281, %div3A_1281 : f32
    %sub3A_1285 = arith.subf %div3A_1283, %mul3A_1284 : f32
    %get3A_1286 = arith.constant 0 : index
    %get3A_1287 = arith.constant 59 : index
    %get3A_1288 = vector.load %arg3[%get3A_1286, %get3A_1287] : memref<2x128xf32, #tpu.memory_space<vmem>>, vector<1x1xf32>
    %get3A_1289 = vector.extract %get3A_1288[0, 0] : f32 from vector<1x1xf32>
    %add3A_1290 = arith.constant 9.99999974E-6 : f32
    %add3A_1291 = arith.addf %sub3A_1285, %add3A_1290 : f32
    %rsqrt3A_1292 = math.rsqrt %add3A_1291 : f32
    %mul3A_1293 = arith.mulf %get3A_1289, %rsqrt3A_1292 : f32
    %get3A_1294 = arith.constant 0 : index
    %get3A_1295 = arith.constant 91 : index
    %get3A_1296 = vector.load %arg3[%get3A_1294, %get3A_1295] : memref<2x128xf32, #tpu.memory_space<vmem>>, vector<1x1xf32>
    %get3A_1297 = vector.extract %get3A_1296[0, 0] : f32 from vector<1x1xf32>
    %get3A_1298 = arith.constant 0 : index
    %get3A_1299 = arith.constant 27 : index
    %get3A_1300 = vector.load %arg3[%get3A_1298, %get3A_1299] : memref<2x128xf32, #tpu.memory_space<vmem>>, vector<1x1xf32>
    %get3A_1301 = vector.extract %get3A_1300[0, 0] : f32 from vector<1x1xf32>
    %sub3A_1302 = arith.subf %get3A_1301, %div3A_1281 : f32
    %mul3A_1303 = arith.mulf %sub3A_1302, %mul3A_1293 : f32
    %add3A_1304 = arith.addf %get3A_1297, %mul3A_1303 : f32
    %div3A_1305 = arith.constant 1.980000e+06 : f32
    %div3A_1306 = arith.divf %scan3A_653#52, %div3A_1305 : f32
    %div3A_1307 = arith.constant 1.980000e+06 : f32
    %div3A_1308 = arith.divf %scan3A_653#53, %div3A_1307 : f32
    %mul3A_1309 = arith.mulf %div3A_1306, %div3A_1306 : f32
    %sub3A_1310 = arith.subf %div3A_1308, %mul3A_1309 : f32
    %get3A_1311 = arith.constant 0 : index
    %get3A_1312 = arith.constant 60 : index
    %get3A_1313 = vector.load %arg3[%get3A_1311, %get3A_1312] : memref<2x128xf32, #tpu.memory_space<vmem>>, vector<1x1xf32>
    %get3A_1314 = vector.extract %get3A_1313[0, 0] : f32 from vector<1x1xf32>
    %add3A_1315 = arith.constant 9.99999974E-6 : f32
    %add3A_1316 = arith.addf %sub3A_1310, %add3A_1315 : f32
    %rsqrt3A_1317 = math.rsqrt %add3A_1316 : f32
    %mul3A_1318 = arith.mulf %get3A_1314, %rsqrt3A_1317 : f32
    %get3A_1319 = arith.constant 0 : index
    %get3A_1320 = arith.constant 92 : index
    %get3A_1321 = vector.load %arg3[%get3A_1319, %get3A_1320] : memref<2x128xf32, #tpu.memory_space<vmem>>, vector<1x1xf32>
    %get3A_1322 = vector.extract %get3A_1321[0, 0] : f32 from vector<1x1xf32>
    %get3A_1323 = arith.constant 0 : index
    %get3A_1324 = arith.constant 28 : index
    %get3A_1325 = vector.load %arg3[%get3A_1323, %get3A_1324] : memref<2x128xf32, #tpu.memory_space<vmem>>, vector<1x1xf32>
    %get3A_1326 = vector.extract %get3A_1325[0, 0] : f32 from vector<1x1xf32>
    %sub3A_1327 = arith.subf %get3A_1326, %div3A_1306 : f32
    %mul3A_1328 = arith.mulf %sub3A_1327, %mul3A_1318 : f32
    %add3A_1329 = arith.addf %get3A_1322, %mul3A_1328 : f32
    %div3A_1330 = arith.constant 1.980000e+06 : f32
    %div3A_1331 = arith.divf %scan3A_653#54, %div3A_1330 : f32
    %div3A_1332 = arith.constant 1.980000e+06 : f32
    %div3A_1333 = arith.divf %scan3A_653#55, %div3A_1332 : f32
    %mul3A_1334 = arith.mulf %div3A_1331, %div3A_1331 : f32
    %sub3A_1335 = arith.subf %div3A_1333, %mul3A_1334 : f32
    %get3A_1336 = arith.constant 0 : index
    %get3A_1337 = arith.constant 61 : index
    %get3A_1338 = vector.load %arg3[%get3A_1336, %get3A_1337] : memref<2x128xf32, #tpu.memory_space<vmem>>, vector<1x1xf32>
    %get3A_1339 = vector.extract %get3A_1338[0, 0] : f32 from vector<1x1xf32>
    %add3A_1340 = arith.constant 9.99999974E-6 : f32
    %add3A_1341 = arith.addf %sub3A_1335, %add3A_1340 : f32
    %rsqrt3A_1342 = math.rsqrt %add3A_1341 : f32
    %mul3A_1343 = arith.mulf %get3A_1339, %rsqrt3A_1342 : f32
    %get3A_1344 = arith.constant 0 : index
    %get3A_1345 = arith.constant 93 : index
    %get3A_1346 = vector.load %arg3[%get3A_1344, %get3A_1345] : memref<2x128xf32, #tpu.memory_space<vmem>>, vector<1x1xf32>
    %get3A_1347 = vector.extract %get3A_1346[0, 0] : f32 from vector<1x1xf32>
    %get3A_1348 = arith.constant 0 : index
    %get3A_1349 = arith.constant 29 : index
    %get3A_1350 = vector.load %arg3[%get3A_1348, %get3A_1349] : memref<2x128xf32, #tpu.memory_space<vmem>>, vector<1x1xf32>
    %get3A_1351 = vector.extract %get3A_1350[0, 0] : f32 from vector<1x1xf32>
    %sub3A_1352 = arith.subf %get3A_1351, %div3A_1331 : f32
    %mul3A_1353 = arith.mulf %sub3A_1352, %mul3A_1343 : f32
    %add3A_1354 = arith.addf %get3A_1347, %mul3A_1353 : f32
    %div3A_1355 = arith.constant 1.980000e+06 : f32
    %div3A_1356 = arith.divf %scan3A_653#56, %div3A_1355 : f32
    %div3A_1357 = arith.constant 1.980000e+06 : f32
    %div3A_1358 = arith.divf %scan3A_653#57, %div3A_1357 : f32
    %mul3A_1359 = arith.mulf %div3A_1356, %div3A_1356 : f32
    %sub3A_1360 = arith.subf %div3A_1358, %mul3A_1359 : f32
    %get3A_1361 = arith.constant 0 : index
    %get3A_1362 = arith.constant 62 : index
    %get3A_1363 = vector.load %arg3[%get3A_1361, %get3A_1362] : memref<2x128xf32, #tpu.memory_space<vmem>>, vector<1x1xf32>
    %get3A_1364 = vector.extract %get3A_1363[0, 0] : f32 from vector<1x1xf32>
    %add3A_1365 = arith.constant 9.99999974E-6 : f32
    %add3A_1366 = arith.addf %sub3A_1360, %add3A_1365 : f32
    %rsqrt3A_1367 = math.rsqrt %add3A_1366 : f32
    %mul3A_1368 = arith.mulf %get3A_1364, %rsqrt3A_1367 : f32
    %get3A_1369 = arith.constant 0 : index
    %get3A_1370 = arith.constant 94 : index
    %get3A_1371 = vector.load %arg3[%get3A_1369, %get3A_1370] : memref<2x128xf32, #tpu.memory_space<vmem>>, vector<1x1xf32>
    %get3A_1372 = vector.extract %get3A_1371[0, 0] : f32 from vector<1x1xf32>
    %get3A_1373 = arith.constant 0 : index
    %get3A_1374 = arith.constant 30 : index
    %get3A_1375 = vector.load %arg3[%get3A_1373, %get3A_1374] : memref<2x128xf32, #tpu.memory_space<vmem>>, vector<1x1xf32>
    %get3A_1376 = vector.extract %get3A_1375[0, 0] : f32 from vector<1x1xf32>
    %sub3A_1377 = arith.subf %get3A_1376, %div3A_1356 : f32
    %mul3A_1378 = arith.mulf %sub3A_1377, %mul3A_1368 : f32
    %add3A_1379 = arith.addf %get3A_1372, %mul3A_1378 : f32
    %div3A_1380 = arith.constant 1.980000e+06 : f32
    %div3A_1381 = arith.divf %scan3A_653#58, %div3A_1380 : f32
    %div3A_1382 = arith.constant 1.980000e+06 : f32
    %div3A_1383 = arith.divf %scan3A_653#59, %div3A_1382 : f32
    %mul3A_1384 = arith.mulf %div3A_1381, %div3A_1381 : f32
    %sub3A_1385 = arith.subf %div3A_1383, %mul3A_1384 : f32
    %get3A_1386 = arith.constant 0 : index
    %get3A_1387 = arith.constant 63 : index
    %get3A_1388 = vector.load %arg3[%get3A_1386, %get3A_1387] : memref<2x128xf32, #tpu.memory_space<vmem>>, vector<1x1xf32>
    %get3A_1389 = vector.extract %get3A_1388[0, 0] : f32 from vector<1x1xf32>
    %add3A_1390 = arith.constant 9.99999974E-6 : f32
    %add3A_1391 = arith.addf %sub3A_1385, %add3A_1390 : f32
    %rsqrt3A_1392 = math.rsqrt %add3A_1391 : f32
    %mul3A_1393 = arith.mulf %get3A_1389, %rsqrt3A_1392 : f32
    %get3A_1394 = arith.constant 0 : index
    %get3A_1395 = arith.constant 95 : index
    %get3A_1396 = vector.load %arg3[%get3A_1394, %get3A_1395] : memref<2x128xf32, #tpu.memory_space<vmem>>, vector<1x1xf32>
    %get3A_1397 = vector.extract %get3A_1396[0, 0] : f32 from vector<1x1xf32>
    %get3A_1398 = arith.constant 0 : index
    %get3A_1399 = arith.constant 31 : index
    %get3A_1400 = vector.load %arg3[%get3A_1398, %get3A_1399] : memref<2x128xf32, #tpu.memory_space<vmem>>, vector<1x1xf32>
    %get3A_1401 = vector.extract %get3A_1400[0, 0] : f32 from vector<1x1xf32>
    %sub3A_1402 = arith.subf %get3A_1401, %div3A_1381 : f32
    %mul3A_1403 = arith.mulf %sub3A_1402, %mul3A_1393 : f32
    %add3A_1404 = arith.addf %get3A_1397, %mul3A_1403 : f32
    %div3A_1405 = arith.constant 1.980000e+06 : f32
    %div3A_1406 = arith.divf %scan3A_653#60, %div3A_1405 : f32
    %div3A_1407 = arith.constant 1.980000e+06 : f32
    %div3A_1408 = arith.divf %scan3A_653#61, %div3A_1407 : f32
    %mul3A_1409 = arith.mulf %div3A_1406, %div3A_1406 : f32
    %sub3A_1410 = arith.subf %div3A_1408, %mul3A_1409 : f32
    %get3A_1411 = arith.constant 0 : index
    %get3A_1412 = arith.constant 64 : index
    %get3A_1413 = vector.load %arg3[%get3A_1411, %get3A_1412] : memref<2x128xf32, #tpu.memory_space<vmem>>, vector<1x1xf32>
    %get3A_1414 = vector.extract %get3A_1413[0, 0] : f32 from vector<1x1xf32>
    %add3A_1415 = arith.constant 9.99999974E-6 : f32
    %add3A_1416 = arith.addf %sub3A_1410, %add3A_1415 : f32
    %rsqrt3A_1417 = math.rsqrt %add3A_1416 : f32
    %mul3A_1418 = arith.mulf %get3A_1414, %rsqrt3A_1417 : f32
    %get3A_1419 = arith.constant 0 : index
    %get3A_1420 = arith.constant 96 : index
    %get3A_1421 = vector.load %arg3[%get3A_1419, %get3A_1420] : memref<2x128xf32, #tpu.memory_space<vmem>>, vector<1x1xf32>
    %get3A_1422 = vector.extract %get3A_1421[0, 0] : f32 from vector<1x1xf32>
    %get3A_1423 = arith.constant 0 : index
    %get3A_1424 = arith.constant 32 : index
    %get3A_1425 = vector.load %arg3[%get3A_1423, %get3A_1424] : memref<2x128xf32, #tpu.memory_space<vmem>>, vector<1x1xf32>
    %get3A_1426 = vector.extract %get3A_1425[0, 0] : f32 from vector<1x1xf32>
    %sub3A_1427 = arith.subf %get3A_1426, %div3A_1406 : f32
    %mul3A_1428 = arith.mulf %sub3A_1427, %mul3A_1418 : f32
    %add3A_1429 = arith.addf %get3A_1422, %mul3A_1428 : f32
    %div3A_1430 = arith.constant 1.980000e+06 : f32
    %div3A_1431 = arith.divf %scan3A_653#62, %div3A_1430 : f32
    %div3A_1432 = arith.constant 1.980000e+06 : f32
    %div3A_1433 = arith.divf %scan3A_653#63, %div3A_1432 : f32
    %mul3A_1434 = arith.mulf %div3A_1431, %div3A_1431 : f32
    %sub3A_1435 = arith.subf %div3A_1433, %mul3A_1434 : f32
    %get3A_1436 = arith.constant 0 : index
    %get3A_1437 = arith.constant 65 : index
    %get3A_1438 = vector.load %arg3[%get3A_1436, %get3A_1437] : memref<2x128xf32, #tpu.memory_space<vmem>>, vector<1x1xf32>
    %get3A_1439 = vector.extract %get3A_1438[0, 0] : f32 from vector<1x1xf32>
    %add3A_1440 = arith.constant 9.99999974E-6 : f32
    %add3A_1441 = arith.addf %sub3A_1435, %add3A_1440 : f32
    %rsqrt3A_1442 = math.rsqrt %add3A_1441 : f32
    %mul3A_1443 = arith.mulf %get3A_1439, %rsqrt3A_1442 : f32
    %get3A_1444 = arith.constant 0 : index
    %get3A_1445 = arith.constant 97 : index
    %get3A_1446 = vector.load %arg3[%get3A_1444, %get3A_1445] : memref<2x128xf32, #tpu.memory_space<vmem>>, vector<1x1xf32>
    %get3A_1447 = vector.extract %get3A_1446[0, 0] : f32 from vector<1x1xf32>
    %get3A_1448 = arith.constant 0 : index
    %get3A_1449 = arith.constant 33 : index
    %get3A_1450 = vector.load %arg3[%get3A_1448, %get3A_1449] : memref<2x128xf32, #tpu.memory_space<vmem>>, vector<1x1xf32>
    %get3A_1451 = vector.extract %get3A_1450[0, 0] : f32 from vector<1x1xf32>
    %sub3A_1452 = arith.subf %get3A_1451, %div3A_1431 : f32
    %mul3A_1453 = arith.mulf %sub3A_1452, %mul3A_1443 : f32
    %add3A_1454 = arith.addf %get3A_1447, %mul3A_1453 : f32
    %scan3A_1455 = arith.constant 0 : i32
    %scan3A_1456 = arith.constant 20 : i32
    %scan3A_1457 = arith.addi %scan3A_1455, %scan3A_1456 : i32
    %scan3A_1458 = arith.constant 1 : i32
    scf.for %scan3A_1460 = %scan3A_1455 to %scan3A_1457 step %scan3A_1458  : i32 {
      %mul3A_1461 = arith.constant 512 : i32
      %mul3A_1462 = arith.muli %scan3A_1460, %mul3A_1461 : i32
      %get3A_1463 = arith.index_cast %mul3A_1462 : i32 to index
      %get3A_1464 = arith.constant 0 : index
      %get3A_1465 = vector.load %arg0[%get3A_1463, %get3A_1464] : memref<10240x112xf32, #tpu.memory_space<vmem>>, vector<512x112xf32>
      %mul3A_1466 = vector.broadcast %mul3A_71 : f32 to vector<512x112xf32>
      %mul3A_1467 = arith.mulf %get3A_1465, %mul3A_1466 : vector<512x112xf32>
      %add3A_1468 = vector.broadcast %sub3A_73 : f32 to vector<512x112xf32>
      %add3A_1469 = arith.addf %mul3A_1467, %add3A_1468 : vector<512x112xf32>
      %mul3A_1470 = arith.constant 512 : i32
      %mul3A_1471 = arith.muli %scan3A_1460, %mul3A_1470 : i32
      %get3A_1472 = arith.index_cast %mul3A_1471 : i32 to index
      %get3A_1473 = arith.constant 0 : index
      %get3A_1474 = vector.load %arg1[%get3A_1472, %get3A_1473] : memref<10240x112xf32, #tpu.memory_space<vmem>>, vector<512x112xf32>
      %mul3A_1475 = vector.broadcast %mul3A_71 : f32 to vector<512x112xf32>
      %mul3A_1476 = arith.mulf %get3A_1474, %mul3A_1475 : vector<512x112xf32>
      %add3A_1477 = vector.broadcast %sub3A_73 : f32 to vector<512x112xf32>
      %add3A_1478 = arith.addf %mul3A_1476, %add3A_1477 : vector<512x112xf32>
      %mul3A_1479 = arith.constant 512 : i32
      %mul3A_1480 = arith.muli %scan3A_1460, %mul3A_1479 : i32
      %get3A_1481 = arith.index_cast %mul3A_1480 : i32 to index
      %get3A_1482 = arith.constant 0 : index
      %get3A_1483 = vector.load %arg2[%get3A_1481, %get3A_1482] : memref<10240x112xf32, #tpu.memory_space<vmem>>, vector<512x112xf32>
      %mul3A_1484 = vector.broadcast %mul3A_71 : f32 to vector<512x112xf32>
      %mul3A_1485 = arith.mulf %get3A_1483, %mul3A_1484 : vector<512x112xf32>
      %add3A_1486 = vector.broadcast %sub3A_73 : f32 to vector<512x112xf32>
      %add3A_1487 = arith.addf %mul3A_1485, %add3A_1486 : vector<512x112xf32>
      %slice3A = vector.extract_strided_slice %add3A_1469 {offsets = [0, 0], sizes = [512, 99], strides = [1, 1]} : vector<512x112xf32> to vector<512x99xf32>
      %slice3A_1488 = vector.extract_strided_slice %add3A_1478 {offsets = [0, 0], sizes = [512, 99], strides = [1, 1]} : vector<512x112xf32> to vector<512x99xf32>
      %slice3A_1489 = vector.extract_strided_slice %add3A_1469 {offsets = [0, 1], sizes = [512, 99], strides = [1, 1]} : vector<512x112xf32> to vector<512x99xf32>
      %slice3A_1490 = vector.extract_strided_slice %add3A_1478 {offsets = [0, 1], sizes = [512, 99], strides = [1, 1]} : vector<512x112xf32> to vector<512x99xf32>
      %slice3A_1491 = vector.extract_strided_slice %add3A_1478 {offsets = [0, 0], sizes = [512, 99], strides = [1, 1]} : vector<512x112xf32> to vector<512x99xf32>
      %slice3A_1492 = vector.extract_strided_slice %add3A_1487 {offsets = [0, 0], sizes = [512, 99], strides = [1, 1]} : vector<512x112xf32> to vector<512x99xf32>
      %slice3A_1493 = vector.extract_strided_slice %add3A_1478 {offsets = [0, 1], sizes = [512, 99], strides = [1, 1]} : vector<512x112xf32> to vector<512x99xf32>
      %slice3A_1494 = vector.extract_strided_slice %add3A_1487 {offsets = [0, 1], sizes = [512, 99], strides = [1, 1]} : vector<512x112xf32> to vector<512x99xf32>
      %broadcast_in_dim3A = arith.constant 0.000000e+00 : f32
      %broadcast_in_dim3A_1495 = vector.broadcast %broadcast_in_dim3A : f32 to vector<512x99xf32>
      %mul3A_1496 = arith.mulf %get3A_77, %mul3A_668 : f32
      %mul3A_1497 = vector.broadcast %mul3A_1496 : f32 to vector<512x99xf32>
      %mul3A_1498 = arith.mulf %slice3A, %mul3A_1497 : vector<512x99xf32>
      %mul3A_1499 = arith.mulf %get3A_205, %mul3A_668 : f32
      %mul3A_1500 = vector.broadcast %mul3A_1499 : f32 to vector<512x99xf32>
      %mul3A_1501 = arith.mulf %slice3A_1488, %mul3A_1500 : vector<512x99xf32>
      %add3A_1502 = arith.addf %mul3A_1498, %mul3A_1501 : vector<512x99xf32>
      %mul3A_1503 = arith.mulf %get3A_333, %mul3A_668 : f32
      %mul3A_1504 = vector.broadcast %mul3A_1503 : f32 to vector<512x99xf32>
      %mul3A_1505 = arith.mulf %slice3A_1489, %mul3A_1504 : vector<512x99xf32>
      %add3A_1506 = arith.addf %add3A_1502, %mul3A_1505 : vector<512x99xf32>
      %mul3A_1507 = arith.mulf %get3A_461, %mul3A_668 : f32
      %mul3A_1508 = vector.broadcast %mul3A_1507 : f32 to vector<512x99xf32>
      %mul3A_1509 = arith.mulf %slice3A_1490, %mul3A_1508 : vector<512x99xf32>
      %add3A_1510 = arith.addf %add3A_1506, %mul3A_1509 : vector<512x99xf32>
      %add3A_1511 = vector.broadcast %add3A_679 : f32 to vector<512x99xf32>
      %add3A_1512 = arith.addf %add3A_1510, %add3A_1511 : vector<512x99xf32>
      %max3A = arith.constant 0.000000e+00 : f32
      %max3A_1513 = vector.broadcast %max3A : f32 to vector<512x99xf32>
      %max3A_1514 = arith.maximumf %add3A_1512, %max3A_1513 : vector<512x99xf32>
      %get3A_1515 = arith.constant 0 : index
      %get3A_1516 = arith.constant 0 : index
      %get3A_1517 = vector.load %arg4[%get3A_1515, %get3A_1516] : memref<32x99xf32, #tpu.memory_space<vmem>>, vector<1x99xf32>
      %mul3A_1518 = vector.broadcast %get3A_1517 : vector<1x99xf32> to vector<512x99xf32>
      %mul3A_1519 = arith.mulf %max3A_1514, %mul3A_1518 : vector<512x99xf32>
      %add3A_1520 = arith.addf %broadcast_in_dim3A_1495, %mul3A_1519 : vector<512x99xf32>
      %mul3A_1521 = arith.mulf %get3A_77, %mul3A_668 : f32
      %mul3A_1522 = vector.broadcast %mul3A_1521 : f32 to vector<512x99xf32>
      %mul3A_1523 = arith.mulf %slice3A_1491, %mul3A_1522 : vector<512x99xf32>
      %mul3A_1524 = arith.mulf %get3A_205, %mul3A_668 : f32
      %mul3A_1525 = vector.broadcast %mul3A_1524 : f32 to vector<512x99xf32>
      %mul3A_1526 = arith.mulf %slice3A_1492, %mul3A_1525 : vector<512x99xf32>
      %add3A_1527 = arith.addf %mul3A_1523, %mul3A_1526 : vector<512x99xf32>
      %mul3A_1528 = arith.mulf %get3A_333, %mul3A_668 : f32
      %mul3A_1529 = vector.broadcast %mul3A_1528 : f32 to vector<512x99xf32>
      %mul3A_1530 = arith.mulf %slice3A_1493, %mul3A_1529 : vector<512x99xf32>
      %add3A_1531 = arith.addf %add3A_1527, %mul3A_1530 : vector<512x99xf32>
      %mul3A_1532 = arith.mulf %get3A_461, %mul3A_668 : f32
      %mul3A_1533 = vector.broadcast %mul3A_1532 : f32 to vector<512x99xf32>
      %mul3A_1534 = arith.mulf %slice3A_1494, %mul3A_1533 : vector<512x99xf32>
      %add3A_1535 = arith.addf %add3A_1531, %mul3A_1534 : vector<512x99xf32>
      %add3A_1536 = vector.broadcast %add3A_679 : f32 to vector<512x99xf32>
      %add3A_1537 = arith.addf %add3A_1535, %add3A_1536 : vector<512x99xf32>
      %max3A_1538 = arith.constant 0.000000e+00 : f32
      %max3A_1539 = vector.broadcast %max3A_1538 : f32 to vector<512x99xf32>
      %max3A_1540 = arith.maximumf %add3A_1537, %max3A_1539 : vector<512x99xf32>
      %get3A_1541 = arith.constant 0 : index
      %get3A_1542 = arith.constant 0 : index
      %get3A_1543 = vector.load %arg5[%get3A_1541, %get3A_1542] : memref<32x99xf32, #tpu.memory_space<vmem>>, vector<1x99xf32>
      %mul3A_1544 = vector.broadcast %get3A_1543 : vector<1x99xf32> to vector<512x99xf32>
      %mul3A_1545 = arith.mulf %max3A_1540, %mul3A_1544 : vector<512x99xf32>
      %add3A_1546 = arith.addf %add3A_1520, %mul3A_1545 : vector<512x99xf32>
      %mul3A_1547 = arith.mulf %get3A_81, %mul3A_693 : f32
      %mul3A_1548 = vector.broadcast %mul3A_1547 : f32 to vector<512x99xf32>
      %mul3A_1549 = arith.mulf %slice3A, %mul3A_1548 : vector<512x99xf32>
      %mul3A_1550 = arith.mulf %get3A_209, %mul3A_693 : f32
      %mul3A_1551 = vector.broadcast %mul3A_1550 : f32 to vector<512x99xf32>
      %mul3A_1552 = arith.mulf %slice3A_1488, %mul3A_1551 : vector<512x99xf32>
      %add3A_1553 = arith.addf %mul3A_1549, %mul3A_1552 : vector<512x99xf32>
      %mul3A_1554 = arith.mulf %get3A_337, %mul3A_693 : f32
      %mul3A_1555 = vector.broadcast %mul3A_1554 : f32 to vector<512x99xf32>
      %mul3A_1556 = arith.mulf %slice3A_1489, %mul3A_1555 : vector<512x99xf32>
      %add3A_1557 = arith.addf %add3A_1553, %mul3A_1556 : vector<512x99xf32>
      %mul3A_1558 = arith.mulf %get3A_465, %mul3A_693 : f32
      %mul3A_1559 = vector.broadcast %mul3A_1558 : f32 to vector<512x99xf32>
      %mul3A_1560 = arith.mulf %slice3A_1490, %mul3A_1559 : vector<512x99xf32>
      %add3A_1561 = arith.addf %add3A_1557, %mul3A_1560 : vector<512x99xf32>
      %add3A_1562 = vector.broadcast %add3A_704 : f32 to vector<512x99xf32>
      %add3A_1563 = arith.addf %add3A_1561, %add3A_1562 : vector<512x99xf32>
      %max3A_1564 = arith.constant 0.000000e+00 : f32
      %max3A_1565 = vector.broadcast %max3A_1564 : f32 to vector<512x99xf32>
      %max3A_1566 = arith.maximumf %add3A_1563, %max3A_1565 : vector<512x99xf32>
      %get3A_1567 = arith.constant 1 : index
      %get3A_1568 = arith.constant 0 : index
      %get3A_1569 = vector.load %arg4[%get3A_1567, %get3A_1568] : memref<32x99xf32, #tpu.memory_space<vmem>>, vector<1x99xf32>
      %mul3A_1570 = vector.broadcast %get3A_1569 : vector<1x99xf32> to vector<512x99xf32>
      %mul3A_1571 = arith.mulf %max3A_1566, %mul3A_1570 : vector<512x99xf32>
      %add3A_1572 = arith.addf %add3A_1546, %mul3A_1571 : vector<512x99xf32>
      %mul3A_1573 = arith.mulf %get3A_81, %mul3A_693 : f32
      %mul3A_1574 = vector.broadcast %mul3A_1573 : f32 to vector<512x99xf32>
      %mul3A_1575 = arith.mulf %slice3A_1491, %mul3A_1574 : vector<512x99xf32>
      %mul3A_1576 = arith.mulf %get3A_209, %mul3A_693 : f32
      %mul3A_1577 = vector.broadcast %mul3A_1576 : f32 to vector<512x99xf32>
      %mul3A_1578 = arith.mulf %slice3A_1492, %mul3A_1577 : vector<512x99xf32>
      %add3A_1579 = arith.addf %mul3A_1575, %mul3A_1578 : vector<512x99xf32>
      %mul3A_1580 = arith.mulf %get3A_337, %mul3A_693 : f32
      %mul3A_1581 = vector.broadcast %mul3A_1580 : f32 to vector<512x99xf32>
      %mul3A_1582 = arith.mulf %slice3A_1493, %mul3A_1581 : vector<512x99xf32>
      %add3A_1583 = arith.addf %add3A_1579, %mul3A_1582 : vector<512x99xf32>
      %mul3A_1584 = arith.mulf %get3A_465, %mul3A_693 : f32
      %mul3A_1585 = vector.broadcast %mul3A_1584 : f32 to vector<512x99xf32>
      %mul3A_1586 = arith.mulf %slice3A_1494, %mul3A_1585 : vector<512x99xf32>
      %add3A_1587 = arith.addf %add3A_1583, %mul3A_1586 : vector<512x99xf32>
      %add3A_1588 = vector.broadcast %add3A_704 : f32 to vector<512x99xf32>
      %add3A_1589 = arith.addf %add3A_1587, %add3A_1588 : vector<512x99xf32>
      %max3A_1590 = arith.constant 0.000000e+00 : f32
      %max3A_1591 = vector.broadcast %max3A_1590 : f32 to vector<512x99xf32>
      %max3A_1592 = arith.maximumf %add3A_1589, %max3A_1591 : vector<512x99xf32>
      %get3A_1593 = arith.constant 1 : index
      %get3A_1594 = arith.constant 0 : index
      %get3A_1595 = vector.load %arg5[%get3A_1593, %get3A_1594] : memref<32x99xf32, #tpu.memory_space<vmem>>, vector<1x99xf32>
      %mul3A_1596 = vector.broadcast %get3A_1595 : vector<1x99xf32> to vector<512x99xf32>
      %mul3A_1597 = arith.mulf %max3A_1592, %mul3A_1596 : vector<512x99xf32>
      %add3A_1598 = arith.addf %add3A_1572, %mul3A_1597 : vector<512x99xf32>
      %mul3A_1599 = arith.mulf %get3A_85, %mul3A_718 : f32
      %mul3A_1600 = vector.broadcast %mul3A_1599 : f32 to vector<512x99xf32>
      %mul3A_1601 = arith.mulf %slice3A, %mul3A_1600 : vector<512x99xf32>
      %mul3A_1602 = arith.mulf %get3A_213, %mul3A_718 : f32
      %mul3A_1603 = vector.broadcast %mul3A_1602 : f32 to vector<512x99xf32>
      %mul3A_1604 = arith.mulf %slice3A_1488, %mul3A_1603 : vector<512x99xf32>
      %add3A_1605 = arith.addf %mul3A_1601, %mul3A_1604 : vector<512x99xf32>
      %mul3A_1606 = arith.mulf %get3A_341, %mul3A_718 : f32
      %mul3A_1607 = vector.broadcast %mul3A_1606 : f32 to vector<512x99xf32>
      %mul3A_1608 = arith.mulf %slice3A_1489, %mul3A_1607 : vector<512x99xf32>
      %add3A_1609 = arith.addf %add3A_1605, %mul3A_1608 : vector<512x99xf32>
      %mul3A_1610 = arith.mulf %get3A_469, %mul3A_718 : f32
      %mul3A_1611 = vector.broadcast %mul3A_1610 : f32 to vector<512x99xf32>
      %mul3A_1612 = arith.mulf %slice3A_1490, %mul3A_1611 : vector<512x99xf32>
      %add3A_1613 = arith.addf %add3A_1609, %mul3A_1612 : vector<512x99xf32>
      %add3A_1614 = vector.broadcast %add3A_729 : f32 to vector<512x99xf32>
      %add3A_1615 = arith.addf %add3A_1613, %add3A_1614 : vector<512x99xf32>
      %max3A_1616 = arith.constant 0.000000e+00 : f32
      %max3A_1617 = vector.broadcast %max3A_1616 : f32 to vector<512x99xf32>
      %max3A_1618 = arith.maximumf %add3A_1615, %max3A_1617 : vector<512x99xf32>
      %get3A_1619 = arith.constant 2 : index
      %get3A_1620 = arith.constant 0 : index
      %get3A_1621 = vector.load %arg4[%get3A_1619, %get3A_1620] : memref<32x99xf32, #tpu.memory_space<vmem>>, vector<1x99xf32>
      %mul3A_1622 = vector.broadcast %get3A_1621 : vector<1x99xf32> to vector<512x99xf32>
      %mul3A_1623 = arith.mulf %max3A_1618, %mul3A_1622 : vector<512x99xf32>
      %add3A_1624 = arith.addf %add3A_1598, %mul3A_1623 : vector<512x99xf32>
      %mul3A_1625 = arith.mulf %get3A_85, %mul3A_718 : f32
      %mul3A_1626 = vector.broadcast %mul3A_1625 : f32 to vector<512x99xf32>
      %mul3A_1627 = arith.mulf %slice3A_1491, %mul3A_1626 : vector<512x99xf32>
      %mul3A_1628 = arith.mulf %get3A_213, %mul3A_718 : f32
      %mul3A_1629 = vector.broadcast %mul3A_1628 : f32 to vector<512x99xf32>
      %mul3A_1630 = arith.mulf %slice3A_1492, %mul3A_1629 : vector<512x99xf32>
      %add3A_1631 = arith.addf %mul3A_1627, %mul3A_1630 : vector<512x99xf32>
      %mul3A_1632 = arith.mulf %get3A_341, %mul3A_718 : f32
      %mul3A_1633 = vector.broadcast %mul3A_1632 : f32 to vector<512x99xf32>
      %mul3A_1634 = arith.mulf %slice3A_1493, %mul3A_1633 : vector<512x99xf32>
      %add3A_1635 = arith.addf %add3A_1631, %mul3A_1634 : vector<512x99xf32>
      %mul3A_1636 = arith.mulf %get3A_469, %mul3A_718 : f32
      %mul3A_1637 = vector.broadcast %mul3A_1636 : f32 to vector<512x99xf32>
      %mul3A_1638 = arith.mulf %slice3A_1494, %mul3A_1637 : vector<512x99xf32>
      %add3A_1639 = arith.addf %add3A_1635, %mul3A_1638 : vector<512x99xf32>
      %add3A_1640 = vector.broadcast %add3A_729 : f32 to vector<512x99xf32>
      %add3A_1641 = arith.addf %add3A_1639, %add3A_1640 : vector<512x99xf32>
      %max3A_1642 = arith.constant 0.000000e+00 : f32
      %max3A_1643 = vector.broadcast %max3A_1642 : f32 to vector<512x99xf32>
      %max3A_1644 = arith.maximumf %add3A_1641, %max3A_1643 : vector<512x99xf32>
      %get3A_1645 = arith.constant 2 : index
      %get3A_1646 = arith.constant 0 : index
      %get3A_1647 = vector.load %arg5[%get3A_1645, %get3A_1646] : memref<32x99xf32, #tpu.memory_space<vmem>>, vector<1x99xf32>
      %mul3A_1648 = vector.broadcast %get3A_1647 : vector<1x99xf32> to vector<512x99xf32>
      %mul3A_1649 = arith.mulf %max3A_1644, %mul3A_1648 : vector<512x99xf32>
      %add3A_1650 = arith.addf %add3A_1624, %mul3A_1649 : vector<512x99xf32>
      %mul3A_1651 = arith.mulf %get3A_89, %mul3A_743 : f32
      %mul3A_1652 = vector.broadcast %mul3A_1651 : f32 to vector<512x99xf32>
      %mul3A_1653 = arith.mulf %slice3A, %mul3A_1652 : vector<512x99xf32>
      %mul3A_1654 = arith.mulf %get3A_217, %mul3A_743 : f32
      %mul3A_1655 = vector.broadcast %mul3A_1654 : f32 to vector<512x99xf32>
      %mul3A_1656 = arith.mulf %slice3A_1488, %mul3A_1655 : vector<512x99xf32>
      %add3A_1657 = arith.addf %mul3A_1653, %mul3A_1656 : vector<512x99xf32>
      %mul3A_1658 = arith.mulf %get3A_345, %mul3A_743 : f32
      %mul3A_1659 = vector.broadcast %mul3A_1658 : f32 to vector<512x99xf32>
      %mul3A_1660 = arith.mulf %slice3A_1489, %mul3A_1659 : vector<512x99xf32>
      %add3A_1661 = arith.addf %add3A_1657, %mul3A_1660 : vector<512x99xf32>
      %mul3A_1662 = arith.mulf %get3A_473, %mul3A_743 : f32
      %mul3A_1663 = vector.broadcast %mul3A_1662 : f32 to vector<512x99xf32>
      %mul3A_1664 = arith.mulf %slice3A_1490, %mul3A_1663 : vector<512x99xf32>
      %add3A_1665 = arith.addf %add3A_1661, %mul3A_1664 : vector<512x99xf32>
      %add3A_1666 = vector.broadcast %add3A_754 : f32 to vector<512x99xf32>
      %add3A_1667 = arith.addf %add3A_1665, %add3A_1666 : vector<512x99xf32>
      %max3A_1668 = arith.constant 0.000000e+00 : f32
      %max3A_1669 = vector.broadcast %max3A_1668 : f32 to vector<512x99xf32>
      %max3A_1670 = arith.maximumf %add3A_1667, %max3A_1669 : vector<512x99xf32>
      %get3A_1671 = arith.constant 3 : index
      %get3A_1672 = arith.constant 0 : index
      %get3A_1673 = vector.load %arg4[%get3A_1671, %get3A_1672] : memref<32x99xf32, #tpu.memory_space<vmem>>, vector<1x99xf32>
      %mul3A_1674 = vector.broadcast %get3A_1673 : vector<1x99xf32> to vector<512x99xf32>
      %mul3A_1675 = arith.mulf %max3A_1670, %mul3A_1674 : vector<512x99xf32>
      %add3A_1676 = arith.addf %add3A_1650, %mul3A_1675 : vector<512x99xf32>
      %mul3A_1677 = arith.mulf %get3A_89, %mul3A_743 : f32
      %mul3A_1678 = vector.broadcast %mul3A_1677 : f32 to vector<512x99xf32>
      %mul3A_1679 = arith.mulf %slice3A_1491, %mul3A_1678 : vector<512x99xf32>
      %mul3A_1680 = arith.mulf %get3A_217, %mul3A_743 : f32
      %mul3A_1681 = vector.broadcast %mul3A_1680 : f32 to vector<512x99xf32>
      %mul3A_1682 = arith.mulf %slice3A_1492, %mul3A_1681 : vector<512x99xf32>
      %add3A_1683 = arith.addf %mul3A_1679, %mul3A_1682 : vector<512x99xf32>
      %mul3A_1684 = arith.mulf %get3A_345, %mul3A_743 : f32
      %mul3A_1685 = vector.broadcast %mul3A_1684 : f32 to vector<512x99xf32>
      %mul3A_1686 = arith.mulf %slice3A_1493, %mul3A_1685 : vector<512x99xf32>
      %add3A_1687 = arith.addf %add3A_1683, %mul3A_1686 : vector<512x99xf32>
      %mul3A_1688 = arith.mulf %get3A_473, %mul3A_743 : f32
      %mul3A_1689 = vector.broadcast %mul3A_1688 : f32 to vector<512x99xf32>
      %mul3A_1690 = arith.mulf %slice3A_1494, %mul3A_1689 : vector<512x99xf32>
      %add3A_1691 = arith.addf %add3A_1687, %mul3A_1690 : vector<512x99xf32>
      %add3A_1692 = vector.broadcast %add3A_754 : f32 to vector<512x99xf32>
      %add3A_1693 = arith.addf %add3A_1691, %add3A_1692 : vector<512x99xf32>
      %max3A_1694 = arith.constant 0.000000e+00 : f32
      %max3A_1695 = vector.broadcast %max3A_1694 : f32 to vector<512x99xf32>
      %max3A_1696 = arith.maximumf %add3A_1693, %max3A_1695 : vector<512x99xf32>
      %get3A_1697 = arith.constant 3 : index
      %get3A_1698 = arith.constant 0 : index
      %get3A_1699 = vector.load %arg5[%get3A_1697, %get3A_1698] : memref<32x99xf32, #tpu.memory_space<vmem>>, vector<1x99xf32>
      %mul3A_1700 = vector.broadcast %get3A_1699 : vector<1x99xf32> to vector<512x99xf32>
      %mul3A_1701 = arith.mulf %max3A_1696, %mul3A_1700 : vector<512x99xf32>
      %add3A_1702 = arith.addf %add3A_1676, %mul3A_1701 : vector<512x99xf32>
      %mul3A_1703 = arith.mulf %get3A_93, %mul3A_768 : f32
      %mul3A_1704 = vector.broadcast %mul3A_1703 : f32 to vector<512x99xf32>
      %mul3A_1705 = arith.mulf %slice3A, %mul3A_1704 : vector<512x99xf32>
      %mul3A_1706 = arith.mulf %get3A_221, %mul3A_768 : f32
      %mul3A_1707 = vector.broadcast %mul3A_1706 : f32 to vector<512x99xf32>
      %mul3A_1708 = arith.mulf %slice3A_1488, %mul3A_1707 : vector<512x99xf32>
      %add3A_1709 = arith.addf %mul3A_1705, %mul3A_1708 : vector<512x99xf32>
      %mul3A_1710 = arith.mulf %get3A_349, %mul3A_768 : f32
      %mul3A_1711 = vector.broadcast %mul3A_1710 : f32 to vector<512x99xf32>
      %mul3A_1712 = arith.mulf %slice3A_1489, %mul3A_1711 : vector<512x99xf32>
      %add3A_1713 = arith.addf %add3A_1709, %mul3A_1712 : vector<512x99xf32>
      %mul3A_1714 = arith.mulf %get3A_477, %mul3A_768 : f32
      %mul3A_1715 = vector.broadcast %mul3A_1714 : f32 to vector<512x99xf32>
      %mul3A_1716 = arith.mulf %slice3A_1490, %mul3A_1715 : vector<512x99xf32>
      %add3A_1717 = arith.addf %add3A_1713, %mul3A_1716 : vector<512x99xf32>
      %add3A_1718 = vector.broadcast %add3A_779 : f32 to vector<512x99xf32>
      %add3A_1719 = arith.addf %add3A_1717, %add3A_1718 : vector<512x99xf32>
      %max3A_1720 = arith.constant 0.000000e+00 : f32
      %max3A_1721 = vector.broadcast %max3A_1720 : f32 to vector<512x99xf32>
      %max3A_1722 = arith.maximumf %add3A_1719, %max3A_1721 : vector<512x99xf32>
      %get3A_1723 = arith.constant 4 : index
      %get3A_1724 = arith.constant 0 : index
      %get3A_1725 = vector.load %arg4[%get3A_1723, %get3A_1724] : memref<32x99xf32, #tpu.memory_space<vmem>>, vector<1x99xf32>
      %mul3A_1726 = vector.broadcast %get3A_1725 : vector<1x99xf32> to vector<512x99xf32>
      %mul3A_1727 = arith.mulf %max3A_1722, %mul3A_1726 : vector<512x99xf32>
      %add3A_1728 = arith.addf %add3A_1702, %mul3A_1727 : vector<512x99xf32>
      %mul3A_1729 = arith.mulf %get3A_93, %mul3A_768 : f32
      %mul3A_1730 = vector.broadcast %mul3A_1729 : f32 to vector<512x99xf32>
      %mul3A_1731 = arith.mulf %slice3A_1491, %mul3A_1730 : vector<512x99xf32>
      %mul3A_1732 = arith.mulf %get3A_221, %mul3A_768 : f32
      %mul3A_1733 = vector.broadcast %mul3A_1732 : f32 to vector<512x99xf32>
      %mul3A_1734 = arith.mulf %slice3A_1492, %mul3A_1733 : vector<512x99xf32>
      %add3A_1735 = arith.addf %mul3A_1731, %mul3A_1734 : vector<512x99xf32>
      %mul3A_1736 = arith.mulf %get3A_349, %mul3A_768 : f32
      %mul3A_1737 = vector.broadcast %mul3A_1736 : f32 to vector<512x99xf32>
      %mul3A_1738 = arith.mulf %slice3A_1493, %mul3A_1737 : vector<512x99xf32>
      %add3A_1739 = arith.addf %add3A_1735, %mul3A_1738 : vector<512x99xf32>
      %mul3A_1740 = arith.mulf %get3A_477, %mul3A_768 : f32
      %mul3A_1741 = vector.broadcast %mul3A_1740 : f32 to vector<512x99xf32>
      %mul3A_1742 = arith.mulf %slice3A_1494, %mul3A_1741 : vector<512x99xf32>
      %add3A_1743 = arith.addf %add3A_1739, %mul3A_1742 : vector<512x99xf32>
      %add3A_1744 = vector.broadcast %add3A_779 : f32 to vector<512x99xf32>
      %add3A_1745 = arith.addf %add3A_1743, %add3A_1744 : vector<512x99xf32>
      %max3A_1746 = arith.constant 0.000000e+00 : f32
      %max3A_1747 = vector.broadcast %max3A_1746 : f32 to vector<512x99xf32>
      %max3A_1748 = arith.maximumf %add3A_1745, %max3A_1747 : vector<512x99xf32>
      %get3A_1749 = arith.constant 4 : index
      %get3A_1750 = arith.constant 0 : index
      %get3A_1751 = vector.load %arg5[%get3A_1749, %get3A_1750] : memref<32x99xf32, #tpu.memory_space<vmem>>, vector<1x99xf32>
      %mul3A_1752 = vector.broadcast %get3A_1751 : vector<1x99xf32> to vector<512x99xf32>
      %mul3A_1753 = arith.mulf %max3A_1748, %mul3A_1752 : vector<512x99xf32>
      %add3A_1754 = arith.addf %add3A_1728, %mul3A_1753 : vector<512x99xf32>
      %mul3A_1755 = arith.mulf %get3A_97, %mul3A_793 : f32
      %mul3A_1756 = vector.broadcast %mul3A_1755 : f32 to vector<512x99xf32>
      %mul3A_1757 = arith.mulf %slice3A, %mul3A_1756 : vector<512x99xf32>
      %mul3A_1758 = arith.mulf %get3A_225, %mul3A_793 : f32
      %mul3A_1759 = vector.broadcast %mul3A_1758 : f32 to vector<512x99xf32>
      %mul3A_1760 = arith.mulf %slice3A_1488, %mul3A_1759 : vector<512x99xf32>
      %add3A_1761 = arith.addf %mul3A_1757, %mul3A_1760 : vector<512x99xf32>
      %mul3A_1762 = arith.mulf %get3A_353, %mul3A_793 : f32
      %mul3A_1763 = vector.broadcast %mul3A_1762 : f32 to vector<512x99xf32>
      %mul3A_1764 = arith.mulf %slice3A_1489, %mul3A_1763 : vector<512x99xf32>
      %add3A_1765 = arith.addf %add3A_1761, %mul3A_1764 : vector<512x99xf32>
      %mul3A_1766 = arith.mulf %get3A_481, %mul3A_793 : f32
      %mul3A_1767 = vector.broadcast %mul3A_1766 : f32 to vector<512x99xf32>
      %mul3A_1768 = arith.mulf %slice3A_1490, %mul3A_1767 : vector<512x99xf32>
      %add3A_1769 = arith.addf %add3A_1765, %mul3A_1768 : vector<512x99xf32>
      %add3A_1770 = vector.broadcast %add3A_804 : f32 to vector<512x99xf32>
      %add3A_1771 = arith.addf %add3A_1769, %add3A_1770 : vector<512x99xf32>
      %max3A_1772 = arith.constant 0.000000e+00 : f32
      %max3A_1773 = vector.broadcast %max3A_1772 : f32 to vector<512x99xf32>
      %max3A_1774 = arith.maximumf %add3A_1771, %max3A_1773 : vector<512x99xf32>
      %get3A_1775 = arith.constant 5 : index
      %get3A_1776 = arith.constant 0 : index
      %get3A_1777 = vector.load %arg4[%get3A_1775, %get3A_1776] : memref<32x99xf32, #tpu.memory_space<vmem>>, vector<1x99xf32>
      %mul3A_1778 = vector.broadcast %get3A_1777 : vector<1x99xf32> to vector<512x99xf32>
      %mul3A_1779 = arith.mulf %max3A_1774, %mul3A_1778 : vector<512x99xf32>
      %add3A_1780 = arith.addf %add3A_1754, %mul3A_1779 : vector<512x99xf32>
      %mul3A_1781 = arith.mulf %get3A_97, %mul3A_793 : f32
      %mul3A_1782 = vector.broadcast %mul3A_1781 : f32 to vector<512x99xf32>
      %mul3A_1783 = arith.mulf %slice3A_1491, %mul3A_1782 : vector<512x99xf32>
      %mul3A_1784 = arith.mulf %get3A_225, %mul3A_793 : f32
      %mul3A_1785 = vector.broadcast %mul3A_1784 : f32 to vector<512x99xf32>
      %mul3A_1786 = arith.mulf %slice3A_1492, %mul3A_1785 : vector<512x99xf32>
      %add3A_1787 = arith.addf %mul3A_1783, %mul3A_1786 : vector<512x99xf32>
      %mul3A_1788 = arith.mulf %get3A_353, %mul3A_793 : f32
      %mul3A_1789 = vector.broadcast %mul3A_1788 : f32 to vector<512x99xf32>
      %mul3A_1790 = arith.mulf %slice3A_1493, %mul3A_1789 : vector<512x99xf32>
      %add3A_1791 = arith.addf %add3A_1787, %mul3A_1790 : vector<512x99xf32>
      %mul3A_1792 = arith.mulf %get3A_481, %mul3A_793 : f32
      %mul3A_1793 = vector.broadcast %mul3A_1792 : f32 to vector<512x99xf32>
      %mul3A_1794 = arith.mulf %slice3A_1494, %mul3A_1793 : vector<512x99xf32>
      %add3A_1795 = arith.addf %add3A_1791, %mul3A_1794 : vector<512x99xf32>
      %add3A_1796 = vector.broadcast %add3A_804 : f32 to vector<512x99xf32>
      %add3A_1797 = arith.addf %add3A_1795, %add3A_1796 : vector<512x99xf32>
      %max3A_1798 = arith.constant 0.000000e+00 : f32
      %max3A_1799 = vector.broadcast %max3A_1798 : f32 to vector<512x99xf32>
      %max3A_1800 = arith.maximumf %add3A_1797, %max3A_1799 : vector<512x99xf32>
      %get3A_1801 = arith.constant 5 : index
      %get3A_1802 = arith.constant 0 : index
      %get3A_1803 = vector.load %arg5[%get3A_1801, %get3A_1802] : memref<32x99xf32, #tpu.memory_space<vmem>>, vector<1x99xf32>
      %mul3A_1804 = vector.broadcast %get3A_1803 : vector<1x99xf32> to vector<512x99xf32>
      %mul3A_1805 = arith.mulf %max3A_1800, %mul3A_1804 : vector<512x99xf32>
      %add3A_1806 = arith.addf %add3A_1780, %mul3A_1805 : vector<512x99xf32>
      %mul3A_1807 = arith.mulf %get3A_101, %mul3A_818 : f32
      %mul3A_1808 = vector.broadcast %mul3A_1807 : f32 to vector<512x99xf32>
      %mul3A_1809 = arith.mulf %slice3A, %mul3A_1808 : vector<512x99xf32>
      %mul3A_1810 = arith.mulf %get3A_229, %mul3A_818 : f32
      %mul3A_1811 = vector.broadcast %mul3A_1810 : f32 to vector<512x99xf32>
      %mul3A_1812 = arith.mulf %slice3A_1488, %mul3A_1811 : vector<512x99xf32>
      %add3A_1813 = arith.addf %mul3A_1809, %mul3A_1812 : vector<512x99xf32>
      %mul3A_1814 = arith.mulf %get3A_357, %mul3A_818 : f32
      %mul3A_1815 = vector.broadcast %mul3A_1814 : f32 to vector<512x99xf32>
      %mul3A_1816 = arith.mulf %slice3A_1489, %mul3A_1815 : vector<512x99xf32>
      %add3A_1817 = arith.addf %add3A_1813, %mul3A_1816 : vector<512x99xf32>
      %mul3A_1818 = arith.mulf %get3A_485, %mul3A_818 : f32
      %mul3A_1819 = vector.broadcast %mul3A_1818 : f32 to vector<512x99xf32>
      %mul3A_1820 = arith.mulf %slice3A_1490, %mul3A_1819 : vector<512x99xf32>
      %add3A_1821 = arith.addf %add3A_1817, %mul3A_1820 : vector<512x99xf32>
      %add3A_1822 = vector.broadcast %add3A_829 : f32 to vector<512x99xf32>
      %add3A_1823 = arith.addf %add3A_1821, %add3A_1822 : vector<512x99xf32>
      %max3A_1824 = arith.constant 0.000000e+00 : f32
      %max3A_1825 = vector.broadcast %max3A_1824 : f32 to vector<512x99xf32>
      %max3A_1826 = arith.maximumf %add3A_1823, %max3A_1825 : vector<512x99xf32>
      %get3A_1827 = arith.constant 6 : index
      %get3A_1828 = arith.constant 0 : index
      %get3A_1829 = vector.load %arg4[%get3A_1827, %get3A_1828] : memref<32x99xf32, #tpu.memory_space<vmem>>, vector<1x99xf32>
      %mul3A_1830 = vector.broadcast %get3A_1829 : vector<1x99xf32> to vector<512x99xf32>
      %mul3A_1831 = arith.mulf %max3A_1826, %mul3A_1830 : vector<512x99xf32>
      %add3A_1832 = arith.addf %add3A_1806, %mul3A_1831 : vector<512x99xf32>
      %mul3A_1833 = arith.mulf %get3A_101, %mul3A_818 : f32
      %mul3A_1834 = vector.broadcast %mul3A_1833 : f32 to vector<512x99xf32>
      %mul3A_1835 = arith.mulf %slice3A_1491, %mul3A_1834 : vector<512x99xf32>
      %mul3A_1836 = arith.mulf %get3A_229, %mul3A_818 : f32
      %mul3A_1837 = vector.broadcast %mul3A_1836 : f32 to vector<512x99xf32>
      %mul3A_1838 = arith.mulf %slice3A_1492, %mul3A_1837 : vector<512x99xf32>
      %add3A_1839 = arith.addf %mul3A_1835, %mul3A_1838 : vector<512x99xf32>
      %mul3A_1840 = arith.mulf %get3A_357, %mul3A_818 : f32
      %mul3A_1841 = vector.broadcast %mul3A_1840 : f32 to vector<512x99xf32>
      %mul3A_1842 = arith.mulf %slice3A_1493, %mul3A_1841 : vector<512x99xf32>
      %add3A_1843 = arith.addf %add3A_1839, %mul3A_1842 : vector<512x99xf32>
      %mul3A_1844 = arith.mulf %get3A_485, %mul3A_818 : f32
      %mul3A_1845 = vector.broadcast %mul3A_1844 : f32 to vector<512x99xf32>
      %mul3A_1846 = arith.mulf %slice3A_1494, %mul3A_1845 : vector<512x99xf32>
      %add3A_1847 = arith.addf %add3A_1843, %mul3A_1846 : vector<512x99xf32>
      %add3A_1848 = vector.broadcast %add3A_829 : f32 to vector<512x99xf32>
      %add3A_1849 = arith.addf %add3A_1847, %add3A_1848 : vector<512x99xf32>
      %max3A_1850 = arith.constant 0.000000e+00 : f32
      %max3A_1851 = vector.broadcast %max3A_1850 : f32 to vector<512x99xf32>
      %max3A_1852 = arith.maximumf %add3A_1849, %max3A_1851 : vector<512x99xf32>
      %get3A_1853 = arith.constant 6 : index
      %get3A_1854 = arith.constant 0 : index
      %get3A_1855 = vector.load %arg5[%get3A_1853, %get3A_1854] : memref<32x99xf32, #tpu.memory_space<vmem>>, vector<1x99xf32>
      %mul3A_1856 = vector.broadcast %get3A_1855 : vector<1x99xf32> to vector<512x99xf32>
      %mul3A_1857 = arith.mulf %max3A_1852, %mul3A_1856 : vector<512x99xf32>
      %add3A_1858 = arith.addf %add3A_1832, %mul3A_1857 : vector<512x99xf32>
      %mul3A_1859 = arith.mulf %get3A_105, %mul3A_843 : f32
      %mul3A_1860 = vector.broadcast %mul3A_1859 : f32 to vector<512x99xf32>
      %mul3A_1861 = arith.mulf %slice3A, %mul3A_1860 : vector<512x99xf32>
      %mul3A_1862 = arith.mulf %get3A_233, %mul3A_843 : f32
      %mul3A_1863 = vector.broadcast %mul3A_1862 : f32 to vector<512x99xf32>
      %mul3A_1864 = arith.mulf %slice3A_1488, %mul3A_1863 : vector<512x99xf32>
      %add3A_1865 = arith.addf %mul3A_1861, %mul3A_1864 : vector<512x99xf32>
      %mul3A_1866 = arith.mulf %get3A_361, %mul3A_843 : f32
      %mul3A_1867 = vector.broadcast %mul3A_1866 : f32 to vector<512x99xf32>
      %mul3A_1868 = arith.mulf %slice3A_1489, %mul3A_1867 : vector<512x99xf32>
      %add3A_1869 = arith.addf %add3A_1865, %mul3A_1868 : vector<512x99xf32>
      %mul3A_1870 = arith.mulf %get3A_489, %mul3A_843 : f32
      %mul3A_1871 = vector.broadcast %mul3A_1870 : f32 to vector<512x99xf32>
      %mul3A_1872 = arith.mulf %slice3A_1490, %mul3A_1871 : vector<512x99xf32>
      %add3A_1873 = arith.addf %add3A_1869, %mul3A_1872 : vector<512x99xf32>
      %add3A_1874 = vector.broadcast %add3A_854 : f32 to vector<512x99xf32>
      %add3A_1875 = arith.addf %add3A_1873, %add3A_1874 : vector<512x99xf32>
      %max3A_1876 = arith.constant 0.000000e+00 : f32
      %max3A_1877 = vector.broadcast %max3A_1876 : f32 to vector<512x99xf32>
      %max3A_1878 = arith.maximumf %add3A_1875, %max3A_1877 : vector<512x99xf32>
      %get3A_1879 = arith.constant 7 : index
      %get3A_1880 = arith.constant 0 : index
      %get3A_1881 = vector.load %arg4[%get3A_1879, %get3A_1880] : memref<32x99xf32, #tpu.memory_space<vmem>>, vector<1x99xf32>
      %mul3A_1882 = vector.broadcast %get3A_1881 : vector<1x99xf32> to vector<512x99xf32>
      %mul3A_1883 = arith.mulf %max3A_1878, %mul3A_1882 : vector<512x99xf32>
      %add3A_1884 = arith.addf %add3A_1858, %mul3A_1883 : vector<512x99xf32>
      %mul3A_1885 = arith.mulf %get3A_105, %mul3A_843 : f32
      %mul3A_1886 = vector.broadcast %mul3A_1885 : f32 to vector<512x99xf32>
      %mul3A_1887 = arith.mulf %slice3A_1491, %mul3A_1886 : vector<512x99xf32>
      %mul3A_1888 = arith.mulf %get3A_233, %mul3A_843 : f32
      %mul3A_1889 = vector.broadcast %mul3A_1888 : f32 to vector<512x99xf32>
      %mul3A_1890 = arith.mulf %slice3A_1492, %mul3A_1889 : vector<512x99xf32>
      %add3A_1891 = arith.addf %mul3A_1887, %mul3A_1890 : vector<512x99xf32>
      %mul3A_1892 = arith.mulf %get3A_361, %mul3A_843 : f32
      %mul3A_1893 = vector.broadcast %mul3A_1892 : f32 to vector<512x99xf32>
      %mul3A_1894 = arith.mulf %slice3A_1493, %mul3A_1893 : vector<512x99xf32>
      %add3A_1895 = arith.addf %add3A_1891, %mul3A_1894 : vector<512x99xf32>
      %mul3A_1896 = arith.mulf %get3A_489, %mul3A_843 : f32
      %mul3A_1897 = vector.broadcast %mul3A_1896 : f32 to vector<512x99xf32>
      %mul3A_1898 = arith.mulf %slice3A_1494, %mul3A_1897 : vector<512x99xf32>
      %add3A_1899 = arith.addf %add3A_1895, %mul3A_1898 : vector<512x99xf32>
      %add3A_1900 = vector.broadcast %add3A_854 : f32 to vector<512x99xf32>
      %add3A_1901 = arith.addf %add3A_1899, %add3A_1900 : vector<512x99xf32>
      %max3A_1902 = arith.constant 0.000000e+00 : f32
      %max3A_1903 = vector.broadcast %max3A_1902 : f32 to vector<512x99xf32>
      %max3A_1904 = arith.maximumf %add3A_1901, %max3A_1903 : vector<512x99xf32>
      %get3A_1905 = arith.constant 7 : index
      %get3A_1906 = arith.constant 0 : index
      %get3A_1907 = vector.load %arg5[%get3A_1905, %get3A_1906] : memref<32x99xf32, #tpu.memory_space<vmem>>, vector<1x99xf32>
      %mul3A_1908 = vector.broadcast %get3A_1907 : vector<1x99xf32> to vector<512x99xf32>
      %mul3A_1909 = arith.mulf %max3A_1904, %mul3A_1908 : vector<512x99xf32>
      %add3A_1910 = arith.addf %add3A_1884, %mul3A_1909 : vector<512x99xf32>
      %mul3A_1911 = arith.mulf %get3A_109, %mul3A_868 : f32
      %mul3A_1912 = vector.broadcast %mul3A_1911 : f32 to vector<512x99xf32>
      %mul3A_1913 = arith.mulf %slice3A, %mul3A_1912 : vector<512x99xf32>
      %mul3A_1914 = arith.mulf %get3A_237, %mul3A_868 : f32
      %mul3A_1915 = vector.broadcast %mul3A_1914 : f32 to vector<512x99xf32>
      %mul3A_1916 = arith.mulf %slice3A_1488, %mul3A_1915 : vector<512x99xf32>
      %add3A_1917 = arith.addf %mul3A_1913, %mul3A_1916 : vector<512x99xf32>
      %mul3A_1918 = arith.mulf %get3A_365, %mul3A_868 : f32
      %mul3A_1919 = vector.broadcast %mul3A_1918 : f32 to vector<512x99xf32>
      %mul3A_1920 = arith.mulf %slice3A_1489, %mul3A_1919 : vector<512x99xf32>
      %add3A_1921 = arith.addf %add3A_1917, %mul3A_1920 : vector<512x99xf32>
      %mul3A_1922 = arith.mulf %get3A_493, %mul3A_868 : f32
      %mul3A_1923 = vector.broadcast %mul3A_1922 : f32 to vector<512x99xf32>
      %mul3A_1924 = arith.mulf %slice3A_1490, %mul3A_1923 : vector<512x99xf32>
      %add3A_1925 = arith.addf %add3A_1921, %mul3A_1924 : vector<512x99xf32>
      %add3A_1926 = vector.broadcast %add3A_879 : f32 to vector<512x99xf32>
      %add3A_1927 = arith.addf %add3A_1925, %add3A_1926 : vector<512x99xf32>
      %max3A_1928 = arith.constant 0.000000e+00 : f32
      %max3A_1929 = vector.broadcast %max3A_1928 : f32 to vector<512x99xf32>
      %max3A_1930 = arith.maximumf %add3A_1927, %max3A_1929 : vector<512x99xf32>
      %get3A_1931 = arith.constant 8 : index
      %get3A_1932 = arith.constant 0 : index
      %get3A_1933 = vector.load %arg4[%get3A_1931, %get3A_1932] : memref<32x99xf32, #tpu.memory_space<vmem>>, vector<1x99xf32>
      %mul3A_1934 = vector.broadcast %get3A_1933 : vector<1x99xf32> to vector<512x99xf32>
      %mul3A_1935 = arith.mulf %max3A_1930, %mul3A_1934 : vector<512x99xf32>
      %add3A_1936 = arith.addf %add3A_1910, %mul3A_1935 : vector<512x99xf32>
      %mul3A_1937 = arith.mulf %get3A_109, %mul3A_868 : f32
      %mul3A_1938 = vector.broadcast %mul3A_1937 : f32 to vector<512x99xf32>
      %mul3A_1939 = arith.mulf %slice3A_1491, %mul3A_1938 : vector<512x99xf32>
      %mul3A_1940 = arith.mulf %get3A_237, %mul3A_868 : f32
      %mul3A_1941 = vector.broadcast %mul3A_1940 : f32 to vector<512x99xf32>
      %mul3A_1942 = arith.mulf %slice3A_1492, %mul3A_1941 : vector<512x99xf32>
      %add3A_1943 = arith.addf %mul3A_1939, %mul3A_1942 : vector<512x99xf32>
      %mul3A_1944 = arith.mulf %get3A_365, %mul3A_868 : f32
      %mul3A_1945 = vector.broadcast %mul3A_1944 : f32 to vector<512x99xf32>
      %mul3A_1946 = arith.mulf %slice3A_1493, %mul3A_1945 : vector<512x99xf32>
      %add3A_1947 = arith.addf %add3A_1943, %mul3A_1946 : vector<512x99xf32>
      %mul3A_1948 = arith.mulf %get3A_493, %mul3A_868 : f32
      %mul3A_1949 = vector.broadcast %mul3A_1948 : f32 to vector<512x99xf32>
      %mul3A_1950 = arith.mulf %slice3A_1494, %mul3A_1949 : vector<512x99xf32>
      %add3A_1951 = arith.addf %add3A_1947, %mul3A_1950 : vector<512x99xf32>
      %add3A_1952 = vector.broadcast %add3A_879 : f32 to vector<512x99xf32>
      %add3A_1953 = arith.addf %add3A_1951, %add3A_1952 : vector<512x99xf32>
      %max3A_1954 = arith.constant 0.000000e+00 : f32
      %max3A_1955 = vector.broadcast %max3A_1954 : f32 to vector<512x99xf32>
      %max3A_1956 = arith.maximumf %add3A_1953, %max3A_1955 : vector<512x99xf32>
      %get3A_1957 = arith.constant 8 : index
      %get3A_1958 = arith.constant 0 : index
      %get3A_1959 = vector.load %arg5[%get3A_1957, %get3A_1958] : memref<32x99xf32, #tpu.memory_space<vmem>>, vector<1x99xf32>
      %mul3A_1960 = vector.broadcast %get3A_1959 : vector<1x99xf32> to vector<512x99xf32>
      %mul3A_1961 = arith.mulf %max3A_1956, %mul3A_1960 : vector<512x99xf32>
      %add3A_1962 = arith.addf %add3A_1936, %mul3A_1961 : vector<512x99xf32>
      %mul3A_1963 = arith.mulf %get3A_113, %mul3A_893 : f32
      %mul3A_1964 = vector.broadcast %mul3A_1963 : f32 to vector<512x99xf32>
      %mul3A_1965 = arith.mulf %slice3A, %mul3A_1964 : vector<512x99xf32>
      %mul3A_1966 = arith.mulf %get3A_241, %mul3A_893 : f32
      %mul3A_1967 = vector.broadcast %mul3A_1966 : f32 to vector<512x99xf32>
      %mul3A_1968 = arith.mulf %slice3A_1488, %mul3A_1967 : vector<512x99xf32>
      %add3A_1969 = arith.addf %mul3A_1965, %mul3A_1968 : vector<512x99xf32>
      %mul3A_1970 = arith.mulf %get3A_369, %mul3A_893 : f32
      %mul3A_1971 = vector.broadcast %mul3A_1970 : f32 to vector<512x99xf32>
      %mul3A_1972 = arith.mulf %slice3A_1489, %mul3A_1971 : vector<512x99xf32>
      %add3A_1973 = arith.addf %add3A_1969, %mul3A_1972 : vector<512x99xf32>
      %mul3A_1974 = arith.mulf %get3A_497, %mul3A_893 : f32
      %mul3A_1975 = vector.broadcast %mul3A_1974 : f32 to vector<512x99xf32>
      %mul3A_1976 = arith.mulf %slice3A_1490, %mul3A_1975 : vector<512x99xf32>
      %add3A_1977 = arith.addf %add3A_1973, %mul3A_1976 : vector<512x99xf32>
      %add3A_1978 = vector.broadcast %add3A_904 : f32 to vector<512x99xf32>
      %add3A_1979 = arith.addf %add3A_1977, %add3A_1978 : vector<512x99xf32>
      %max3A_1980 = arith.constant 0.000000e+00 : f32
      %max3A_1981 = vector.broadcast %max3A_1980 : f32 to vector<512x99xf32>
      %max3A_1982 = arith.maximumf %add3A_1979, %max3A_1981 : vector<512x99xf32>
      %get3A_1983 = arith.constant 9 : index
      %get3A_1984 = arith.constant 0 : index
      %get3A_1985 = vector.load %arg4[%get3A_1983, %get3A_1984] : memref<32x99xf32, #tpu.memory_space<vmem>>, vector<1x99xf32>
      %mul3A_1986 = vector.broadcast %get3A_1985 : vector<1x99xf32> to vector<512x99xf32>
      %mul3A_1987 = arith.mulf %max3A_1982, %mul3A_1986 : vector<512x99xf32>
      %add3A_1988 = arith.addf %add3A_1962, %mul3A_1987 : vector<512x99xf32>
      %mul3A_1989 = arith.mulf %get3A_113, %mul3A_893 : f32
      %mul3A_1990 = vector.broadcast %mul3A_1989 : f32 to vector<512x99xf32>
      %mul3A_1991 = arith.mulf %slice3A_1491, %mul3A_1990 : vector<512x99xf32>
      %mul3A_1992 = arith.mulf %get3A_241, %mul3A_893 : f32
      %mul3A_1993 = vector.broadcast %mul3A_1992 : f32 to vector<512x99xf32>
      %mul3A_1994 = arith.mulf %slice3A_1492, %mul3A_1993 : vector<512x99xf32>
      %add3A_1995 = arith.addf %mul3A_1991, %mul3A_1994 : vector<512x99xf32>
      %mul3A_1996 = arith.mulf %get3A_369, %mul3A_893 : f32
      %mul3A_1997 = vector.broadcast %mul3A_1996 : f32 to vector<512x99xf32>
      %mul3A_1998 = arith.mulf %slice3A_1493, %mul3A_1997 : vector<512x99xf32>
      %add3A_1999 = arith.addf %add3A_1995, %mul3A_1998 : vector<512x99xf32>
      %mul3A_2000 = arith.mulf %get3A_497, %mul3A_893 : f32
      %mul3A_2001 = vector.broadcast %mul3A_2000 : f32 to vector<512x99xf32>
      %mul3A_2002 = arith.mulf %slice3A_1494, %mul3A_2001 : vector<512x99xf32>
      %add3A_2003 = arith.addf %add3A_1999, %mul3A_2002 : vector<512x99xf32>
      %add3A_2004 = vector.broadcast %add3A_904 : f32 to vector<512x99xf32>
      %add3A_2005 = arith.addf %add3A_2003, %add3A_2004 : vector<512x99xf32>
      %max3A_2006 = arith.constant 0.000000e+00 : f32
      %max3A_2007 = vector.broadcast %max3A_2006 : f32 to vector<512x99xf32>
      %max3A_2008 = arith.maximumf %add3A_2005, %max3A_2007 : vector<512x99xf32>
      %get3A_2009 = arith.constant 9 : index
      %get3A_2010 = arith.constant 0 : index
      %get3A_2011 = vector.load %arg5[%get3A_2009, %get3A_2010] : memref<32x99xf32, #tpu.memory_space<vmem>>, vector<1x99xf32>
      %mul3A_2012 = vector.broadcast %get3A_2011 : vector<1x99xf32> to vector<512x99xf32>
      %mul3A_2013 = arith.mulf %max3A_2008, %mul3A_2012 : vector<512x99xf32>
      %add3A_2014 = arith.addf %add3A_1988, %mul3A_2013 : vector<512x99xf32>
      %mul3A_2015 = arith.mulf %get3A_117, %mul3A_918 : f32
      %mul3A_2016 = vector.broadcast %mul3A_2015 : f32 to vector<512x99xf32>
      %mul3A_2017 = arith.mulf %slice3A, %mul3A_2016 : vector<512x99xf32>
      %mul3A_2018 = arith.mulf %get3A_245, %mul3A_918 : f32
      %mul3A_2019 = vector.broadcast %mul3A_2018 : f32 to vector<512x99xf32>
      %mul3A_2020 = arith.mulf %slice3A_1488, %mul3A_2019 : vector<512x99xf32>
      %add3A_2021 = arith.addf %mul3A_2017, %mul3A_2020 : vector<512x99xf32>
      %mul3A_2022 = arith.mulf %get3A_373, %mul3A_918 : f32
      %mul3A_2023 = vector.broadcast %mul3A_2022 : f32 to vector<512x99xf32>
      %mul3A_2024 = arith.mulf %slice3A_1489, %mul3A_2023 : vector<512x99xf32>
      %add3A_2025 = arith.addf %add3A_2021, %mul3A_2024 : vector<512x99xf32>
      %mul3A_2026 = arith.mulf %get3A_501, %mul3A_918 : f32
      %mul3A_2027 = vector.broadcast %mul3A_2026 : f32 to vector<512x99xf32>
      %mul3A_2028 = arith.mulf %slice3A_1490, %mul3A_2027 : vector<512x99xf32>
      %add3A_2029 = arith.addf %add3A_2025, %mul3A_2028 : vector<512x99xf32>
      %add3A_2030 = vector.broadcast %add3A_929 : f32 to vector<512x99xf32>
      %add3A_2031 = arith.addf %add3A_2029, %add3A_2030 : vector<512x99xf32>
      %max3A_2032 = arith.constant 0.000000e+00 : f32
      %max3A_2033 = vector.broadcast %max3A_2032 : f32 to vector<512x99xf32>
      %max3A_2034 = arith.maximumf %add3A_2031, %max3A_2033 : vector<512x99xf32>
      %get3A_2035 = arith.constant 10 : index
      %get3A_2036 = arith.constant 0 : index
      %get3A_2037 = vector.load %arg4[%get3A_2035, %get3A_2036] : memref<32x99xf32, #tpu.memory_space<vmem>>, vector<1x99xf32>
      %mul3A_2038 = vector.broadcast %get3A_2037 : vector<1x99xf32> to vector<512x99xf32>
      %mul3A_2039 = arith.mulf %max3A_2034, %mul3A_2038 : vector<512x99xf32>
      %add3A_2040 = arith.addf %add3A_2014, %mul3A_2039 : vector<512x99xf32>
      %mul3A_2041 = arith.mulf %get3A_117, %mul3A_918 : f32
      %mul3A_2042 = vector.broadcast %mul3A_2041 : f32 to vector<512x99xf32>
      %mul3A_2043 = arith.mulf %slice3A_1491, %mul3A_2042 : vector<512x99xf32>
      %mul3A_2044 = arith.mulf %get3A_245, %mul3A_918 : f32
      %mul3A_2045 = vector.broadcast %mul3A_2044 : f32 to vector<512x99xf32>
      %mul3A_2046 = arith.mulf %slice3A_1492, %mul3A_2045 : vector<512x99xf32>
      %add3A_2047 = arith.addf %mul3A_2043, %mul3A_2046 : vector<512x99xf32>
      %mul3A_2048 = arith.mulf %get3A_373, %mul3A_918 : f32
      %mul3A_2049 = vector.broadcast %mul3A_2048 : f32 to vector<512x99xf32>
      %mul3A_2050 = arith.mulf %slice3A_1493, %mul3A_2049 : vector<512x99xf32>
      %add3A_2051 = arith.addf %add3A_2047, %mul3A_2050 : vector<512x99xf32>
      %mul3A_2052 = arith.mulf %get3A_501, %mul3A_918 : f32
      %mul3A_2053 = vector.broadcast %mul3A_2052 : f32 to vector<512x99xf32>
      %mul3A_2054 = arith.mulf %slice3A_1494, %mul3A_2053 : vector<512x99xf32>
      %add3A_2055 = arith.addf %add3A_2051, %mul3A_2054 : vector<512x99xf32>
      %add3A_2056 = vector.broadcast %add3A_929 : f32 to vector<512x99xf32>
      %add3A_2057 = arith.addf %add3A_2055, %add3A_2056 : vector<512x99xf32>
      %max3A_2058 = arith.constant 0.000000e+00 : f32
      %max3A_2059 = vector.broadcast %max3A_2058 : f32 to vector<512x99xf32>
      %max3A_2060 = arith.maximumf %add3A_2057, %max3A_2059 : vector<512x99xf32>
      %get3A_2061 = arith.constant 10 : index
      %get3A_2062 = arith.constant 0 : index
      %get3A_2063 = vector.load %arg5[%get3A_2061, %get3A_2062] : memref<32x99xf32, #tpu.memory_space<vmem>>, vector<1x99xf32>
      %mul3A_2064 = vector.broadcast %get3A_2063 : vector<1x99xf32> to vector<512x99xf32>
      %mul3A_2065 = arith.mulf %max3A_2060, %mul3A_2064 : vector<512x99xf32>
      %add3A_2066 = arith.addf %add3A_2040, %mul3A_2065 : vector<512x99xf32>
      %mul3A_2067 = arith.mulf %get3A_121, %mul3A_943 : f32
      %mul3A_2068 = vector.broadcast %mul3A_2067 : f32 to vector<512x99xf32>
      %mul3A_2069 = arith.mulf %slice3A, %mul3A_2068 : vector<512x99xf32>
      %mul3A_2070 = arith.mulf %get3A_249, %mul3A_943 : f32
      %mul3A_2071 = vector.broadcast %mul3A_2070 : f32 to vector<512x99xf32>
      %mul3A_2072 = arith.mulf %slice3A_1488, %mul3A_2071 : vector<512x99xf32>
      %add3A_2073 = arith.addf %mul3A_2069, %mul3A_2072 : vector<512x99xf32>
      %mul3A_2074 = arith.mulf %get3A_377, %mul3A_943 : f32
      %mul3A_2075 = vector.broadcast %mul3A_2074 : f32 to vector<512x99xf32>
      %mul3A_2076 = arith.mulf %slice3A_1489, %mul3A_2075 : vector<512x99xf32>
      %add3A_2077 = arith.addf %add3A_2073, %mul3A_2076 : vector<512x99xf32>
      %mul3A_2078 = arith.mulf %get3A_505, %mul3A_943 : f32
      %mul3A_2079 = vector.broadcast %mul3A_2078 : f32 to vector<512x99xf32>
      %mul3A_2080 = arith.mulf %slice3A_1490, %mul3A_2079 : vector<512x99xf32>
      %add3A_2081 = arith.addf %add3A_2077, %mul3A_2080 : vector<512x99xf32>
      %add3A_2082 = vector.broadcast %add3A_954 : f32 to vector<512x99xf32>
      %add3A_2083 = arith.addf %add3A_2081, %add3A_2082 : vector<512x99xf32>
      %max3A_2084 = arith.constant 0.000000e+00 : f32
      %max3A_2085 = vector.broadcast %max3A_2084 : f32 to vector<512x99xf32>
      %max3A_2086 = arith.maximumf %add3A_2083, %max3A_2085 : vector<512x99xf32>
      %get3A_2087 = arith.constant 11 : index
      %get3A_2088 = arith.constant 0 : index
      %get3A_2089 = vector.load %arg4[%get3A_2087, %get3A_2088] : memref<32x99xf32, #tpu.memory_space<vmem>>, vector<1x99xf32>
      %mul3A_2090 = vector.broadcast %get3A_2089 : vector<1x99xf32> to vector<512x99xf32>
      %mul3A_2091 = arith.mulf %max3A_2086, %mul3A_2090 : vector<512x99xf32>
      %add3A_2092 = arith.addf %add3A_2066, %mul3A_2091 : vector<512x99xf32>
      %mul3A_2093 = arith.mulf %get3A_121, %mul3A_943 : f32
      %mul3A_2094 = vector.broadcast %mul3A_2093 : f32 to vector<512x99xf32>
      %mul3A_2095 = arith.mulf %slice3A_1491, %mul3A_2094 : vector<512x99xf32>
      %mul3A_2096 = arith.mulf %get3A_249, %mul3A_943 : f32
      %mul3A_2097 = vector.broadcast %mul3A_2096 : f32 to vector<512x99xf32>
      %mul3A_2098 = arith.mulf %slice3A_1492, %mul3A_2097 : vector<512x99xf32>
      %add3A_2099 = arith.addf %mul3A_2095, %mul3A_2098 : vector<512x99xf32>
      %mul3A_2100 = arith.mulf %get3A_377, %mul3A_943 : f32
      %mul3A_2101 = vector.broadcast %mul3A_2100 : f32 to vector<512x99xf32>
      %mul3A_2102 = arith.mulf %slice3A_1493, %mul3A_2101 : vector<512x99xf32>
      %add3A_2103 = arith.addf %add3A_2099, %mul3A_2102 : vector<512x99xf32>
      %mul3A_2104 = arith.mulf %get3A_505, %mul3A_943 : f32
      %mul3A_2105 = vector.broadcast %mul3A_2104 : f32 to vector<512x99xf32>
      %mul3A_2106 = arith.mulf %slice3A_1494, %mul3A_2105 : vector<512x99xf32>
      %add3A_2107 = arith.addf %add3A_2103, %mul3A_2106 : vector<512x99xf32>
      %add3A_2108 = vector.broadcast %add3A_954 : f32 to vector<512x99xf32>
      %add3A_2109 = arith.addf %add3A_2107, %add3A_2108 : vector<512x99xf32>
      %max3A_2110 = arith.constant 0.000000e+00 : f32
      %max3A_2111 = vector.broadcast %max3A_2110 : f32 to vector<512x99xf32>
      %max3A_2112 = arith.maximumf %add3A_2109, %max3A_2111 : vector<512x99xf32>
      %get3A_2113 = arith.constant 11 : index
      %get3A_2114 = arith.constant 0 : index
      %get3A_2115 = vector.load %arg5[%get3A_2113, %get3A_2114] : memref<32x99xf32, #tpu.memory_space<vmem>>, vector<1x99xf32>
      %mul3A_2116 = vector.broadcast %get3A_2115 : vector<1x99xf32> to vector<512x99xf32>
      %mul3A_2117 = arith.mulf %max3A_2112, %mul3A_2116 : vector<512x99xf32>
      %add3A_2118 = arith.addf %add3A_2092, %mul3A_2117 : vector<512x99xf32>
      %mul3A_2119 = arith.mulf %get3A_125, %mul3A_968 : f32
      %mul3A_2120 = vector.broadcast %mul3A_2119 : f32 to vector<512x99xf32>
      %mul3A_2121 = arith.mulf %slice3A, %mul3A_2120 : vector<512x99xf32>
      %mul3A_2122 = arith.mulf %get3A_253, %mul3A_968 : f32
      %mul3A_2123 = vector.broadcast %mul3A_2122 : f32 to vector<512x99xf32>
      %mul3A_2124 = arith.mulf %slice3A_1488, %mul3A_2123 : vector<512x99xf32>
      %add3A_2125 = arith.addf %mul3A_2121, %mul3A_2124 : vector<512x99xf32>
      %mul3A_2126 = arith.mulf %get3A_381, %mul3A_968 : f32
      %mul3A_2127 = vector.broadcast %mul3A_2126 : f32 to vector<512x99xf32>
      %mul3A_2128 = arith.mulf %slice3A_1489, %mul3A_2127 : vector<512x99xf32>
      %add3A_2129 = arith.addf %add3A_2125, %mul3A_2128 : vector<512x99xf32>
      %mul3A_2130 = arith.mulf %get3A_509, %mul3A_968 : f32
      %mul3A_2131 = vector.broadcast %mul3A_2130 : f32 to vector<512x99xf32>
      %mul3A_2132 = arith.mulf %slice3A_1490, %mul3A_2131 : vector<512x99xf32>
      %add3A_2133 = arith.addf %add3A_2129, %mul3A_2132 : vector<512x99xf32>
      %add3A_2134 = vector.broadcast %add3A_979 : f32 to vector<512x99xf32>
      %add3A_2135 = arith.addf %add3A_2133, %add3A_2134 : vector<512x99xf32>
      %max3A_2136 = arith.constant 0.000000e+00 : f32
      %max3A_2137 = vector.broadcast %max3A_2136 : f32 to vector<512x99xf32>
      %max3A_2138 = arith.maximumf %add3A_2135, %max3A_2137 : vector<512x99xf32>
      %get3A_2139 = arith.constant 12 : index
      %get3A_2140 = arith.constant 0 : index
      %get3A_2141 = vector.load %arg4[%get3A_2139, %get3A_2140] : memref<32x99xf32, #tpu.memory_space<vmem>>, vector<1x99xf32>
      %mul3A_2142 = vector.broadcast %get3A_2141 : vector<1x99xf32> to vector<512x99xf32>
      %mul3A_2143 = arith.mulf %max3A_2138, %mul3A_2142 : vector<512x99xf32>
      %add3A_2144 = arith.addf %add3A_2118, %mul3A_2143 : vector<512x99xf32>
      %mul3A_2145 = arith.mulf %get3A_125, %mul3A_968 : f32
      %mul3A_2146 = vector.broadcast %mul3A_2145 : f32 to vector<512x99xf32>
      %mul3A_2147 = arith.mulf %slice3A_1491, %mul3A_2146 : vector<512x99xf32>
      %mul3A_2148 = arith.mulf %get3A_253, %mul3A_968 : f32
      %mul3A_2149 = vector.broadcast %mul3A_2148 : f32 to vector<512x99xf32>
      %mul3A_2150 = arith.mulf %slice3A_1492, %mul3A_2149 : vector<512x99xf32>
      %add3A_2151 = arith.addf %mul3A_2147, %mul3A_2150 : vector<512x99xf32>
      %mul3A_2152 = arith.mulf %get3A_381, %mul3A_968 : f32
      %mul3A_2153 = vector.broadcast %mul3A_2152 : f32 to vector<512x99xf32>
      %mul3A_2154 = arith.mulf %slice3A_1493, %mul3A_2153 : vector<512x99xf32>
      %add3A_2155 = arith.addf %add3A_2151, %mul3A_2154 : vector<512x99xf32>
      %mul3A_2156 = arith.mulf %get3A_509, %mul3A_968 : f32
      %mul3A_2157 = vector.broadcast %mul3A_2156 : f32 to vector<512x99xf32>
      %mul3A_2158 = arith.mulf %slice3A_1494, %mul3A_2157 : vector<512x99xf32>
      %add3A_2159 = arith.addf %add3A_2155, %mul3A_2158 : vector<512x99xf32>
      %add3A_2160 = vector.broadcast %add3A_979 : f32 to vector<512x99xf32>
      %add3A_2161 = arith.addf %add3A_2159, %add3A_2160 : vector<512x99xf32>
      %max3A_2162 = arith.constant 0.000000e+00 : f32
      %max3A_2163 = vector.broadcast %max3A_2162 : f32 to vector<512x99xf32>
      %max3A_2164 = arith.maximumf %add3A_2161, %max3A_2163 : vector<512x99xf32>
      %get3A_2165 = arith.constant 12 : index
      %get3A_2166 = arith.constant 0 : index
      %get3A_2167 = vector.load %arg5[%get3A_2165, %get3A_2166] : memref<32x99xf32, #tpu.memory_space<vmem>>, vector<1x99xf32>
      %mul3A_2168 = vector.broadcast %get3A_2167 : vector<1x99xf32> to vector<512x99xf32>
      %mul3A_2169 = arith.mulf %max3A_2164, %mul3A_2168 : vector<512x99xf32>
      %add3A_2170 = arith.addf %add3A_2144, %mul3A_2169 : vector<512x99xf32>
      %mul3A_2171 = arith.mulf %get3A_129, %mul3A_993 : f32
      %mul3A_2172 = vector.broadcast %mul3A_2171 : f32 to vector<512x99xf32>
      %mul3A_2173 = arith.mulf %slice3A, %mul3A_2172 : vector<512x99xf32>
      %mul3A_2174 = arith.mulf %get3A_257, %mul3A_993 : f32
      %mul3A_2175 = vector.broadcast %mul3A_2174 : f32 to vector<512x99xf32>
      %mul3A_2176 = arith.mulf %slice3A_1488, %mul3A_2175 : vector<512x99xf32>
      %add3A_2177 = arith.addf %mul3A_2173, %mul3A_2176 : vector<512x99xf32>
      %mul3A_2178 = arith.mulf %get3A_385, %mul3A_993 : f32
      %mul3A_2179 = vector.broadcast %mul3A_2178 : f32 to vector<512x99xf32>
      %mul3A_2180 = arith.mulf %slice3A_1489, %mul3A_2179 : vector<512x99xf32>
      %add3A_2181 = arith.addf %add3A_2177, %mul3A_2180 : vector<512x99xf32>
      %mul3A_2182 = arith.mulf %get3A_513, %mul3A_993 : f32
      %mul3A_2183 = vector.broadcast %mul3A_2182 : f32 to vector<512x99xf32>
      %mul3A_2184 = arith.mulf %slice3A_1490, %mul3A_2183 : vector<512x99xf32>
      %add3A_2185 = arith.addf %add3A_2181, %mul3A_2184 : vector<512x99xf32>
      %add3A_2186 = vector.broadcast %add3A_1004 : f32 to vector<512x99xf32>
      %add3A_2187 = arith.addf %add3A_2185, %add3A_2186 : vector<512x99xf32>
      %max3A_2188 = arith.constant 0.000000e+00 : f32
      %max3A_2189 = vector.broadcast %max3A_2188 : f32 to vector<512x99xf32>
      %max3A_2190 = arith.maximumf %add3A_2187, %max3A_2189 : vector<512x99xf32>
      %get3A_2191 = arith.constant 13 : index
      %get3A_2192 = arith.constant 0 : index
      %get3A_2193 = vector.load %arg4[%get3A_2191, %get3A_2192] : memref<32x99xf32, #tpu.memory_space<vmem>>, vector<1x99xf32>
      %mul3A_2194 = vector.broadcast %get3A_2193 : vector<1x99xf32> to vector<512x99xf32>
      %mul3A_2195 = arith.mulf %max3A_2190, %mul3A_2194 : vector<512x99xf32>
      %add3A_2196 = arith.addf %add3A_2170, %mul3A_2195 : vector<512x99xf32>
      %mul3A_2197 = arith.mulf %get3A_129, %mul3A_993 : f32
      %mul3A_2198 = vector.broadcast %mul3A_2197 : f32 to vector<512x99xf32>
      %mul3A_2199 = arith.mulf %slice3A_1491, %mul3A_2198 : vector<512x99xf32>
      %mul3A_2200 = arith.mulf %get3A_257, %mul3A_993 : f32
      %mul3A_2201 = vector.broadcast %mul3A_2200 : f32 to vector<512x99xf32>
      %mul3A_2202 = arith.mulf %slice3A_1492, %mul3A_2201 : vector<512x99xf32>
      %add3A_2203 = arith.addf %mul3A_2199, %mul3A_2202 : vector<512x99xf32>
      %mul3A_2204 = arith.mulf %get3A_385, %mul3A_993 : f32
      %mul3A_2205 = vector.broadcast %mul3A_2204 : f32 to vector<512x99xf32>
      %mul3A_2206 = arith.mulf %slice3A_1493, %mul3A_2205 : vector<512x99xf32>
      %add3A_2207 = arith.addf %add3A_2203, %mul3A_2206 : vector<512x99xf32>
      %mul3A_2208 = arith.mulf %get3A_513, %mul3A_993 : f32
      %mul3A_2209 = vector.broadcast %mul3A_2208 : f32 to vector<512x99xf32>
      %mul3A_2210 = arith.mulf %slice3A_1494, %mul3A_2209 : vector<512x99xf32>
      %add3A_2211 = arith.addf %add3A_2207, %mul3A_2210 : vector<512x99xf32>
      %add3A_2212 = vector.broadcast %add3A_1004 : f32 to vector<512x99xf32>
      %add3A_2213 = arith.addf %add3A_2211, %add3A_2212 : vector<512x99xf32>
      %max3A_2214 = arith.constant 0.000000e+00 : f32
      %max3A_2215 = vector.broadcast %max3A_2214 : f32 to vector<512x99xf32>
      %max3A_2216 = arith.maximumf %add3A_2213, %max3A_2215 : vector<512x99xf32>
      %get3A_2217 = arith.constant 13 : index
      %get3A_2218 = arith.constant 0 : index
      %get3A_2219 = vector.load %arg5[%get3A_2217, %get3A_2218] : memref<32x99xf32, #tpu.memory_space<vmem>>, vector<1x99xf32>
      %mul3A_2220 = vector.broadcast %get3A_2219 : vector<1x99xf32> to vector<512x99xf32>
      %mul3A_2221 = arith.mulf %max3A_2216, %mul3A_2220 : vector<512x99xf32>
      %add3A_2222 = arith.addf %add3A_2196, %mul3A_2221 : vector<512x99xf32>
      %mul3A_2223 = arith.mulf %get3A_133, %mul3A_1018 : f32
      %mul3A_2224 = vector.broadcast %mul3A_2223 : f32 to vector<512x99xf32>
      %mul3A_2225 = arith.mulf %slice3A, %mul3A_2224 : vector<512x99xf32>
      %mul3A_2226 = arith.mulf %get3A_261, %mul3A_1018 : f32
      %mul3A_2227 = vector.broadcast %mul3A_2226 : f32 to vector<512x99xf32>
      %mul3A_2228 = arith.mulf %slice3A_1488, %mul3A_2227 : vector<512x99xf32>
      %add3A_2229 = arith.addf %mul3A_2225, %mul3A_2228 : vector<512x99xf32>
      %mul3A_2230 = arith.mulf %get3A_389, %mul3A_1018 : f32
      %mul3A_2231 = vector.broadcast %mul3A_2230 : f32 to vector<512x99xf32>
      %mul3A_2232 = arith.mulf %slice3A_1489, %mul3A_2231 : vector<512x99xf32>
      %add3A_2233 = arith.addf %add3A_2229, %mul3A_2232 : vector<512x99xf32>
      %mul3A_2234 = arith.mulf %get3A_517, %mul3A_1018 : f32
      %mul3A_2235 = vector.broadcast %mul3A_2234 : f32 to vector<512x99xf32>
      %mul3A_2236 = arith.mulf %slice3A_1490, %mul3A_2235 : vector<512x99xf32>
      %add3A_2237 = arith.addf %add3A_2233, %mul3A_2236 : vector<512x99xf32>
      %add3A_2238 = vector.broadcast %add3A_1029 : f32 to vector<512x99xf32>
      %add3A_2239 = arith.addf %add3A_2237, %add3A_2238 : vector<512x99xf32>
      %max3A_2240 = arith.constant 0.000000e+00 : f32
      %max3A_2241 = vector.broadcast %max3A_2240 : f32 to vector<512x99xf32>
      %max3A_2242 = arith.maximumf %add3A_2239, %max3A_2241 : vector<512x99xf32>
      %get3A_2243 = arith.constant 14 : index
      %get3A_2244 = arith.constant 0 : index
      %get3A_2245 = vector.load %arg4[%get3A_2243, %get3A_2244] : memref<32x99xf32, #tpu.memory_space<vmem>>, vector<1x99xf32>
      %mul3A_2246 = vector.broadcast %get3A_2245 : vector<1x99xf32> to vector<512x99xf32>
      %mul3A_2247 = arith.mulf %max3A_2242, %mul3A_2246 : vector<512x99xf32>
      %add3A_2248 = arith.addf %add3A_2222, %mul3A_2247 : vector<512x99xf32>
      %mul3A_2249 = arith.mulf %get3A_133, %mul3A_1018 : f32
      %mul3A_2250 = vector.broadcast %mul3A_2249 : f32 to vector<512x99xf32>
      %mul3A_2251 = arith.mulf %slice3A_1491, %mul3A_2250 : vector<512x99xf32>
      %mul3A_2252 = arith.mulf %get3A_261, %mul3A_1018 : f32
      %mul3A_2253 = vector.broadcast %mul3A_2252 : f32 to vector<512x99xf32>
      %mul3A_2254 = arith.mulf %slice3A_1492, %mul3A_2253 : vector<512x99xf32>
      %add3A_2255 = arith.addf %mul3A_2251, %mul3A_2254 : vector<512x99xf32>
      %mul3A_2256 = arith.mulf %get3A_389, %mul3A_1018 : f32
      %mul3A_2257 = vector.broadcast %mul3A_2256 : f32 to vector<512x99xf32>
      %mul3A_2258 = arith.mulf %slice3A_1493, %mul3A_2257 : vector<512x99xf32>
      %add3A_2259 = arith.addf %add3A_2255, %mul3A_2258 : vector<512x99xf32>
      %mul3A_2260 = arith.mulf %get3A_517, %mul3A_1018 : f32
      %mul3A_2261 = vector.broadcast %mul3A_2260 : f32 to vector<512x99xf32>
      %mul3A_2262 = arith.mulf %slice3A_1494, %mul3A_2261 : vector<512x99xf32>
      %add3A_2263 = arith.addf %add3A_2259, %mul3A_2262 : vector<512x99xf32>
      %add3A_2264 = vector.broadcast %add3A_1029 : f32 to vector<512x99xf32>
      %add3A_2265 = arith.addf %add3A_2263, %add3A_2264 : vector<512x99xf32>
      %max3A_2266 = arith.constant 0.000000e+00 : f32
      %max3A_2267 = vector.broadcast %max3A_2266 : f32 to vector<512x99xf32>
      %max3A_2268 = arith.maximumf %add3A_2265, %max3A_2267 : vector<512x99xf32>
      %get3A_2269 = arith.constant 14 : index
      %get3A_2270 = arith.constant 0 : index
      %get3A_2271 = vector.load %arg5[%get3A_2269, %get3A_2270] : memref<32x99xf32, #tpu.memory_space<vmem>>, vector<1x99xf32>
      %mul3A_2272 = vector.broadcast %get3A_2271 : vector<1x99xf32> to vector<512x99xf32>
      %mul3A_2273 = arith.mulf %max3A_2268, %mul3A_2272 : vector<512x99xf32>
      %add3A_2274 = arith.addf %add3A_2248, %mul3A_2273 : vector<512x99xf32>
      %mul3A_2275 = arith.mulf %get3A_137, %mul3A_1043 : f32
      %mul3A_2276 = vector.broadcast %mul3A_2275 : f32 to vector<512x99xf32>
      %mul3A_2277 = arith.mulf %slice3A, %mul3A_2276 : vector<512x99xf32>
      %mul3A_2278 = arith.mulf %get3A_265, %mul3A_1043 : f32
      %mul3A_2279 = vector.broadcast %mul3A_2278 : f32 to vector<512x99xf32>
      %mul3A_2280 = arith.mulf %slice3A_1488, %mul3A_2279 : vector<512x99xf32>
      %add3A_2281 = arith.addf %mul3A_2277, %mul3A_2280 : vector<512x99xf32>
      %mul3A_2282 = arith.mulf %get3A_393, %mul3A_1043 : f32
      %mul3A_2283 = vector.broadcast %mul3A_2282 : f32 to vector<512x99xf32>
      %mul3A_2284 = arith.mulf %slice3A_1489, %mul3A_2283 : vector<512x99xf32>
      %add3A_2285 = arith.addf %add3A_2281, %mul3A_2284 : vector<512x99xf32>
      %mul3A_2286 = arith.mulf %get3A_521, %mul3A_1043 : f32
      %mul3A_2287 = vector.broadcast %mul3A_2286 : f32 to vector<512x99xf32>
      %mul3A_2288 = arith.mulf %slice3A_1490, %mul3A_2287 : vector<512x99xf32>
      %add3A_2289 = arith.addf %add3A_2285, %mul3A_2288 : vector<512x99xf32>
      %add3A_2290 = vector.broadcast %add3A_1054 : f32 to vector<512x99xf32>
      %add3A_2291 = arith.addf %add3A_2289, %add3A_2290 : vector<512x99xf32>
      %max3A_2292 = arith.constant 0.000000e+00 : f32
      %max3A_2293 = vector.broadcast %max3A_2292 : f32 to vector<512x99xf32>
      %max3A_2294 = arith.maximumf %add3A_2291, %max3A_2293 : vector<512x99xf32>
      %get3A_2295 = arith.constant 15 : index
      %get3A_2296 = arith.constant 0 : index
      %get3A_2297 = vector.load %arg4[%get3A_2295, %get3A_2296] : memref<32x99xf32, #tpu.memory_space<vmem>>, vector<1x99xf32>
      %mul3A_2298 = vector.broadcast %get3A_2297 : vector<1x99xf32> to vector<512x99xf32>
      %mul3A_2299 = arith.mulf %max3A_2294, %mul3A_2298 : vector<512x99xf32>
      %add3A_2300 = arith.addf %add3A_2274, %mul3A_2299 : vector<512x99xf32>
      %mul3A_2301 = arith.mulf %get3A_137, %mul3A_1043 : f32
      %mul3A_2302 = vector.broadcast %mul3A_2301 : f32 to vector<512x99xf32>
      %mul3A_2303 = arith.mulf %slice3A_1491, %mul3A_2302 : vector<512x99xf32>
      %mul3A_2304 = arith.mulf %get3A_265, %mul3A_1043 : f32
      %mul3A_2305 = vector.broadcast %mul3A_2304 : f32 to vector<512x99xf32>
      %mul3A_2306 = arith.mulf %slice3A_1492, %mul3A_2305 : vector<512x99xf32>
      %add3A_2307 = arith.addf %mul3A_2303, %mul3A_2306 : vector<512x99xf32>
      %mul3A_2308 = arith.mulf %get3A_393, %mul3A_1043 : f32
      %mul3A_2309 = vector.broadcast %mul3A_2308 : f32 to vector<512x99xf32>
      %mul3A_2310 = arith.mulf %slice3A_1493, %mul3A_2309 : vector<512x99xf32>
      %add3A_2311 = arith.addf %add3A_2307, %mul3A_2310 : vector<512x99xf32>
      %mul3A_2312 = arith.mulf %get3A_521, %mul3A_1043 : f32
      %mul3A_2313 = vector.broadcast %mul3A_2312 : f32 to vector<512x99xf32>
      %mul3A_2314 = arith.mulf %slice3A_1494, %mul3A_2313 : vector<512x99xf32>
      %add3A_2315 = arith.addf %add3A_2311, %mul3A_2314 : vector<512x99xf32>
      %add3A_2316 = vector.broadcast %add3A_1054 : f32 to vector<512x99xf32>
      %add3A_2317 = arith.addf %add3A_2315, %add3A_2316 : vector<512x99xf32>
      %max3A_2318 = arith.constant 0.000000e+00 : f32
      %max3A_2319 = vector.broadcast %max3A_2318 : f32 to vector<512x99xf32>
      %max3A_2320 = arith.maximumf %add3A_2317, %max3A_2319 : vector<512x99xf32>
      %get3A_2321 = arith.constant 15 : index
      %get3A_2322 = arith.constant 0 : index
      %get3A_2323 = vector.load %arg5[%get3A_2321, %get3A_2322] : memref<32x99xf32, #tpu.memory_space<vmem>>, vector<1x99xf32>
      %mul3A_2324 = vector.broadcast %get3A_2323 : vector<1x99xf32> to vector<512x99xf32>
      %mul3A_2325 = arith.mulf %max3A_2320, %mul3A_2324 : vector<512x99xf32>
      %add3A_2326 = arith.addf %add3A_2300, %mul3A_2325 : vector<512x99xf32>
      %mul3A_2327 = arith.mulf %get3A_141, %mul3A_1068 : f32
      %mul3A_2328 = vector.broadcast %mul3A_2327 : f32 to vector<512x99xf32>
      %mul3A_2329 = arith.mulf %slice3A, %mul3A_2328 : vector<512x99xf32>
      %mul3A_2330 = arith.mulf %get3A_269, %mul3A_1068 : f32
      %mul3A_2331 = vector.broadcast %mul3A_2330 : f32 to vector<512x99xf32>
      %mul3A_2332 = arith.mulf %slice3A_1488, %mul3A_2331 : vector<512x99xf32>
      %add3A_2333 = arith.addf %mul3A_2329, %mul3A_2332 : vector<512x99xf32>
      %mul3A_2334 = arith.mulf %get3A_397, %mul3A_1068 : f32
      %mul3A_2335 = vector.broadcast %mul3A_2334 : f32 to vector<512x99xf32>
      %mul3A_2336 = arith.mulf %slice3A_1489, %mul3A_2335 : vector<512x99xf32>
      %add3A_2337 = arith.addf %add3A_2333, %mul3A_2336 : vector<512x99xf32>
      %mul3A_2338 = arith.mulf %get3A_525, %mul3A_1068 : f32
      %mul3A_2339 = vector.broadcast %mul3A_2338 : f32 to vector<512x99xf32>
      %mul3A_2340 = arith.mulf %slice3A_1490, %mul3A_2339 : vector<512x99xf32>
      %add3A_2341 = arith.addf %add3A_2337, %mul3A_2340 : vector<512x99xf32>
      %add3A_2342 = vector.broadcast %add3A_1079 : f32 to vector<512x99xf32>
      %add3A_2343 = arith.addf %add3A_2341, %add3A_2342 : vector<512x99xf32>
      %max3A_2344 = arith.constant 0.000000e+00 : f32
      %max3A_2345 = vector.broadcast %max3A_2344 : f32 to vector<512x99xf32>
      %max3A_2346 = arith.maximumf %add3A_2343, %max3A_2345 : vector<512x99xf32>
      %get3A_2347 = arith.constant 16 : index
      %get3A_2348 = arith.constant 0 : index
      %get3A_2349 = vector.load %arg4[%get3A_2347, %get3A_2348] : memref<32x99xf32, #tpu.memory_space<vmem>>, vector<1x99xf32>
      %mul3A_2350 = vector.broadcast %get3A_2349 : vector<1x99xf32> to vector<512x99xf32>
      %mul3A_2351 = arith.mulf %max3A_2346, %mul3A_2350 : vector<512x99xf32>
      %add3A_2352 = arith.addf %add3A_2326, %mul3A_2351 : vector<512x99xf32>
      %mul3A_2353 = arith.mulf %get3A_141, %mul3A_1068 : f32
      %mul3A_2354 = vector.broadcast %mul3A_2353 : f32 to vector<512x99xf32>
      %mul3A_2355 = arith.mulf %slice3A_1491, %mul3A_2354 : vector<512x99xf32>
      %mul3A_2356 = arith.mulf %get3A_269, %mul3A_1068 : f32
      %mul3A_2357 = vector.broadcast %mul3A_2356 : f32 to vector<512x99xf32>
      %mul3A_2358 = arith.mulf %slice3A_1492, %mul3A_2357 : vector<512x99xf32>
      %add3A_2359 = arith.addf %mul3A_2355, %mul3A_2358 : vector<512x99xf32>
      %mul3A_2360 = arith.mulf %get3A_397, %mul3A_1068 : f32
      %mul3A_2361 = vector.broadcast %mul3A_2360 : f32 to vector<512x99xf32>
      %mul3A_2362 = arith.mulf %slice3A_1493, %mul3A_2361 : vector<512x99xf32>
      %add3A_2363 = arith.addf %add3A_2359, %mul3A_2362 : vector<512x99xf32>
      %mul3A_2364 = arith.mulf %get3A_525, %mul3A_1068 : f32
      %mul3A_2365 = vector.broadcast %mul3A_2364 : f32 to vector<512x99xf32>
      %mul3A_2366 = arith.mulf %slice3A_1494, %mul3A_2365 : vector<512x99xf32>
      %add3A_2367 = arith.addf %add3A_2363, %mul3A_2366 : vector<512x99xf32>
      %add3A_2368 = vector.broadcast %add3A_1079 : f32 to vector<512x99xf32>
      %add3A_2369 = arith.addf %add3A_2367, %add3A_2368 : vector<512x99xf32>
      %max3A_2370 = arith.constant 0.000000e+00 : f32
      %max3A_2371 = vector.broadcast %max3A_2370 : f32 to vector<512x99xf32>
      %max3A_2372 = arith.maximumf %add3A_2369, %max3A_2371 : vector<512x99xf32>
      %get3A_2373 = arith.constant 16 : index
      %get3A_2374 = arith.constant 0 : index
      %get3A_2375 = vector.load %arg5[%get3A_2373, %get3A_2374] : memref<32x99xf32, #tpu.memory_space<vmem>>, vector<1x99xf32>
      %mul3A_2376 = vector.broadcast %get3A_2375 : vector<1x99xf32> to vector<512x99xf32>
      %mul3A_2377 = arith.mulf %max3A_2372, %mul3A_2376 : vector<512x99xf32>
      %add3A_2378 = arith.addf %add3A_2352, %mul3A_2377 : vector<512x99xf32>
      %mul3A_2379 = arith.mulf %get3A_145, %mul3A_1093 : f32
      %mul3A_2380 = vector.broadcast %mul3A_2379 : f32 to vector<512x99xf32>
      %mul3A_2381 = arith.mulf %slice3A, %mul3A_2380 : vector<512x99xf32>
      %mul3A_2382 = arith.mulf %get3A_273, %mul3A_1093 : f32
      %mul3A_2383 = vector.broadcast %mul3A_2382 : f32 to vector<512x99xf32>
      %mul3A_2384 = arith.mulf %slice3A_1488, %mul3A_2383 : vector<512x99xf32>
      %add3A_2385 = arith.addf %mul3A_2381, %mul3A_2384 : vector<512x99xf32>
      %mul3A_2386 = arith.mulf %get3A_401, %mul3A_1093 : f32
      %mul3A_2387 = vector.broadcast %mul3A_2386 : f32 to vector<512x99xf32>
      %mul3A_2388 = arith.mulf %slice3A_1489, %mul3A_2387 : vector<512x99xf32>
      %add3A_2389 = arith.addf %add3A_2385, %mul3A_2388 : vector<512x99xf32>
      %mul3A_2390 = arith.mulf %get3A_529, %mul3A_1093 : f32
      %mul3A_2391 = vector.broadcast %mul3A_2390 : f32 to vector<512x99xf32>
      %mul3A_2392 = arith.mulf %slice3A_1490, %mul3A_2391 : vector<512x99xf32>
      %add3A_2393 = arith.addf %add3A_2389, %mul3A_2392 : vector<512x99xf32>
      %add3A_2394 = vector.broadcast %add3A_1104 : f32 to vector<512x99xf32>
      %add3A_2395 = arith.addf %add3A_2393, %add3A_2394 : vector<512x99xf32>
      %max3A_2396 = arith.constant 0.000000e+00 : f32
      %max3A_2397 = vector.broadcast %max3A_2396 : f32 to vector<512x99xf32>
      %max3A_2398 = arith.maximumf %add3A_2395, %max3A_2397 : vector<512x99xf32>
      %get3A_2399 = arith.constant 17 : index
      %get3A_2400 = arith.constant 0 : index
      %get3A_2401 = vector.load %arg4[%get3A_2399, %get3A_2400] : memref<32x99xf32, #tpu.memory_space<vmem>>, vector<1x99xf32>
      %mul3A_2402 = vector.broadcast %get3A_2401 : vector<1x99xf32> to vector<512x99xf32>
      %mul3A_2403 = arith.mulf %max3A_2398, %mul3A_2402 : vector<512x99xf32>
      %add3A_2404 = arith.addf %add3A_2378, %mul3A_2403 : vector<512x99xf32>
      %mul3A_2405 = arith.mulf %get3A_145, %mul3A_1093 : f32
      %mul3A_2406 = vector.broadcast %mul3A_2405 : f32 to vector<512x99xf32>
      %mul3A_2407 = arith.mulf %slice3A_1491, %mul3A_2406 : vector<512x99xf32>
      %mul3A_2408 = arith.mulf %get3A_273, %mul3A_1093 : f32
      %mul3A_2409 = vector.broadcast %mul3A_2408 : f32 to vector<512x99xf32>
      %mul3A_2410 = arith.mulf %slice3A_1492, %mul3A_2409 : vector<512x99xf32>
      %add3A_2411 = arith.addf %mul3A_2407, %mul3A_2410 : vector<512x99xf32>
      %mul3A_2412 = arith.mulf %get3A_401, %mul3A_1093 : f32
      %mul3A_2413 = vector.broadcast %mul3A_2412 : f32 to vector<512x99xf32>
      %mul3A_2414 = arith.mulf %slice3A_1493, %mul3A_2413 : vector<512x99xf32>
      %add3A_2415 = arith.addf %add3A_2411, %mul3A_2414 : vector<512x99xf32>
      %mul3A_2416 = arith.mulf %get3A_529, %mul3A_1093 : f32
      %mul3A_2417 = vector.broadcast %mul3A_2416 : f32 to vector<512x99xf32>
      %mul3A_2418 = arith.mulf %slice3A_1494, %mul3A_2417 : vector<512x99xf32>
      %add3A_2419 = arith.addf %add3A_2415, %mul3A_2418 : vector<512x99xf32>
      %add3A_2420 = vector.broadcast %add3A_1104 : f32 to vector<512x99xf32>
      %add3A_2421 = arith.addf %add3A_2419, %add3A_2420 : vector<512x99xf32>
      %max3A_2422 = arith.constant 0.000000e+00 : f32
      %max3A_2423 = vector.broadcast %max3A_2422 : f32 to vector<512x99xf32>
      %max3A_2424 = arith.maximumf %add3A_2421, %max3A_2423 : vector<512x99xf32>
      %get3A_2425 = arith.constant 17 : index
      %get3A_2426 = arith.constant 0 : index
      %get3A_2427 = vector.load %arg5[%get3A_2425, %get3A_2426] : memref<32x99xf32, #tpu.memory_space<vmem>>, vector<1x99xf32>
      %mul3A_2428 = vector.broadcast %get3A_2427 : vector<1x99xf32> to vector<512x99xf32>
      %mul3A_2429 = arith.mulf %max3A_2424, %mul3A_2428 : vector<512x99xf32>
      %add3A_2430 = arith.addf %add3A_2404, %mul3A_2429 : vector<512x99xf32>
      %mul3A_2431 = arith.mulf %get3A_149, %mul3A_1118 : f32
      %mul3A_2432 = vector.broadcast %mul3A_2431 : f32 to vector<512x99xf32>
      %mul3A_2433 = arith.mulf %slice3A, %mul3A_2432 : vector<512x99xf32>
      %mul3A_2434 = arith.mulf %get3A_277, %mul3A_1118 : f32
      %mul3A_2435 = vector.broadcast %mul3A_2434 : f32 to vector<512x99xf32>
      %mul3A_2436 = arith.mulf %slice3A_1488, %mul3A_2435 : vector<512x99xf32>
      %add3A_2437 = arith.addf %mul3A_2433, %mul3A_2436 : vector<512x99xf32>
      %mul3A_2438 = arith.mulf %get3A_405, %mul3A_1118 : f32
      %mul3A_2439 = vector.broadcast %mul3A_2438 : f32 to vector<512x99xf32>
      %mul3A_2440 = arith.mulf %slice3A_1489, %mul3A_2439 : vector<512x99xf32>
      %add3A_2441 = arith.addf %add3A_2437, %mul3A_2440 : vector<512x99xf32>
      %mul3A_2442 = arith.mulf %get3A_533, %mul3A_1118 : f32
      %mul3A_2443 = vector.broadcast %mul3A_2442 : f32 to vector<512x99xf32>
      %mul3A_2444 = arith.mulf %slice3A_1490, %mul3A_2443 : vector<512x99xf32>
      %add3A_2445 = arith.addf %add3A_2441, %mul3A_2444 : vector<512x99xf32>
      %add3A_2446 = vector.broadcast %add3A_1129 : f32 to vector<512x99xf32>
      %add3A_2447 = arith.addf %add3A_2445, %add3A_2446 : vector<512x99xf32>
      %max3A_2448 = arith.constant 0.000000e+00 : f32
      %max3A_2449 = vector.broadcast %max3A_2448 : f32 to vector<512x99xf32>
      %max3A_2450 = arith.maximumf %add3A_2447, %max3A_2449 : vector<512x99xf32>
      %get3A_2451 = arith.constant 18 : index
      %get3A_2452 = arith.constant 0 : index
      %get3A_2453 = vector.load %arg4[%get3A_2451, %get3A_2452] : memref<32x99xf32, #tpu.memory_space<vmem>>, vector<1x99xf32>
      %mul3A_2454 = vector.broadcast %get3A_2453 : vector<1x99xf32> to vector<512x99xf32>
      %mul3A_2455 = arith.mulf %max3A_2450, %mul3A_2454 : vector<512x99xf32>
      %add3A_2456 = arith.addf %add3A_2430, %mul3A_2455 : vector<512x99xf32>
      %mul3A_2457 = arith.mulf %get3A_149, %mul3A_1118 : f32
      %mul3A_2458 = vector.broadcast %mul3A_2457 : f32 to vector<512x99xf32>
      %mul3A_2459 = arith.mulf %slice3A_1491, %mul3A_2458 : vector<512x99xf32>
      %mul3A_2460 = arith.mulf %get3A_277, %mul3A_1118 : f32
      %mul3A_2461 = vector.broadcast %mul3A_2460 : f32 to vector<512x99xf32>
      %mul3A_2462 = arith.mulf %slice3A_1492, %mul3A_2461 : vector<512x99xf32>
      %add3A_2463 = arith.addf %mul3A_2459, %mul3A_2462 : vector<512x99xf32>
      %mul3A_2464 = arith.mulf %get3A_405, %mul3A_1118 : f32
      %mul3A_2465 = vector.broadcast %mul3A_2464 : f32 to vector<512x99xf32>
      %mul3A_2466 = arith.mulf %slice3A_1493, %mul3A_2465 : vector<512x99xf32>
      %add3A_2467 = arith.addf %add3A_2463, %mul3A_2466 : vector<512x99xf32>
      %mul3A_2468 = arith.mulf %get3A_533, %mul3A_1118 : f32
      %mul3A_2469 = vector.broadcast %mul3A_2468 : f32 to vector<512x99xf32>
      %mul3A_2470 = arith.mulf %slice3A_1494, %mul3A_2469 : vector<512x99xf32>
      %add3A_2471 = arith.addf %add3A_2467, %mul3A_2470 : vector<512x99xf32>
      %add3A_2472 = vector.broadcast %add3A_1129 : f32 to vector<512x99xf32>
      %add3A_2473 = arith.addf %add3A_2471, %add3A_2472 : vector<512x99xf32>
      %max3A_2474 = arith.constant 0.000000e+00 : f32
      %max3A_2475 = vector.broadcast %max3A_2474 : f32 to vector<512x99xf32>
      %max3A_2476 = arith.maximumf %add3A_2473, %max3A_2475 : vector<512x99xf32>
      %get3A_2477 = arith.constant 18 : index
      %get3A_2478 = arith.constant 0 : index
      %get3A_2479 = vector.load %arg5[%get3A_2477, %get3A_2478] : memref<32x99xf32, #tpu.memory_space<vmem>>, vector<1x99xf32>
      %mul3A_2480 = vector.broadcast %get3A_2479 : vector<1x99xf32> to vector<512x99xf32>
      %mul3A_2481 = arith.mulf %max3A_2476, %mul3A_2480 : vector<512x99xf32>
      %add3A_2482 = arith.addf %add3A_2456, %mul3A_2481 : vector<512x99xf32>
      %mul3A_2483 = arith.mulf %get3A_153, %mul3A_1143 : f32
      %mul3A_2484 = vector.broadcast %mul3A_2483 : f32 to vector<512x99xf32>
      %mul3A_2485 = arith.mulf %slice3A, %mul3A_2484 : vector<512x99xf32>
      %mul3A_2486 = arith.mulf %get3A_281, %mul3A_1143 : f32
      %mul3A_2487 = vector.broadcast %mul3A_2486 : f32 to vector<512x99xf32>
      %mul3A_2488 = arith.mulf %slice3A_1488, %mul3A_2487 : vector<512x99xf32>
      %add3A_2489 = arith.addf %mul3A_2485, %mul3A_2488 : vector<512x99xf32>
      %mul3A_2490 = arith.mulf %get3A_409, %mul3A_1143 : f32
      %mul3A_2491 = vector.broadcast %mul3A_2490 : f32 to vector<512x99xf32>
      %mul3A_2492 = arith.mulf %slice3A_1489, %mul3A_2491 : vector<512x99xf32>
      %add3A_2493 = arith.addf %add3A_2489, %mul3A_2492 : vector<512x99xf32>
      %mul3A_2494 = arith.mulf %get3A_537, %mul3A_1143 : f32
      %mul3A_2495 = vector.broadcast %mul3A_2494 : f32 to vector<512x99xf32>
      %mul3A_2496 = arith.mulf %slice3A_1490, %mul3A_2495 : vector<512x99xf32>
      %add3A_2497 = arith.addf %add3A_2493, %mul3A_2496 : vector<512x99xf32>
      %add3A_2498 = vector.broadcast %add3A_1154 : f32 to vector<512x99xf32>
      %add3A_2499 = arith.addf %add3A_2497, %add3A_2498 : vector<512x99xf32>
      %max3A_2500 = arith.constant 0.000000e+00 : f32
      %max3A_2501 = vector.broadcast %max3A_2500 : f32 to vector<512x99xf32>
      %max3A_2502 = arith.maximumf %add3A_2499, %max3A_2501 : vector<512x99xf32>
      %get3A_2503 = arith.constant 19 : index
      %get3A_2504 = arith.constant 0 : index
      %get3A_2505 = vector.load %arg4[%get3A_2503, %get3A_2504] : memref<32x99xf32, #tpu.memory_space<vmem>>, vector<1x99xf32>
      %mul3A_2506 = vector.broadcast %get3A_2505 : vector<1x99xf32> to vector<512x99xf32>
      %mul3A_2507 = arith.mulf %max3A_2502, %mul3A_2506 : vector<512x99xf32>
      %add3A_2508 = arith.addf %add3A_2482, %mul3A_2507 : vector<512x99xf32>
      %mul3A_2509 = arith.mulf %get3A_153, %mul3A_1143 : f32
      %mul3A_2510 = vector.broadcast %mul3A_2509 : f32 to vector<512x99xf32>
      %mul3A_2511 = arith.mulf %slice3A_1491, %mul3A_2510 : vector<512x99xf32>
      %mul3A_2512 = arith.mulf %get3A_281, %mul3A_1143 : f32
      %mul3A_2513 = vector.broadcast %mul3A_2512 : f32 to vector<512x99xf32>
      %mul3A_2514 = arith.mulf %slice3A_1492, %mul3A_2513 : vector<512x99xf32>
      %add3A_2515 = arith.addf %mul3A_2511, %mul3A_2514 : vector<512x99xf32>
      %mul3A_2516 = arith.mulf %get3A_409, %mul3A_1143 : f32
      %mul3A_2517 = vector.broadcast %mul3A_2516 : f32 to vector<512x99xf32>
      %mul3A_2518 = arith.mulf %slice3A_1493, %mul3A_2517 : vector<512x99xf32>
      %add3A_2519 = arith.addf %add3A_2515, %mul3A_2518 : vector<512x99xf32>
      %mul3A_2520 = arith.mulf %get3A_537, %mul3A_1143 : f32
      %mul3A_2521 = vector.broadcast %mul3A_2520 : f32 to vector<512x99xf32>
      %mul3A_2522 = arith.mulf %slice3A_1494, %mul3A_2521 : vector<512x99xf32>
      %add3A_2523 = arith.addf %add3A_2519, %mul3A_2522 : vector<512x99xf32>
      %add3A_2524 = vector.broadcast %add3A_1154 : f32 to vector<512x99xf32>
      %add3A_2525 = arith.addf %add3A_2523, %add3A_2524 : vector<512x99xf32>
      %max3A_2526 = arith.constant 0.000000e+00 : f32
      %max3A_2527 = vector.broadcast %max3A_2526 : f32 to vector<512x99xf32>
      %max3A_2528 = arith.maximumf %add3A_2525, %max3A_2527 : vector<512x99xf32>
      %get3A_2529 = arith.constant 19 : index
      %get3A_2530 = arith.constant 0 : index
      %get3A_2531 = vector.load %arg5[%get3A_2529, %get3A_2530] : memref<32x99xf32, #tpu.memory_space<vmem>>, vector<1x99xf32>
      %mul3A_2532 = vector.broadcast %get3A_2531 : vector<1x99xf32> to vector<512x99xf32>
      %mul3A_2533 = arith.mulf %max3A_2528, %mul3A_2532 : vector<512x99xf32>
      %add3A_2534 = arith.addf %add3A_2508, %mul3A_2533 : vector<512x99xf32>
      %mul3A_2535 = arith.mulf %get3A_157, %mul3A_1168 : f32
      %mul3A_2536 = vector.broadcast %mul3A_2535 : f32 to vector<512x99xf32>
      %mul3A_2537 = arith.mulf %slice3A, %mul3A_2536 : vector<512x99xf32>
      %mul3A_2538 = arith.mulf %get3A_285, %mul3A_1168 : f32
      %mul3A_2539 = vector.broadcast %mul3A_2538 : f32 to vector<512x99xf32>
      %mul3A_2540 = arith.mulf %slice3A_1488, %mul3A_2539 : vector<512x99xf32>
      %add3A_2541 = arith.addf %mul3A_2537, %mul3A_2540 : vector<512x99xf32>
      %mul3A_2542 = arith.mulf %get3A_413, %mul3A_1168 : f32
      %mul3A_2543 = vector.broadcast %mul3A_2542 : f32 to vector<512x99xf32>
      %mul3A_2544 = arith.mulf %slice3A_1489, %mul3A_2543 : vector<512x99xf32>
      %add3A_2545 = arith.addf %add3A_2541, %mul3A_2544 : vector<512x99xf32>
      %mul3A_2546 = arith.mulf %get3A_541, %mul3A_1168 : f32
      %mul3A_2547 = vector.broadcast %mul3A_2546 : f32 to vector<512x99xf32>
      %mul3A_2548 = arith.mulf %slice3A_1490, %mul3A_2547 : vector<512x99xf32>
      %add3A_2549 = arith.addf %add3A_2545, %mul3A_2548 : vector<512x99xf32>
      %add3A_2550 = vector.broadcast %add3A_1179 : f32 to vector<512x99xf32>
      %add3A_2551 = arith.addf %add3A_2549, %add3A_2550 : vector<512x99xf32>
      %max3A_2552 = arith.constant 0.000000e+00 : f32
      %max3A_2553 = vector.broadcast %max3A_2552 : f32 to vector<512x99xf32>
      %max3A_2554 = arith.maximumf %add3A_2551, %max3A_2553 : vector<512x99xf32>
      %get3A_2555 = arith.constant 20 : index
      %get3A_2556 = arith.constant 0 : index
      %get3A_2557 = vector.load %arg4[%get3A_2555, %get3A_2556] : memref<32x99xf32, #tpu.memory_space<vmem>>, vector<1x99xf32>
      %mul3A_2558 = vector.broadcast %get3A_2557 : vector<1x99xf32> to vector<512x99xf32>
      %mul3A_2559 = arith.mulf %max3A_2554, %mul3A_2558 : vector<512x99xf32>
      %add3A_2560 = arith.addf %add3A_2534, %mul3A_2559 : vector<512x99xf32>
      %mul3A_2561 = arith.mulf %get3A_157, %mul3A_1168 : f32
      %mul3A_2562 = vector.broadcast %mul3A_2561 : f32 to vector<512x99xf32>
      %mul3A_2563 = arith.mulf %slice3A_1491, %mul3A_2562 : vector<512x99xf32>
      %mul3A_2564 = arith.mulf %get3A_285, %mul3A_1168 : f32
      %mul3A_2565 = vector.broadcast %mul3A_2564 : f32 to vector<512x99xf32>
      %mul3A_2566 = arith.mulf %slice3A_1492, %mul3A_2565 : vector<512x99xf32>
      %add3A_2567 = arith.addf %mul3A_2563, %mul3A_2566 : vector<512x99xf32>
      %mul3A_2568 = arith.mulf %get3A_413, %mul3A_1168 : f32
      %mul3A_2569 = vector.broadcast %mul3A_2568 : f32 to vector<512x99xf32>
      %mul3A_2570 = arith.mulf %slice3A_1493, %mul3A_2569 : vector<512x99xf32>
      %add3A_2571 = arith.addf %add3A_2567, %mul3A_2570 : vector<512x99xf32>
      %mul3A_2572 = arith.mulf %get3A_541, %mul3A_1168 : f32
      %mul3A_2573 = vector.broadcast %mul3A_2572 : f32 to vector<512x99xf32>
      %mul3A_2574 = arith.mulf %slice3A_1494, %mul3A_2573 : vector<512x99xf32>
      %add3A_2575 = arith.addf %add3A_2571, %mul3A_2574 : vector<512x99xf32>
      %add3A_2576 = vector.broadcast %add3A_1179 : f32 to vector<512x99xf32>
      %add3A_2577 = arith.addf %add3A_2575, %add3A_2576 : vector<512x99xf32>
      %max3A_2578 = arith.constant 0.000000e+00 : f32
      %max3A_2579 = vector.broadcast %max3A_2578 : f32 to vector<512x99xf32>
      %max3A_2580 = arith.maximumf %add3A_2577, %max3A_2579 : vector<512x99xf32>
      %get3A_2581 = arith.constant 20 : index
      %get3A_2582 = arith.constant 0 : index
      %get3A_2583 = vector.load %arg5[%get3A_2581, %get3A_2582] : memref<32x99xf32, #tpu.memory_space<vmem>>, vector<1x99xf32>
      %mul3A_2584 = vector.broadcast %get3A_2583 : vector<1x99xf32> to vector<512x99xf32>
      %mul3A_2585 = arith.mulf %max3A_2580, %mul3A_2584 : vector<512x99xf32>
      %add3A_2586 = arith.addf %add3A_2560, %mul3A_2585 : vector<512x99xf32>
      %mul3A_2587 = arith.mulf %get3A_161, %mul3A_1193 : f32
      %mul3A_2588 = vector.broadcast %mul3A_2587 : f32 to vector<512x99xf32>
      %mul3A_2589 = arith.mulf %slice3A, %mul3A_2588 : vector<512x99xf32>
      %mul3A_2590 = arith.mulf %get3A_289, %mul3A_1193 : f32
      %mul3A_2591 = vector.broadcast %mul3A_2590 : f32 to vector<512x99xf32>
      %mul3A_2592 = arith.mulf %slice3A_1488, %mul3A_2591 : vector<512x99xf32>
      %add3A_2593 = arith.addf %mul3A_2589, %mul3A_2592 : vector<512x99xf32>
      %mul3A_2594 = arith.mulf %get3A_417, %mul3A_1193 : f32
      %mul3A_2595 = vector.broadcast %mul3A_2594 : f32 to vector<512x99xf32>
      %mul3A_2596 = arith.mulf %slice3A_1489, %mul3A_2595 : vector<512x99xf32>
      %add3A_2597 = arith.addf %add3A_2593, %mul3A_2596 : vector<512x99xf32>
      %mul3A_2598 = arith.mulf %get3A_545, %mul3A_1193 : f32
      %mul3A_2599 = vector.broadcast %mul3A_2598 : f32 to vector<512x99xf32>
      %mul3A_2600 = arith.mulf %slice3A_1490, %mul3A_2599 : vector<512x99xf32>
      %add3A_2601 = arith.addf %add3A_2597, %mul3A_2600 : vector<512x99xf32>
      %add3A_2602 = vector.broadcast %add3A_1204 : f32 to vector<512x99xf32>
      %add3A_2603 = arith.addf %add3A_2601, %add3A_2602 : vector<512x99xf32>
      %max3A_2604 = arith.constant 0.000000e+00 : f32
      %max3A_2605 = vector.broadcast %max3A_2604 : f32 to vector<512x99xf32>
      %max3A_2606 = arith.maximumf %add3A_2603, %max3A_2605 : vector<512x99xf32>
      %get3A_2607 = arith.constant 21 : index
      %get3A_2608 = arith.constant 0 : index
      %get3A_2609 = vector.load %arg4[%get3A_2607, %get3A_2608] : memref<32x99xf32, #tpu.memory_space<vmem>>, vector<1x99xf32>
      %mul3A_2610 = vector.broadcast %get3A_2609 : vector<1x99xf32> to vector<512x99xf32>
      %mul3A_2611 = arith.mulf %max3A_2606, %mul3A_2610 : vector<512x99xf32>
      %add3A_2612 = arith.addf %add3A_2586, %mul3A_2611 : vector<512x99xf32>
      %mul3A_2613 = arith.mulf %get3A_161, %mul3A_1193 : f32
      %mul3A_2614 = vector.broadcast %mul3A_2613 : f32 to vector<512x99xf32>
      %mul3A_2615 = arith.mulf %slice3A_1491, %mul3A_2614 : vector<512x99xf32>
      %mul3A_2616 = arith.mulf %get3A_289, %mul3A_1193 : f32
      %mul3A_2617 = vector.broadcast %mul3A_2616 : f32 to vector<512x99xf32>
      %mul3A_2618 = arith.mulf %slice3A_1492, %mul3A_2617 : vector<512x99xf32>
      %add3A_2619 = arith.addf %mul3A_2615, %mul3A_2618 : vector<512x99xf32>
      %mul3A_2620 = arith.mulf %get3A_417, %mul3A_1193 : f32
      %mul3A_2621 = vector.broadcast %mul3A_2620 : f32 to vector<512x99xf32>
      %mul3A_2622 = arith.mulf %slice3A_1493, %mul3A_2621 : vector<512x99xf32>
      %add3A_2623 = arith.addf %add3A_2619, %mul3A_2622 : vector<512x99xf32>
      %mul3A_2624 = arith.mulf %get3A_545, %mul3A_1193 : f32
      %mul3A_2625 = vector.broadcast %mul3A_2624 : f32 to vector<512x99xf32>
      %mul3A_2626 = arith.mulf %slice3A_1494, %mul3A_2625 : vector<512x99xf32>
      %add3A_2627 = arith.addf %add3A_2623, %mul3A_2626 : vector<512x99xf32>
      %add3A_2628 = vector.broadcast %add3A_1204 : f32 to vector<512x99xf32>
      %add3A_2629 = arith.addf %add3A_2627, %add3A_2628 : vector<512x99xf32>
      %max3A_2630 = arith.constant 0.000000e+00 : f32
      %max3A_2631 = vector.broadcast %max3A_2630 : f32 to vector<512x99xf32>
      %max3A_2632 = arith.maximumf %add3A_2629, %max3A_2631 : vector<512x99xf32>
      %get3A_2633 = arith.constant 21 : index
      %get3A_2634 = arith.constant 0 : index
      %get3A_2635 = vector.load %arg5[%get3A_2633, %get3A_2634] : memref<32x99xf32, #tpu.memory_space<vmem>>, vector<1x99xf32>
      %mul3A_2636 = vector.broadcast %get3A_2635 : vector<1x99xf32> to vector<512x99xf32>
      %mul3A_2637 = arith.mulf %max3A_2632, %mul3A_2636 : vector<512x99xf32>
      %add3A_2638 = arith.addf %add3A_2612, %mul3A_2637 : vector<512x99xf32>
      %mul3A_2639 = arith.mulf %get3A_165, %mul3A_1218 : f32
      %mul3A_2640 = vector.broadcast %mul3A_2639 : f32 to vector<512x99xf32>
      %mul3A_2641 = arith.mulf %slice3A, %mul3A_2640 : vector<512x99xf32>
      %mul3A_2642 = arith.mulf %get3A_293, %mul3A_1218 : f32
      %mul3A_2643 = vector.broadcast %mul3A_2642 : f32 to vector<512x99xf32>
      %mul3A_2644 = arith.mulf %slice3A_1488, %mul3A_2643 : vector<512x99xf32>
      %add3A_2645 = arith.addf %mul3A_2641, %mul3A_2644 : vector<512x99xf32>
      %mul3A_2646 = arith.mulf %get3A_421, %mul3A_1218 : f32
      %mul3A_2647 = vector.broadcast %mul3A_2646 : f32 to vector<512x99xf32>
      %mul3A_2648 = arith.mulf %slice3A_1489, %mul3A_2647 : vector<512x99xf32>
      %add3A_2649 = arith.addf %add3A_2645, %mul3A_2648 : vector<512x99xf32>
      %mul3A_2650 = arith.mulf %get3A_549, %mul3A_1218 : f32
      %mul3A_2651 = vector.broadcast %mul3A_2650 : f32 to vector<512x99xf32>
      %mul3A_2652 = arith.mulf %slice3A_1490, %mul3A_2651 : vector<512x99xf32>
      %add3A_2653 = arith.addf %add3A_2649, %mul3A_2652 : vector<512x99xf32>
      %add3A_2654 = vector.broadcast %add3A_1229 : f32 to vector<512x99xf32>
      %add3A_2655 = arith.addf %add3A_2653, %add3A_2654 : vector<512x99xf32>
      %max3A_2656 = arith.constant 0.000000e+00 : f32
      %max3A_2657 = vector.broadcast %max3A_2656 : f32 to vector<512x99xf32>
      %max3A_2658 = arith.maximumf %add3A_2655, %max3A_2657 : vector<512x99xf32>
      %get3A_2659 = arith.constant 22 : index
      %get3A_2660 = arith.constant 0 : index
      %get3A_2661 = vector.load %arg4[%get3A_2659, %get3A_2660] : memref<32x99xf32, #tpu.memory_space<vmem>>, vector<1x99xf32>
      %mul3A_2662 = vector.broadcast %get3A_2661 : vector<1x99xf32> to vector<512x99xf32>
      %mul3A_2663 = arith.mulf %max3A_2658, %mul3A_2662 : vector<512x99xf32>
      %add3A_2664 = arith.addf %add3A_2638, %mul3A_2663 : vector<512x99xf32>
      %mul3A_2665 = arith.mulf %get3A_165, %mul3A_1218 : f32
      %mul3A_2666 = vector.broadcast %mul3A_2665 : f32 to vector<512x99xf32>
      %mul3A_2667 = arith.mulf %slice3A_1491, %mul3A_2666 : vector<512x99xf32>
      %mul3A_2668 = arith.mulf %get3A_293, %mul3A_1218 : f32
      %mul3A_2669 = vector.broadcast %mul3A_2668 : f32 to vector<512x99xf32>
      %mul3A_2670 = arith.mulf %slice3A_1492, %mul3A_2669 : vector<512x99xf32>
      %add3A_2671 = arith.addf %mul3A_2667, %mul3A_2670 : vector<512x99xf32>
      %mul3A_2672 = arith.mulf %get3A_421, %mul3A_1218 : f32
      %mul3A_2673 = vector.broadcast %mul3A_2672 : f32 to vector<512x99xf32>
      %mul3A_2674 = arith.mulf %slice3A_1493, %mul3A_2673 : vector<512x99xf32>
      %add3A_2675 = arith.addf %add3A_2671, %mul3A_2674 : vector<512x99xf32>
      %mul3A_2676 = arith.mulf %get3A_549, %mul3A_1218 : f32
      %mul3A_2677 = vector.broadcast %mul3A_2676 : f32 to vector<512x99xf32>
      %mul3A_2678 = arith.mulf %slice3A_1494, %mul3A_2677 : vector<512x99xf32>
      %add3A_2679 = arith.addf %add3A_2675, %mul3A_2678 : vector<512x99xf32>
      %add3A_2680 = vector.broadcast %add3A_1229 : f32 to vector<512x99xf32>
      %add3A_2681 = arith.addf %add3A_2679, %add3A_2680 : vector<512x99xf32>
      %max3A_2682 = arith.constant 0.000000e+00 : f32
      %max3A_2683 = vector.broadcast %max3A_2682 : f32 to vector<512x99xf32>
      %max3A_2684 = arith.maximumf %add3A_2681, %max3A_2683 : vector<512x99xf32>
      %get3A_2685 = arith.constant 22 : index
      %get3A_2686 = arith.constant 0 : index
      %get3A_2687 = vector.load %arg5[%get3A_2685, %get3A_2686] : memref<32x99xf32, #tpu.memory_space<vmem>>, vector<1x99xf32>
      %mul3A_2688 = vector.broadcast %get3A_2687 : vector<1x99xf32> to vector<512x99xf32>
      %mul3A_2689 = arith.mulf %max3A_2684, %mul3A_2688 : vector<512x99xf32>
      %add3A_2690 = arith.addf %add3A_2664, %mul3A_2689 : vector<512x99xf32>
      %mul3A_2691 = arith.mulf %get3A_169, %mul3A_1243 : f32
      %mul3A_2692 = vector.broadcast %mul3A_2691 : f32 to vector<512x99xf32>
      %mul3A_2693 = arith.mulf %slice3A, %mul3A_2692 : vector<512x99xf32>
      %mul3A_2694 = arith.mulf %get3A_297, %mul3A_1243 : f32
      %mul3A_2695 = vector.broadcast %mul3A_2694 : f32 to vector<512x99xf32>
      %mul3A_2696 = arith.mulf %slice3A_1488, %mul3A_2695 : vector<512x99xf32>
      %add3A_2697 = arith.addf %mul3A_2693, %mul3A_2696 : vector<512x99xf32>
      %mul3A_2698 = arith.mulf %get3A_425, %mul3A_1243 : f32
      %mul3A_2699 = vector.broadcast %mul3A_2698 : f32 to vector<512x99xf32>
      %mul3A_2700 = arith.mulf %slice3A_1489, %mul3A_2699 : vector<512x99xf32>
      %add3A_2701 = arith.addf %add3A_2697, %mul3A_2700 : vector<512x99xf32>
      %mul3A_2702 = arith.mulf %get3A_553, %mul3A_1243 : f32
      %mul3A_2703 = vector.broadcast %mul3A_2702 : f32 to vector<512x99xf32>
      %mul3A_2704 = arith.mulf %slice3A_1490, %mul3A_2703 : vector<512x99xf32>
      %add3A_2705 = arith.addf %add3A_2701, %mul3A_2704 : vector<512x99xf32>
      %add3A_2706 = vector.broadcast %add3A_1254 : f32 to vector<512x99xf32>
      %add3A_2707 = arith.addf %add3A_2705, %add3A_2706 : vector<512x99xf32>
      %max3A_2708 = arith.constant 0.000000e+00 : f32
      %max3A_2709 = vector.broadcast %max3A_2708 : f32 to vector<512x99xf32>
      %max3A_2710 = arith.maximumf %add3A_2707, %max3A_2709 : vector<512x99xf32>
      %get3A_2711 = arith.constant 23 : index
      %get3A_2712 = arith.constant 0 : index
      %get3A_2713 = vector.load %arg4[%get3A_2711, %get3A_2712] : memref<32x99xf32, #tpu.memory_space<vmem>>, vector<1x99xf32>
      %mul3A_2714 = vector.broadcast %get3A_2713 : vector<1x99xf32> to vector<512x99xf32>
      %mul3A_2715 = arith.mulf %max3A_2710, %mul3A_2714 : vector<512x99xf32>
      %add3A_2716 = arith.addf %add3A_2690, %mul3A_2715 : vector<512x99xf32>
      %mul3A_2717 = arith.mulf %get3A_169, %mul3A_1243 : f32
      %mul3A_2718 = vector.broadcast %mul3A_2717 : f32 to vector<512x99xf32>
      %mul3A_2719 = arith.mulf %slice3A_1491, %mul3A_2718 : vector<512x99xf32>
      %mul3A_2720 = arith.mulf %get3A_297, %mul3A_1243 : f32
      %mul3A_2721 = vector.broadcast %mul3A_2720 : f32 to vector<512x99xf32>
      %mul3A_2722 = arith.mulf %slice3A_1492, %mul3A_2721 : vector<512x99xf32>
      %add3A_2723 = arith.addf %mul3A_2719, %mul3A_2722 : vector<512x99xf32>
      %mul3A_2724 = arith.mulf %get3A_425, %mul3A_1243 : f32
      %mul3A_2725 = vector.broadcast %mul3A_2724 : f32 to vector<512x99xf32>
      %mul3A_2726 = arith.mulf %slice3A_1493, %mul3A_2725 : vector<512x99xf32>
      %add3A_2727 = arith.addf %add3A_2723, %mul3A_2726 : vector<512x99xf32>
      %mul3A_2728 = arith.mulf %get3A_553, %mul3A_1243 : f32
      %mul3A_2729 = vector.broadcast %mul3A_2728 : f32 to vector<512x99xf32>
      %mul3A_2730 = arith.mulf %slice3A_1494, %mul3A_2729 : vector<512x99xf32>
      %add3A_2731 = arith.addf %add3A_2727, %mul3A_2730 : vector<512x99xf32>
      %add3A_2732 = vector.broadcast %add3A_1254 : f32 to vector<512x99xf32>
      %add3A_2733 = arith.addf %add3A_2731, %add3A_2732 : vector<512x99xf32>
      %max3A_2734 = arith.constant 0.000000e+00 : f32
      %max3A_2735 = vector.broadcast %max3A_2734 : f32 to vector<512x99xf32>
      %max3A_2736 = arith.maximumf %add3A_2733, %max3A_2735 : vector<512x99xf32>
      %get3A_2737 = arith.constant 23 : index
      %get3A_2738 = arith.constant 0 : index
      %get3A_2739 = vector.load %arg5[%get3A_2737, %get3A_2738] : memref<32x99xf32, #tpu.memory_space<vmem>>, vector<1x99xf32>
      %mul3A_2740 = vector.broadcast %get3A_2739 : vector<1x99xf32> to vector<512x99xf32>
      %mul3A_2741 = arith.mulf %max3A_2736, %mul3A_2740 : vector<512x99xf32>
      %add3A_2742 = arith.addf %add3A_2716, %mul3A_2741 : vector<512x99xf32>
      %mul3A_2743 = arith.mulf %get3A_173, %mul3A_1268 : f32
      %mul3A_2744 = vector.broadcast %mul3A_2743 : f32 to vector<512x99xf32>
      %mul3A_2745 = arith.mulf %slice3A, %mul3A_2744 : vector<512x99xf32>
      %mul3A_2746 = arith.mulf %get3A_301, %mul3A_1268 : f32
      %mul3A_2747 = vector.broadcast %mul3A_2746 : f32 to vector<512x99xf32>
      %mul3A_2748 = arith.mulf %slice3A_1488, %mul3A_2747 : vector<512x99xf32>
      %add3A_2749 = arith.addf %mul3A_2745, %mul3A_2748 : vector<512x99xf32>
      %mul3A_2750 = arith.mulf %get3A_429, %mul3A_1268 : f32
      %mul3A_2751 = vector.broadcast %mul3A_2750 : f32 to vector<512x99xf32>
      %mul3A_2752 = arith.mulf %slice3A_1489, %mul3A_2751 : vector<512x99xf32>
      %add3A_2753 = arith.addf %add3A_2749, %mul3A_2752 : vector<512x99xf32>
      %mul3A_2754 = arith.mulf %get3A_557, %mul3A_1268 : f32
      %mul3A_2755 = vector.broadcast %mul3A_2754 : f32 to vector<512x99xf32>
      %mul3A_2756 = arith.mulf %slice3A_1490, %mul3A_2755 : vector<512x99xf32>
      %add3A_2757 = arith.addf %add3A_2753, %mul3A_2756 : vector<512x99xf32>
      %add3A_2758 = vector.broadcast %add3A_1279 : f32 to vector<512x99xf32>
      %add3A_2759 = arith.addf %add3A_2757, %add3A_2758 : vector<512x99xf32>
      %max3A_2760 = arith.constant 0.000000e+00 : f32
      %max3A_2761 = vector.broadcast %max3A_2760 : f32 to vector<512x99xf32>
      %max3A_2762 = arith.maximumf %add3A_2759, %max3A_2761 : vector<512x99xf32>
      %get3A_2763 = arith.constant 24 : index
      %get3A_2764 = arith.constant 0 : index
      %get3A_2765 = vector.load %arg4[%get3A_2763, %get3A_2764] : memref<32x99xf32, #tpu.memory_space<vmem>>, vector<1x99xf32>
      %mul3A_2766 = vector.broadcast %get3A_2765 : vector<1x99xf32> to vector<512x99xf32>
      %mul3A_2767 = arith.mulf %max3A_2762, %mul3A_2766 : vector<512x99xf32>
      %add3A_2768 = arith.addf %add3A_2742, %mul3A_2767 : vector<512x99xf32>
      %mul3A_2769 = arith.mulf %get3A_173, %mul3A_1268 : f32
      %mul3A_2770 = vector.broadcast %mul3A_2769 : f32 to vector<512x99xf32>
      %mul3A_2771 = arith.mulf %slice3A_1491, %mul3A_2770 : vector<512x99xf32>
      %mul3A_2772 = arith.mulf %get3A_301, %mul3A_1268 : f32
      %mul3A_2773 = vector.broadcast %mul3A_2772 : f32 to vector<512x99xf32>
      %mul3A_2774 = arith.mulf %slice3A_1492, %mul3A_2773 : vector<512x99xf32>
      %add3A_2775 = arith.addf %mul3A_2771, %mul3A_2774 : vector<512x99xf32>
      %mul3A_2776 = arith.mulf %get3A_429, %mul3A_1268 : f32
      %mul3A_2777 = vector.broadcast %mul3A_2776 : f32 to vector<512x99xf32>
      %mul3A_2778 = arith.mulf %slice3A_1493, %mul3A_2777 : vector<512x99xf32>
      %add3A_2779 = arith.addf %add3A_2775, %mul3A_2778 : vector<512x99xf32>
      %mul3A_2780 = arith.mulf %get3A_557, %mul3A_1268 : f32
      %mul3A_2781 = vector.broadcast %mul3A_2780 : f32 to vector<512x99xf32>
      %mul3A_2782 = arith.mulf %slice3A_1494, %mul3A_2781 : vector<512x99xf32>
      %add3A_2783 = arith.addf %add3A_2779, %mul3A_2782 : vector<512x99xf32>
      %add3A_2784 = vector.broadcast %add3A_1279 : f32 to vector<512x99xf32>
      %add3A_2785 = arith.addf %add3A_2783, %add3A_2784 : vector<512x99xf32>
      %max3A_2786 = arith.constant 0.000000e+00 : f32
      %max3A_2787 = vector.broadcast %max3A_2786 : f32 to vector<512x99xf32>
      %max3A_2788 = arith.maximumf %add3A_2785, %max3A_2787 : vector<512x99xf32>
      %get3A_2789 = arith.constant 24 : index
      %get3A_2790 = arith.constant 0 : index
      %get3A_2791 = vector.load %arg5[%get3A_2789, %get3A_2790] : memref<32x99xf32, #tpu.memory_space<vmem>>, vector<1x99xf32>
      %mul3A_2792 = vector.broadcast %get3A_2791 : vector<1x99xf32> to vector<512x99xf32>
      %mul3A_2793 = arith.mulf %max3A_2788, %mul3A_2792 : vector<512x99xf32>
      %add3A_2794 = arith.addf %add3A_2768, %mul3A_2793 : vector<512x99xf32>
      %mul3A_2795 = arith.mulf %get3A_177, %mul3A_1293 : f32
      %mul3A_2796 = vector.broadcast %mul3A_2795 : f32 to vector<512x99xf32>
      %mul3A_2797 = arith.mulf %slice3A, %mul3A_2796 : vector<512x99xf32>
      %mul3A_2798 = arith.mulf %get3A_305, %mul3A_1293 : f32
      %mul3A_2799 = vector.broadcast %mul3A_2798 : f32 to vector<512x99xf32>
      %mul3A_2800 = arith.mulf %slice3A_1488, %mul3A_2799 : vector<512x99xf32>
      %add3A_2801 = arith.addf %mul3A_2797, %mul3A_2800 : vector<512x99xf32>
      %mul3A_2802 = arith.mulf %get3A_433, %mul3A_1293 : f32
      %mul3A_2803 = vector.broadcast %mul3A_2802 : f32 to vector<512x99xf32>
      %mul3A_2804 = arith.mulf %slice3A_1489, %mul3A_2803 : vector<512x99xf32>
      %add3A_2805 = arith.addf %add3A_2801, %mul3A_2804 : vector<512x99xf32>
      %mul3A_2806 = arith.mulf %get3A_561, %mul3A_1293 : f32
      %mul3A_2807 = vector.broadcast %mul3A_2806 : f32 to vector<512x99xf32>
      %mul3A_2808 = arith.mulf %slice3A_1490, %mul3A_2807 : vector<512x99xf32>
      %add3A_2809 = arith.addf %add3A_2805, %mul3A_2808 : vector<512x99xf32>
      %add3A_2810 = vector.broadcast %add3A_1304 : f32 to vector<512x99xf32>
      %add3A_2811 = arith.addf %add3A_2809, %add3A_2810 : vector<512x99xf32>
      %max3A_2812 = arith.constant 0.000000e+00 : f32
      %max3A_2813 = vector.broadcast %max3A_2812 : f32 to vector<512x99xf32>
      %max3A_2814 = arith.maximumf %add3A_2811, %max3A_2813 : vector<512x99xf32>
      %get3A_2815 = arith.constant 25 : index
      %get3A_2816 = arith.constant 0 : index
      %get3A_2817 = vector.load %arg4[%get3A_2815, %get3A_2816] : memref<32x99xf32, #tpu.memory_space<vmem>>, vector<1x99xf32>
      %mul3A_2818 = vector.broadcast %get3A_2817 : vector<1x99xf32> to vector<512x99xf32>
      %mul3A_2819 = arith.mulf %max3A_2814, %mul3A_2818 : vector<512x99xf32>
      %add3A_2820 = arith.addf %add3A_2794, %mul3A_2819 : vector<512x99xf32>
      %mul3A_2821 = arith.mulf %get3A_177, %mul3A_1293 : f32
      %mul3A_2822 = vector.broadcast %mul3A_2821 : f32 to vector<512x99xf32>
      %mul3A_2823 = arith.mulf %slice3A_1491, %mul3A_2822 : vector<512x99xf32>
      %mul3A_2824 = arith.mulf %get3A_305, %mul3A_1293 : f32
      %mul3A_2825 = vector.broadcast %mul3A_2824 : f32 to vector<512x99xf32>
      %mul3A_2826 = arith.mulf %slice3A_1492, %mul3A_2825 : vector<512x99xf32>
      %add3A_2827 = arith.addf %mul3A_2823, %mul3A_2826 : vector<512x99xf32>
      %mul3A_2828 = arith.mulf %get3A_433, %mul3A_1293 : f32
      %mul3A_2829 = vector.broadcast %mul3A_2828 : f32 to vector<512x99xf32>
      %mul3A_2830 = arith.mulf %slice3A_1493, %mul3A_2829 : vector<512x99xf32>
      %add3A_2831 = arith.addf %add3A_2827, %mul3A_2830 : vector<512x99xf32>
      %mul3A_2832 = arith.mulf %get3A_561, %mul3A_1293 : f32
      %mul3A_2833 = vector.broadcast %mul3A_2832 : f32 to vector<512x99xf32>
      %mul3A_2834 = arith.mulf %slice3A_1494, %mul3A_2833 : vector<512x99xf32>
      %add3A_2835 = arith.addf %add3A_2831, %mul3A_2834 : vector<512x99xf32>
      %add3A_2836 = vector.broadcast %add3A_1304 : f32 to vector<512x99xf32>
      %add3A_2837 = arith.addf %add3A_2835, %add3A_2836 : vector<512x99xf32>
      %max3A_2838 = arith.constant 0.000000e+00 : f32
      %max3A_2839 = vector.broadcast %max3A_2838 : f32 to vector<512x99xf32>
      %max3A_2840 = arith.maximumf %add3A_2837, %max3A_2839 : vector<512x99xf32>
      %get3A_2841 = arith.constant 25 : index
      %get3A_2842 = arith.constant 0 : index
      %get3A_2843 = vector.load %arg5[%get3A_2841, %get3A_2842] : memref<32x99xf32, #tpu.memory_space<vmem>>, vector<1x99xf32>
      %mul3A_2844 = vector.broadcast %get3A_2843 : vector<1x99xf32> to vector<512x99xf32>
      %mul3A_2845 = arith.mulf %max3A_2840, %mul3A_2844 : vector<512x99xf32>
      %add3A_2846 = arith.addf %add3A_2820, %mul3A_2845 : vector<512x99xf32>
      %mul3A_2847 = arith.mulf %get3A_181, %mul3A_1318 : f32
      %mul3A_2848 = vector.broadcast %mul3A_2847 : f32 to vector<512x99xf32>
      %mul3A_2849 = arith.mulf %slice3A, %mul3A_2848 : vector<512x99xf32>
      %mul3A_2850 = arith.mulf %get3A_309, %mul3A_1318 : f32
      %mul3A_2851 = vector.broadcast %mul3A_2850 : f32 to vector<512x99xf32>
      %mul3A_2852 = arith.mulf %slice3A_1488, %mul3A_2851 : vector<512x99xf32>
      %add3A_2853 = arith.addf %mul3A_2849, %mul3A_2852 : vector<512x99xf32>
      %mul3A_2854 = arith.mulf %get3A_437, %mul3A_1318 : f32
      %mul3A_2855 = vector.broadcast %mul3A_2854 : f32 to vector<512x99xf32>
      %mul3A_2856 = arith.mulf %slice3A_1489, %mul3A_2855 : vector<512x99xf32>
      %add3A_2857 = arith.addf %add3A_2853, %mul3A_2856 : vector<512x99xf32>
      %mul3A_2858 = arith.mulf %get3A_565, %mul3A_1318 : f32
      %mul3A_2859 = vector.broadcast %mul3A_2858 : f32 to vector<512x99xf32>
      %mul3A_2860 = arith.mulf %slice3A_1490, %mul3A_2859 : vector<512x99xf32>
      %add3A_2861 = arith.addf %add3A_2857, %mul3A_2860 : vector<512x99xf32>
      %add3A_2862 = vector.broadcast %add3A_1329 : f32 to vector<512x99xf32>
      %add3A_2863 = arith.addf %add3A_2861, %add3A_2862 : vector<512x99xf32>
      %max3A_2864 = arith.constant 0.000000e+00 : f32
      %max3A_2865 = vector.broadcast %max3A_2864 : f32 to vector<512x99xf32>
      %max3A_2866 = arith.maximumf %add3A_2863, %max3A_2865 : vector<512x99xf32>
      %get3A_2867 = arith.constant 26 : index
      %get3A_2868 = arith.constant 0 : index
      %get3A_2869 = vector.load %arg4[%get3A_2867, %get3A_2868] : memref<32x99xf32, #tpu.memory_space<vmem>>, vector<1x99xf32>
      %mul3A_2870 = vector.broadcast %get3A_2869 : vector<1x99xf32> to vector<512x99xf32>
      %mul3A_2871 = arith.mulf %max3A_2866, %mul3A_2870 : vector<512x99xf32>
      %add3A_2872 = arith.addf %add3A_2846, %mul3A_2871 : vector<512x99xf32>
      %mul3A_2873 = arith.mulf %get3A_181, %mul3A_1318 : f32
      %mul3A_2874 = vector.broadcast %mul3A_2873 : f32 to vector<512x99xf32>
      %mul3A_2875 = arith.mulf %slice3A_1491, %mul3A_2874 : vector<512x99xf32>
      %mul3A_2876 = arith.mulf %get3A_309, %mul3A_1318 : f32
      %mul3A_2877 = vector.broadcast %mul3A_2876 : f32 to vector<512x99xf32>
      %mul3A_2878 = arith.mulf %slice3A_1492, %mul3A_2877 : vector<512x99xf32>
      %add3A_2879 = arith.addf %mul3A_2875, %mul3A_2878 : vector<512x99xf32>
      %mul3A_2880 = arith.mulf %get3A_437, %mul3A_1318 : f32
      %mul3A_2881 = vector.broadcast %mul3A_2880 : f32 to vector<512x99xf32>
      %mul3A_2882 = arith.mulf %slice3A_1493, %mul3A_2881 : vector<512x99xf32>
      %add3A_2883 = arith.addf %add3A_2879, %mul3A_2882 : vector<512x99xf32>
      %mul3A_2884 = arith.mulf %get3A_565, %mul3A_1318 : f32
      %mul3A_2885 = vector.broadcast %mul3A_2884 : f32 to vector<512x99xf32>
      %mul3A_2886 = arith.mulf %slice3A_1494, %mul3A_2885 : vector<512x99xf32>
      %add3A_2887 = arith.addf %add3A_2883, %mul3A_2886 : vector<512x99xf32>
      %add3A_2888 = vector.broadcast %add3A_1329 : f32 to vector<512x99xf32>
      %add3A_2889 = arith.addf %add3A_2887, %add3A_2888 : vector<512x99xf32>
      %max3A_2890 = arith.constant 0.000000e+00 : f32
      %max3A_2891 = vector.broadcast %max3A_2890 : f32 to vector<512x99xf32>
      %max3A_2892 = arith.maximumf %add3A_2889, %max3A_2891 : vector<512x99xf32>
      %get3A_2893 = arith.constant 26 : index
      %get3A_2894 = arith.constant 0 : index
      %get3A_2895 = vector.load %arg5[%get3A_2893, %get3A_2894] : memref<32x99xf32, #tpu.memory_space<vmem>>, vector<1x99xf32>
      %mul3A_2896 = vector.broadcast %get3A_2895 : vector<1x99xf32> to vector<512x99xf32>
      %mul3A_2897 = arith.mulf %max3A_2892, %mul3A_2896 : vector<512x99xf32>
      %add3A_2898 = arith.addf %add3A_2872, %mul3A_2897 : vector<512x99xf32>
      %mul3A_2899 = arith.mulf %get3A_185, %mul3A_1343 : f32
      %mul3A_2900 = vector.broadcast %mul3A_2899 : f32 to vector<512x99xf32>
      %mul3A_2901 = arith.mulf %slice3A, %mul3A_2900 : vector<512x99xf32>
      %mul3A_2902 = arith.mulf %get3A_313, %mul3A_1343 : f32
      %mul3A_2903 = vector.broadcast %mul3A_2902 : f32 to vector<512x99xf32>
      %mul3A_2904 = arith.mulf %slice3A_1488, %mul3A_2903 : vector<512x99xf32>
      %add3A_2905 = arith.addf %mul3A_2901, %mul3A_2904 : vector<512x99xf32>
      %mul3A_2906 = arith.mulf %get3A_441, %mul3A_1343 : f32
      %mul3A_2907 = vector.broadcast %mul3A_2906 : f32 to vector<512x99xf32>
      %mul3A_2908 = arith.mulf %slice3A_1489, %mul3A_2907 : vector<512x99xf32>
      %add3A_2909 = arith.addf %add3A_2905, %mul3A_2908 : vector<512x99xf32>
      %mul3A_2910 = arith.mulf %get3A_569, %mul3A_1343 : f32
      %mul3A_2911 = vector.broadcast %mul3A_2910 : f32 to vector<512x99xf32>
      %mul3A_2912 = arith.mulf %slice3A_1490, %mul3A_2911 : vector<512x99xf32>
      %add3A_2913 = arith.addf %add3A_2909, %mul3A_2912 : vector<512x99xf32>
      %add3A_2914 = vector.broadcast %add3A_1354 : f32 to vector<512x99xf32>
      %add3A_2915 = arith.addf %add3A_2913, %add3A_2914 : vector<512x99xf32>
      %max3A_2916 = arith.constant 0.000000e+00 : f32
      %max3A_2917 = vector.broadcast %max3A_2916 : f32 to vector<512x99xf32>
      %max3A_2918 = arith.maximumf %add3A_2915, %max3A_2917 : vector<512x99xf32>
      %get3A_2919 = arith.constant 27 : index
      %get3A_2920 = arith.constant 0 : index
      %get3A_2921 = vector.load %arg4[%get3A_2919, %get3A_2920] : memref<32x99xf32, #tpu.memory_space<vmem>>, vector<1x99xf32>
      %mul3A_2922 = vector.broadcast %get3A_2921 : vector<1x99xf32> to vector<512x99xf32>
      %mul3A_2923 = arith.mulf %max3A_2918, %mul3A_2922 : vector<512x99xf32>
      %add3A_2924 = arith.addf %add3A_2898, %mul3A_2923 : vector<512x99xf32>
      %mul3A_2925 = arith.mulf %get3A_185, %mul3A_1343 : f32
      %mul3A_2926 = vector.broadcast %mul3A_2925 : f32 to vector<512x99xf32>
      %mul3A_2927 = arith.mulf %slice3A_1491, %mul3A_2926 : vector<512x99xf32>
      %mul3A_2928 = arith.mulf %get3A_313, %mul3A_1343 : f32
      %mul3A_2929 = vector.broadcast %mul3A_2928 : f32 to vector<512x99xf32>
      %mul3A_2930 = arith.mulf %slice3A_1492, %mul3A_2929 : vector<512x99xf32>
      %add3A_2931 = arith.addf %mul3A_2927, %mul3A_2930 : vector<512x99xf32>
      %mul3A_2932 = arith.mulf %get3A_441, %mul3A_1343 : f32
      %mul3A_2933 = vector.broadcast %mul3A_2932 : f32 to vector<512x99xf32>
      %mul3A_2934 = arith.mulf %slice3A_1493, %mul3A_2933 : vector<512x99xf32>
      %add3A_2935 = arith.addf %add3A_2931, %mul3A_2934 : vector<512x99xf32>
      %mul3A_2936 = arith.mulf %get3A_569, %mul3A_1343 : f32
      %mul3A_2937 = vector.broadcast %mul3A_2936 : f32 to vector<512x99xf32>
      %mul3A_2938 = arith.mulf %slice3A_1494, %mul3A_2937 : vector<512x99xf32>
      %add3A_2939 = arith.addf %add3A_2935, %mul3A_2938 : vector<512x99xf32>
      %add3A_2940 = vector.broadcast %add3A_1354 : f32 to vector<512x99xf32>
      %add3A_2941 = arith.addf %add3A_2939, %add3A_2940 : vector<512x99xf32>
      %max3A_2942 = arith.constant 0.000000e+00 : f32
      %max3A_2943 = vector.broadcast %max3A_2942 : f32 to vector<512x99xf32>
      %max3A_2944 = arith.maximumf %add3A_2941, %max3A_2943 : vector<512x99xf32>
      %get3A_2945 = arith.constant 27 : index
      %get3A_2946 = arith.constant 0 : index
      %get3A_2947 = vector.load %arg5[%get3A_2945, %get3A_2946] : memref<32x99xf32, #tpu.memory_space<vmem>>, vector<1x99xf32>
      %mul3A_2948 = vector.broadcast %get3A_2947 : vector<1x99xf32> to vector<512x99xf32>
      %mul3A_2949 = arith.mulf %max3A_2944, %mul3A_2948 : vector<512x99xf32>
      %add3A_2950 = arith.addf %add3A_2924, %mul3A_2949 : vector<512x99xf32>
      %mul3A_2951 = arith.mulf %get3A_189, %mul3A_1368 : f32
      %mul3A_2952 = vector.broadcast %mul3A_2951 : f32 to vector<512x99xf32>
      %mul3A_2953 = arith.mulf %slice3A, %mul3A_2952 : vector<512x99xf32>
      %mul3A_2954 = arith.mulf %get3A_317, %mul3A_1368 : f32
      %mul3A_2955 = vector.broadcast %mul3A_2954 : f32 to vector<512x99xf32>
      %mul3A_2956 = arith.mulf %slice3A_1488, %mul3A_2955 : vector<512x99xf32>
      %add3A_2957 = arith.addf %mul3A_2953, %mul3A_2956 : vector<512x99xf32>
      %mul3A_2958 = arith.mulf %get3A_445, %mul3A_1368 : f32
      %mul3A_2959 = vector.broadcast %mul3A_2958 : f32 to vector<512x99xf32>
      %mul3A_2960 = arith.mulf %slice3A_1489, %mul3A_2959 : vector<512x99xf32>
      %add3A_2961 = arith.addf %add3A_2957, %mul3A_2960 : vector<512x99xf32>
      %mul3A_2962 = arith.mulf %get3A_573, %mul3A_1368 : f32
      %mul3A_2963 = vector.broadcast %mul3A_2962 : f32 to vector<512x99xf32>
      %mul3A_2964 = arith.mulf %slice3A_1490, %mul3A_2963 : vector<512x99xf32>
      %add3A_2965 = arith.addf %add3A_2961, %mul3A_2964 : vector<512x99xf32>
      %add3A_2966 = vector.broadcast %add3A_1379 : f32 to vector<512x99xf32>
      %add3A_2967 = arith.addf %add3A_2965, %add3A_2966 : vector<512x99xf32>
      %max3A_2968 = arith.constant 0.000000e+00 : f32
      %max3A_2969 = vector.broadcast %max3A_2968 : f32 to vector<512x99xf32>
      %max3A_2970 = arith.maximumf %add3A_2967, %max3A_2969 : vector<512x99xf32>
      %get3A_2971 = arith.constant 28 : index
      %get3A_2972 = arith.constant 0 : index
      %get3A_2973 = vector.load %arg4[%get3A_2971, %get3A_2972] : memref<32x99xf32, #tpu.memory_space<vmem>>, vector<1x99xf32>
      %mul3A_2974 = vector.broadcast %get3A_2973 : vector<1x99xf32> to vector<512x99xf32>
      %mul3A_2975 = arith.mulf %max3A_2970, %mul3A_2974 : vector<512x99xf32>
      %add3A_2976 = arith.addf %add3A_2950, %mul3A_2975 : vector<512x99xf32>
      %mul3A_2977 = arith.mulf %get3A_189, %mul3A_1368 : f32
      %mul3A_2978 = vector.broadcast %mul3A_2977 : f32 to vector<512x99xf32>
      %mul3A_2979 = arith.mulf %slice3A_1491, %mul3A_2978 : vector<512x99xf32>
      %mul3A_2980 = arith.mulf %get3A_317, %mul3A_1368 : f32
      %mul3A_2981 = vector.broadcast %mul3A_2980 : f32 to vector<512x99xf32>
      %mul3A_2982 = arith.mulf %slice3A_1492, %mul3A_2981 : vector<512x99xf32>
      %add3A_2983 = arith.addf %mul3A_2979, %mul3A_2982 : vector<512x99xf32>
      %mul3A_2984 = arith.mulf %get3A_445, %mul3A_1368 : f32
      %mul3A_2985 = vector.broadcast %mul3A_2984 : f32 to vector<512x99xf32>
      %mul3A_2986 = arith.mulf %slice3A_1493, %mul3A_2985 : vector<512x99xf32>
      %add3A_2987 = arith.addf %add3A_2983, %mul3A_2986 : vector<512x99xf32>
      %mul3A_2988 = arith.mulf %get3A_573, %mul3A_1368 : f32
      %mul3A_2989 = vector.broadcast %mul3A_2988 : f32 to vector<512x99xf32>
      %mul3A_2990 = arith.mulf %slice3A_1494, %mul3A_2989 : vector<512x99xf32>
      %add3A_2991 = arith.addf %add3A_2987, %mul3A_2990 : vector<512x99xf32>
      %add3A_2992 = vector.broadcast %add3A_1379 : f32 to vector<512x99xf32>
      %add3A_2993 = arith.addf %add3A_2991, %add3A_2992 : vector<512x99xf32>
      %max3A_2994 = arith.constant 0.000000e+00 : f32
      %max3A_2995 = vector.broadcast %max3A_2994 : f32 to vector<512x99xf32>
      %max3A_2996 = arith.maximumf %add3A_2993, %max3A_2995 : vector<512x99xf32>
      %get3A_2997 = arith.constant 28 : index
      %get3A_2998 = arith.constant 0 : index
      %get3A_2999 = vector.load %arg5[%get3A_2997, %get3A_2998] : memref<32x99xf32, #tpu.memory_space<vmem>>, vector<1x99xf32>
      %mul3A_3000 = vector.broadcast %get3A_2999 : vector<1x99xf32> to vector<512x99xf32>
      %mul3A_3001 = arith.mulf %max3A_2996, %mul3A_3000 : vector<512x99xf32>
      %add3A_3002 = arith.addf %add3A_2976, %mul3A_3001 : vector<512x99xf32>
      %mul3A_3003 = arith.mulf %get3A_193, %mul3A_1393 : f32
      %mul3A_3004 = vector.broadcast %mul3A_3003 : f32 to vector<512x99xf32>
      %mul3A_3005 = arith.mulf %slice3A, %mul3A_3004 : vector<512x99xf32>
      %mul3A_3006 = arith.mulf %get3A_321, %mul3A_1393 : f32
      %mul3A_3007 = vector.broadcast %mul3A_3006 : f32 to vector<512x99xf32>
      %mul3A_3008 = arith.mulf %slice3A_1488, %mul3A_3007 : vector<512x99xf32>
      %add3A_3009 = arith.addf %mul3A_3005, %mul3A_3008 : vector<512x99xf32>
      %mul3A_3010 = arith.mulf %get3A_449, %mul3A_1393 : f32
      %mul3A_3011 = vector.broadcast %mul3A_3010 : f32 to vector<512x99xf32>
      %mul3A_3012 = arith.mulf %slice3A_1489, %mul3A_3011 : vector<512x99xf32>
      %add3A_3013 = arith.addf %add3A_3009, %mul3A_3012 : vector<512x99xf32>
      %mul3A_3014 = arith.mulf %get3A_577, %mul3A_1393 : f32
      %mul3A_3015 = vector.broadcast %mul3A_3014 : f32 to vector<512x99xf32>
      %mul3A_3016 = arith.mulf %slice3A_1490, %mul3A_3015 : vector<512x99xf32>
      %add3A_3017 = arith.addf %add3A_3013, %mul3A_3016 : vector<512x99xf32>
      %add3A_3018 = vector.broadcast %add3A_1404 : f32 to vector<512x99xf32>
      %add3A_3019 = arith.addf %add3A_3017, %add3A_3018 : vector<512x99xf32>
      %max3A_3020 = arith.constant 0.000000e+00 : f32
      %max3A_3021 = vector.broadcast %max3A_3020 : f32 to vector<512x99xf32>
      %max3A_3022 = arith.maximumf %add3A_3019, %max3A_3021 : vector<512x99xf32>
      %get3A_3023 = arith.constant 29 : index
      %get3A_3024 = arith.constant 0 : index
      %get3A_3025 = vector.load %arg4[%get3A_3023, %get3A_3024] : memref<32x99xf32, #tpu.memory_space<vmem>>, vector<1x99xf32>
      %mul3A_3026 = vector.broadcast %get3A_3025 : vector<1x99xf32> to vector<512x99xf32>
      %mul3A_3027 = arith.mulf %max3A_3022, %mul3A_3026 : vector<512x99xf32>
      %add3A_3028 = arith.addf %add3A_3002, %mul3A_3027 : vector<512x99xf32>
      %mul3A_3029 = arith.mulf %get3A_193, %mul3A_1393 : f32
      %mul3A_3030 = vector.broadcast %mul3A_3029 : f32 to vector<512x99xf32>
      %mul3A_3031 = arith.mulf %slice3A_1491, %mul3A_3030 : vector<512x99xf32>
      %mul3A_3032 = arith.mulf %get3A_321, %mul3A_1393 : f32
      %mul3A_3033 = vector.broadcast %mul3A_3032 : f32 to vector<512x99xf32>
      %mul3A_3034 = arith.mulf %slice3A_1492, %mul3A_3033 : vector<512x99xf32>
      %add3A_3035 = arith.addf %mul3A_3031, %mul3A_3034 : vector<512x99xf32>
      %mul3A_3036 = arith.mulf %get3A_449, %mul3A_1393 : f32
      %mul3A_3037 = vector.broadcast %mul3A_3036 : f32 to vector<512x99xf32>
      %mul3A_3038 = arith.mulf %slice3A_1493, %mul3A_3037 : vector<512x99xf32>
      %add3A_3039 = arith.addf %add3A_3035, %mul3A_3038 : vector<512x99xf32>
      %mul3A_3040 = arith.mulf %get3A_577, %mul3A_1393 : f32
      %mul3A_3041 = vector.broadcast %mul3A_3040 : f32 to vector<512x99xf32>
      %mul3A_3042 = arith.mulf %slice3A_1494, %mul3A_3041 : vector<512x99xf32>
      %add3A_3043 = arith.addf %add3A_3039, %mul3A_3042 : vector<512x99xf32>
      %add3A_3044 = vector.broadcast %add3A_1404 : f32 to vector<512x99xf32>
      %add3A_3045 = arith.addf %add3A_3043, %add3A_3044 : vector<512x99xf32>
      %max3A_3046 = arith.constant 0.000000e+00 : f32
      %max3A_3047 = vector.broadcast %max3A_3046 : f32 to vector<512x99xf32>
      %max3A_3048 = arith.maximumf %add3A_3045, %max3A_3047 : vector<512x99xf32>
      %get3A_3049 = arith.constant 29 : index
      %get3A_3050 = arith.constant 0 : index
      %get3A_3051 = vector.load %arg5[%get3A_3049, %get3A_3050] : memref<32x99xf32, #tpu.memory_space<vmem>>, vector<1x99xf32>
      %mul3A_3052 = vector.broadcast %get3A_3051 : vector<1x99xf32> to vector<512x99xf32>
      %mul3A_3053 = arith.mulf %max3A_3048, %mul3A_3052 : vector<512x99xf32>
      %add3A_3054 = arith.addf %add3A_3028, %mul3A_3053 : vector<512x99xf32>
      %mul3A_3055 = arith.mulf %get3A_197, %mul3A_1418 : f32
      %mul3A_3056 = vector.broadcast %mul3A_3055 : f32 to vector<512x99xf32>
      %mul3A_3057 = arith.mulf %slice3A, %mul3A_3056 : vector<512x99xf32>
      %mul3A_3058 = arith.mulf %get3A_325, %mul3A_1418 : f32
      %mul3A_3059 = vector.broadcast %mul3A_3058 : f32 to vector<512x99xf32>
      %mul3A_3060 = arith.mulf %slice3A_1488, %mul3A_3059 : vector<512x99xf32>
      %add3A_3061 = arith.addf %mul3A_3057, %mul3A_3060 : vector<512x99xf32>
      %mul3A_3062 = arith.mulf %get3A_453, %mul3A_1418 : f32
      %mul3A_3063 = vector.broadcast %mul3A_3062 : f32 to vector<512x99xf32>
      %mul3A_3064 = arith.mulf %slice3A_1489, %mul3A_3063 : vector<512x99xf32>
      %add3A_3065 = arith.addf %add3A_3061, %mul3A_3064 : vector<512x99xf32>
      %mul3A_3066 = arith.mulf %get3A_581, %mul3A_1418 : f32
      %mul3A_3067 = vector.broadcast %mul3A_3066 : f32 to vector<512x99xf32>
      %mul3A_3068 = arith.mulf %slice3A_1490, %mul3A_3067 : vector<512x99xf32>
      %add3A_3069 = arith.addf %add3A_3065, %mul3A_3068 : vector<512x99xf32>
      %add3A_3070 = vector.broadcast %add3A_1429 : f32 to vector<512x99xf32>
      %add3A_3071 = arith.addf %add3A_3069, %add3A_3070 : vector<512x99xf32>
      %max3A_3072 = arith.constant 0.000000e+00 : f32
      %max3A_3073 = vector.broadcast %max3A_3072 : f32 to vector<512x99xf32>
      %max3A_3074 = arith.maximumf %add3A_3071, %max3A_3073 : vector<512x99xf32>
      %get3A_3075 = arith.constant 30 : index
      %get3A_3076 = arith.constant 0 : index
      %get3A_3077 = vector.load %arg4[%get3A_3075, %get3A_3076] : memref<32x99xf32, #tpu.memory_space<vmem>>, vector<1x99xf32>
      %mul3A_3078 = vector.broadcast %get3A_3077 : vector<1x99xf32> to vector<512x99xf32>
      %mul3A_3079 = arith.mulf %max3A_3074, %mul3A_3078 : vector<512x99xf32>
      %add3A_3080 = arith.addf %add3A_3054, %mul3A_3079 : vector<512x99xf32>
      %mul3A_3081 = arith.mulf %get3A_197, %mul3A_1418 : f32
      %mul3A_3082 = vector.broadcast %mul3A_3081 : f32 to vector<512x99xf32>
      %mul3A_3083 = arith.mulf %slice3A_1491, %mul3A_3082 : vector<512x99xf32>
      %mul3A_3084 = arith.mulf %get3A_325, %mul3A_1418 : f32
      %mul3A_3085 = vector.broadcast %mul3A_3084 : f32 to vector<512x99xf32>
      %mul3A_3086 = arith.mulf %slice3A_1492, %mul3A_3085 : vector<512x99xf32>
      %add3A_3087 = arith.addf %mul3A_3083, %mul3A_3086 : vector<512x99xf32>
      %mul3A_3088 = arith.mulf %get3A_453, %mul3A_1418 : f32
      %mul3A_3089 = vector.broadcast %mul3A_3088 : f32 to vector<512x99xf32>
      %mul3A_3090 = arith.mulf %slice3A_1493, %mul3A_3089 : vector<512x99xf32>
      %add3A_3091 = arith.addf %add3A_3087, %mul3A_3090 : vector<512x99xf32>
      %mul3A_3092 = arith.mulf %get3A_581, %mul3A_1418 : f32
      %mul3A_3093 = vector.broadcast %mul3A_3092 : f32 to vector<512x99xf32>
      %mul3A_3094 = arith.mulf %slice3A_1494, %mul3A_3093 : vector<512x99xf32>
      %add3A_3095 = arith.addf %add3A_3091, %mul3A_3094 : vector<512x99xf32>
      %add3A_3096 = vector.broadcast %add3A_1429 : f32 to vector<512x99xf32>
      %add3A_3097 = arith.addf %add3A_3095, %add3A_3096 : vector<512x99xf32>
      %max3A_3098 = arith.constant 0.000000e+00 : f32
      %max3A_3099 = vector.broadcast %max3A_3098 : f32 to vector<512x99xf32>
      %max3A_3100 = arith.maximumf %add3A_3097, %max3A_3099 : vector<512x99xf32>
      %get3A_3101 = arith.constant 30 : index
      %get3A_3102 = arith.constant 0 : index
      %get3A_3103 = vector.load %arg5[%get3A_3101, %get3A_3102] : memref<32x99xf32, #tpu.memory_space<vmem>>, vector<1x99xf32>
      %mul3A_3104 = vector.broadcast %get3A_3103 : vector<1x99xf32> to vector<512x99xf32>
      %mul3A_3105 = arith.mulf %max3A_3100, %mul3A_3104 : vector<512x99xf32>
      %add3A_3106 = arith.addf %add3A_3080, %mul3A_3105 : vector<512x99xf32>
      %mul3A_3107 = arith.mulf %get3A_201, %mul3A_1443 : f32
      %mul3A_3108 = vector.broadcast %mul3A_3107 : f32 to vector<512x99xf32>
      %mul3A_3109 = arith.mulf %slice3A, %mul3A_3108 : vector<512x99xf32>
      %mul3A_3110 = arith.mulf %get3A_329, %mul3A_1443 : f32
      %mul3A_3111 = vector.broadcast %mul3A_3110 : f32 to vector<512x99xf32>
      %mul3A_3112 = arith.mulf %slice3A_1488, %mul3A_3111 : vector<512x99xf32>
      %add3A_3113 = arith.addf %mul3A_3109, %mul3A_3112 : vector<512x99xf32>
      %mul3A_3114 = arith.mulf %get3A_457, %mul3A_1443 : f32
      %mul3A_3115 = vector.broadcast %mul3A_3114 : f32 to vector<512x99xf32>
      %mul3A_3116 = arith.mulf %slice3A_1489, %mul3A_3115 : vector<512x99xf32>
      %add3A_3117 = arith.addf %add3A_3113, %mul3A_3116 : vector<512x99xf32>
      %mul3A_3118 = arith.mulf %get3A_585, %mul3A_1443 : f32
      %mul3A_3119 = vector.broadcast %mul3A_3118 : f32 to vector<512x99xf32>
      %mul3A_3120 = arith.mulf %slice3A_1490, %mul3A_3119 : vector<512x99xf32>
      %add3A_3121 = arith.addf %add3A_3117, %mul3A_3120 : vector<512x99xf32>
      %add3A_3122 = vector.broadcast %add3A_1454 : f32 to vector<512x99xf32>
      %add3A_3123 = arith.addf %add3A_3121, %add3A_3122 : vector<512x99xf32>
      %max3A_3124 = arith.constant 0.000000e+00 : f32
      %max3A_3125 = vector.broadcast %max3A_3124 : f32 to vector<512x99xf32>
      %max3A_3126 = arith.maximumf %add3A_3123, %max3A_3125 : vector<512x99xf32>
      %get3A_3127 = arith.constant 31 : index
      %get3A_3128 = arith.constant 0 : index
      %get3A_3129 = vector.load %arg4[%get3A_3127, %get3A_3128] : memref<32x99xf32, #tpu.memory_space<vmem>>, vector<1x99xf32>
      %mul3A_3130 = vector.broadcast %get3A_3129 : vector<1x99xf32> to vector<512x99xf32>
      %mul3A_3131 = arith.mulf %max3A_3126, %mul3A_3130 : vector<512x99xf32>
      %add3A_3132 = arith.addf %add3A_3106, %mul3A_3131 : vector<512x99xf32>
      %mul3A_3133 = arith.mulf %get3A_201, %mul3A_1443 : f32
      %mul3A_3134 = vector.broadcast %mul3A_3133 : f32 to vector<512x99xf32>
      %mul3A_3135 = arith.mulf %slice3A_1491, %mul3A_3134 : vector<512x99xf32>
      %mul3A_3136 = arith.mulf %get3A_329, %mul3A_1443 : f32
      %mul3A_3137 = vector.broadcast %mul3A_3136 : f32 to vector<512x99xf32>
      %mul3A_3138 = arith.mulf %slice3A_1492, %mul3A_3137 : vector<512x99xf32>
      %add3A_3139 = arith.addf %mul3A_3135, %mul3A_3138 : vector<512x99xf32>
      %mul3A_3140 = arith.mulf %get3A_457, %mul3A_1443 : f32
      %mul3A_3141 = vector.broadcast %mul3A_3140 : f32 to vector<512x99xf32>
      %mul3A_3142 = arith.mulf %slice3A_1493, %mul3A_3141 : vector<512x99xf32>
      %add3A_3143 = arith.addf %add3A_3139, %mul3A_3142 : vector<512x99xf32>
      %mul3A_3144 = arith.mulf %get3A_585, %mul3A_1443 : f32
      %mul3A_3145 = vector.broadcast %mul3A_3144 : f32 to vector<512x99xf32>
      %mul3A_3146 = arith.mulf %slice3A_1494, %mul3A_3145 : vector<512x99xf32>
      %add3A_3147 = arith.addf %add3A_3143, %mul3A_3146 : vector<512x99xf32>
      %add3A_3148 = vector.broadcast %add3A_1454 : f32 to vector<512x99xf32>
      %add3A_3149 = arith.addf %add3A_3147, %add3A_3148 : vector<512x99xf32>
      %max3A_3150 = arith.constant 0.000000e+00 : f32
      %max3A_3151 = vector.broadcast %max3A_3150 : f32 to vector<512x99xf32>
      %max3A_3152 = arith.maximumf %add3A_3149, %max3A_3151 : vector<512x99xf32>
      %get3A_3153 = arith.constant 31 : index
      %get3A_3154 = arith.constant 0 : index
      %get3A_3155 = vector.load %arg5[%get3A_3153, %get3A_3154] : memref<32x99xf32, #tpu.memory_space<vmem>>, vector<1x99xf32>
      %mul3A_3156 = vector.broadcast %get3A_3155 : vector<1x99xf32> to vector<512x99xf32>
      %mul3A_3157 = arith.mulf %max3A_3152, %mul3A_3156 : vector<512x99xf32>
      %add3A_3158 = arith.addf %add3A_3132, %mul3A_3157 : vector<512x99xf32>
      %reduce_sum3A_3159 = arith.constant dense<0.000000e+00> : vector<512xf32>
      %reduce_sum3A_3160 = vector.multi_reduction <add>, %add3A_3158, %reduce_sum3A_3159 [1] : vector<512x99xf32> to vector<512xf32>
      %broadcast_in_dim3A_3161 = vector.shape_cast %reduce_sum3A_3160 : vector<512xf32> to vector<512x1xf32>
      %mul3A_3162 = arith.constant 512 : i32
      %mul3A_3163 = arith.muli %scan3A_1460, %mul3A_3162 : i32
      %swap3A = arith.index_cast %mul3A_3163 : i32 to index
      %swap3A_3164 = arith.constant 0 : index
      %swap3A_3165 = vector.load %arg6[%swap3A, %swap3A_3164] : memref<10240x1xf32, #tpu.memory_space<vmem>>, vector<512x1xf32>
      tpu.vector_store %arg6[%swap3A, %swap3A_3164], %broadcast_in_dim3A_3161 {strides = array<i32>} : memref<10240x1xf32, #tpu.memory_space<vmem>>, vector<512x1xf32>,
    }
    %scan3A_1459 = arith.constant 20 : i32
    return
  }
}

module attributes {stable_mosaic.version = 14 : i64} {
  func.func @_agg_kernel(%arg0: i32, %arg1: memref<48x512xf32, #tpu.memory_space<vmem>>, %arg2: memref<48x512xi32, #tpu.memory_space<vmem>>, %arg3: memref<24576x112xf32, #tpu.memory_space<vmem>>, %arg4: memref<48x128xi32, #tpu.memory_space<vmem>>, %arg5: memref<48x128xi32, #tpu.memory_space<vmem>>, %arg6: memref<128x112xf32, #tpu.memory_space<vmem>>) attributes {dimension_semantics = [#tpu.dimension_semantics<arbitrary>], iteration_bounds = array<i64: 114>, scalar_prefetch = 0 : i64, scratch_operands = 0 : i64, tpu.core_type = #tpu.core_type<tc>, window_params = [{pipeline_mode = #tpu.pipeline_mode<synchronous>, transform_indices = @transform_0, window_bounds = array<i64: 48, 512>}, {pipeline_mode = #tpu.pipeline_mode<synchronous>, transform_indices = @transform_1, window_bounds = array<i64: 48, 512>}, {pipeline_mode = #tpu.pipeline_mode<synchronous>, transform_indices = @transform_2, window_bounds = array<i64: 24576, 112>}, {pipeline_mode = #tpu.pipeline_mode<synchronous>, transform_indices = @transform_3, window_bounds = array<i64: 48, 128>}, {pipeline_mode = #tpu.pipeline_mode<synchronous>, transform_indices = @transform_4, window_bounds = array<i64: 48, 128>}, {transform_indices = @transform_5, window_bounds = array<i64: 128, 112>}]} {
    %mul3A = arith.constant 128 : i32
    %mul3A_0 = arith.muli %arg0, %mul3A : i32
    %iota3A = tpu.iota {dimensions = array<i32: 0>} : vector<128x1xi32>
    %add3A = vector.broadcast %mul3A_0 : i32 to vector<128x1xi32>
    %add3A_1 = arith.addi %add3A, %iota3A : vector<128x1xi32>
    %broadcast_in_dim3A = arith.constant -1.000000e+30 : f32
    %broadcast_in_dim3A_2 = vector.broadcast %broadcast_in_dim3A : f32 to vector<128x1xf32>
    %scan3A = arith.constant 0 : i32
    %scan3A_3 = arith.constant 48 : i32
    %scan3A_4 = arith.addi %scan3A, %scan3A_3 : i32
    %scan3A_5 = arith.constant 1 : i32
    %scan3A_6 = scf.for %scan3A_27 = %scan3A to %scan3A_4 step %scan3A_5 iter_args(%scan3A_28 = %broadcast_in_dim3A_2) -> (vector<128x1xf32>)  : i32 {
      %get3A = arith.index_cast %scan3A_27 : i32 to index
      %get3A_29 = arith.constant 0 : index
      %get3A_30 = vector.load %arg4[%get3A, %get3A_29] : memref<48x128xi32, #tpu.memory_space<vmem>>, vector<1x1xi32>
      %get3A_31 = vector.extract %get3A_30[0, 0] : i32 from vector<1x1xi32>
      %add3A_32 = arith.constant 127 : i32
      %add3A_33 = arith.addi %mul3A_0, %add3A_32 : i32
      %le3A = arith.cmpi sle, %get3A_31, %add3A_33 : i32
      %get3A_34 = arith.index_cast %scan3A_27 : i32 to index
      %get3A_35 = arith.constant 0 : index
      %get3A_36 = vector.load %arg5[%get3A_34, %get3A_35] : memref<48x128xi32, #tpu.memory_space<vmem>>, vector<1x1xi32>
      %get3A_37 = vector.extract %get3A_36[0, 0] : i32 from vector<1x1xi32>
      %ge3A = arith.cmpi sge, %get3A_37, %mul3A_0 : i32
      %and3A = arith.andi %le3A, %ge3A : i1
      %convert_element_type3A = arith.extui %and3A : i1 to i32
      %cond3A = arith.constant 0 : i32
      %cond3A_38 = arith.cmpi ne, %convert_element_type3A, %cond3A : i32
      %cond3A_39 = scf.if %cond3A_38 -> (vector<128x1xf32>) {
        %get3A_40 = arith.index_cast %scan3A_27 : i32 to index
        %get3A_41 = arith.constant 0 : index
        %get3A_42 = vector.load %arg2[%get3A_40, %get3A_41] : memref<48x512xi32, #tpu.memory_space<vmem>>, vector<1x512xi32>
        %get3A_43 = arith.index_cast %scan3A_27 : i32 to index
        %get3A_44 = arith.constant 0 : index
        %get3A_45 = vector.load %arg1[%get3A_43, %get3A_44] : memref<48x512xf32, #tpu.memory_space<vmem>>, vector<1x512xf32>
        %eq3A = vector.broadcast %get3A_42 : vector<1x512xi32> to vector<128x512xi32>
        %eq3A_46 = vector.broadcast %add3A_1 : vector<128x1xi32> to vector<128x512xi32>
        %eq3A_47 = arith.cmpi eq, %eq3A, %eq3A_46 : vector<128x512xi32>
        %jit3A_48 = arith.constant -1.000000e+30 : f32
        %broadcast_in_dim3A_49 = vector.shape_cast %get3A_45 : vector<1x512xf32> to vector<1x512xf32>
        %broadcast_in_dim3A_50 = vector.broadcast %broadcast_in_dim3A_49 : vector<1x512xf32> to vector<128x512xf32>
        %broadcast_in_dim3A_51 = vector.broadcast %jit3A_48 : f32 to vector<128x512xf32>
        %select_n3A_52 = arith.select %eq3A_47, %broadcast_in_dim3A_50, %broadcast_in_dim3A_51 : vector<128x512xi1>, vector<128x512xf32>
        %reduce_max3A = arith.constant dense<0xFF800000> : vector<128xf32>
        %reduce_max3A_53 = vector.multi_reduction <maximumf>, %select_n3A_52, %reduce_max3A [1] : vector<128x512xf32> to vector<128xf32>
        %broadcast_in_dim3A_54 = vector.shape_cast %reduce_max3A_53 : vector<128xf32> to vector<128x1xf32>
        %max3A = arith.maximumf %scan3A_28, %broadcast_in_dim3A_54 : vector<128x1xf32>
        scf.yield %max3A : vector<128x1xf32>
      } else {
        scf.yield %scan3A_28 : vector<128x1xf32>
      }
      scf.yield %cond3A_39 : vector<128x1xf32>
    }
    %scan3A_7 = arith.constant 48 : i32
    %broadcast_in_dim3A_8 = arith.constant 0.000000e+00 : f32
    %broadcast_in_dim3A_9 = vector.broadcast %broadcast_in_dim3A_8 : f32 to vector<128x1xf32>
    %broadcast_in_dim3A_10 = arith.constant 0.000000e+00 : f32
    %broadcast_in_dim3A_11 = vector.broadcast %broadcast_in_dim3A_10 : f32 to vector<128x112xf32>
    %scan3A_12 = arith.constant 0 : i32
    %scan3A_13 = arith.constant 48 : i32
    %scan3A_14 = arith.addi %scan3A_12, %scan3A_13 : i32
    %scan3A_15 = arith.constant 1 : i32
    %scan3A_16:2 = scf.for %scan3A_27 = %scan3A_12 to %scan3A_14 step %scan3A_15 iter_args(%scan3A_28 = %broadcast_in_dim3A_9, %scan3A_29 = %broadcast_in_dim3A_11) -> (vector<128x1xf32>, vector<128x112xf32>)  : i32 {
      %get3A = arith.index_cast %scan3A_27 : i32 to index
      %get3A_30 = arith.constant 0 : index
      %get3A_31 = vector.load %arg4[%get3A, %get3A_30] : memref<48x128xi32, #tpu.memory_space<vmem>>, vector<1x1xi32>
      %get3A_32 = vector.extract %get3A_31[0, 0] : i32 from vector<1x1xi32>
      %add3A_33 = arith.constant 127 : i32
      %add3A_34 = arith.addi %mul3A_0, %add3A_33 : i32
      %le3A = arith.cmpi sle, %get3A_32, %add3A_34 : i32
      %get3A_35 = arith.index_cast %scan3A_27 : i32 to index
      %get3A_36 = arith.constant 0 : index
      %get3A_37 = vector.load %arg5[%get3A_35, %get3A_36] : memref<48x128xi32, #tpu.memory_space<vmem>>, vector<1x1xi32>
      %get3A_38 = vector.extract %get3A_37[0, 0] : i32 from vector<1x1xi32>
      %ge3A = arith.cmpi sge, %get3A_38, %mul3A_0 : i32
      %and3A = arith.andi %le3A, %ge3A : i1
      %convert_element_type3A = arith.extui %and3A : i1 to i32
      %cond3A = arith.constant 0 : i32
      %cond3A_39 = arith.cmpi ne, %convert_element_type3A, %cond3A : i32
      %cond3A_40:2 = scf.if %cond3A_39 -> (vector<128x1xf32>, vector<128x112xf32>) {
        %get3A_41 = arith.index_cast %scan3A_27 : i32 to index
        %get3A_42 = arith.constant 0 : index
        %get3A_43 = vector.load %arg2[%get3A_41, %get3A_42] : memref<48x512xi32, #tpu.memory_space<vmem>>, vector<1x512xi32>
        %get3A_44 = arith.index_cast %scan3A_27 : i32 to index
        %get3A_45 = arith.constant 0 : index
        %get3A_46 = vector.load %arg1[%get3A_44, %get3A_45] : memref<48x512xf32, #tpu.memory_space<vmem>>, vector<1x512xf32>
        %eq3A = vector.broadcast %get3A_43 : vector<1x512xi32> to vector<128x512xi32>
        %eq3A_47 = vector.broadcast %add3A_1 : vector<128x1xi32> to vector<128x512xi32>
        %eq3A_48 = arith.cmpi eq, %eq3A, %eq3A_47 : vector<128x512xi32>
        %sub3A = vector.broadcast %get3A_46 : vector<1x512xf32> to vector<128x512xf32>
        %sub3A_49 = vector.broadcast %scan3A_6 : vector<128x1xf32> to vector<128x512xf32>
        %sub3A_50 = arith.subf %sub3A, %sub3A_49 : vector<128x512xf32>
        %exp3A = math.exp %sub3A_50 : vector<128x512xf32>
        %jit3A_51 = arith.constant 0.000000e+00 : f32
        %broadcast_in_dim3A_52 = vector.broadcast %jit3A_51 : f32 to vector<128x512xf32>
        %select_n3A_53 = arith.select %eq3A_48, %exp3A, %broadcast_in_dim3A_52 : vector<128x512xi1>, vector<128x512xf32>
        %reduce_sum3A = arith.constant dense<0.000000e+00> : vector<128xf32>
        %reduce_sum3A_54 = vector.multi_reduction <add>, %select_n3A_53, %reduce_sum3A [1] : vector<128x512xf32> to vector<128xf32>
        %broadcast_in_dim3A_55 = vector.shape_cast %reduce_sum3A_54 : vector<128xf32> to vector<128x1xf32>
        %add3A_56 = arith.addf %scan3A_28, %broadcast_in_dim3A_55 : vector<128x1xf32>
        %mul3A_57 = arith.constant 512 : i32
        %mul3A_58 = arith.muli %scan3A_27, %mul3A_57 : i32
        %get3A_59 = arith.index_cast %mul3A_58 : i32 to index
        %get3A_60 = arith.constant 0 : index
        %get3A_61 = vector.load %arg3[%get3A_59, %get3A_60] : memref<24576x112xf32, #tpu.memory_space<vmem>>, vector<512x112xf32>
        %dot_general3A = arith.constant dense<0.000000e+00> : vector<128x112xf32>
        %dot_general3A_62 = tpu.matmul %select_n3A_53, %get3A_61, %dot_general3A {dimension_numbers = #tpu.dot_dimension_numbers<[1], [0], [0], [1], [0, 0, 1, 1], [], []>, transpose_lhs_hint = false} : vector<128x512xf32>, vector<512x112xf32>, vector<128x112xf32> -> vector<128x112xf32>
        %add3A_63 = arith.addf %scan3A_29, %dot_general3A_62 : vector<128x112xf32>
        scf.yield %add3A_56, %add3A_63 : vector<128x1xf32>, vector<128x112xf32>
      } else {
        scf.yield %scan3A_28, %scan3A_29 : vector<128x1xf32>, vector<128x112xf32>
      }
      scf.yield %cond3A_40#0, %cond3A_40#1 : vector<128x1xf32>, vector<128x112xf32>
    }
    %scan3A_17 = arith.constant 48 : i32
    %gt3A = arith.constant 0.000000e+00 : f32
    %gt3A_18 = vector.broadcast %gt3A : f32 to vector<128x1xf32>
    %gt3A_19 = arith.cmpf ogt, %scan3A_16#0, %gt3A_18 : vector<128x1xf32>
    %jit3A = arith.constant 1.000000e+00 : f32
    %broadcast_in_dim3A_20 = vector.broadcast %jit3A : f32 to vector<128x1xf32>
    %select_n3A = arith.select %gt3A_19, %scan3A_16#0, %broadcast_in_dim3A_20 : vector<128x1xi1>, vector<128x1xf32>
    %div3A = arith.constant 1.000000e+00 : f32
    %div3A_21 = vector.broadcast %div3A : f32 to vector<128x1xf32>
    %div3A_22 = arith.divf %div3A_21, %select_n3A : vector<128x1xf32>
    %mul3A_23 = vector.broadcast %div3A_22 : vector<128x1xf32> to vector<128x112xf32>
    %mul3A_24 = arith.mulf %scan3A_16#1, %mul3A_23 : vector<128x112xf32>
    %swap3A = arith.constant 0 : index
    %swap3A_25 = arith.constant 0 : index
    %swap3A_26 = vector.load %arg6[%swap3A, %swap3A_25] : memref<128x112xf32, #tpu.memory_space<vmem>>, vector<128x112xf32>
    tpu.vector_store %arg6[%swap3A, %swap3A_25], %mul3A_24 {strides = array<i32>} : memref<128x112xf32, #tpu.memory_space<vmem>>, vector<128x112xf32>,
    return
  }
  func.func @transform_0(%arg0: i32) -> (i32, i32) {
    %c0_i32 = arith.constant 0 : i32
    %c0_i32_0 = arith.constant 0 : i32
    %c0_i32_1 = arith.constant 0 : i32
    return %c0_i32, %c0_i32_0 : i32, i32
  }
  func.func @transform_1(%arg0: i32) -> (i32, i32) {
    %c0_i32 = arith.constant 0 : i32
    %c0_i32_0 = arith.constant 0 : i32
    %c0_i32_1 = arith.constant 0 : i32
    return %c0_i32, %c0_i32_0 : i32, i32
  }
  func.func @transform_2(%arg0: i32) -> (i32, i32) {
    %c0_i32 = arith.constant 0 : i32
    %c0_i32_0 = arith.constant 0 : i32
    %c0_i32_1 = arith.constant 0 : i32
    return %c0_i32, %c0_i32_0 : i32, i32
  }
  func.func @transform_3(%arg0: i32) -> (i32, i32) {
    %c0_i32 = arith.constant 0 : i32
    %c0_i32_0 = arith.constant 0 : i32
    %c0_i32_1 = arith.constant 0 : i32
    return %c0_i32, %c0_i32_0 : i32, i32
  }
  func.func @transform_4(%arg0: i32) -> (i32, i32) {
    %c0_i32 = arith.constant 0 : i32
    %c0_i32_0 = arith.constant 0 : i32
    %c0_i32_1 = arith.constant 0 : i32
    return %c0_i32, %c0_i32_0 : i32, i32
  }
  func.func @transform_5(%arg0: i32) -> (i32, i32) {
    %c0_i32 = arith.constant 0 : i32
    %c0_i32_0 = arith.constant 0 : i32
    return %arg0, %c0_i32 : i32, i32
  }
}

</mosaic_0001>

<sc_bundles>
// kernel: gather_offload_async_start.1
scs
__scs_entry_jumppad:
0x0: {  	(pc) =	sbr.rel $0x88, $3  }
0x1: {  	(tag) =	ssettag $0x0;
	lr =	simm.s32 $0x1  }
0x2: {  	[smem:$0x3F97] =	sst lr;
	_ =	strace $0xD0000000  }
0x3: {  	_ = 	snop  }
0x4: {  	_ = 	snop  }
0x5: {  	_ = 	snop  }
0x6: {  	_ = 	snop  }
0x7: {  	_ = 	snop  }
__scs_overlays_trampoline_lowered:
0x8: {  	[smem:$0x3FA6] =	sst s0  }
0x9: {  	[smem:$0x3FA7] =	sst s1  }
0xa: {  	[smem:$0x3FA8] =	sst s2  }
0xb: {  	[smem:$0x3FA9] =	sst s3  }
0xc: {  	[smem:$0x3FAA] =	sst s4  }
0xd: {  	[smem:$0x3FAB] =	sst s5  }
0xe: {  	[smem:$0x3FAC] =	sst s6  }
0xf: {  	[smem:$0x3FAD] =	sst s7  }
0x10: {  	[smem:$0x3FAE] =	sst s8  }
0x11: {  	[smem:$0x3FAF] =	sst s9;
	s0 =	simm.s32 @!p0 $0x0  }
0x12: {  	s1 =	sld [smem:$0x3F95];
	s0 =	simm.s32 @p0 $0x1  }
0x13: {  	[smem:$0x3FB0] =	sst s0;
	s0 =	simm.s32 @!p1 $0x0  }
0x14: {  	s2 =	sld [smem:$0x3F94];
	s0 =	simm.s32 @p1 $0x1  }
0x15: {  	[smem:$0x3FB1] =	sst s0;
	s0 =	simm.s32 @!p2 $0x0  }
0x16: {  	s3 =	sld [smem:$0x3FDB];
	s0 =	simm.s32 @p2 $0x1  }
0x17: {  	s4 =	simm.s32 $0x1BF5;
	[smem:$0x3FB3] =	sst s0  }
0x18: {  	s0 =	sld [smem:$0x3F96];
	_ =	swait.ge [sflag:s4], $0x0  }
0x19: {  	s7 =	sld [smem:$0x3F97]  }
0x1a: {  	s8 =	sadd.s32 $0xFFFFE003, lr  }
0x1b: {  	s9 =	sadd.s32 $0xFFFFFEF7, lr;
	s5 =	simm.s32 $0xFFFFFFFF;
	p2 =	slt.u32 s8, $0xFFFFF086  }
0x1c: {  	p1 =	slt.u32 s9, $0xF7A;
	s5 =	simm.s32 @!p2 $0x0  }
0x1d: {  	s5 =	simm.s32 @p1 $0x1;
	p0 =	seq.s32 s7, s2  }
0x1e: {  	s7 =	smul.u32 @!p0 $0xF7A, s2;
	p2 =	seq.s32 @!p0 s5, $0x0  }
0x1f: {  	s9 =	smul.u32 $0xF7A, s1;
	s8 =	simm.s32 @!p0 $0x1BF5;
	p2 =	por !p2, p0  }
0x20: {  	[sflag:s8] =	ssyncset.s32 @!p0 $0xFFFFF086;
	s6 =	sadd.s32 @!p0 s3, s7;
	s7 =	simm.s32 @!p0 $0x108  }
0x21: {  	s3 =	sadd.s32 s3, s9;
	s6 =	sadd.s32 @!p0 $0x88, s6;
	s7 =	simm.s32 @p2 $0x1082  }
0x22: {  	[simem:s7], [sflag:s8] =	dma.local @!p0 [hbm:s6], $0xF7A  }
0x23: {  	s9 =	sor.u32 $0xD0000000, s2;
	s6 =	simm.s32 $0x108;
	_ =	swait.ge @!p0 [sflag:s8], $0x0  }
0x24: {  	s3 =	sadd.s32 $0x88, s3;
	s6 =	simm.s32 @!p1 $0x1082;
	[sflag:s4] =	ssyncset.s32 $0xFFFFF086  }
0x25: {  	[simem:s6], [sflag:s4] =	dma.local [hbm:s3], $0xF7A  }
0x26: {  	[smem:$0x3F97] =	sst s1;
	(tag) =	ssettag s2;
	_ =	strace s9  }
0x27: {  	s1 =	sld [smem:$0x3FA7]  }
0x28: {  	s2 =	sld [smem:$0x3FA8]  }
0x29: {  	s4 =	sld [smem:$0x3FAA]  }
0x2a: {  	p0 =	seq.s32 s5, $0x0;
	s5 =	sld [smem:$0x3FAB]  }
0x2b: {  	s6 =	sld [smem:$0x3FAC]  }
0x2c: {  	s7 =	sld [smem:$0x3FAD]  }
0x2d: {  	s3 =	simm.s32 $0x108;
	s8 =	sld [smem:$0x3FAE]  }
0x2e: {  	s3 =	simm.s32 @!p0 $0x1082;
	s9 =	sld [smem:$0x3FAF]  }
0x2f: {  	lr =	sadd.s32 s0, s3;
	s0 =	sld [smem:$0x3FA6]  }
0x30: {  	s3 =	sld [smem:$0x3FA9]  }
0x31: {  	[smem:$0x3FB2] =	sst s10  }
0x32: {  	s10 =	sld [smem:$0x3FB0];
	_ =	sdelay $0x3  }
0x33: {  	p0 =	seq.s32 s10, $0x1;
	s10 =	sld [smem:$0x3FB2];
	_ =	sdelay $0x3  }
0x34: {  	[smem:$0x3FB2] =	sst s10  }
0x35: {  	s10 =	sld [smem:$0x3FB1];
	_ =	sdelay $0x3  }
0x36: {  	p1 =	seq.s32 s10, $0x1;
	s10 =	sld [smem:$0x3FB2];
	_ =	sdelay $0x3  }
0x37: {  	[smem:$0x3FB2] =	sst s10  }
0x38: {  	s10 =	sld [smem:$0x3FB3]  }
0x39: {  	_ = 	snop;
	(pc) =	sbr.ind lr, $3  }
0x3a: {  	_ = 	snop  }
0x3b: {  	_ = 	snop  }
0x3c: {  	p2 =	seq.s32 s10, $0x1;
	s10 =	sld [smem:$0x3FB2]  }
0x3d: {  	_ =	shalt  }
0x3e: {  	_ =	shalt  }
0x3f: {  	_ =	shalt  }
0x40: {  	_ =	shalt  }
0x41: {  	_ =	shalt  }
0x42: {  	_ =	shalt  }
0x43: {  	_ =	shalt  }
0x44: {  	_ =	shalt  }
0x45: {  	_ =	shalt  }
0x46: {  	_ =	shalt  }
0x47: {  	_ =	shalt  }
0x48: {  	_ =	shalt  }
0x49: {  	_ =	shalt  }
0x4a: {  	_ =	shalt  }
0x4b: {  	_ =	shalt  }
0x4c: {  	_ =	shalt  }
0x4d: {  	_ =	shalt  }
0x4e: {  	_ =	shalt  }
0x4f: {  	_ =	shalt  }
0x50: {  	_ =	shalt  }
0x51: {  	_ =	shalt  }
0x52: {  	_ =	shalt  }
0x53: {  	_ =	shalt  }
0x54: {  	_ =	shalt  }
0x55: {  	_ =	shalt  }
0x56: {  	_ =	shalt  }
0x57: {  	_ =	shalt  }
0x58: {  	_ =	shalt  }
0x59: {  	_ =	shalt  }
0x5a: {  	_ =	shalt  }
0x5b: {  	_ =	shalt  }
0x5c: {  	_ =	shalt  }
0x5d: {  	_ =	shalt  }
0x5e: {  	_ =	shalt  }
0x5f: {  	_ =	shalt  }
0x60: {  	_ =	shalt  }
0x61: {  	_ =	shalt  }
0x62: {  	_ =	shalt  }
0x63: {  	_ =	shalt  }
0x64: {  	_ =	shalt  }
0x65: {  	_ =	shalt  }
0x66: {  	_ =	shalt  }
0x67: {  	_ =	shalt  }
0x68: {  	_ =	shalt  }
0x69: {  	_ =	shalt  }
0x6a: {  	_ =	shalt  }
0x6b: {  	_ =	shalt  }
0x6c: {  	_ =	shalt  }
0x6d: {  	_ =	shalt  }
0x6e: {  	_ =	shalt  }
0x6f: {  	_ =	shalt  }
0x70: {  	_ =	shalt  }
0x71: {  	_ =	shalt  }
0x72: {  	_ =	shalt  }
0x73: {  	_ =	shalt  }
0x74: {  	_ =	shalt  }
0x75: {  	_ =	shalt  }
0x76: {  	_ =	shalt  }
0x77: {  	_ =	shalt  }
0x78: {  	_ =	shalt  }
0x79: {  	_ =	shalt  }
0x7a: {  	_ =	shalt  }
0x7b: {  	_ =	shalt  }
0x7c: {  	_ =	shalt  }
0x7d: {  	_ =	shalt  }
0x7e: {  	_ =	shalt  }
0x7f: {  	_ =	shalt  }
0x80: {  	_ =	shalt  }
0x81: {  	_ =	shalt  }
0x82: {  	_ =	shalt  }
0x83: {  	_ =	shalt  }
0x84: {  	_ =	shalt  }
0x85: {  	_ =	shalt  }
0x86: {  	_ =	shalt  }
0x87: {  	_ =	shalt  }
.Lfunc_end0:
.L_simem_size_0:
called_computation.1_lowered:
.L_overlay_start_0:
0x88: {  	s2 =	sld [smem:$0x3FD9]  }
0x89: {  	s3 =	sld [smem:$0x3FFE];
	_ =	sdelay $0x1  }
0x8a: {  	s1 =	srdreg.scid  }
0x8b: {  	s0 =	sand.u32 $0x1, s1  }
0x8c: {  	s17 =	sshll.u32 s0, $0xA;
	s2 =	sadd.s32 s3, s2  }
0x8d: {  	s2 =	sadd.s32 s2, s17  }
0x8e: {  	[smem:$0x3FBE] =	sst s2  }
0x8f: {  	_ = 	snop  }
0x90: {  	(tm) =	ssettm $0x1  }
0x91: {  	s18 =	sld [smem:$0x3FFB];
	_ =	sdelay $0x3  }
0x92: {  	_ =	strace s18  }
0x93: {  	s2 =	sld [smem:$0x3FFC];
	_ =	sdelay $0x3  }
0x94: {  	_ =	strace s2  }
0x95: {  	s2 =	sld [smem:$0x3FFD];
	_ =	sdelay $0x3  }
0x96: {  	_ =	strace s2  }
0x97: {  	_ =	strace $0x8FFFFFFF  }
0x98: {  	s19 =	sld [smem:$0x3FDB];
	_ =	sdelay $0x1  }
0x99: {  	s20 =	simm.s32 $_scs_section_size  }
0x9a: {  	s4 =	simm.s32 $_size__tile_overlayer_lowered;
	s5 =	simm.s32 $_tile_overlayer_lowered  }
0x9b: {  	s6 =	simm.s32 $0x1BFF;
	s21 =	sshll.u32 s5, $0x1;
	s3 =	sadd.s32 s20, s19  }
0x9c: {  	s22 =	simm.s32 $0x0;
	s4 =	sshll.u32 s4, $0x1;
	s5 =	sadd.s32 s21, s3  }
0x9d: {  	[timem:s22], [sflag:s6] =	dma.local [hbm:s5], s4  }
0x9e: {  	_ =	swait.ge [sflag:s6], s4  }
0x9f: {  	s4 =	ssub.s32 $0x0, s4;
	[sflag:s6] =	ssyncset.done $0x0  }
0xa0: {  	[sflag:s6] =	ssyncadd.s32 s4;
	_ =	sdelay $0x1  }
0xa1: {  	s23 =	simm.s32 $0x1B8B  }
0xa2: {  	_ =	swait.ge [sflag:s23], $0x1  }
0xa3: {  	[sflag:s23] =	ssyncset.done $0x0  }
0xa4: {  	[sflag:s23] =	ssyncadd.s32 $0xFFFFFFFF  }
0xa5: {  	s4 =	sld [smem:$0x0]  }
0xa6: {  	s5 =	sand.u32 $0xFFFFFFFE, s1  }
0xa7: {  	p0 =	sne.s32 s1, s5  }
0xa8: {  	s5 =	sshll.u32 @p0 s5, $0xE  }
0xa9: {  	s5 =	sadd.s32 @p0 $0x11B8D, s5;
	s6 =	sshll.u32 @p0 s4, $0x11  }
0xaa: {  	s5 =	sor.u32 @p0 s6, s5  }
0xab: {  	[sflag:s5] =	ssyncadd.remote.s32 @p0 $0x1;
	_ =	sdelay $0x1  }
0xac: {  	s5 =	simm.s32 @p0 $0x1B8D  }
0xad: {  	_ =	swait.eq @p0 [sflag:s5], $0x1  }
0xae: {  	[sflag:s5] =	ssyncadd.s32 @p0 $0xFFFFFFFF  }
0xaf: {  	s6 =	sshll.u32 @!p0 s1, $0xE  }
0xb0: {  	s6 =	sor.u32 @!p0 $0x4000, s6;
	s5 =	simm.s32 @!p0 $0x1B8D  }
0xb1: {  	s4 =	sshll.u32 @!p0 s4, $0x11;
	s6 =	sadd.s32 @!p0 $0x11B8D, s6;
	_ =	swait.eq @!p0 [sflag:s5], $0x1  }
0xb2: {  	s4 =	sor.u32 @!p0 s4, s6;
	[sflag:s5] =	ssyncadd.s32 @!p0 $0xFFFFFFFF  }
0xb3: {  	s25 =	simm.s32 $0x1B8E;
	s24 =	sld [smem:$0x3FFE];
	[sflag:s4] =	ssyncadd.remote.s32 @!p0 $0x1  }
0xb4: {  	s26 =	simm.s32 $execute0_lowered;
	[smem:$0x3FD2] =	sst s25  }
0xb5: {  	s5 =	sshll.u32 s26, $0x1;
	_ =	strace $0x80000049;
	[dreg:$0x1] =	wrdreg $0xFFFFFFFF  }
0xb6: {  	s28 =	simm.s32 $_size_execute0_lowered;
	s3 =	sadd.s32 s3, s5;
	[dreg:$0x0] =	wrdreg $0x0  }
0xb7: {  	s5 =	sshll.u32 s28, $0x1;
	[dreg:$0x2] =	wrdreg s3  }
0xb8: {  	[dreg:$0x3] =	wrdreg s5  }
0xb9: {  	[dreg:$0x4] =	wrdreg $0xC0  }
0xba: {  	_ =	task [dreg:s22], $0x5FFFF  }
0xbb: {  	[dreg:$0x1] =	wrdreg $0xFFFFFFFF  }
0xbc: {  	[dreg:$0x0] =	wrdreg $0x60  }
0xbd: {  	[dreg:$0x2] =	wrdreg s24  }
0xbe: {  	[dreg:$0x3] =	wrdreg $0xA  }
0xbf: {  	_ =	task.clear_ibuf [dreg:s22], $0x4FFFF;
	_ =	strace $0x90000049  }
0xc0: {  	s29 =	simm.s32 $0xA;
	_ =	strace $0x8000004B  }
0xc1: {  	_ =	swait.ge [sflag:s29], $0x1  }
0xc2: {  	[sflag:s29] =	ssyncadd.s32 $0xFFFFFFFF  }
0xc3: {  	_ =	strace $0x9000004B  }
0xc4: {  	_ =	sfence  }
0xc5: {  	s30 =	sld [smem:$0x0];
	_ =	sdelay $0x2  }
0xc6: {  	s31 =	sshll.u32 s1, $0xD;
	s1 =	sshrl.u32 s1, $0x2  }
0xc7: {  	s4 =	sand.u32 $0x4000, s31;
	s1 =	sadd.s32 s1, s30  }
0xc8: {  	s0 =	sor.u32 s4, s0;
	s1 =	sshll.u32 s1, $0x11  }
0xc9: {  	s0 =	sor.u32 s1, s0  }
0xca: {  	s0 =	sadd.s32 $0x8F2B, s0  }
0xcb: {  	[sflag:s0] =	ssyncadd.remote.s32 $0x1  }
0xcc: {  	_ =	sfence.sel $0xFFFF  }
0xcd: {  	[dreg:$0x0] =	wrdreg $0xFFFFFFFF;
	(pc) =	sbr.abs _section_cstart, $3  }
0xce: {  	[dreg:$0x1] =	wrdreg $0xFFFFFFFF  }
0xcf: {  	_ =	task.clear_ibuf [dreg:s22], $0x2FFFF;
	_ =	strace $0x9FFFFFFF  }
0xd0: {  	(tm) =	ssettm $0x7FFFFFFF  }
0xd1: {  	_ =	shalt  }
tec
execute0_lowered:
.L_overlay_start_1:
0x0: {  	(tag) =	ssettag $0x1  }
0x1: {  	s0 =	srdreg.scid  }
0x2: {  	s1 =	sshll.u32 s0, $0x4  }
0x3: {  	s0 =	stileid.u32;
	s1 =	sand.u32 $0x10, s1  }
0x4: {  	s1 =	sor.u32 s0, s1  }
0x5: {  	s9 =	rddreg [dreg:$0x0];
	s6 =	simm.s32 $0x1;
	s2 =	smin.u32 s1, $0x8  }
0x6: {  	p0 =	slt.u32 s1, $0x8;
	s2 =	sadd.s32 s1, s2;
	s1 =	simm.s32 $0x200  }
0x7: {  	s7 =	simm.s32 $0x2;
	s2 =	sshll.u32 s2, $0x8;
	s1 =	simm.s32 @!p0 $0x100  }
0x8: {  	s10 =	simm.s32 $0x3;
	s13 =	simm.s32 $0x0;
	s3 =	sadd.s32 s1, s2  }
0x9: {  	s12 =	simm.s32 $0x0;
	s4 =	sadd.s32 $0x3A600, s9;
	s3 =	smin.u32 s3, $0x2800  }
.Ltmp0:
0xa: {  	s5 =	sadd.s32 $0x1200, s9;
	s8 =	ssub.s32 s3, s2;
	(pc) =	sbr.rel .LBB2_1-.Ltmp0, $4  }
0xb: {  	s1 =	rddreg [dreg:$0x1];
	_ =	strace $0x8000004A;
	p0 =	sgt.s32 s8, $0x0  }
0xc: {  	s9 =	sadd.s32 $0x9C800, s9;
	[sflag:s6] =	ssyncpa.u1 $0x0;
	s8 =	simm.s32 @!p0 $0x0  }
0xd: {  	s11 =	smov.u32 s2;
	[sflag:s7] =	ssyncpa.u1 $0x0;
	s8 =	sshrl.u32 s8, $0x8  }
0xe: {  	vm0 =	vmmov $0xff;
	vm1 =	vcmask $0x3F20;
	[sflag:s10] =	ssyncpa.u1 $0x0;
	p0 =	por $0x0, $0x0;
	s10 =	sadd.s32 $0x1, s8  }
.LBB2_6:
0xf: {  	[hbm:s17] =	stream.linear.scatter [tilespmem:s14], [sflag:$0x3], $0x400, $0x38;
	[tilespmem:$0x10200] =	vst v63  }
.LBB2_7:
0x10: {  	s13 =	sadd.s32 $0x100, s11  }
0x11: {  	s15 =	smov.u32 s2;
	p2 =	slt.s32 s13, s3  }
0x12: {  	s15 =	smov.u32 @p2 s13;
	p2 =	sne.s32 s12, s10  }
.Ltmp1:
0x13: {  	p1 =	slt.u32 s12, $0x2;
	(pc) =	sbr.rel @!p2 .LBB2_8-.Ltmp1, $4  }
0x14: {  	s14 =	simm.s32 @!p1 $0x3  }
0x15: {  	s16 =	sadd.s32 $0x1, s12;
	_ =	swait.ge @!p1 [sflag:s14], $0x8000  }
0x16: {  	p0 =	por !p0, !p0;
	s13 =	smov.u32 s11;
	[sflag:s14] =	ssyncset.done @!p1 $0x0  }
0x17: {  	s12 =	smov.u32 s16;
	s11 =	smov.u32 s15;
	[sflag:s14] =	ssyncadd.s32 @!p1 $0xFFFF8000  }
.LBB2_1:
0x18: {  	p1 =	sge.u32 s12, s8  }
0x19: {  	s14 =	sxor.u32 @!p1 $0xFFFFFFFF, s12  }
0x1a: {  	s31 =	sadd.s32 $0xFFFFFFFF, s12;
	s15 =	sshrl.u32 @!p1 s11, $0x3;
	s14 =	sshll.u32 @!p1 s14, $0x8  }
0x1b: {  	s16 =	sand.u32 @!p1 $0x7, s11;
	s15 =	sadd.s32 @!p1 s5, s15;
	s14 =	sand.u32 @!p1 $0x100, s14  }
0x1c: {  	[tilespmem:s14], [sflag:$0x2] =	stream.linear.gather @!p1 [hbm4b:s15+s16], $0x100, $0x38;
	[tilespmem:$0x10200] =	vst v63  }
0x1d: {  	p1 =	sge.u32 s31, s8  }
.Ltmp2:
0x1e: {  	_ = 	snop;
	(pc) =	sbr.rel @p1 .LBB2_7-.Ltmp2, $1  }
0x1f: {  	_ =	sdelay $0x3  }
0x20: {  	s14 =	simm.s32 $0x1  }
0x21: {  	_ =	swait.ge [sflag:s7], $0x100;
	s14 =	simm.s32 @!p0 $0x0  }
0x22: {  	[sflag:s7] =	ssyncset.done $0x0;
	s16 =	sshll.u32 s14, $0x8  }
0x23: {  	[sflag:s7] =	ssyncadd.s32 $0xFFFFFF00;
	s15 =	sadd.s32 $0x0, s16  }
0x24: {  	v0 =	vld.msk [tilespmem:s15+$0x0 ss:$0x1], $0xffff;
	_ =	sdelay $0x4  }
0x25: {  	vm2 =	vgt.s32 v0, $0x0  }
0x26: {  	v0 =	vnsel vm2, $0x0, v0  }
0x27: {  	v0 =	vmin.u32 v0, $0x38CC  }
0x28: {  	v0 =	vshll.u32 v0, $0x4;
	_ =	sdelay $0x2  }
0x29: {  	s14 =	sshll.u32 s14, $0xF  }
0x2a: {  	s14 =	sor.u32 $0x200, s14  }
0x2b: {  	[tilespmem:s14], [sflag:$0x1] =	stream.indirect_vreg.gather [hbm:s4], $0x80, v0, vm0, $0x38;
	[tilespmem:$0x10200] =	vst v63  }
0x2c: {  	s17 =	sadd.s32 $0x10, s16;
	s15 =	sadd.s32 $0x400, s14  }
0x2d: {  	[tilespmem:s15], [sflag:$0x1] =	stream.indirect_vreg.gather [hbm:s4], $0x80, v0, vm1, $0x38;
	[tilespmem:$0x10200] =	vst v63  }
0x2e: {  	s18 =	simm.s32 $0x80;
	v0 =	vld.msk [tilespmem:s17+$0x0 ss:$0x1], $0xffff;
	s17 =	smov.u32 s14  }
.LBB2_3:
0x2f: {  	p1 =	sne.s32 s18, $0x3C0;
	_ =	sdelay $0x4  }
0x30: {  	vm2 =	vgt.s32 v0, $0x0  }
0x31: {  	v0 =	vnsel vm2, $0x0, v0  }
0x32: {  	v0 =	vmin.u32 v0, $0x38CC  }
0x33: {  	v0 =	vshll.u32 v0, $0x4;
	_ =	sdelay $0x3  }
.Ltmp3:
0x34: {  	s19 =	sshra.s32 s18, $0x2;
	s17 =	sadd.s32 $0x800, s17;
	(pc) =	sbr.rel @p1 .LBB2_3-.Ltmp3, $4  }
0x35: {  	[tilespmem:s17], [sflag:$0x1] =	stream.indirect_vreg.gather [hbm:s4], $0x80, v0, vm0, $0x38;
	[tilespmem:$0x10200] =	vst v63  }
0x36: {  	s19 =	sadd.s32 s19, s16;
	s20 =	sadd.s32 $0x400, s17  }
0x37: {  	[tilespmem:s20], [sflag:$0x1] =	stream.indirect_vreg.gather [hbm:s4], $0x80, v0, vm1, $0x38;
	[tilespmem:$0x10200] =	vst v63  }
0x38: {  	s18 =	sadd.s32 $0x40, s18;
	v0 =	vld.msk [tilespmem:s19+$0x0 ss:$0x1], $0xffff  }
0x39: {  	_ =	sdelay $0x3  }
0x3a: {  	vm2 =	vgt.s32 v0, $0x0  }
0x3b: {  	v0 =	vnsel vm2, $0x0, v0  }
0x3c: {  	v0 =	vmin.u32 v0, $0x38CC  }
0x3d: {  	v0 =	vshll.u32 v0, $0x4;
	_ =	sdelay $0x3  }
0x3e: {  	s16 =	sadd.s32 $0x800, s17  }
0x3f: {  	[tilespmem:s16], [sflag:$0x1] =	stream.indirect_vreg.gather [hbm:s4], $0x80, v0, vm0, $0x38;
	[tilespmem:$0x10200] =	vst v63  }
0x40: {  	s16 =	sadd.s32 $0x400, s16  }
0x41: {  	[tilespmem:s16], [sflag:$0x1] =	stream.indirect_vreg.gather [hbm:s4], $0x80, v0, vm1, $0x38;
	[tilespmem:$0x10200] =	vst v63  }
0x42: {  	s13 =	sshll.u32 s13, $0x4;
	_ =	swait.ge [sflag:s6], $0x8000  }
0x43: {  	s13 =	sadd.s32 s13, s9;
	[sflag:s6] =	ssyncset.done $0x0  }
0x44: {  	s17 =	sadd.s32 $0x0, s13;
	s16 =	simm.s32 $0x80;
	[sflag:s6] =	ssyncadd.s32 $0xFFFF8000  }
.LBB2_5:
0x45: {  	[hbm:s17] =	stream.linear.scatter [tilespmem:s14], [sflag:$0x3], $0x400, $0x38;
	[tilespmem:$0x10200] =	vst v63  }
0x46: {  	s17 =	smov.u32 s16;
	s14 =	smov.u32 s15;
	p1 =	sne.s32 s16, $0xF80  }
.Ltmp4:
0x47: {  	s16 =	sadd.s32 $0x80, s16;
	(pc) =	sbr.rel @p1 .LBB2_5-.Ltmp4, $2  }
0x48: {  	_ =	sdelay $0x2  }
0x49: {  	s15 =	sadd.s32 $0x400, s15;
	s17 =	sadd.s32 s17, s13  }
.Ltmp5:
0x4a: {  	_ = 	snop;
	(pc) =	sbr.rel .LBB2_6-.Ltmp5, $1  }
0x4b: {  	_ =	sdelay $0x3  }
.LBB2_8:
0x4c: {  	_ =	sfence.sel $0x180000  }
0x4d: {  	s2 =	simm.s32 $0x2;
	[bflag:$0x0] =	sbarrier.arrive $0xFFFF  }
0x4e: {  	s30 =	simm.s32 $0x3;
	[sflag:s2] =	ssyncpa.u1 $0x1  }
0x4f: {  	s31 =	simm.s32 $0x1;
	[sflag:s30] =	ssyncpa.u1 $0x1  }
0x50: {  	[sflag:s31] =	ssyncpa.u1 $0x1  }
0x51: {  	p0 =	sne.s32 s0, $0x0;
	_ =	strace $0x9000004A  }
0x52: {  	s0 =	sadd.s32 @!p0 $0x100000, s1;
	[bflag:$0x2] =	sbarrier.arrive $0xFFFF  }
0x53: {  	[sflag:s0] =	ssyncadd.tile.s32 @!p0 $0x1;
	_ =	shalt  }
.Lfunc_end2:
_tile_overlayer_lowered:
.L_overlay_start_2:
0x54: {  	(tag) =	ssettag $0x2  }
0x55: {  	s0 =	rddreg [dreg:$0x0];
	s2 =	stileid.u32  }
0x56: {  	s1 =	rddreg [dreg:$0x1];
	p0 =	sne.s32 s2, $0x0  }
0x57: {  	s3 =	rddreg [dreg:$0x2];
	[bflag:$0x3] =	sbarrier.arrive $0xFFFF;
	s2 =	simm.s32 @!p0 $0x1C01  }
0x58: {  	[timem:s3], [sflag:s2] =	dma.local @!p0 [hbm:s0], s1  }
0x59: {  	s0 =	simm.s32 @!p0 $0x1  }
0x5a: {  	_ =	swait.ge @!p0 [sflag:s0], s1  }
0x5b: {  	s1 =	ssub.s32 @!p0 $0x0, s1;
	[sflag:s0] =	ssyncset.done @!p0 $0x0  }
0x5c: {  	[sflag:s0] =	ssyncadd.s32 @!p0 s1  }
0x5d: {  	[bflag:$0x3] =	sbarrier.arrive $0xFFFF  }
0x5e: {  	_ =	shalt  }

// kernel: gather_offload_async_start.2
scs
__scs_entry_jumppad:
0x0: {  	(pc) =	sbr.rel $0x88, $3  }
0x1: {  	(tag) =	ssettag $0x0;
	lr =	simm.s32 $0x1  }
0x2: {  	[smem:$0x3F97] =	sst lr;
	_ =	strace $0xD0000000  }
0x3: {  	_ = 	snop  }
0x4: {  	_ = 	snop  }
0x5: {  	_ = 	snop  }
0x6: {  	_ = 	snop  }
0x7: {  	_ = 	snop  }
__scs_overlays_trampoline_lowered:
0x8: {  	[smem:$0x3FA6] =	sst s0  }
0x9: {  	[smem:$0x3FA7] =	sst s1  }
0xa: {  	[smem:$0x3FA8] =	sst s2  }
0xb: {  	[smem:$0x3FA9] =	sst s3  }
0xc: {  	[smem:$0x3FAA] =	sst s4  }
0xd: {  	[smem:$0x3FAB] =	sst s5  }
0xe: {  	[smem:$0x3FAC] =	sst s6  }
0xf: {  	[smem:$0x3FAD] =	sst s7  }
0x10: {  	[smem:$0x3FAE] =	sst s8  }
0x11: {  	[smem:$0x3FAF] =	sst s9;
	s0 =	simm.s32 @!p0 $0x0  }
0x12: {  	s1 =	sld [smem:$0x3F95];
	s0 =	simm.s32 @p0 $0x1  }
0x13: {  	[smem:$0x3FB0] =	sst s0;
	s0 =	simm.s32 @!p1 $0x0  }
0x14: {  	s2 =	sld [smem:$0x3F94];
	s0 =	simm.s32 @p1 $0x1  }
0x15: {  	[smem:$0x3FB1] =	sst s0;
	s0 =	simm.s32 @!p2 $0x0  }
0x16: {  	s3 =	sld [smem:$0x3FDB];
	s0 =	simm.s32 @p2 $0x1  }
0x17: {  	s4 =	simm.s32 $0x1BF5;
	[smem:$0x3FB3] =	sst s0  }
0x18: {  	s0 =	sld [smem:$0x3F96];
	_ =	swait.ge [sflag:s4], $0x0  }
0x19: {  	s7 =	sld [smem:$0x3F97]  }
0x1a: {  	s8 =	sadd.s32 $0xFFFFE003, lr  }
0x1b: {  	s9 =	sadd.s32 $0xFFFFFEF7, lr;
	s5 =	simm.s32 $0xFFFFFFFF;
	p2 =	slt.u32 s8, $0xFFFFF086  }
0x1c: {  	p1 =	slt.u32 s9, $0xF7A;
	s5 =	simm.s32 @!p2 $0x0  }
0x1d: {  	s5 =	simm.s32 @p1 $0x1;
	p0 =	seq.s32 s7, s2  }
0x1e: {  	s7 =	smul.u32 @!p0 $0xF7A, s2;
	p2 =	seq.s32 @!p0 s5, $0x0  }
0x1f: {  	s9 =	smul.u32 $0xF7A, s1;
	s8 =	simm.s32 @!p0 $0x1BF5;
	p2 =	por !p2, p0  }
0x20: {  	[sflag:s8] =	ssyncset.s32 @!p0 $0xFFFFF086;
	s6 =	sadd.s32 @!p0 s3, s7;
	s7 =	simm.s32 @!p0 $0x108  }
0x21: {  	s3 =	sadd.s32 s3, s9;
	s6 =	sadd.s32 @!p0 $0x88, s6;
	s7 =	simm.s32 @p2 $0x1082  }
0x22: {  	[simem:s7], [sflag:s8] =	dma.local @!p0 [hbm:s6], $0xF7A  }
0x23: {  	s9 =	sor.u32 $0xD0000000, s2;
	s6 =	simm.s32 $0x108;
	_ =	swait.ge @!p0 [sflag:s8], $0x0  }
0x24: {  	s3 =	sadd.s32 $0x88, s3;
	s6 =	simm.s32 @!p1 $0x1082;
	[sflag:s4] =	ssyncset.s32 $0xFFFFF086  }
0x25: {  	[simem:s6], [sflag:s4] =	dma.local [hbm:s3], $0xF7A  }
0x26: {  	[smem:$0x3F97] =	sst s1;
	(tag) =	ssettag s2;
	_ =	strace s9  }
0x27: {  	s1 =	sld [smem:$0x3FA7]  }
0x28: {  	s2 =	sld [smem:$0x3FA8]  }
0x29: {  	s4 =	sld [smem:$0x3FAA]  }
0x2a: {  	p0 =	seq.s32 s5, $0x0;
	s5 =	sld [smem:$0x3FAB]  }
0x2b: {  	s6 =	sld [smem:$0x3FAC]  }
0x2c: {  	s7 =	sld [smem:$0x3FAD]  }
0x2d: {  	s3 =	simm.s32 $0x108;
	s8 =	sld [smem:$0x3FAE]  }
0x2e: {  	s3 =	simm.s32 @!p0 $0x1082;
	s9 =	sld [smem:$0x3FAF]  }
0x2f: {  	lr =	sadd.s32 s0, s3;
	s0 =	sld [smem:$0x3FA6]  }
0x30: {  	s3 =	sld [smem:$0x3FA9]  }
0x31: {  	[smem:$0x3FB2] =	sst s10  }
0x32: {  	s10 =	sld [smem:$0x3FB0];
	_ =	sdelay $0x3  }
0x33: {  	p0 =	seq.s32 s10, $0x1;
	s10 =	sld [smem:$0x3FB2];
	_ =	sdelay $0x3  }
0x34: {  	[smem:$0x3FB2] =	sst s10  }
0x35: {  	s10 =	sld [smem:$0x3FB1];
	_ =	sdelay $0x3  }
0x36: {  	p1 =	seq.s32 s10, $0x1;
	s10 =	sld [smem:$0x3FB2];
	_ =	sdelay $0x3  }
0x37: {  	[smem:$0x3FB2] =	sst s10  }
0x38: {  	s10 =	sld [smem:$0x3FB3]  }
0x39: {  	_ = 	snop;
	(pc) =	sbr.ind lr, $3  }
0x3a: {  	_ = 	snop  }
0x3b: {  	_ = 	snop  }
0x3c: {  	p2 =	seq.s32 s10, $0x1;
	s10 =	sld [smem:$0x3FB2]  }
0x3d: {  	_ =	shalt  }
0x3e: {  	_ =	shalt  }
0x3f: {  	_ =	shalt  }
0x40: {  	_ =	shalt  }
0x41: {  	_ =	shalt  }
0x42: {  	_ =	shalt  }
0x43: {  	_ =	shalt  }
0x44: {  	_ =	shalt  }
0x45: {  	_ =	shalt  }
0x46: {  	_ =	shalt  }
0x47: {  	_ =	shalt  }
0x48: {  	_ =	shalt  }
0x49: {  	_ =	shalt  }
0x4a: {  	_ =	shalt  }
0x4b: {  	_ =	shalt  }
0x4c: {  	_ =	shalt  }
0x4d: {  	_ =	shalt  }
0x4e: {  	_ =	shalt  }
0x4f: {  	_ =	shalt  }
0x50: {  	_ =	shalt  }
0x51: {  	_ =	shalt  }
0x52: {  	_ =	shalt  }
0x53: {  	_ =	shalt  }
0x54: {  	_ =	shalt  }
0x55: {  	_ =	shalt  }
0x56: {  	_ =	shalt  }
0x57: {  	_ =	shalt  }
0x58: {  	_ =	shalt  }
0x59: {  	_ =	shalt  }
0x5a: {  	_ =	shalt  }
0x5b: {  	_ =	shalt  }
0x5c: {  	_ =	shalt  }
0x5d: {  	_ =	shalt  }
0x5e: {  	_ =	shalt  }
0x5f: {  	_ =	shalt  }
0x60: {  	_ =	shalt  }
0x61: {  	_ =	shalt  }
0x62: {  	_ =	shalt  }
0x63: {  	_ =	shalt  }
0x64: {  	_ =	shalt  }
0x65: {  	_ =	shalt  }
0x66: {  	_ =	shalt  }
0x67: {  	_ =	shalt  }
0x68: {  	_ =	shalt  }
0x69: {  	_ =	shalt  }
0x6a: {  	_ =	shalt  }
0x6b: {  	_ =	shalt  }
0x6c: {  	_ =	shalt  }
0x6d: {  	_ =	shalt  }
0x6e: {  	_ =	shalt  }
0x6f: {  	_ =	shalt  }
0x70: {  	_ =	shalt  }
0x71: {  	_ =	shalt  }
0x72: {  	_ =	shalt  }
0x73: {  	_ =	shalt  }
0x74: {  	_ =	shalt  }
0x75: {  	_ =	shalt  }
0x76: {  	_ =	shalt  }
0x77: {  	_ =	shalt  }
0x78: {  	_ =	shalt  }
0x79: {  	_ =	shalt  }
0x7a: {  	_ =	shalt  }
0x7b: {  	_ =	shalt  }
0x7c: {  	_ =	shalt  }
0x7d: {  	_ =	shalt  }
0x7e: {  	_ =	shalt  }
0x7f: {  	_ =	shalt  }
0x80: {  	_ =	shalt  }
0x81: {  	_ =	shalt  }
0x82: {  	_ =	shalt  }
0x83: {  	_ =	shalt  }
0x84: {  	_ =	shalt  }
0x85: {  	_ =	shalt  }
0x86: {  	_ =	shalt  }
0x87: {  	_ =	shalt  }
.Lfunc_end0:
.L_simem_size_0:
called_computation.2_lowered:
.L_overlay_start_0:
0x88: {  	s2 =	sld [smem:$0x3FD9]  }
0x89: {  	s3 =	sld [smem:$0x3FFE];
	_ =	sdelay $0x1  }
0x8a: {  	s1 =	srdreg.scid  }
0x8b: {  	s0 =	sand.u32 $0x1, s1  }
0x8c: {  	s17 =	sshll.u32 s0, $0xA;
	s2 =	sadd.s32 s3, s2  }
0x8d: {  	s2 =	sadd.s32 s2, s17  }
0x8e: {  	[smem:$0x3FBE] =	sst s2  }
0x8f: {  	_ = 	snop  }
0x90: {  	s18 =	sld [smem:$0x3FD0];
	(tm) =	ssettm $0x1  }
0x91: {  	s19 =	sld [smem:$0x3FFB];
	_ =	sdelay $0x3  }
0x92: {  	_ =	strace s19  }
0x93: {  	s2 =	sld [smem:$0x3FFC];
	_ =	sdelay $0x3  }
0x94: {  	_ =	strace s2  }
0x95: {  	s2 =	sld [smem:$0x3FFD];
	_ =	sdelay $0x3  }
0x96: {  	_ =	strace s2  }
0x97: {  	_ =	strace $0x8FFFFFFF  }
0x98: {  	s20 =	sld [smem:$0x3FDB];
	_ =	sdelay $0x1  }
0x99: {  	s4 =	simm.s32 $_scs_section_size  }
0x9a: {  	s5 =	simm.s32 $_size__tile_overlayer_lowered;
	s6 =	simm.s32 $_tile_overlayer_lowered  }
0x9b: {  	s7 =	simm.s32 $0x1BFF;
	s21 =	sshll.u32 s6, $0x1;
	s4 =	sadd.s32 s4, s20  }
0x9c: {  	s22 =	simm.s32 $0x0;
	s5 =	sshll.u32 s5, $0x1;
	s6 =	sadd.s32 s21, s4  }
0x9d: {  	[timem:s22], [sflag:s7] =	dma.local [hbm:s6], s5  }
0x9e: {  	_ =	swait.ge [sflag:s7], s5  }
0x9f: {  	s5 =	ssub.s32 $0x0, s5;
	[sflag:s7] =	ssyncset.done $0x0  }
0xa0: {  	[sflag:s7] =	ssyncadd.s32 s5;
	_ =	sdelay $0x1  }
0xa1: {  	s23 =	simm.s32 $0x1B8B  }
0xa2: {  	_ =	swait.ge [sflag:s23], $0x1  }
0xa3: {  	[sflag:s23] =	ssyncset.done $0x0  }
0xa4: {  	[sflag:s23] =	ssyncadd.s32 $0xFFFFFFFF  }
0xa5: {  	s5 =	sld [smem:$0x0]  }
0xa6: {  	s6 =	sand.u32 $0xFFFFFFFE, s1  }
0xa7: {  	p0 =	sne.s32 s1, s6  }
0xa8: {  	s6 =	sshll.u32 @p0 s6, $0xE  }
0xa9: {  	s6 =	sadd.s32 @p0 $0x11B8D, s6;
	s7 =	sshll.u32 @p0 s5, $0x11  }
0xaa: {  	s6 =	sor.u32 @p0 s7, s6  }
0xab: {  	[sflag:s6] =	ssyncadd.remote.s32 @p0 $0x1;
	_ =	sdelay $0x1  }
0xac: {  	s6 =	simm.s32 @p0 $0x1B8D  }
0xad: {  	_ =	swait.eq @p0 [sflag:s6], $0x1  }
0xae: {  	[sflag:s6] =	ssyncadd.s32 @p0 $0xFFFFFFFF  }
0xaf: {  	s7 =	sshll.u32 @!p0 s1, $0xE  }
0xb0: {  	s7 =	sor.u32 @!p0 $0x4000, s7;
	s6 =	simm.s32 @!p0 $0x1B8D  }
0xb1: {  	s5 =	sshll.u32 @!p0 s5, $0x11;
	s7 =	sadd.s32 @!p0 $0x11B8D, s7;
	_ =	swait.eq @!p0 [sflag:s6], $0x1  }
0xb2: {  	s5 =	sor.u32 @!p0 s5, s7;
	[sflag:s6] =	ssyncadd.s32 @!p0 $0xFFFFFFFF  }
0xb3: {  	s25 =	simm.s32 $0x1B8E;
	s24 =	sld [smem:$0x3FFE];
	[sflag:s5] =	ssyncadd.remote.s32 @!p0 $0x1  }
0xb4: {  	s26 =	simm.s32 $execute0_lowered;
	[smem:$0x3FD2] =	sst s25  }
0xb5: {  	s6 =	sshll.u32 s26, $0x1;
	_ =	strace $0x8000004C;
	[dreg:$0x1] =	wrdreg $0xFFFFFFFF  }
0xb6: {  	s28 =	simm.s32 $_size_execute0_lowered;
	s4 =	sadd.s32 s4, s6;
	[dreg:$0x0] =	wrdreg $0x0  }
0xb7: {  	s6 =	sshll.u32 s28, $0x1;
	[dreg:$0x2] =	wrdreg s4  }
0xb8: {  	[dreg:$0x3] =	wrdreg s6  }
0xb9: {  	[dreg:$0x4] =	wrdreg $0xC0  }
0xba: {  	_ =	task [dreg:s22], $0x5FFFF  }
0xbb: {  	[dreg:$0x1] =	wrdreg $0xFFFFFFFF  }
0xbc: {  	[dreg:$0x0] =	wrdreg $0x60  }
0xbd: {  	[dreg:$0x2] =	wrdreg s24  }
0xbe: {  	[dreg:$0x3] =	wrdreg s18  }
0xbf: {  	[dreg:$0x4] =	wrdreg $0xB  }
0xc0: {  	_ =	task.clear_ibuf [dreg:s22], $0x5FFFF;
	_ =	strace $0x9000004C  }
0xc1: {  	s29 =	simm.s32 $0xB;
	_ =	strace $0x8000004E  }
0xc2: {  	_ =	swait.ge [sflag:s29], $0x1  }
0xc3: {  	[sflag:s29] =	ssyncadd.s32 $0xFFFFFFFF  }
0xc4: {  	_ =	strace $0x9000004E  }
0xc5: {  	_ =	sfence  }
0xc6: {  	s30 =	sld [smem:$0x0];
	_ =	sdelay $0x2  }
0xc7: {  	s31 =	sshll.u32 s1, $0xD;
	s1 =	sshrl.u32 s1, $0x2  }
0xc8: {  	s4 =	sand.u32 $0x4000, s31;
	s1 =	sadd.s32 s1, s30  }
0xc9: {  	s0 =	sor.u32 s4, s0;
	s1 =	sshll.u32 s1, $0x11  }
0xca: {  	s0 =	sor.u32 s1, s0  }
0xcb: {  	s0 =	sadd.s32 $0x8F2B, s0  }
0xcc: {  	[sflag:s0] =	ssyncadd.remote.s32 $0x1  }
0xcd: {  	_ =	sfence.sel $0xFFFF  }
0xce: {  	[dreg:$0x0] =	wrdreg $0xFFFFFFFF;
	(pc) =	sbr.abs _section_cstart, $3  }
0xcf: {  	[dreg:$0x1] =	wrdreg $0xFFFFFFFF  }
0xd0: {  	_ =	task.clear_ibuf [dreg:s22], $0x2FFFF;
	_ =	strace $0x9FFFFFFF  }
0xd1: {  	(tm) =	ssettm $0x7FFFFFFF  }
tec
execute0_lowered:
.L_overlay_start_1:
0x0: {  	(tag) =	ssettag $0x1  }
0x1: {  	s0 =	srdreg.scid  }
0x2: {  	s1 =	sshll.u32 s0, $0x4  }
0x3: {  	s0 =	stileid.u32;
	s1 =	sand.u32 $0x10, s1  }
0x4: {  	s9 =	rddreg [dreg:$0x0];
	s1 =	sor.u32 s0, s1  }
0x5: {  	s3 =	rddreg [dreg:$0x1];
	s2 =	smin.u32 s1, $0x8  }
0x6: {  	p0 =	slt.u32 s1, $0x8;
	s2 =	sadd.s32 s1, s2;
	s1 =	simm.s32 $0x200  }
0x7: {  	s6 =	simm.s32 $0x1;
	s2 =	sshll.u32 s2, $0x8;
	s1 =	simm.s32 @!p0 $0x100  }
0x8: {  	s7 =	simm.s32 $0x2;
	s10 =	simm.s32 $0x3;
	s4 =	sadd.s32 s1, s2  }
0x9: {  	s13 =	simm.s32 $0x0;
	s12 =	simm.s32 $0x0;
	s4 =	smin.u32 s4, $0x2800  }
.Ltmp0:
0xa: {  	s5 =	sadd.s32 $0x1800, s9;
	s8 =	ssub.s32 s4, s2;
	(pc) =	sbr.rel .LBB2_1-.Ltmp0, $4  }
0xb: {  	s1 =	rddreg [dreg:$0x2];
	_ =	strace $0x8000004D;
	p0 =	sgt.s32 s8, $0x0  }
0xc: {  	s9 =	sadd.s32 $0x9C200, s9;
	[sflag:s6] =	ssyncpa.u1 $0x0;
	s8 =	simm.s32 @!p0 $0x0  }
0xd: {  	s11 =	smov.u32 s2;
	[sflag:s7] =	ssyncpa.u1 $0x0;
	s8 =	sshrl.u32 s8, $0x8  }
0xe: {  	vm0 =	vmmov $0xff;
	vm1 =	vcmask $0x3F20;
	[sflag:s10] =	ssyncpa.u1 $0x0;
	p0 =	por $0x0, $0x0;
	s10 =	sadd.s32 $0x1, s8  }
.LBB2_6:
0xf: {  	[hbm:s17] =	stream.linear.scatter [tilespmem:s14], [sflag:$0x3], $0x400, $0x38;
	[tilespmem:$0x10200] =	vst v63  }
.LBB2_7:
0x10: {  	s13 =	sadd.s32 $0x100, s11  }
0x11: {  	s15 =	smov.u32 s2;
	p2 =	slt.s32 s13, s4  }
0x12: {  	s15 =	smov.u32 @p2 s13;
	p2 =	sne.s32 s12, s10  }
.Ltmp1:
0x13: {  	p1 =	slt.u32 s12, $0x2;
	(pc) =	sbr.rel @!p2 .LBB2_8-.Ltmp1, $4  }
0x14: {  	s14 =	simm.s32 @!p1 $0x3  }
0x15: {  	s16 =	sadd.s32 $0x1, s12;
	_ =	swait.ge @!p1 [sflag:s14], $0x8000  }
0x16: {  	p0 =	por !p0, !p0;
	s13 =	smov.u32 s11;
	[sflag:s14] =	ssyncset.done @!p1 $0x0  }
0x17: {  	s12 =	smov.u32 s16;
	s11 =	smov.u32 s15;
	[sflag:s14] =	ssyncadd.s32 @!p1 $0xFFFF8000  }
.LBB2_1:
0x18: {  	p1 =	sge.u32 s12, s8  }
0x19: {  	s14 =	sxor.u32 @!p1 $0xFFFFFFFF, s12  }
0x1a: {  	s31 =	sadd.s32 $0xFFFFFFFF, s12;
	s15 =	sshrl.u32 @!p1 s11, $0x3;
	s14 =	sshll.u32 @!p1 s14, $0x8  }
0x1b: {  	s16 =	sand.u32 @!p1 $0x7, s11;
	s15 =	sadd.s32 @!p1 s9, s15;
	s14 =	sand.u32 @!p1 $0x100, s14  }
0x1c: {  	[tilespmem:s14], [sflag:$0x2] =	stream.linear.gather @!p1 [hbm4b:s15+s16], $0x100, $0x38;
	[tilespmem:$0x10200] =	vst v63  }
0x1d: {  	p1 =	sge.u32 s31, s8  }
.Ltmp2:
0x1e: {  	_ = 	snop;
	(pc) =	sbr.rel @p1 .LBB2_7-.Ltmp2, $1  }
0x1f: {  	_ =	sdelay $0x3  }
0x20: {  	s14 =	simm.s32 $0x1  }
0x21: {  	_ =	swait.ge [sflag:s7], $0x100;
	s14 =	simm.s32 @!p0 $0x0  }
0x22: {  	[sflag:s7] =	ssyncset.done $0x0;
	s16 =	sshll.u32 s14, $0x8  }
0x23: {  	[sflag:s7] =	ssyncadd.s32 $0xFFFFFF00;
	s15 =	sadd.s32 $0x0, s16  }
0x24: {  	v0 =	vld.msk [tilespmem:s15+$0x0 ss:$0x1], $0xffff;
	_ =	sdelay $0x4  }
0x25: {  	vm2 =	vgt.s32 v0, $0x0  }
0x26: {  	v0 =	vnsel vm2, $0x0, v0  }
0x27: {  	v0 =	vmin.u32 v0, $0x38CC  }
0x28: {  	v0 =	vshll.u32 v0, $0x4;
	_ =	sdelay $0x2  }
0x29: {  	s14 =	sshll.u32 s14, $0xF  }
0x2a: {  	s14 =	sor.u32 $0x200, s14  }
0x2b: {  	[tilespmem:s14], [sflag:$0x1] =	stream.indirect_vreg.gather [hbm:s5], $0x80, v0, vm0, $0x38;
	[tilespmem:$0x10200] =	vst v63  }
0x2c: {  	s17 =	sadd.s32 $0x10, s16;
	s15 =	sadd.s32 $0x400, s14  }
0x2d: {  	[tilespmem:s15], [sflag:$0x1] =	stream.indirect_vreg.gather [hbm:s5], $0x80, v0, vm1, $0x38;
	[tilespmem:$0x10200] =	vst v63  }
0x2e: {  	s18 =	simm.s32 $0x80;
	v0 =	vld.msk [tilespmem:s17+$0x0 ss:$0x1], $0xffff;
	s17 =	smov.u32 s14  }
.LBB2_3:
0x2f: {  	p1 =	sne.s32 s18, $0x3C0;
	_ =	sdelay $0x4  }
0x30: {  	vm2 =	vgt.s32 v0, $0x0  }
0x31: {  	v0 =	vnsel vm2, $0x0, v0  }
0x32: {  	v0 =	vmin.u32 v0, $0x38CC  }
0x33: {  	v0 =	vshll.u32 v0, $0x4;
	_ =	sdelay $0x3  }
.Ltmp3:
0x34: {  	s19 =	sshra.s32 s18, $0x2;
	s17 =	sadd.s32 $0x800, s17;
	(pc) =	sbr.rel @p1 .LBB2_3-.Ltmp3, $4  }
0x35: {  	[tilespmem:s17], [sflag:$0x1] =	stream.indirect_vreg.gather [hbm:s5], $0x80, v0, vm0, $0x38;
	[tilespmem:$0x10200] =	vst v63  }
0x36: {  	s19 =	sadd.s32 s19, s16;
	s20 =	sadd.s32 $0x400, s17  }
0x37: {  	[tilespmem:s20], [sflag:$0x1] =	stream.indirect_vreg.gather [hbm:s5], $0x80, v0, vm1, $0x38;
	[tilespmem:$0x10200] =	vst v63  }
0x38: {  	s18 =	sadd.s32 $0x40, s18;
	v0 =	vld.msk [tilespmem:s19+$0x0 ss:$0x1], $0xffff  }
0x39: {  	_ =	sdelay $0x3  }
0x3a: {  	vm2 =	vgt.s32 v0, $0x0  }
0x3b: {  	v0 =	vnsel vm2, $0x0, v0  }
0x3c: {  	v0 =	vmin.u32 v0, $0x38CC  }
0x3d: {  	v0 =	vshll.u32 v0, $0x4;
	_ =	sdelay $0x3  }
0x3e: {  	s16 =	sadd.s32 $0x800, s17  }
0x3f: {  	[tilespmem:s16], [sflag:$0x1] =	stream.indirect_vreg.gather [hbm:s5], $0x80, v0, vm0, $0x38;
	[tilespmem:$0x10200] =	vst v63  }
0x40: {  	s16 =	sadd.s32 $0x400, s16  }
0x41: {  	[tilespmem:s16], [sflag:$0x1] =	stream.indirect_vreg.gather [hbm:s5], $0x80, v0, vm1, $0x38;
	[tilespmem:$0x10200] =	vst v63  }
0x42: {  	s13 =	sshll.u32 s13, $0x4;
	_ =	swait.ge [sflag:s6], $0x8000  }
0x43: {  	s13 =	sadd.s32 s13, s3;
	[sflag:s6] =	ssyncset.done $0x0  }
0x44: {  	s17 =	sadd.s32 $0x0, s13;
	s16 =	simm.s32 $0x80;
	[sflag:s6] =	ssyncadd.s32 $0xFFFF8000  }
.LBB2_5:
0x45: {  	[hbm:s17] =	stream.linear.scatter [tilespmem:s14], [sflag:$0x3], $0x400, $0x38;
	[tilespmem:$0x10200] =	vst v63  }
0x46: {  	s17 =	smov.u32 s16;
	s14 =	smov.u32 s15;
	p1 =	sne.s32 s16, $0xF80  }
.Ltmp4:
0x47: {  	s16 =	sadd.s32 $0x80, s16;
	(pc) =	sbr.rel @p1 .LBB2_5-.Ltmp4, $2  }
0x48: {  	_ =	sdelay $0x2  }
0x49: {  	s15 =	sadd.s32 $0x400, s15;
	s17 =	sadd.s32 s17, s13  }
.Ltmp5:
0x4a: {  	_ = 	snop;
	(pc) =	sbr.rel .LBB2_6-.Ltmp5, $1  }
0x4b: {  	_ =	sdelay $0x3  }
.LBB2_8:
0x4c: {  	_ =	sfence.sel $0x180000  }
0x4d: {  	s2 =	simm.s32 $0x2;
	[bflag:$0x0] =	sbarrier.arrive $0xFFFF  }
0x4e: {  	s30 =	simm.s32 $0x3;
	[sflag:s2] =	ssyncpa.u1 $0x1  }
0x4f: {  	s31 =	simm.s32 $0x1;
	[sflag:s30] =	ssyncpa.u1 $0x1  }
0x50: {  	[sflag:s31] =	ssyncpa.u1 $0x1  }
0x51: {  	p0 =	sne.s32 s0, $0x0;
	_ =	strace $0x9000004D  }
0x52: {  	s0 =	sadd.s32 @!p0 $0x100000, s1;
	[bflag:$0x2] =	sbarrier.arrive $0xFFFF  }
0x53: {  	[sflag:s0] =	ssyncadd.tile.s32 @!p0 $0x1;
	_ =	shalt  }
.Lfunc_end2:
_tile_overlayer_lowered:
.L_overlay_start_2:
0x54: {  	(tag) =	ssettag $0x2  }
0x55: {  	s0 =	rddreg [dreg:$0x0];
	s2 =	stileid.u32  }
0x56: {  	s1 =	rddreg [dreg:$0x1];
	p0 =	sne.s32 s2, $0x0  }
0x57: {  	s3 =	rddreg [dreg:$0x2];
	[bflag:$0x3] =	sbarrier.arrive $0xFFFF;
	s2 =	simm.s32 @!p0 $0x1C01  }
0x58: {  	[timem:s3], [sflag:s2] =	dma.local @!p0 [hbm:s0], s1  }
0x59: {  	s0 =	simm.s32 @!p0 $0x1  }
0x5a: {  	_ =	swait.ge @!p0 [sflag:s0], s1  }
0x5b: {  	s1 =	ssub.s32 @!p0 $0x0, s1;
	[sflag:s0] =	ssyncset.done @!p0 $0x0  }
0x5c: {  	[sflag:s0] =	ssyncadd.s32 @!p0 s1  }
0x5d: {  	[bflag:$0x3] =	sbarrier.arrive $0xFFFF  }
0x5e: {  	_ =	shalt  }

// kernel: gather_offload_async_start.3
scs
__scs_entry_jumppad:
0x0: {  	(pc) =	sbr.rel $0x88, $3  }
0x1: {  	(tag) =	ssettag $0x0;
	lr =	simm.s32 $0x1  }
0x2: {  	[smem:$0x3F97] =	sst lr;
	_ =	strace $0xD0000000  }
0x3: {  	_ = 	snop  }
0x4: {  	_ = 	snop  }
0x5: {  	_ = 	snop  }
0x6: {  	_ = 	snop  }
0x7: {  	_ = 	snop  }
__scs_overlays_trampoline_lowered:
0x8: {  	[smem:$0x3FA6] =	sst s0  }
0x9: {  	[smem:$0x3FA7] =	sst s1  }
0xa: {  	[smem:$0x3FA8] =	sst s2  }
0xb: {  	[smem:$0x3FA9] =	sst s3  }
0xc: {  	[smem:$0x3FAA] =	sst s4  }
0xd: {  	[smem:$0x3FAB] =	sst s5  }
0xe: {  	[smem:$0x3FAC] =	sst s6  }
0xf: {  	[smem:$0x3FAD] =	sst s7  }
0x10: {  	[smem:$0x3FAE] =	sst s8  }
0x11: {  	[smem:$0x3FAF] =	sst s9;
	s0 =	simm.s32 @!p0 $0x0  }
0x12: {  	s1 =	sld [smem:$0x3F95];
	s0 =	simm.s32 @p0 $0x1  }
0x13: {  	[smem:$0x3FB0] =	sst s0;
	s0 =	simm.s32 @!p1 $0x0  }
0x14: {  	s2 =	sld [smem:$0x3F94];
	s0 =	simm.s32 @p1 $0x1  }
0x15: {  	[smem:$0x3FB1] =	sst s0;
	s0 =	simm.s32 @!p2 $0x0  }
0x16: {  	s3 =	sld [smem:$0x3FDB];
	s0 =	simm.s32 @p2 $0x1  }
0x17: {  	s4 =	simm.s32 $0x1BF5;
	[smem:$0x3FB3] =	sst s0  }
0x18: {  	s0 =	sld [smem:$0x3F96];
	_ =	swait.ge [sflag:s4], $0x0  }
0x19: {  	s7 =	sld [smem:$0x3F97]  }
0x1a: {  	s8 =	sadd.s32 $0xFFFFE003, lr  }
0x1b: {  	s9 =	sadd.s32 $0xFFFFFEF7, lr;
	s5 =	simm.s32 $0xFFFFFFFF;
	p2 =	slt.u32 s8, $0xFFFFF086  }
0x1c: {  	p1 =	slt.u32 s9, $0xF7A;
	s5 =	simm.s32 @!p2 $0x0  }
0x1d: {  	s5 =	simm.s32 @p1 $0x1;
	p0 =	seq.s32 s7, s2  }
0x1e: {  	s7 =	smul.u32 @!p0 $0xF7A, s2;
	p2 =	seq.s32 @!p0 s5, $0x0  }
0x1f: {  	s9 =	smul.u32 $0xF7A, s1;
	s8 =	simm.s32 @!p0 $0x1BF5;
	p2 =	por !p2, p0  }
0x20: {  	[sflag:s8] =	ssyncset.s32 @!p0 $0xFFFFF086;
	s6 =	sadd.s32 @!p0 s3, s7;
	s7 =	simm.s32 @!p0 $0x108  }
0x21: {  	s3 =	sadd.s32 s3, s9;
	s6 =	sadd.s32 @!p0 $0x88, s6;
	s7 =	simm.s32 @p2 $0x1082  }
0x22: {  	[simem:s7], [sflag:s8] =	dma.local @!p0 [hbm:s6], $0xF7A  }
0x23: {  	s9 =	sor.u32 $0xD0000000, s2;
	s6 =	simm.s32 $0x108;
	_ =	swait.ge @!p0 [sflag:s8], $0x0  }
0x24: {  	s3 =	sadd.s32 $0x88, s3;
	s6 =	simm.s32 @!p1 $0x1082;
	[sflag:s4] =	ssyncset.s32 $0xFFFFF086  }
0x25: {  	[simem:s6], [sflag:s4] =	dma.local [hbm:s3], $0xF7A  }
0x26: {  	[smem:$0x3F97] =	sst s1;
	(tag) =	ssettag s2;
	_ =	strace s9  }
0x27: {  	s1 =	sld [smem:$0x3FA7]  }
0x28: {  	s2 =	sld [smem:$0x3FA8]  }
0x29: {  	s4 =	sld [smem:$0x3FAA]  }
0x2a: {  	p0 =	seq.s32 s5, $0x0;
	s5 =	sld [smem:$0x3FAB]  }
0x2b: {  	s6 =	sld [smem:$0x3FAC]  }
0x2c: {  	s7 =	sld [smem:$0x3FAD]  }
0x2d: {  	s3 =	simm.s32 $0x108;
	s8 =	sld [smem:$0x3FAE]  }
0x2e: {  	s3 =	simm.s32 @!p0 $0x1082;
	s9 =	sld [smem:$0x3FAF]  }
0x2f: {  	lr =	sadd.s32 s0, s3;
	s0 =	sld [smem:$0x3FA6]  }
0x30: {  	s3 =	sld [smem:$0x3FA9]  }
0x31: {  	[smem:$0x3FB2] =	sst s10  }
0x32: {  	s10 =	sld [smem:$0x3FB0];
	_ =	sdelay $0x3  }
0x33: {  	p0 =	seq.s32 s10, $0x1;
	s10 =	sld [smem:$0x3FB2];
	_ =	sdelay $0x3  }
0x34: {  	[smem:$0x3FB2] =	sst s10  }
0x35: {  	s10 =	sld [smem:$0x3FB1];
	_ =	sdelay $0x3  }
0x36: {  	p1 =	seq.s32 s10, $0x1;
	s10 =	sld [smem:$0x3FB2];
	_ =	sdelay $0x3  }
0x37: {  	[smem:$0x3FB2] =	sst s10  }
0x38: {  	s10 =	sld [smem:$0x3FB3]  }
0x39: {  	_ = 	snop;
	(pc) =	sbr.ind lr, $3  }
0x3a: {  	_ = 	snop  }
0x3b: {  	_ = 	snop  }
0x3c: {  	p2 =	seq.s32 s10, $0x1;
	s10 =	sld [smem:$0x3FB2]  }
0x3d: {  	_ =	shalt  }
0x3e: {  	_ =	shalt  }
0x3f: {  	_ =	shalt  }
0x40: {  	_ =	shalt  }
0x41: {  	_ =	shalt  }
0x42: {  	_ =	shalt  }
0x43: {  	_ =	shalt  }
0x44: {  	_ =	shalt  }
0x45: {  	_ =	shalt  }
0x46: {  	_ =	shalt  }
0x47: {  	_ =	shalt  }
0x48: {  	_ =	shalt  }
0x49: {  	_ =	shalt  }
0x4a: {  	_ =	shalt  }
0x4b: {  	_ =	shalt  }
0x4c: {  	_ =	shalt  }
0x4d: {  	_ =	shalt  }
0x4e: {  	_ =	shalt  }
0x4f: {  	_ =	shalt  }
0x50: {  	_ =	shalt  }
0x51: {  	_ =	shalt  }
0x52: {  	_ =	shalt  }
0x53: {  	_ =	shalt  }
0x54: {  	_ =	shalt  }
0x55: {  	_ =	shalt  }
0x56: {  	_ =	shalt  }
0x57: {  	_ =	shalt  }
0x58: {  	_ =	shalt  }
0x59: {  	_ =	shalt  }
0x5a: {  	_ =	shalt  }
0x5b: {  	_ =	shalt  }
0x5c: {  	_ =	shalt  }
0x5d: {  	_ =	shalt  }
0x5e: {  	_ =	shalt  }
0x5f: {  	_ =	shalt  }
0x60: {  	_ =	shalt  }
0x61: {  	_ =	shalt  }
0x62: {  	_ =	shalt  }
0x63: {  	_ =	shalt  }
0x64: {  	_ =	shalt  }
0x65: {  	_ =	shalt  }
0x66: {  	_ =	shalt  }
0x67: {  	_ =	shalt  }
0x68: {  	_ =	shalt  }
0x69: {  	_ =	shalt  }
0x6a: {  	_ =	shalt  }
0x6b: {  	_ =	shalt  }
0x6c: {  	_ =	shalt  }
0x6d: {  	_ =	shalt  }
0x6e: {  	_ =	shalt  }
0x6f: {  	_ =	shalt  }
0x70: {  	_ =	shalt  }
0x71: {  	_ =	shalt  }
0x72: {  	_ =	shalt  }
0x73: {  	_ =	shalt  }
0x74: {  	_ =	shalt  }
0x75: {  	_ =	shalt  }
0x76: {  	_ =	shalt  }
0x77: {  	_ =	shalt  }
0x78: {  	_ =	shalt  }
0x79: {  	_ =	shalt  }
0x7a: {  	_ =	shalt  }
0x7b: {  	_ =	shalt  }
0x7c: {  	_ =	shalt  }
0x7d: {  	_ =	shalt  }
0x7e: {  	_ =	shalt  }
0x7f: {  	_ =	shalt  }
0x80: {  	_ =	shalt  }
0x81: {  	_ =	shalt  }
0x82: {  	_ =	shalt  }
0x83: {  	_ =	shalt  }
0x84: {  	_ =	shalt  }
0x85: {  	_ =	shalt  }
0x86: {  	_ =	shalt  }
0x87: {  	_ =	shalt  }
.Lfunc_end0:
.L_simem_size_0:
called_computation.3_lowered:
.L_overlay_start_0:
0x88: {  	s2 =	sld [smem:$0x3FD9]  }
0x89: {  	s3 =	sld [smem:$0x3FFE];
	_ =	sdelay $0x1  }
0x8a: {  	s1 =	srdreg.scid  }
0x8b: {  	s0 =	sand.u32 $0x1, s1  }
0x8c: {  	s17 =	sshll.u32 s0, $0xA;
	s2 =	sadd.s32 s3, s2  }
0x8d: {  	s2 =	sadd.s32 s2, s17  }
0x8e: {  	[smem:$0x3FBE] =	sst s2  }
0x8f: {  	_ = 	snop  }
0x90: {  	(tm) =	ssettm $0x1  }
0x91: {  	s18 =	sld [smem:$0x3FFB];
	_ =	sdelay $0x3  }
0x92: {  	_ =	strace s18  }
0x93: {  	s2 =	sld [smem:$0x3FFC];
	_ =	sdelay $0x3  }
0x94: {  	_ =	strace s2  }
0x95: {  	s2 =	sld [smem:$0x3FFD];
	_ =	sdelay $0x3  }
0x96: {  	_ =	strace s2  }
0x97: {  	_ =	strace $0x8FFFFFFF  }
0x98: {  	s19 =	sld [smem:$0x3FDB];
	_ =	sdelay $0x1  }
0x99: {  	s20 =	simm.s32 $_scs_section_size  }
0x9a: {  	s4 =	simm.s32 $_size__tile_overlayer_lowered;
	s5 =	simm.s32 $_tile_overlayer_lowered  }
0x9b: {  	s6 =	simm.s32 $0x1BFF;
	s21 =	sshll.u32 s5, $0x1;
	s3 =	sadd.s32 s20, s19  }
0x9c: {  	s22 =	simm.s32 $0x0;
	s4 =	sshll.u32 s4, $0x1;
	s5 =	sadd.s32 s21, s3  }
0x9d: {  	[timem:s22], [sflag:s6] =	dma.local [hbm:s5], s4  }
0x9e: {  	_ =	swait.ge [sflag:s6], s4  }
0x9f: {  	s4 =	ssub.s32 $0x0, s4;
	[sflag:s6] =	ssyncset.done $0x0  }
0xa0: {  	[sflag:s6] =	ssyncadd.s32 s4;
	_ =	sdelay $0x1  }
0xa1: {  	s23 =	simm.s32 $0x1B8B  }
0xa2: {  	_ =	swait.ge [sflag:s23], $0x1  }
0xa3: {  	[sflag:s23] =	ssyncset.done $0x0  }
0xa4: {  	[sflag:s23] =	ssyncadd.s32 $0xFFFFFFFF  }
0xa5: {  	s4 =	sld [smem:$0x0]  }
0xa6: {  	s5 =	sand.u32 $0xFFFFFFFE, s1  }
0xa7: {  	p0 =	sne.s32 s1, s5  }
0xa8: {  	s5 =	sshll.u32 @p0 s5, $0xE  }
0xa9: {  	s5 =	sadd.s32 @p0 $0x11B8D, s5;
	s6 =	sshll.u32 @p0 s4, $0x11  }
0xaa: {  	s5 =	sor.u32 @p0 s6, s5  }
0xab: {  	[sflag:s5] =	ssyncadd.remote.s32 @p0 $0x1;
	_ =	sdelay $0x1  }
0xac: {  	s5 =	simm.s32 @p0 $0x1B8D  }
0xad: {  	_ =	swait.eq @p0 [sflag:s5], $0x1  }
0xae: {  	[sflag:s5] =	ssyncadd.s32 @p0 $0xFFFFFFFF  }
0xaf: {  	s6 =	sshll.u32 @!p0 s1, $0xE  }
0xb0: {  	s6 =	sor.u32 @!p0 $0x4000, s6;
	s5 =	simm.s32 @!p0 $0x1B8D  }
0xb1: {  	s4 =	sshll.u32 @!p0 s4, $0x11;
	s6 =	sadd.s32 @!p0 $0x11B8D, s6;
	_ =	swait.eq @!p0 [sflag:s5], $0x1  }
0xb2: {  	s4 =	sor.u32 @!p0 s4, s6;
	[sflag:s5] =	ssyncadd.s32 @!p0 $0xFFFFFFFF  }
0xb3: {  	s25 =	simm.s32 $0x1B8E;
	s24 =	sld [smem:$0x3FFE];
	[sflag:s4] =	ssyncadd.remote.s32 @!p0 $0x1  }
0xb4: {  	s26 =	simm.s32 $execute0_lowered;
	[smem:$0x3FD2] =	sst s25  }
0xb5: {  	s5 =	sshll.u32 s26, $0x1;
	_ =	strace $0x8000004F;
	[dreg:$0x1] =	wrdreg $0xFFFFFFFF  }
0xb6: {  	s28 =	simm.s32 $_size_execute0_lowered;
	s3 =	sadd.s32 s3, s5;
	[dreg:$0x0] =	wrdreg $0x0  }
0xb7: {  	s5 =	sshll.u32 s28, $0x1;
	[dreg:$0x2] =	wrdreg s3  }
0xb8: {  	[dreg:$0x3] =	wrdreg s5  }
0xb9: {  	[dreg:$0x4] =	wrdreg $0xC0  }
0xba: {  	_ =	task [dreg:s22], $0x5FFFF  }
0xbb: {  	[dreg:$0x1] =	wrdreg $0xFFFFFFFF  }
0xbc: {  	[dreg:$0x0] =	wrdreg $0x60  }
0xbd: {  	[dreg:$0x2] =	wrdreg s24  }
0xbe: {  	[dreg:$0x3] =	wrdreg $0xC  }
0xbf: {  	_ =	task.clear_ibuf [dreg:s22], $0x4FFFF;
	_ =	strace $0x9000004F  }
0xc0: {  	s29 =	simm.s32 $0xC;
	_ =	strace $0x80000051  }
0xc1: {  	_ =	swait.ge [sflag:s29], $0x1  }
0xc2: {  	[sflag:s29] =	ssyncadd.s32 $0xFFFFFFFF  }
0xc3: {  	_ =	strace $0x90000051  }
0xc4: {  	_ =	sfence  }
0xc5: {  	s30 =	sld [smem:$0x0];
	_ =	sdelay $0x2  }
0xc6: {  	s31 =	sshll.u32 s1, $0xD;
	s1 =	sshrl.u32 s1, $0x2  }
0xc7: {  	s4 =	sand.u32 $0x4000, s31;
	s1 =	sadd.s32 s1, s30  }
0xc8: {  	s0 =	sor.u32 s4, s0;
	s1 =	sshll.u32 s1, $0x11  }
0xc9: {  	s0 =	sor.u32 s1, s0  }
0xca: {  	s0 =	sadd.s32 $0x8F2B, s0  }
0xcb: {  	[sflag:s0] =	ssyncadd.remote.s32 $0x1  }
0xcc: {  	_ =	sfence.sel $0xFFFF  }
0xcd: {  	[dreg:$0x0] =	wrdreg $0xFFFFFFFF;
	(pc) =	sbr.abs _section_cstart, $3  }
0xce: {  	[dreg:$0x1] =	wrdreg $0xFFFFFFFF  }
0xcf: {  	_ =	task.clear_ibuf [dreg:s22], $0x2FFFF;
	_ =	strace $0x9FFFFFFF  }
0xd0: {  	(tm) =	ssettm $0x7FFFFFFF  }
0xd1: {  	_ =	shalt  }
tec
execute0_lowered:
.L_overlay_start_1:
0x0: {  	(tag) =	ssettag $0x1  }
0x1: {  	s7 =	rddreg [dreg:$0x0]  }
0x2: {  	s1 =	srdreg.scid;
	s0 =	rddreg [dreg:$0x1]  }
0x3: {  	_ =	strace $0x80000050;
	s3 =	simm.s32 $0x1;
	s5 =	simm.s32 $0x2  }
0x4: {  	s9 =	simm.s32 $0x3;
	s11 =	simm.s32 $0x0;
	s2 =	sshll.u32 s1, $0x4  }
.Ltmp0:
0x5: {  	s1 =	stileid.u32;
	s4 =	sand.u32 $0x10, s2;
	(pc) =	sbr.rel .LBB2_1-.Ltmp0, $4  }
0x6: {  	p0 =	por $0x0, $0x0;
	[sflag:s3] =	ssyncpa.u1 $0x0;
	s4 =	sor.u32 s1, s4  }
0x7: {  	s6 =	sadd.s32 $0xC4800, s7;
	[sflag:s5] =	ssyncpa.u1 $0x0;
	s4 =	smul.u32 $0x300, s4  }
0x8: {  	s2 =	sadd.s32 $0x1800, s7;
	s7 =	sadd.s32 $0xC5400, s7;
	[sflag:s9] =	ssyncpa.u1 $0x0  }
0x9: {  	vm0 =	vmmov $0xff;
	vm1 =	vcmask $0x3F20;
	s9 =	simm.s32 $0x0;
	s8 =	sadd.s32 $0x300, s4;
	s10 =	smov.u32 s4  }
.LBB2_6:
0xa: {  	[hbm:s15] =	stream.linear.scatter [tilespmem:s12], [sflag:$0x3], $0x400, $0x38;
	[tilespmem:$0x18300] =	vst v63  }
.LBB2_7:
0xb: {  	p1 =	slt.u32 s9, $0x2;
	s11 =	sadd.s32 $0x180, s10  }
0xc: {  	s13 =	smov.u32 s4;
	s9 =	sadd.s32 $0x1, s9;
	p2 =	slt.s32 s11, s8  }
0xd: {  	s13 =	smov.u32 @p2 s11;
	p2 =	sne.s32 s9, $0x4  }
.Ltmp1:
0xe: {  	_ = 	snop;
	(pc) =	sbr.rel @!p2 .LBB2_8-.Ltmp1, $4  }
0xf: {  	s12 =	simm.s32 @!p1 $0x3  }
0x10: {  	_ =	swait.ge @!p1 [sflag:s12], $0xC000  }
0x11: {  	p0 =	por !p0, !p0;
	[sflag:s12] =	ssyncset.done @!p1 $0x0  }
0x12: {  	s11 =	smov.u32 s10;
	s10 =	smov.u32 s13;
	[sflag:s12] =	ssyncadd.s32 @!p1 $0xFFFF4000  }
.LBB2_1:
0x13: {  	p1 =	sgt.u32 s9, $0x1  }
0x14: {  	s12 =	sxor.u32 @!p1 $0x1, s9  }
0x15: {  	s12 =	smul.u32 @!p1 $0x600, s12  }
0x16: {  	s31 =	sadd.s32 $0xFFFFFFFF, s9;
	s13 =	sshrl.u32 @!p1 s10, $0x3  }
0x17: {  	s14 =	sand.u32 @!p1 $0x7, s10;
	s13 =	sadd.s32 @!p1 s6, s13;
	s12 =	sshra.s32 @!p1 s12, $0x2  }
0x18: {  	[tilespmem:s12], [sflag:$0x2] =	stream.linear.gather @!p1 [hbm4b:s13+s14], $0x180, $0x38;
	[tilespmem:$0x18300] =	vst v63  }
0x19: {  	p1 =	sgt.u32 s31, $0x1  }
.Ltmp2:
0x1a: {  	_ = 	snop;
	(pc) =	sbr.rel @p1 .LBB2_7-.Ltmp2, $1  }
0x1b: {  	_ =	sdelay $0x3  }
0x1c: {  	s12 =	simm.s32 $0x1  }
0x1d: {  	s12 =	simm.s32 @!p0 $0x0  }
0x1e: {  	s13 =	smul.u32 $0x600, s12  }
0x1f: {  	_ =	swait.ge [sflag:s5], $0x180  }
0x20: {  	[sflag:s5] =	ssyncset.done $0x0;
	s14 =	sshrl.u32 s13, $0x2  }
0x21: {  	[sflag:s5] =	ssyncadd.s32 $0xFFFFFE80;
	s13 =	sadd.s32 $0x0, s14  }
0x22: {  	v0 =	vld.msk [tilespmem:s13+$0x0 ss:$0x1], $0xffff;
	_ =	sdelay $0x4  }
0x23: {  	vm2 =	vgt.s32 v0, $0x0  }
0x24: {  	v0 =	vnsel vm2, $0x0, v0  }
0x25: {  	v0 =	vmin.u32 v0, $0x38CC  }
0x26: {  	v0 =	vshll.u32 v0, $0x4  }
0x27: {  	s12 =	smul.u32 $0x30000, s12;
	_ =	sdelay $0x1  }
0x28: {  	s12 =	sshrl.u32 s12, $0x2  }
0x29: {  	s12 =	sor.u32 $0x300, s12  }
0x2a: {  	[tilespmem:s12], [sflag:$0x1] =	stream.indirect_vreg.gather [hbm:s2], $0x80, v0, vm0, $0x38;
	[tilespmem:$0x18300] =	vst v63  }
0x2b: {  	s15 =	sadd.s32 $0x10, s14;
	s13 =	sadd.s32 $0x400, s12  }
0x2c: {  	[tilespmem:s13], [sflag:$0x1] =	stream.indirect_vreg.gather [hbm:s2], $0x80, v0, vm1, $0x38;
	[tilespmem:$0x18300] =	vst v63  }
0x2d: {  	s16 =	simm.s32 $0x80;
	v0 =	vld.msk [tilespmem:s15+$0x0 ss:$0x1], $0xffff;
	s15 =	smov.u32 s12  }
.LBB2_3:
0x2e: {  	p1 =	sne.s32 s16, $0x5C0;
	_ =	sdelay $0x4  }
0x2f: {  	vm2 =	vgt.s32 v0, $0x0  }
0x30: {  	v0 =	vnsel vm2, $0x0, v0  }
0x31: {  	v0 =	vmin.u32 v0, $0x38CC  }
0x32: {  	v0 =	vshll.u32 v0, $0x4;
	_ =	sdelay $0x3  }
.Ltmp3:
0x33: {  	s17 =	sshra.s32 s16, $0x2;
	s15 =	sadd.s32 $0x800, s15;
	(pc) =	sbr.rel @p1 .LBB2_3-.Ltmp3, $4  }
0x34: {  	[tilespmem:s15], [sflag:$0x1] =	stream.indirect_vreg.gather [hbm:s2], $0x80, v0, vm0, $0x38;
	[tilespmem:$0x18300] =	vst v63  }
0x35: {  	s17 =	sadd.s32 s17, s14;
	s18 =	sadd.s32 $0x400, s15  }
0x36: {  	[tilespmem:s18], [sflag:$0x1] =	stream.indirect_vreg.gather [hbm:s2], $0x80, v0, vm1, $0x38;
	[tilespmem:$0x18300] =	vst v63  }
0x37: {  	s16 =	sadd.s32 $0x40, s16;
	v0 =	vld.msk [tilespmem:s17+$0x0 ss:$0x1], $0xffff  }
0x38: {  	_ =	sdelay $0x3  }
0x39: {  	vm2 =	vgt.s32 v0, $0x0  }
0x3a: {  	v0 =	vnsel vm2, $0x0, v0  }
0x3b: {  	v0 =	vmin.u32 v0, $0x38CC  }
0x3c: {  	v0 =	vshll.u32 v0, $0x4;
	_ =	sdelay $0x3  }
0x3d: {  	s14 =	sadd.s32 $0x800, s15  }
0x3e: {  	[tilespmem:s14], [sflag:$0x1] =	stream.indirect_vreg.gather [hbm:s2], $0x80, v0, vm0, $0x38;
	[tilespmem:$0x18300] =	vst v63  }
0x3f: {  	s14 =	sadd.s32 $0x400, s14  }
0x40: {  	[tilespmem:s14], [sflag:$0x1] =	stream.indirect_vreg.gather [hbm:s2], $0x80, v0, vm1, $0x38;
	[tilespmem:$0x18300] =	vst v63  }
0x41: {  	s11 =	sshll.u32 s11, $0x4;
	_ =	swait.ge [sflag:s3], $0xC000  }
0x42: {  	s11 =	sadd.s32 s11, s7;
	[sflag:s3] =	ssyncset.done $0x0  }
0x43: {  	s15 =	sadd.s32 $0x0, s11;
	s14 =	simm.s32 $0x80;
	[sflag:s3] =	ssyncadd.s32 $0xFFFF4000  }
.LBB2_5:
0x44: {  	[hbm:s15] =	stream.linear.scatter [tilespmem:s12], [sflag:$0x3], $0x400, $0x38;
	[tilespmem:$0x18300] =	vst v63  }
0x45: {  	s15 =	smov.u32 s14;
	s12 =	smov.u32 s13;
	p1 =	sne.s32 s14, $0x1780  }
.Ltmp4:
0x46: {  	s14 =	sadd.s32 $0x80, s14;
	(pc) =	sbr.rel @p1 .LBB2_5-.Ltmp4, $2  }
0x47: {  	_ =	sdelay $0x2  }
0x48: {  	s13 =	sadd.s32 $0x400, s13;
	s15 =	sadd.s32 s15, s11  }
.Ltmp5:
0x49: {  	_ = 	snop;
	(pc) =	sbr.rel .LBB2_6-.Ltmp5, $1  }
0x4a: {  	_ =	sdelay $0x3  }
.LBB2_8:
0x4b: {  	_ =	sfence.sel $0x180000  }
0x4c: {  	s2 =	simm.s32 $0x2;
	[bflag:$0x0] =	sbarrier.arrive $0xFFFF  }
0x4d: {  	s30 =	simm.s32 $0x3;
	[sflag:s2] =	ssyncpa.u1 $0x1  }
0x4e: {  	s31 =	simm.s32 $0x1;
	[sflag:s30] =	ssyncpa.u1 $0x1  }
0x4f: {  	[sflag:s31] =	ssyncpa.u1 $0x1  }
0x50: {  	p0 =	sne.s32 s1, $0x0;
	_ =	strace $0x90000050  }
0x51: {  	s0 =	sadd.s32 @!p0 $0x100000, s0;
	[bflag:$0x2] =	sbarrier.arrive $0xFFFF  }
0x52: {  	[sflag:s0] =	ssyncadd.tile.s32 @!p0 $0x1;
	_ =	shalt  }
.Lfunc_end2:
_tile_overlayer_lowered:
.L_overlay_start_2:
0x53: {  	(tag) =	ssettag $0x2  }
0x54: {  	s0 =	rddreg [dreg:$0x0];
	s2 =	stileid.u32  }
0x55: {  	s1 =	rddreg [dreg:$0x1];
	p0 =	sne.s32 s2, $0x0  }
0x56: {  	s3 =	rddreg [dreg:$0x2];
	[bflag:$0x3] =	sbarrier.arrive $0xFFFF;
	s2 =	simm.s32 @!p0 $0x1C01  }
0x57: {  	[timem:s3], [sflag:s2] =	dma.local @!p0 [hbm:s0], s1  }
0x58: {  	s0 =	simm.s32 @!p0 $0x1  }
0x59: {  	_ =	swait.ge @!p0 [sflag:s0], s1  }
0x5a: {  	s1 =	ssub.s32 @!p0 $0x0, s1;
	[sflag:s0] =	ssyncset.done @!p0 $0x0  }
0x5b: {  	[sflag:s0] =	ssyncadd.s32 @!p0 s1  }
0x5c: {  	[bflag:$0x3] =	sbarrier.arrive $0xFFFF  }
0x5d: {  	_ =	shalt  }

// kernel: gather_offload_async_start
scs
__scs_entry_jumppad:
0x0: {  	(pc) =	sbr.rel $0x88, $3  }
0x1: {  	(tag) =	ssettag $0x0;
	lr =	simm.s32 $0x1  }
0x2: {  	[smem:$0x3F97] =	sst lr;
	_ =	strace $0xD0000000  }
0x3: {  	_ = 	snop  }
0x4: {  	_ = 	snop  }
0x5: {  	_ = 	snop  }
0x6: {  	_ = 	snop  }
0x7: {  	_ = 	snop  }
__scs_overlays_trampoline_lowered:
0x8: {  	[smem:$0x3FA6] =	sst s0  }
0x9: {  	[smem:$0x3FA7] =	sst s1  }
0xa: {  	[smem:$0x3FA8] =	sst s2  }
0xb: {  	[smem:$0x3FA9] =	sst s3  }
0xc: {  	[smem:$0x3FAA] =	sst s4  }
0xd: {  	[smem:$0x3FAB] =	sst s5  }
0xe: {  	[smem:$0x3FAC] =	sst s6  }
0xf: {  	[smem:$0x3FAD] =	sst s7  }
0x10: {  	[smem:$0x3FAE] =	sst s8  }
0x11: {  	[smem:$0x3FAF] =	sst s9;
	s0 =	simm.s32 @!p0 $0x0  }
0x12: {  	s1 =	sld [smem:$0x3F95];
	s0 =	simm.s32 @p0 $0x1  }
0x13: {  	[smem:$0x3FB0] =	sst s0;
	s0 =	simm.s32 @!p1 $0x0  }
0x14: {  	s2 =	sld [smem:$0x3F94];
	s0 =	simm.s32 @p1 $0x1  }
0x15: {  	[smem:$0x3FB1] =	sst s0;
	s0 =	simm.s32 @!p2 $0x0  }
0x16: {  	s3 =	sld [smem:$0x3FDB];
	s0 =	simm.s32 @p2 $0x1  }
0x17: {  	s4 =	simm.s32 $0x1BF5;
	[smem:$0x3FB3] =	sst s0  }
0x18: {  	s0 =	sld [smem:$0x3F96];
	_ =	swait.ge [sflag:s4], $0x0  }
0x19: {  	s7 =	sld [smem:$0x3F97]  }
0x1a: {  	s8 =	sadd.s32 $0xFFFFE003, lr  }
0x1b: {  	s9 =	sadd.s32 $0xFFFFFEF7, lr;
	s5 =	simm.s32 $0xFFFFFFFF;
	p2 =	slt.u32 s8, $0xFFFFF086  }
0x1c: {  	p1 =	slt.u32 s9, $0xF7A;
	s5 =	simm.s32 @!p2 $0x0  }
0x1d: {  	s5 =	simm.s32 @p1 $0x1;
	p0 =	seq.s32 s7, s2  }
0x1e: {  	s7 =	smul.u32 @!p0 $0xF7A, s2;
	p2 =	seq.s32 @!p0 s5, $0x0  }
0x1f: {  	s9 =	smul.u32 $0xF7A, s1;
	s8 =	simm.s32 @!p0 $0x1BF5;
	p2 =	por !p2, p0  }
0x20: {  	[sflag:s8] =	ssyncset.s32 @!p0 $0xFFFFF086;
	s6 =	sadd.s32 @!p0 s3, s7;
	s7 =	simm.s32 @!p0 $0x108  }
0x21: {  	s3 =	sadd.s32 s3, s9;
	s6 =	sadd.s32 @!p0 $0x88, s6;
	s7 =	simm.s32 @p2 $0x1082  }
0x22: {  	[simem:s7], [sflag:s8] =	dma.local @!p0 [hbm:s6], $0xF7A  }
0x23: {  	s9 =	sor.u32 $0xD0000000, s2;
	s6 =	simm.s32 $0x108;
	_ =	swait.ge @!p0 [sflag:s8], $0x0  }
0x24: {  	s3 =	sadd.s32 $0x88, s3;
	s6 =	simm.s32 @!p1 $0x1082;
	[sflag:s4] =	ssyncset.s32 $0xFFFFF086  }
0x25: {  	[simem:s6], [sflag:s4] =	dma.local [hbm:s3], $0xF7A  }
0x26: {  	[smem:$0x3F97] =	sst s1;
	(tag) =	ssettag s2;
	_ =	strace s9  }
0x27: {  	s1 =	sld [smem:$0x3FA7]  }
0x28: {  	s2 =	sld [smem:$0x3FA8]  }
0x29: {  	s4 =	sld [smem:$0x3FAA]  }
0x2a: {  	p0 =	seq.s32 s5, $0x0;
	s5 =	sld [smem:$0x3FAB]  }
0x2b: {  	s6 =	sld [smem:$0x3FAC]  }
0x2c: {  	s7 =	sld [smem:$0x3FAD]  }
0x2d: {  	s3 =	simm.s32 $0x108;
	s8 =	sld [smem:$0x3FAE]  }
0x2e: {  	s3 =	simm.s32 @!p0 $0x1082;
	s9 =	sld [smem:$0x3FAF]  }
0x2f: {  	lr =	sadd.s32 s0, s3;
	s0 =	sld [smem:$0x3FA6]  }
0x30: {  	s3 =	sld [smem:$0x3FA9]  }
0x31: {  	[smem:$0x3FB2] =	sst s10  }
0x32: {  	s10 =	sld [smem:$0x3FB0];
	_ =	sdelay $0x3  }
0x33: {  	p0 =	seq.s32 s10, $0x1;
	s10 =	sld [smem:$0x3FB2];
	_ =	sdelay $0x3  }
0x34: {  	[smem:$0x3FB2] =	sst s10  }
0x35: {  	s10 =	sld [smem:$0x3FB1];
	_ =	sdelay $0x3  }
0x36: {  	p1 =	seq.s32 s10, $0x1;
	s10 =	sld [smem:$0x3FB2];
	_ =	sdelay $0x3  }
0x37: {  	[smem:$0x3FB2] =	sst s10  }
0x38: {  	s10 =	sld [smem:$0x3FB3]  }
0x39: {  	_ = 	snop;
	(pc) =	sbr.ind lr, $3  }
0x3a: {  	_ = 	snop  }
0x3b: {  	_ = 	snop  }
0x3c: {  	p2 =	seq.s32 s10, $0x1;
	s10 =	sld [smem:$0x3FB2]  }
0x3d: {  	_ =	shalt  }
0x3e: {  	_ =	shalt  }
0x3f: {  	_ =	shalt  }
0x40: {  	_ =	shalt  }
0x41: {  	_ =	shalt  }
0x42: {  	_ =	shalt  }
0x43: {  	_ =	shalt  }
0x44: {  	_ =	shalt  }
0x45: {  	_ =	shalt  }
0x46: {  	_ =	shalt  }
0x47: {  	_ =	shalt  }
0x48: {  	_ =	shalt  }
0x49: {  	_ =	shalt  }
0x4a: {  	_ =	shalt  }
0x4b: {  	_ =	shalt  }
0x4c: {  	_ =	shalt  }
0x4d: {  	_ =	shalt  }
0x4e: {  	_ =	shalt  }
0x4f: {  	_ =	shalt  }
0x50: {  	_ =	shalt  }
0x51: {  	_ =	shalt  }
0x52: {  	_ =	shalt  }
0x53: {  	_ =	shalt  }
0x54: {  	_ =	shalt  }
0x55: {  	_ =	shalt  }
0x56: {  	_ =	shalt  }
0x57: {  	_ =	shalt  }
0x58: {  	_ =	shalt  }
0x59: {  	_ =	shalt  }
0x5a: {  	_ =	shalt  }
0x5b: {  	_ =	shalt  }
0x5c: {  	_ =	shalt  }
0x5d: {  	_ =	shalt  }
0x5e: {  	_ =	shalt  }
0x5f: {  	_ =	shalt  }
0x60: {  	_ =	shalt  }
0x61: {  	_ =	shalt  }
0x62: {  	_ =	shalt  }
0x63: {  	_ =	shalt  }
0x64: {  	_ =	shalt  }
0x65: {  	_ =	shalt  }
0x66: {  	_ =	shalt  }
0x67: {  	_ =	shalt  }
0x68: {  	_ =	shalt  }
0x69: {  	_ =	shalt  }
0x6a: {  	_ =	shalt  }
0x6b: {  	_ =	shalt  }
0x6c: {  	_ =	shalt  }
0x6d: {  	_ =	shalt  }
0x6e: {  	_ =	shalt  }
0x6f: {  	_ =	shalt  }
0x70: {  	_ =	shalt  }
0x71: {  	_ =	shalt  }
0x72: {  	_ =	shalt  }
0x73: {  	_ =	shalt  }
0x74: {  	_ =	shalt  }
0x75: {  	_ =	shalt  }
0x76: {  	_ =	shalt  }
0x77: {  	_ =	shalt  }
0x78: {  	_ =	shalt  }
0x79: {  	_ =	shalt  }
0x7a: {  	_ =	shalt  }
0x7b: {  	_ =	shalt  }
0x7c: {  	_ =	shalt  }
0x7d: {  	_ =	shalt  }
0x7e: {  	_ =	shalt  }
0x7f: {  	_ =	shalt  }
0x80: {  	_ =	shalt  }
0x81: {  	_ =	shalt  }
0x82: {  	_ =	shalt  }
0x83: {  	_ =	shalt  }
0x84: {  	_ =	shalt  }
0x85: {  	_ =	shalt  }
0x86: {  	_ =	shalt  }
0x87: {  	_ =	shalt  }
.Lfunc_end0:
.L_simem_size_0:
called_computation_lowered:
.L_overlay_start_0:
0x88: {  	s2 =	sld [smem:$0x3FD9]  }
0x89: {  	s3 =	sld [smem:$0x3FFE];
	_ =	sdelay $0x1  }
0x8a: {  	s1 =	srdreg.scid  }
0x8b: {  	s0 =	sand.u32 $0x1, s1  }
0x8c: {  	s16 =	sshll.u32 s0, $0xA;
	s2 =	sadd.s32 s3, s2  }
0x8d: {  	s2 =	sadd.s32 s2, s16  }
0x8e: {  	[smem:$0x3FBE] =	sst s2  }
0x8f: {  	_ = 	snop  }
0x90: {  	(tm) =	ssettm $0x1  }
0x91: {  	s17 =	sld [smem:$0x3FFB];
	_ =	sdelay $0x3  }
0x92: {  	_ =	strace s17  }
0x93: {  	s2 =	sld [smem:$0x3FFC];
	_ =	sdelay $0x3  }
0x94: {  	_ =	strace s2  }
0x95: {  	s2 =	sld [smem:$0x3FFD];
	_ =	sdelay $0x3  }
0x96: {  	_ =	strace s2  }
0x97: {  	_ =	strace $0x8FFFFFFF  }
0x98: {  	s18 =	sld [smem:$0x3FDB];
	_ =	sdelay $0x1  }
0x99: {  	s19 =	simm.s32 $_scs_section_size  }
0x9a: {  	s4 =	simm.s32 $_size__tile_overlayer_lowered;
	s5 =	simm.s32 $_tile_overlayer_lowered  }
0x9b: {  	s22 =	simm.s32 $0x1BFF;
	s21 =	sshll.u32 s5, $0x1;
	s2 =	sadd.s32 s19, s18  }
0x9c: {  	s6 =	simm.s32 $0x0;
	s20 =	sshll.u32 s4, $0x1;
	s4 =	sadd.s32 s21, s2  }
0x9d: {  	[timem:s6], [sflag:s22] =	dma.local [hbm:s4], s20  }
0x9e: {  	_ =	swait.ge [sflag:s22], s20  }
0x9f: {  	s3 =	ssub.s32 $0x0, s20;
	[sflag:s22] =	ssyncset.done $0x0  }
0xa0: {  	[sflag:s22] =	ssyncadd.s32 s3;
	_ =	sdelay $0x1  }
0xa1: {  	s23 =	simm.s32 $0x1B8B  }
0xa2: {  	_ =	swait.ge [sflag:s23], $0x1  }
0xa3: {  	[sflag:s23] =	ssyncset.done $0x0  }
0xa4: {  	s25 =	simm.s32 $0x1B8E;
	s24 =	sld [smem:$0x3FFE];
	[sflag:s23] =	ssyncadd.s32 $0xFFFFFFFF  }
0xa5: {  	s26 =	simm.s32 $execute0_lowered;
	[smem:$0x3FD2] =	sst s25  }
0xa6: {  	s4 =	sshll.u32 s26, $0x1;
	_ =	strace $0x80000046;
	[dreg:$0x1] =	wrdreg $0xFFFFFFFF  }
0xa7: {  	s28 =	simm.s32 $_size_execute0_lowered;
	s2 =	sadd.s32 s2, s4;
	[dreg:$0x0] =	wrdreg $0x0  }
0xa8: {  	s4 =	sshll.u32 s28, $0x1;
	[dreg:$0x2] =	wrdreg s2  }
0xa9: {  	[dreg:$0x3] =	wrdreg s4  }
0xaa: {  	[dreg:$0x4] =	wrdreg $0xC0  }
0xab: {  	_ =	task [dreg:s6], $0x5FFFF  }
0xac: {  	[dreg:$0x1] =	wrdreg $0xFFFFFFFF  }
0xad: {  	[dreg:$0x0] =	wrdreg $0x60  }
0xae: {  	[dreg:$0x2] =	wrdreg s24  }
0xaf: {  	[dreg:$0x3] =	wrdreg $0x9  }
0xb0: {  	_ =	task.clear_ibuf [dreg:s6], $0x4FFFF;
	_ =	strace $0x90000046  }
0xb1: {  	s29 =	simm.s32 $0x9;
	_ =	strace $0x80000048  }
0xb2: {  	_ =	swait.ge [sflag:s29], $0x1  }
0xb3: {  	[sflag:s29] =	ssyncadd.s32 $0xFFFFFFFF  }
0xb4: {  	_ =	strace $0x90000048  }
0xb5: {  	_ =	sfence  }
0xb6: {  	s30 =	sld [smem:$0x0];
	_ =	sdelay $0x2  }
0xb7: {  	s31 =	sshll.u32 s1, $0xD;
	s1 =	sshrl.u32 s1, $0x2  }
0xb8: {  	s3 =	sand.u32 $0x4000, s31;
	s1 =	sadd.s32 s1, s30  }
0xb9: {  	s0 =	sor.u32 s3, s0;
	s1 =	sshll.u32 s1, $0x11  }
0xba: {  	s0 =	sor.u32 s1, s0  }
0xbb: {  	s0 =	sadd.s32 $0x8F2B, s0  }
0xbc: {  	[sflag:s0] =	ssyncadd.remote.s32 $0x1  }
0xbd: {  	_ =	sfence.sel $0xFFFF  }
0xbe: {  	[dreg:$0x0] =	wrdreg $0xFFFFFFFF;
	(pc) =	sbr.abs _section_cstart, $3  }
0xbf: {  	[dreg:$0x1] =	wrdreg $0xFFFFFFFF  }
0xc0: {  	_ =	task.clear_ibuf [dreg:s6], $0x2FFFF;
	_ =	strace $0x9FFFFFFF  }
0xc1: {  	(tm) =	ssettm $0x7FFFFFFF  }
tec
execute0_lowered:
.L_overlay_start_1:
0x0: {  	(tag) =	ssettag $0x1  }
0x1: {  	s0 =	srdreg.scid  }
0x2: {  	s1 =	sshll.u32 s0, $0x4  }
0x3: {  	s0 =	stileid.u32;
	s1 =	sand.u32 $0x10, s1  }
0x4: {  	s1 =	sor.u32 s0, s1  }
0x5: {  	s9 =	rddreg [dreg:$0x0];
	s6 =	simm.s32 $0x1;
	s2 =	smin.u32 s1, $0x8  }
0x6: {  	p0 =	slt.u32 s1, $0x8;
	s2 =	sadd.s32 s1, s2;
	s1 =	simm.s32 $0x200  }
0x7: {  	s7 =	simm.s32 $0x2;
	s2 =	sshll.u32 s2, $0x8;
	s1 =	simm.s32 @!p0 $0x100  }
0x8: {  	s10 =	simm.s32 $0x3;
	s13 =	simm.s32 $0x0;
	s3 =	sadd.s32 s1, s2  }
0x9: {  	s12 =	simm.s32 $0x0;
	s4 =	sadd.s32 $0x1800, s9;
	s3 =	smin.u32 s3, $0x2800  }
.Ltmp0:
0xa: {  	s5 =	sadd.s32 $0xC00, s9;
	s8 =	ssub.s32 s3, s2;
	(pc) =	sbr.rel .LBB2_1-.Ltmp0, $4  }
0xb: {  	s1 =	rddreg [dreg:$0x1];
	_ =	strace $0x80000047;
	p0 =	sgt.s32 s8, $0x0  }
0xc: {  	s9 =	sadd.s32 $0x73400, s9;
	[sflag:s6] =	ssyncpa.u1 $0x0;
	s8 =	simm.s32 @!p0 $0x0  }
0xd: {  	s11 =	smov.u32 s2;
	[sflag:s7] =	ssyncpa.u1 $0x0;
	s8 =	sshrl.u32 s8, $0x8  }
0xe: {  	vm0 =	vmmov $0xff;
	vm1 =	vcmask $0x3F20;
	[sflag:s10] =	ssyncpa.u1 $0x0;
	p0 =	por $0x0, $0x0;
	s10 =	sadd.s32 $0x1, s8  }
.LBB2_6:
0xf: {  	[hbm:s17] =	stream.linear.scatter [tilespmem:s14], [sflag:$0x3], $0x400, $0x38;
	[tilespmem:$0x10200] =	vst v63  }
.LBB2_7:
0x10: {  	s13 =	sadd.s32 $0x100, s11  }
0x11: {  	s15 =	smov.u32 s2;
	p2 =	slt.s32 s13, s3  }
0x12: {  	s15 =	smov.u32 @p2 s13;
	p2 =	sne.s32 s12, s10  }
.Ltmp1:
0x13: {  	p1 =	slt.u32 s12, $0x2;
	(pc) =	sbr.rel @!p2 .LBB2_8-.Ltmp1, $4  }
0x14: {  	s14 =	simm.s32 @!p1 $0x3  }
0x15: {  	s16 =	sadd.s32 $0x1, s12;
	_ =	swait.ge @!p1 [sflag:s14], $0x8000  }
0x16: {  	p0 =	por !p0, !p0;
	s13 =	smov.u32 s11;
	[sflag:s14] =	ssyncset.done @!p1 $0x0  }
0x17: {  	s12 =	smov.u32 s16;
	s11 =	smov.u32 s15;
	[sflag:s14] =	ssyncadd.s32 @!p1 $0xFFFF8000  }
.LBB2_1:
0x18: {  	p1 =	sge.u32 s12, s8  }
0x19: {  	s14 =	sxor.u32 @!p1 $0xFFFFFFFF, s12  }
0x1a: {  	s31 =	sadd.s32 $0xFFFFFFFF, s12;
	s15 =	sshrl.u32 @!p1 s11, $0x3;
	s14 =	sshll.u32 @!p1 s14, $0x8  }
0x1b: {  	s16 =	sand.u32 @!p1 $0x7, s11;
	s15 =	sadd.s32 @!p1 s5, s15;
	s14 =	sand.u32 @!p1 $0x100, s14  }
0x1c: {  	[tilespmem:s14], [sflag:$0x2] =	stream.linear.gather @!p1 [hbm4b:s15+s16], $0x100, $0x38;
	[tilespmem:$0x10200] =	vst v63  }
0x1d: {  	p1 =	sge.u32 s31, s8  }
.Ltmp2:
0x1e: {  	_ = 	snop;
	(pc) =	sbr.rel @p1 .LBB2_7-.Ltmp2, $1  }
0x1f: {  	_ =	sdelay $0x3  }
0x20: {  	s14 =	simm.s32 $0x1  }
0x21: {  	_ =	swait.ge [sflag:s7], $0x100;
	s14 =	simm.s32 @!p0 $0x0  }
0x22: {  	[sflag:s7] =	ssyncset.done $0x0;
	s16 =	sshll.u32 s14, $0x8  }
0x23: {  	[sflag:s7] =	ssyncadd.s32 $0xFFFFFF00;
	s15 =	sadd.s32 $0x0, s16  }
0x24: {  	v0 =	vld.msk [tilespmem:s15+$0x0 ss:$0x1], $0xffff;
	_ =	sdelay $0x4  }
0x25: {  	vm2 =	vgt.s32 v0, $0x0  }
0x26: {  	v0 =	vnsel vm2, $0x0, v0  }
0x27: {  	v0 =	vmin.u32 v0, $0x38CC  }
0x28: {  	v0 =	vshll.u32 v0, $0x4;
	_ =	sdelay $0x2  }
0x29: {  	s14 =	sshll.u32 s14, $0xF  }
0x2a: {  	s14 =	sor.u32 $0x200, s14  }
0x2b: {  	[tilespmem:s14], [sflag:$0x1] =	stream.indirect_vreg.gather [hbm:s4], $0x80, v0, vm0, $0x38;
	[tilespmem:$0x10200] =	vst v63  }
0x2c: {  	s17 =	sadd.s32 $0x10, s16;
	s15 =	sadd.s32 $0x400, s14  }
0x2d: {  	[tilespmem:s15], [sflag:$0x1] =	stream.indirect_vreg.gather [hbm:s4], $0x80, v0, vm1, $0x38;
	[tilespmem:$0x10200] =	vst v63  }
0x2e: {  	s18 =	simm.s32 $0x80;
	v0 =	vld.msk [tilespmem:s17+$0x0 ss:$0x1], $0xffff;
	s17 =	smov.u32 s14  }
.LBB2_3:
0x2f: {  	p1 =	sne.s32 s18, $0x3C0;
	_ =	sdelay $0x4  }
0x30: {  	vm2 =	vgt.s32 v0, $0x0  }
0x31: {  	v0 =	vnsel vm2, $0x0, v0  }
0x32: {  	v0 =	vmin.u32 v0, $0x38CC  }
0x33: {  	v0 =	vshll.u32 v0, $0x4;
	_ =	sdelay $0x3  }
.Ltmp3:
0x34: {  	s19 =	sshra.s32 s18, $0x2;
	s17 =	sadd.s32 $0x800, s17;
	(pc) =	sbr.rel @p1 .LBB2_3-.Ltmp3, $4  }
0x35: {  	[tilespmem:s17], [sflag:$0x1] =	stream.indirect_vreg.gather [hbm:s4], $0x80, v0, vm0, $0x38;
	[tilespmem:$0x10200] =	vst v63  }
0x36: {  	s19 =	sadd.s32 s19, s16;
	s20 =	sadd.s32 $0x400, s17  }
0x37: {  	[tilespmem:s20], [sflag:$0x1] =	stream.indirect_vreg.gather [hbm:s4], $0x80, v0, vm1, $0x38;
	[tilespmem:$0x10200] =	vst v63  }
0x38: {  	s18 =	sadd.s32 $0x40, s18;
	v0 =	vld.msk [tilespmem:s19+$0x0 ss:$0x1], $0xffff  }
0x39: {  	_ =	sdelay $0x3  }
0x3a: {  	vm2 =	vgt.s32 v0, $0x0  }
0x3b: {  	v0 =	vnsel vm2, $0x0, v0  }
0x3c: {  	v0 =	vmin.u32 v0, $0x38CC  }
0x3d: {  	v0 =	vshll.u32 v0, $0x4;
	_ =	sdelay $0x3  }
0x3e: {  	s16 =	sadd.s32 $0x800, s17  }
0x3f: {  	[tilespmem:s16], [sflag:$0x1] =	stream.indirect_vreg.gather [hbm:s4], $0x80, v0, vm0, $0x38;
	[tilespmem:$0x10200] =	vst v63  }
0x40: {  	s16 =	sadd.s32 $0x400, s16  }
0x41: {  	[tilespmem:s16], [sflag:$0x1] =	stream.indirect_vreg.gather [hbm:s4], $0x80, v0, vm1, $0x38;
	[tilespmem:$0x10200] =	vst v63  }
0x42: {  	s13 =	sshll.u32 s13, $0x4;
	_ =	swait.ge [sflag:s6], $0x8000  }
0x43: {  	s13 =	sadd.s32 s13, s9;
	[sflag:s6] =	ssyncset.done $0x0  }
0x44: {  	s17 =	sadd.s32 $0x0, s13;
	s16 =	simm.s32 $0x80;
	[sflag:s6] =	ssyncadd.s32 $0xFFFF8000  }
.LBB2_5:
0x45: {  	[hbm:s17] =	stream.linear.scatter [tilespmem:s14], [sflag:$0x3], $0x400, $0x38;
	[tilespmem:$0x10200] =	vst v63  }
0x46: {  	s17 =	smov.u32 s16;
	s14 =	smov.u32 s15;
	p1 =	sne.s32 s16, $0xF80  }
.Ltmp4:
0x47: {  	s16 =	sadd.s32 $0x80, s16;
	(pc) =	sbr.rel @p1 .LBB2_5-.Ltmp4, $2  }
0x48: {  	_ =	sdelay $0x2  }
0x49: {  	s15 =	sadd.s32 $0x400, s15;
	s17 =	sadd.s32 s17, s13  }
.Ltmp5:
0x4a: {  	_ = 	snop;
	(pc) =	sbr.rel .LBB2_6-.Ltmp5, $1  }
0x4b: {  	_ =	sdelay $0x3  }
.LBB2_8:
0x4c: {  	_ =	sfence.sel $0x180000  }
0x4d: {  	s2 =	simm.s32 $0x2;
	[bflag:$0x0] =	sbarrier.arrive $0xFFFF  }
0x4e: {  	s30 =	simm.s32 $0x3;
	[sflag:s2] =	ssyncpa.u1 $0x1  }
0x4f: {  	s31 =	simm.s32 $0x1;
	[sflag:s30] =	ssyncpa.u1 $0x1  }
0x50: {  	[sflag:s31] =	ssyncpa.u1 $0x1  }
0x51: {  	p0 =	sne.s32 s0, $0x0;
	_ =	strace $0x90000047  }
0x52: {  	s0 =	sadd.s32 @!p0 $0x100000, s1;
	[bflag:$0x2] =	sbarrier.arrive $0xFFFF  }
0x53: {  	[sflag:s0] =	ssyncadd.tile.s32 @!p0 $0x1;
	_ =	shalt  }
.Lfunc_end2:
_tile_overlayer_lowered:
.L_overlay_start_2:
0x54: {  	(tag) =	ssettag $0x2  }
0x55: {  	s0 =	rddreg [dreg:$0x0];
	s2 =	stileid.u32  }
0x56: {  	s1 =	rddreg [dreg:$0x1];
	p0 =	sne.s32 s2, $0x0  }
0x57: {  	s3 =	rddreg [dreg:$0x2];
	[bflag:$0x3] =	sbarrier.arrive $0xFFFF;
	s2 =	simm.s32 @!p0 $0x1C01  }
0x58: {  	[timem:s3], [sflag:s2] =	dma.local @!p0 [hbm:s0], s1  }
0x59: {  	s0 =	simm.s32 @!p0 $0x1  }
0x5a: {  	_ =	swait.ge @!p0 [sflag:s0], s1  }
0x5b: {  	s1 =	ssub.s32 @!p0 $0x0, s1;
	[sflag:s0] =	ssyncset.done @!p0 $0x0  }
0x5c: {  	[sflag:s0] =	ssyncadd.s32 @!p0 s1  }
0x5d: {  	[bflag:$0x3] =	sbarrier.arrive $0xFFFF  }
0x5e: {  	_ =	shalt  }

</sc_bundles>
